<compile_context>
chip_gen: v7x
topology: tpu7x:2x2x1
jax: 0.10.2.dev20260603
libtpu: 0.0.44.dev20260713+nightly
codegen_flags: <defaults>
</compile_context>

<pallas_src>
import functools

import jax
import jax.numpy as jnp
from jax import lax
from jax.experimental import pallas as pl
from jax.experimental.pallas import tpu as pltpu
from jax.experimental.pallas import tpu_sc as plsc

_ALPHA = 0.001
_BETA = 0.001
_S = 3
_R = 16
_DPF = _R * (1 + 2 * _S)
_BATCH = 16384
_NC, _NS, _L = 2, 16, 16
_NW = _NC * _NS
_BPW = _BATCH // _NW
_NG = _BPW // _L
_CHUNK = 64
_NCH = _BPW // _CHUNK
_NGC = _CHUNK // _L
_MMW = 2 * _R

_lane = None


def _col(c):
    return jnp.full((_L,), c, dtype=jnp.int32)


def _k1_body(ijkT_hbm, M8_hbm, mm_hbm,
             ijkT_buf, gj, gk0, gk1, gk2,
             mjb, k0b, k1b, k2b, stage, s1, s2, s3, s4):
    wid = lax.axis_index("s") * _NC + lax.axis_index("c")
    base = wid * _BPW
    lane = lax.iota(jnp.int32, _L)

    pltpu.sync_copy(ijkT_hbm.at[:, pl.ds(base, _BPW)], ijkT_buf)

    def chunk_body(ch, carry):
        cb = ch * _CHUNK
        for q, gdst in ((1, gj), (2, gk0), (3, gk1), (4, gk2)):
            for grp in range(_NGC):
                vec = plsc.load_gather(
                    ijkT_buf, [_col(q), cb + grp * _L + lane])
                gdst[pl.ds(grp * _L, _L)] = vec >> 3
        cps = [
            pltpu.async_copy(M8_hbm.at[gj], mjb, s1),
            pltpu.async_copy(M8_hbm.at[gk0], k0b, s2),
            pltpu.async_copy(M8_hbm.at[gk1], k1b, s3),
            pltpu.async_copy(M8_hbm.at[gk2], k2b, s4),
        ]
        for cp in cps:
            cp.wait()

        for grp in range(_NGC):
            slot = grp * _L + lane
            slotv = cb + slot
            flat = slotv * _MMW
            jo = (plsc.load_gather(ijkT_buf, [_col(1), slotv]) & 7) << 4
            k0o = (plsc.load_gather(ijkT_buf, [_col(2), slotv]) & 7) << 4
            k1o = (plsc.load_gather(ijkT_buf, [_col(3), slotv]) & 7) << 4
            k2o = (plsc.load_gather(ijkT_buf, [_col(4), slotv]) & 7) << 4
            for r in range(_R):
                mj = plsc.load_gather(mjb, [slot, jo + r])
                ms = (plsc.load_gather(k0b, [slot, k0o + r])
                      + plsc.load_gather(k1b, [slot, k1o + r])
                      + plsc.load_gather(k2b, [slot, k2o + r]))
                plsc.store_scatter(stage, [flat + r], mj)
                plsc.store_scatter(stage, [flat + (_R + r)], ms)
        return carry

    lax.fori_loop(0, _NCH, chunk_body, 0)

    pltpu.sync_copy(stage, mm_hbm.at[pl.ds(base * _MMW, _BPW * _MMW)])


def _k2_body(ijkT_hbm, pF_hbm, mm_hbm, out_hbm,
             ijkT_buf, pf_buf, mm_buf, out_buf, sp):
    wid = lax.axis_index("s") * _NC + lax.axis_index("c")
    base = wid * _BPW
    lane = lax.iota(jnp.int32, _L)

    pltpu.sync_copy(ijkT_hbm.at[:, pl.ds(base, _BPW)], ijkT_buf)

    def pf_fetch(g, carry):
        ivec = plsc.load_gather(ijkT_buf, [_col(0), g * _L + lane])
        for l in range(_L):
            pltpu.make_async_copy(
                pF_hbm.at[pl.ds(ivec[l], 1)],
                pf_buf.at[pl.ds(g * _L + l, 1)], sp).start()
        return carry

    lax.fori_loop(0, _NG, pf_fetch, 0)

    pltpu.sync_copy(mm_hbm.at[pl.ds(base * _MMW, _BPW * _MMW)], mm_buf)
    pltpu.make_async_copy(pF_hbm.at[pl.ds(0, _BPW)], pf_buf, sp).wait()

    def group(grp, carry):
        grow = grp * _L + lane
        mbase = grow * _MMW

        mj = [plsc.load_gather(mm_buf, [mbase + r]) for r in range(_R)]
        ms = [plsc.load_gather(mm_buf, [mbase + (_R + r)])
              for r in range(_R)]

        accp = None
        a = [None, None, None]
        b = [None, None, None]
        for c in range(_DPF):
            pv = plsc.load_gather(pf_buf, [grow, _col(c)])
            if c < _R:
                term = pv * mj[c]
                accp = term if accp is None else accp + term
            elif c < (1 + _S) * _R:
                r, s = divmod(c - _R, _S)
                term = pv * mj[r]
                a[s] = term if a[s] is None else a[s] + term
            else:
                r, s = divmod(c - (1 + _S) * _R, _S)
                term = pv * ms[r]
                b[s] = term if b[s] is None else b[s] + term

        res = _ALPHA * accp + (_BETA * _BETA) * (
            a[0] * b[0] + a[1] * b[1] + a[2] * b[2])
        plsc.store_scatter(out_buf, [grow], res)
        return carry

    lax.fori_loop(0, _NG, group, 0)

    pltpu.sync_copy(out_buf, out_hbm.at[pl.ds(base, _BPW)])


@jax.jit
def _mf_call(ijkT, pF, M):
    mesh = plsc.VectorSubcoreMesh(core_axis_name="c", subcore_axis_name="s")
    params = pltpu.CompilerParams(
        use_tc_tiling_on_sc=True, needs_layout_passes=False,
        disable_bounds_checks=True)

    k1 = functools.partial(
        pl.kernel,
        mesh=mesh,
        out_type=jax.ShapeDtypeStruct((_BATCH * _MMW,), jnp.float32),
        compiler_params=params,
        scratch_types=[
            pltpu.VMEM((5, _BPW), jnp.int32),
            pltpu.VMEM((_CHUNK,), jnp.int32),
            pltpu.VMEM((_CHUNK,), jnp.int32),
            pltpu.VMEM((_CHUNK,), jnp.int32),
            pltpu.VMEM((_CHUNK,), jnp.int32),
            pltpu.VMEM((_CHUNK, 128), jnp.float32),
            pltpu.VMEM((_CHUNK, 128), jnp.float32),
            pltpu.VMEM((_CHUNK, 128), jnp.float32),
            pltpu.VMEM((_CHUNK, 128), jnp.float32),
            pltpu.VMEM((_BPW * _MMW,), jnp.float32),
            pltpu.SemaphoreType.DMA,
            pltpu.SemaphoreType.DMA,
            pltpu.SemaphoreType.DMA,
            pltpu.SemaphoreType.DMA,
        ],
    )(_k1_body)
    mm = k1(ijkT, M.reshape(-1, 128))

    k2 = functools.partial(
        pl.kernel,
        mesh=mesh,
        out_type=jax.ShapeDtypeStruct((_BATCH,), jnp.float32),
        compiler_params=params,
        scratch_types=[
            pltpu.VMEM((5, _BPW), jnp.int32),
            pltpu.VMEM((_BPW, _DPF), jnp.float32),
            pltpu.VMEM((_BPW * _MMW,), jnp.float32),
            pltpu.VMEM((_BPW,), jnp.float32),
            pltpu.SemaphoreType.DMA,
        ],
    )(_k2_body)
    return k2(ijkT, pF, mm)


def kernel(ijk, pF, M):
    return _mf_call(ijk.T, pF, M)

# --- scband reference (transcript-rebuilt; emitter-appended) ---
"""Pipeline reference for scband-matrix-factorization-if-31095563223421 (READ-ONLY COPY).

The authoritative reference and input builder live on the scoring server;
editing this copy changes nothing except your own understanding.
"""

import jax, jax.numpy as jnp
import numpy as np

ALPHA = 0.001
BETA = 0.001
S = 3
R = 16
N_P = 100000
N_M = 100000
BATCH = 16384
F = 5


def setup_inputs(seed: int = 0) -> dict:
    key = jax.random.key(seed)
    k1, k2, k3 = jax.random.split(key, 3)
    ijk = jax.random.randint(k1, (BATCH, F), 0, N_P, dtype=jnp.int32)
    pF = jax.random.normal(k2, (N_P, R * (1 + 2 * S)), dtype=jnp.float32)
    M = jax.random.normal(k3, (N_M, R), dtype=jnp.float32)
    return {"ijk": ijk, "pF": pF, "M": M}


def reference(ijk, pF, M):
    # MatrixFactorizationIF.__call__ with baseline=None, full=False, log=True
    r = M.shape[1]
    P = pF[:, :r]
    V_s = BETA * pF[:, r:(1 + S) * r].reshape(-1, r, S)
    V_g = BETA * pF[:, (1 + S) * r:].reshape(-1, r, S)

    def _inner(row):
        i = row[0]
        j = row[1]
        mFm = 0.0
        for t in range(2, F):
            k = row[t]
            mFm = mFm + (k != -1) * jnp.dot(
                jnp.matmul(V_s[i].T, M[j]), jnp.matmul(V_g[i].T, M[k])
            )
        # baseline is None -> C_bar term is 0.0
        return 0.0 + ALPHA * jnp.dot(P[i], M[j]) + mFm

    return jax.vmap(_inner)(ijk)

if __name__ == "__main__":
    import jax
    _d = setup_inputs()
    print(jax.jit(kernel)(*tuple(_d.values())))

</pallas_src>

<mosaic_0001>
#map = affine_map<(d0, d1) -> (0, 0)>
#map1 = affine_map<(d0, d1) -> (0)>
module attributes {stable_mosaic.version = 14 : i64} {
  func.func @_k1_body(%arg0: i32, %arg1: i32, %arg2: memref<5x16384xi32, #tpu.memory_space<hbm>>, %arg3: memref<12500x128xf32, #tpu.memory_space<hbm>>, %arg4: memref<524288xf32, #tpu.memory_space<hbm>>, %arg5: memref<5x512xi32, #tpu.memory_space<vmem>>, %arg6: memref<64xi32, #tpu.memory_space<vmem>>, %arg7: memref<64xi32, #tpu.memory_space<vmem>>, %arg8: memref<64xi32, #tpu.memory_space<vmem>>, %arg9: memref<64xi32, #tpu.memory_space<vmem>>, %arg10: memref<64x128xf32, #tpu.memory_space<vmem>>, %arg11: memref<64x128xf32, #tpu.memory_space<vmem>>, %arg12: memref<64x128xf32, #tpu.memory_space<vmem>>, %arg13: memref<64x128xf32, #tpu.memory_space<vmem>>, %arg14: memref<16384xf32, #tpu.memory_space<vmem>>, %arg15: memref<!tpu.dma_semaphore, #tpu.memory_space<semaphore_mem>>, %arg16: memref<!tpu.dma_semaphore, #tpu.memory_space<semaphore_mem>>, %arg17: memref<!tpu.dma_semaphore, #tpu.memory_space<semaphore_mem>>, %arg18: memref<!tpu.dma_semaphore, #tpu.memory_space<semaphore_mem>>) attributes {dimension_semantics = [#tpu.dimension_semantics<core_parallel>, #tpu.dimension_semantics<subcore_parallel>], iteration_bounds = array<i64: 2, 16>, scalar_prefetch = 0 : i64, scratch_operands = 14 : i64, tpu.core_type = #tpu.core_type<sc_vector_subcore>, window_params = [{transform_indices = #map}, {transform_indices = #map}, {transform_indices = #map1}]} {
    %mul3A = arith.constant 2 : i32
    %mul3A_0 = arith.muli %arg1, %mul3A : i32
    %add3A = arith.addi %mul3A_0, %arg0 : i32
    %mul3A_1 = arith.constant 512 : i32
    %mul3A_2 = arith.muli %add3A, %mul3A_1 : i32
    %iota3A = tpu.iota {dimensions = array<i32: 0>} : vector<16xi32>
    "tpu.region"() ({
      %run_scoped3A = tpu.sem_alloc : memref<!tpu.dma_semaphore, #tpu.memory_space<semaphore_mem>>
      %dma_start3A = arith.constant 0 : i32
      %dma_start3A_10 = tpu.memref_slice %arg2[%dma_start3A, %mul3A_2] : memref<5x16384xi32, #tpu.memory_space<hbm>> -> memref<5x512xi32, #tpu.memory_space<hbm>>
      %dma_start3A_11 = arith.constant 0 : i32
      %dma_start3A_12 = tpu.memref_slice %arg2[%dma_start3A_11, %mul3A_2] : memref<5x16384xi32, #tpu.memory_space<hbm>> -> memref<5x512xi32, #tpu.memory_space<hbm>>
      tpu.enqueue_dma source(%dma_start3A_12 : memref<5x512xi32, #tpu.memory_space<hbm>>) target(%arg5 : memref<5x512xi32, #tpu.memory_space<vmem>>) target_semaphore(%run_scoped3A : memref<!tpu.dma_semaphore, #tpu.memory_space<semaphore_mem>>)
      %dma_wait3A = arith.constant 0 : i32
      %dma_wait3A_13 = tpu.memref_slice %arg2[%dma_wait3A, %mul3A_2] : memref<5x16384xi32, #tpu.memory_space<hbm>> -> memref<5x512xi32, #tpu.memory_space<hbm>>
      %dma_wait3A_14 = arith.constant 0 : i32
      %dma_wait3A_15 = tpu.memref_slice %arg2[%dma_wait3A_14, %mul3A_2] : memref<5x16384xi32, #tpu.memory_space<hbm>> -> memref<5x512xi32, #tpu.memory_space<hbm>>
      tpu.wait_dma2 semaphore(%run_scoped3A : memref<!tpu.dma_semaphore, #tpu.memory_space<semaphore_mem>>) src(%dma_wait3A_15 : memref<5x512xi32, #tpu.memory_space<hbm>>) dst(%arg5 : memref<5x512xi32, #tpu.memory_space<vmem>>)
      tpu.yield
    }) : () -> ()
    %scan3A = arith.constant 0 : i32
    %scan3A_3 = arith.constant 0 : i32
    %scan3A_4 = arith.constant 8 : i32
    %scan3A_5 = arith.addi %scan3A_3, %scan3A_4 : i32
    %scan3A_6 = arith.constant 1 : i32
    scf.for %scan3A_10 = %scan3A_3 to %scan3A_5 step %scan3A_6  : i32 {
      %mul3A_11 = arith.constant 64 : i32
      %mul3A_12 = arith.muli %scan3A_10, %mul3A_11 : i32
      %broadcast_in_dim3A = arith.constant 1 : i32
      %broadcast_in_dim3A_13 = vector.broadcast %broadcast_in_dim3A : i32 to vector<16xi32>
      %add3A_14 = arith.constant 0 : i32
      %add3A_15 = arith.addi %mul3A_12, %add3A_14 : i32
      %add3A_16 = vector.broadcast %add3A_15 : i32 to vector<16xi32>
      %add3A_17 = arith.addi %add3A_16, %iota3A : vector<16xi32>
      %gather3A = tpu.vector_load_idx %arg5[%broadcast_in_dim3A_13, %add3A_17] : memref<5x512xi32, #tpu.memory_space<vmem>>[vector<16xi32>, vector<16xi32>], vector<16xi32>,
      %shift_right_arithmetic3A = arith.constant 3 : i32
      %shift_right_arithmetic3A_18 = vector.broadcast %shift_right_arithmetic3A : i32 to vector<16xi32>
      %shift_right_arithmetic3A_19 = arith.shrsi %gather3A, %shift_right_arithmetic3A_18 : vector<16xi32>
      %swap3A = arith.constant 0 : index
      %swap3A_20 = tpu.vector_load %arg6[%swap3A] {strides = array<i32>} : memref<64xi32, #tpu.memory_space<vmem>>, vector<16xi32>,
      tpu.vector_store %arg6[%swap3A], %shift_right_arithmetic3A_19 {strides = array<i32>} : memref<64xi32, #tpu.memory_space<vmem>>, vector<16xi32>,
      %broadcast_in_dim3A_21 = arith.constant 1 : i32
      %broadcast_in_dim3A_22 = vector.broadcast %broadcast_in_dim3A_21 : i32 to vector<16xi32>
      %add3A_23 = arith.constant 16 : i32
      %add3A_24 = arith.addi %mul3A_12, %add3A_23 : i32
      %add3A_25 = vector.broadcast %add3A_24 : i32 to vector<16xi32>
      %add3A_26 = arith.addi %add3A_25, %iota3A : vector<16xi32>
      %gather3A_27 = tpu.vector_load_idx %arg5[%broadcast_in_dim3A_22, %add3A_26] : memref<5x512xi32, #tpu.memory_space<vmem>>[vector<16xi32>, vector<16xi32>], vector<16xi32>,
      %shift_right_arithmetic3A_28 = arith.constant 3 : i32
      %shift_right_arithmetic3A_29 = vector.broadcast %shift_right_arithmetic3A_28 : i32 to vector<16xi32>
      %shift_right_arithmetic3A_30 = arith.shrsi %gather3A_27, %shift_right_arithmetic3A_29 : vector<16xi32>
      %swap3A_31 = arith.constant 16 : index
      %swap3A_32 = tpu.vector_load %arg6[%swap3A_31] {strides = array<i32>} : memref<64xi32, #tpu.memory_space<vmem>>, vector<16xi32>,
      tpu.vector_store %arg6[%swap3A_31], %shift_right_arithmetic3A_30 {strides = array<i32>} : memref<64xi32, #tpu.memory_space<vmem>>, vector<16xi32>,
      %broadcast_in_dim3A_33 = arith.constant 1 : i32
      %broadcast_in_dim3A_34 = vector.broadcast %broadcast_in_dim3A_33 : i32 to vector<16xi32>
      %add3A_35 = arith.constant 32 : i32
      %add3A_36 = arith.addi %mul3A_12, %add3A_35 : i32
      %add3A_37 = vector.broadcast %add3A_36 : i32 to vector<16xi32>
      %add3A_38 = arith.addi %add3A_37, %iota3A : vector<16xi32>
      %gather3A_39 = tpu.vector_load_idx %arg5[%broadcast_in_dim3A_34, %add3A_38] : memref<5x512xi32, #tpu.memory_space<vmem>>[vector<16xi32>, vector<16xi32>], vector<16xi32>,
      %shift_right_arithmetic3A_40 = arith.constant 3 : i32
      %shift_right_arithmetic3A_41 = vector.broadcast %shift_right_arithmetic3A_40 : i32 to vector<16xi32>
      %shift_right_arithmetic3A_42 = arith.shrsi %gather3A_39, %shift_right_arithmetic3A_41 : vector<16xi32>
      %swap3A_43 = arith.constant 32 : index
      %swap3A_44 = tpu.vector_load %arg6[%swap3A_43] {strides = array<i32>} : memref<64xi32, #tpu.memory_space<vmem>>, vector<16xi32>,
      tpu.vector_store %arg6[%swap3A_43], %shift_right_arithmetic3A_42 {strides = array<i32>} : memref<64xi32, #tpu.memory_space<vmem>>, vector<16xi32>,
      %broadcast_in_dim3A_45 = arith.constant 1 : i32
      %broadcast_in_dim3A_46 = vector.broadcast %broadcast_in_dim3A_45 : i32 to vector<16xi32>
      %add3A_47 = arith.constant 48 : i32
      %add3A_48 = arith.addi %mul3A_12, %add3A_47 : i32
      %add3A_49 = vector.broadcast %add3A_48 : i32 to vector<16xi32>
      %add3A_50 = arith.addi %add3A_49, %iota3A : vector<16xi32>
      %gather3A_51 = tpu.vector_load_idx %arg5[%broadcast_in_dim3A_46, %add3A_50] : memref<5x512xi32, #tpu.memory_space<vmem>>[vector<16xi32>, vector<16xi32>], vector<16xi32>,
      %shift_right_arithmetic3A_52 = arith.constant 3 : i32
      %shift_right_arithmetic3A_53 = vector.broadcast %shift_right_arithmetic3A_52 : i32 to vector<16xi32>
      %shift_right_arithmetic3A_54 = arith.shrsi %gather3A_51, %shift_right_arithmetic3A_53 : vector<16xi32>
      %swap3A_55 = arith.constant 48 : index
      %swap3A_56 = tpu.vector_load %arg6[%swap3A_55] {strides = array<i32>} : memref<64xi32, #tpu.memory_space<vmem>>, vector<16xi32>,
      tpu.vector_store %arg6[%swap3A_55], %shift_right_arithmetic3A_54 {strides = array<i32>} : memref<64xi32, #tpu.memory_space<vmem>>, vector<16xi32>,
      %broadcast_in_dim3A_57 = arith.constant 2 : i32
      %broadcast_in_dim3A_58 = vector.broadcast %broadcast_in_dim3A_57 : i32 to vector<16xi32>
      %add3A_59 = arith.constant 0 : i32
      %add3A_60 = arith.addi %mul3A_12, %add3A_59 : i32
      %add3A_61 = vector.broadcast %add3A_60 : i32 to vector<16xi32>
      %add3A_62 = arith.addi %add3A_61, %iota3A : vector<16xi32>
      %gather3A_63 = tpu.vector_load_idx %arg5[%broadcast_in_dim3A_58, %add3A_62] : memref<5x512xi32, #tpu.memory_space<vmem>>[vector<16xi32>, vector<16xi32>], vector<16xi32>,
      %shift_right_arithmetic3A_64 = arith.constant 3 : i32
      %shift_right_arithmetic3A_65 = vector.broadcast %shift_right_arithmetic3A_64 : i32 to vector<16xi32>
      %shift_right_arithmetic3A_66 = arith.shrsi %gather3A_63, %shift_right_arithmetic3A_65 : vector<16xi32>
      %swap3A_67 = arith.constant 0 : index
      %swap3A_68 = tpu.vector_load %arg7[%swap3A_67] {strides = array<i32>} : memref<64xi32, #tpu.memory_space<vmem>>, vector<16xi32>,
      tpu.vector_store %arg7[%swap3A_67], %shift_right_arithmetic3A_66 {strides = array<i32>} : memref<64xi32, #tpu.memory_space<vmem>>, vector<16xi32>,
      %broadcast_in_dim3A_69 = arith.constant 2 : i32
      %broadcast_in_dim3A_70 = vector.broadcast %broadcast_in_dim3A_69 : i32 to vector<16xi32>
      %add3A_71 = arith.constant 16 : i32
      %add3A_72 = arith.addi %mul3A_12, %add3A_71 : i32
      %add3A_73 = vector.broadcast %add3A_72 : i32 to vector<16xi32>
      %add3A_74 = arith.addi %add3A_73, %iota3A : vector<16xi32>
      %gather3A_75 = tpu.vector_load_idx %arg5[%broadcast_in_dim3A_70, %add3A_74] : memref<5x512xi32, #tpu.memory_space<vmem>>[vector<16xi32>, vector<16xi32>], vector<16xi32>,
      %shift_right_arithmetic3A_76 = arith.constant 3 : i32
      %shift_right_arithmetic3A_77 = vector.broadcast %shift_right_arithmetic3A_76 : i32 to vector<16xi32>
      %shift_right_arithmetic3A_78 = arith.shrsi %gather3A_75, %shift_right_arithmetic3A_77 : vector<16xi32>
      %swap3A_79 = arith.constant 16 : index
      %swap3A_80 = tpu.vector_load %arg7[%swap3A_79] {strides = array<i32>} : memref<64xi32, #tpu.memory_space<vmem>>, vector<16xi32>,
      tpu.vector_store %arg7[%swap3A_79], %shift_right_arithmetic3A_78 {strides = array<i32>} : memref<64xi32, #tpu.memory_space<vmem>>, vector<16xi32>,
      %broadcast_in_dim3A_81 = arith.constant 2 : i32
      %broadcast_in_dim3A_82 = vector.broadcast %broadcast_in_dim3A_81 : i32 to vector<16xi32>
      %add3A_83 = arith.constant 32 : i32
      %add3A_84 = arith.addi %mul3A_12, %add3A_83 : i32
      %add3A_85 = vector.broadcast %add3A_84 : i32 to vector<16xi32>
      %add3A_86 = arith.addi %add3A_85, %iota3A : vector<16xi32>
      %gather3A_87 = tpu.vector_load_idx %arg5[%broadcast_in_dim3A_82, %add3A_86] : memref<5x512xi32, #tpu.memory_space<vmem>>[vector<16xi32>, vector<16xi32>], vector<16xi32>,
      %shift_right_arithmetic3A_88 = arith.constant 3 : i32
      %shift_right_arithmetic3A_89 = vector.broadcast %shift_right_arithmetic3A_88 : i32 to vector<16xi32>
      %shift_right_arithmetic3A_90 = arith.shrsi %gather3A_87, %shift_right_arithmetic3A_89 : vector<16xi32>
      %swap3A_91 = arith.constant 32 : index
      %swap3A_92 = tpu.vector_load %arg7[%swap3A_91] {strides = array<i32>} : memref<64xi32, #tpu.memory_space<vmem>>, vector<16xi32>,
      tpu.vector_store %arg7[%swap3A_91], %shift_right_arithmetic3A_90 {strides = array<i32>} : memref<64xi32, #tpu.memory_space<vmem>>, vector<16xi32>,
      %broadcast_in_dim3A_93 = arith.constant 2 : i32
      %broadcast_in_dim3A_94 = vector.broadcast %broadcast_in_dim3A_93 : i32 to vector<16xi32>
      %add3A_95 = arith.constant 48 : i32
      %add3A_96 = arith.addi %mul3A_12, %add3A_95 : i32
      %add3A_97 = vector.broadcast %add3A_96 : i32 to vector<16xi32>
      %add3A_98 = arith.addi %add3A_97, %iota3A : vector<16xi32>
      %gather3A_99 = tpu.vector_load_idx %arg5[%broadcast_in_dim3A_94, %add3A_98] : memref<5x512xi32, #tpu.memory_space<vmem>>[vector<16xi32>, vector<16xi32>], vector<16xi32>,
      %shift_right_arithmetic3A_100 = arith.constant 3 : i32
      %shift_right_arithmetic3A_101 = vector.broadcast %shift_right_arithmetic3A_100 : i32 to vector<16xi32>
      %shift_right_arithmetic3A_102 = arith.shrsi %gather3A_99, %shift_right_arithmetic3A_101 : vector<16xi32>
      %swap3A_103 = arith.constant 48 : index
      %swap3A_104 = tpu.vector_load %arg7[%swap3A_103] {strides = array<i32>} : memref<64xi32, #tpu.memory_space<vmem>>, vector<16xi32>,
      tpu.vector_store %arg7[%swap3A_103], %shift_right_arithmetic3A_102 {strides = array<i32>} : memref<64xi32, #tpu.memory_space<vmem>>, vector<16xi32>,
      %broadcast_in_dim3A_105 = arith.constant 3 : i32
      %broadcast_in_dim3A_106 = vector.broadcast %broadcast_in_dim3A_105 : i32 to vector<16xi32>
      %add3A_107 = arith.constant 0 : i32
      %add3A_108 = arith.addi %mul3A_12, %add3A_107 : i32
      %add3A_109 = vector.broadcast %add3A_108 : i32 to vector<16xi32>
      %add3A_110 = arith.addi %add3A_109, %iota3A : vector<16xi32>
      %gather3A_111 = tpu.vector_load_idx %arg5[%broadcast_in_dim3A_106, %add3A_110] : memref<5x512xi32, #tpu.memory_space<vmem>>[vector<16xi32>, vector<16xi32>], vector<16xi32>,
      %shift_right_arithmetic3A_112 = arith.constant 3 : i32
      %shift_right_arithmetic3A_113 = vector.broadcast %shift_right_arithmetic3A_112 : i32 to vector<16xi32>
      %shift_right_arithmetic3A_114 = arith.shrsi %gather3A_111, %shift_right_arithmetic3A_113 : vector<16xi32>
      %swap3A_115 = arith.constant 0 : index
      %swap3A_116 = tpu.vector_load %arg8[%swap3A_115] {strides = array<i32>} : memref<64xi32, #tpu.memory_space<vmem>>, vector<16xi32>,
      tpu.vector_store %arg8[%swap3A_115], %shift_right_arithmetic3A_114 {strides = array<i32>} : memref<64xi32, #tpu.memory_space<vmem>>, vector<16xi32>,
      %broadcast_in_dim3A_117 = arith.constant 3 : i32
      %broadcast_in_dim3A_118 = vector.broadcast %broadcast_in_dim3A_117 : i32 to vector<16xi32>
      %add3A_119 = arith.constant 16 : i32
      %add3A_120 = arith.addi %mul3A_12, %add3A_119 : i32
      %add3A_121 = vector.broadcast %add3A_120 : i32 to vector<16xi32>
      %add3A_122 = arith.addi %add3A_121, %iota3A : vector<16xi32>
      %gather3A_123 = tpu.vector_load_idx %arg5[%broadcast_in_dim3A_118, %add3A_122] : memref<5x512xi32, #tpu.memory_space<vmem>>[vector<16xi32>, vector<16xi32>], vector<16xi32>,
      %shift_right_arithmetic3A_124 = arith.constant 3 : i32
      %shift_right_arithmetic3A_125 = vector.broadcast %shift_right_arithmetic3A_124 : i32 to vector<16xi32>
      %shift_right_arithmetic3A_126 = arith.shrsi %gather3A_123, %shift_right_arithmetic3A_125 : vector<16xi32>
      %swap3A_127 = arith.constant 16 : index
      %swap3A_128 = tpu.vector_load %arg8[%swap3A_127] {strides = array<i32>} : memref<64xi32, #tpu.memory_space<vmem>>, vector<16xi32>,
      tpu.vector_store %arg8[%swap3A_127], %shift_right_arithmetic3A_126 {strides = array<i32>} : memref<64xi32, #tpu.memory_space<vmem>>, vector<16xi32>,
      %broadcast_in_dim3A_129 = arith.constant 3 : i32
      %broadcast_in_dim3A_130 = vector.broadcast %broadcast_in_dim3A_129 : i32 to vector<16xi32>
      %add3A_131 = arith.constant 32 : i32
      %add3A_132 = arith.addi %mul3A_12, %add3A_131 : i32
      %add3A_133 = vector.broadcast %add3A_132 : i32 to vector<16xi32>
      %add3A_134 = arith.addi %add3A_133, %iota3A : vector<16xi32>
      %gather3A_135 = tpu.vector_load_idx %arg5[%broadcast_in_dim3A_130, %add3A_134] : memref<5x512xi32, #tpu.memory_space<vmem>>[vector<16xi32>, vector<16xi32>], vector<16xi32>,
      %shift_right_arithmetic3A_136 = arith.constant 3 : i32
      %shift_right_arithmetic3A_137 = vector.broadcast %shift_right_arithmetic3A_136 : i32 to vector<16xi32>
      %shift_right_arithmetic3A_138 = arith.shrsi %gather3A_135, %shift_right_arithmetic3A_137 : vector<16xi32>
      %swap3A_139 = arith.constant 32 : index
      %swap3A_140 = tpu.vector_load %arg8[%swap3A_139] {strides = array<i32>} : memref<64xi32, #tpu.memory_space<vmem>>, vector<16xi32>,
      tpu.vector_store %arg8[%swap3A_139], %shift_right_arithmetic3A_138 {strides = array<i32>} : memref<64xi32, #tpu.memory_space<vmem>>, vector<16xi32>,
      %broadcast_in_dim3A_141 = arith.constant 3 : i32
      %broadcast_in_dim3A_142 = vector.broadcast %broadcast_in_dim3A_141 : i32 to vector<16xi32>
      %add3A_143 = arith.constant 48 : i32
      %add3A_144 = arith.addi %mul3A_12, %add3A_143 : i32
      %add3A_145 = vector.broadcast %add3A_144 : i32 to vector<16xi32>
      %add3A_146 = arith.addi %add3A_145, %iota3A : vector<16xi32>
      %gather3A_147 = tpu.vector_load_idx %arg5[%broadcast_in_dim3A_142, %add3A_146] : memref<5x512xi32, #tpu.memory_space<vmem>>[vector<16xi32>, vector<16xi32>], vector<16xi32>,
      %shift_right_arithmetic3A_148 = arith.constant 3 : i32
      %shift_right_arithmetic3A_149 = vector.broadcast %shift_right_arithmetic3A_148 : i32 to vector<16xi32>
      %shift_right_arithmetic3A_150 = arith.shrsi %gather3A_147, %shift_right_arithmetic3A_149 : vector<16xi32>
      %swap3A_151 = arith.constant 48 : index
      %swap3A_152 = tpu.vector_load %arg8[%swap3A_151] {strides = array<i32>} : memref<64xi32, #tpu.memory_space<vmem>>, vector<16xi32>,
      tpu.vector_store %arg8[%swap3A_151], %shift_right_arithmetic3A_150 {strides = array<i32>} : memref<64xi32, #tpu.memory_space<vmem>>, vector<16xi32>,
      %broadcast_in_dim3A_153 = arith.constant 4 : i32
      %broadcast_in_dim3A_154 = vector.broadcast %broadcast_in_dim3A_153 : i32 to vector<16xi32>
      %add3A_155 = arith.constant 0 : i32
      %add3A_156 = arith.addi %mul3A_12, %add3A_155 : i32
      %add3A_157 = vector.broadcast %add3A_156 : i32 to vector<16xi32>
      %add3A_158 = arith.addi %add3A_157, %iota3A : vector<16xi32>
      %gather3A_159 = tpu.vector_load_idx %arg5[%broadcast_in_dim3A_154, %add3A_158] : memref<5x512xi32, #tpu.memory_space<vmem>>[vector<16xi32>, vector<16xi32>], vector<16xi32>,
      %shift_right_arithmetic3A_160 = arith.constant 3 : i32
      %shift_right_arithmetic3A_161 = vector.broadcast %shift_right_arithmetic3A_160 : i32 to vector<16xi32>
      %shift_right_arithmetic3A_162 = arith.shrsi %gather3A_159, %shift_right_arithmetic3A_161 : vector<16xi32>
      %swap3A_163 = arith.constant 0 : index
      %swap3A_164 = tpu.vector_load %arg9[%swap3A_163] {strides = array<i32>} : memref<64xi32, #tpu.memory_space<vmem>>, vector<16xi32>,
      tpu.vector_store %arg9[%swap3A_163], %shift_right_arithmetic3A_162 {strides = array<i32>} : memref<64xi32, #tpu.memory_space<vmem>>, vector<16xi32>,
      %broadcast_in_dim3A_165 = arith.constant 4 : i32
      %broadcast_in_dim3A_166 = vector.broadcast %broadcast_in_dim3A_165 : i32 to vector<16xi32>
      %add3A_167 = arith.constant 16 : i32
      %add3A_168 = arith.addi %mul3A_12, %add3A_167 : i32
      %add3A_169 = vector.broadcast %add3A_168 : i32 to vector<16xi32>
      %add3A_170 = arith.addi %add3A_169, %iota3A : vector<16xi32>
      %gather3A_171 = tpu.vector_load_idx %arg5[%broadcast_in_dim3A_166, %add3A_170] : memref<5x512xi32, #tpu.memory_space<vmem>>[vector<16xi32>, vector<16xi32>], vector<16xi32>,
      %shift_right_arithmetic3A_172 = arith.constant 3 : i32
      %shift_right_arithmetic3A_173 = vector.broadcast %shift_right_arithmetic3A_172 : i32 to vector<16xi32>
      %shift_right_arithmetic3A_174 = arith.shrsi %gather3A_171, %shift_right_arithmetic3A_173 : vector<16xi32>
      %swap3A_175 = arith.constant 16 : index
      %swap3A_176 = tpu.vector_load %arg9[%swap3A_175] {strides = array<i32>} : memref<64xi32, #tpu.memory_space<vmem>>, vector<16xi32>,
      tpu.vector_store %arg9[%swap3A_175], %shift_right_arithmetic3A_174 {strides = array<i32>} : memref<64xi32, #tpu.memory_space<vmem>>, vector<16xi32>,
      %broadcast_in_dim3A_177 = arith.constant 4 : i32
      %broadcast_in_dim3A_178 = vector.broadcast %broadcast_in_dim3A_177 : i32 to vector<16xi32>
      %add3A_179 = arith.constant 32 : i32
      %add3A_180 = arith.addi %mul3A_12, %add3A_179 : i32
      %add3A_181 = vector.broadcast %add3A_180 : i32 to vector<16xi32>
      %add3A_182 = arith.addi %add3A_181, %iota3A : vector<16xi32>
      %gather3A_183 = tpu.vector_load_idx %arg5[%broadcast_in_dim3A_178, %add3A_182] : memref<5x512xi32, #tpu.memory_space<vmem>>[vector<16xi32>, vector<16xi32>], vector<16xi32>,
      %shift_right_arithmetic3A_184 = arith.constant 3 : i32
      %shift_right_arithmetic3A_185 = vector.broadcast %shift_right_arithmetic3A_184 : i32 to vector<16xi32>
      %shift_right_arithmetic3A_186 = arith.shrsi %gather3A_183, %shift_right_arithmetic3A_185 : vector<16xi32>
      %swap3A_187 = arith.constant 32 : index
      %swap3A_188 = tpu.vector_load %arg9[%swap3A_187] {strides = array<i32>} : memref<64xi32, #tpu.memory_space<vmem>>, vector<16xi32>,
      tpu.vector_store %arg9[%swap3A_187], %shift_right_arithmetic3A_186 {strides = array<i32>} : memref<64xi32, #tpu.memory_space<vmem>>, vector<16xi32>,
      %broadcast_in_dim3A_189 = arith.constant 4 : i32
      %broadcast_in_dim3A_190 = vector.broadcast %broadcast_in_dim3A_189 : i32 to vector<16xi32>
      %add3A_191 = arith.constant 48 : i32
      %add3A_192 = arith.addi %mul3A_12, %add3A_191 : i32
      %add3A_193 = vector.broadcast %add3A_192 : i32 to vector<16xi32>
      %add3A_194 = arith.addi %add3A_193, %iota3A : vector<16xi32>
      %gather3A_195 = tpu.vector_load_idx %arg5[%broadcast_in_dim3A_190, %add3A_194] : memref<5x512xi32, #tpu.memory_space<vmem>>[vector<16xi32>, vector<16xi32>], vector<16xi32>,
      %shift_right_arithmetic3A_196 = arith.constant 3 : i32
      %shift_right_arithmetic3A_197 = vector.broadcast %shift_right_arithmetic3A_196 : i32 to vector<16xi32>
      %shift_right_arithmetic3A_198 = arith.shrsi %gather3A_195, %shift_right_arithmetic3A_197 : vector<16xi32>
      %swap3A_199 = arith.constant 48 : index
      %swap3A_200 = tpu.vector_load %arg9[%swap3A_199] {strides = array<i32>} : memref<64xi32, #tpu.memory_space<vmem>>, vector<16xi32>,
      tpu.vector_store %arg9[%swap3A_199], %shift_right_arithmetic3A_198 {strides = array<i32>} : memref<64xi32, #tpu.memory_space<vmem>>, vector<16xi32>,
      %dma_start3A = arith.constant 0 : i32
      %dma_start3A_201 = arith.constant 0 : i32
      %dma_start3A_202 = tpu.memref_slice %arg3[%dma_start3A, %dma_start3A_201] : memref<12500x128xf32, #tpu.memory_space<hbm>> -> memref<12500x128xf32, #tpu.memory_space<hbm>>
      tpu.enqueue_indirect_dma source(%dma_start3A_202 : memref<12500x128xf32, #tpu.memory_space<hbm>>) target(%arg10 : memref<64x128xf32, #tpu.memory_space<vmem>>) offsets(%arg6 : memref<64xi32, #tpu.memory_space<vmem>>) semaphore(%arg15 : memref<!tpu.dma_semaphore, #tpu.memory_space<semaphore_mem>>)
      %dma_start3A_203 = arith.constant 0 : i32
      %dma_start3A_204 = arith.constant 0 : i32
      %dma_start3A_205 = tpu.memref_slice %arg3[%dma_start3A_203, %dma_start3A_204] : memref<12500x128xf32, #tpu.memory_space<hbm>> -> memref<12500x128xf32, #tpu.memory_space<hbm>>
      tpu.enqueue_indirect_dma source(%dma_start3A_205 : memref<12500x128xf32, #tpu.memory_space<hbm>>) target(%arg11 : memref<64x128xf32, #tpu.memory_space<vmem>>) offsets(%arg7 : memref<64xi32, #tpu.memory_space<vmem>>) semaphore(%arg16 : memref<!tpu.dma_semaphore, #tpu.memory_space<semaphore_mem>>)
      %dma_start3A_206 = arith.constant 0 : i32
      %dma_start3A_207 = arith.constant 0 : i32
      %dma_start3A_208 = tpu.memref_slice %arg3[%dma_start3A_206, %dma_start3A_207] : memref<12500x128xf32, #tpu.memory_space<hbm>> -> memref<12500x128xf32, #tpu.memory_space<hbm>>
      tpu.enqueue_indirect_dma source(%dma_start3A_208 : memref<12500x128xf32, #tpu.memory_space<hbm>>) target(%arg12 : memref<64x128xf32, #tpu.memory_space<vmem>>) offsets(%arg8 : memref<64xi32, #tpu.memory_space<vmem>>) semaphore(%arg17 : memref<!tpu.dma_semaphore, #tpu.memory_space<semaphore_mem>>)
      %dma_start3A_209 = arith.constant 0 : i32
      %dma_start3A_210 = arith.constant 0 : i32
      %dma_start3A_211 = tpu.memref_slice %arg3[%dma_start3A_209, %dma_start3A_210] : memref<12500x128xf32, #tpu.memory_space<hbm>> -> memref<12500x128xf32, #tpu.memory_space<hbm>>
      tpu.enqueue_indirect_dma source(%dma_start3A_211 : memref<12500x128xf32, #tpu.memory_space<hbm>>) target(%arg13 : memref<64x128xf32, #tpu.memory_space<vmem>>) offsets(%arg9 : memref<64xi32, #tpu.memory_space<vmem>>) semaphore(%arg18 : memref<!tpu.dma_semaphore, #tpu.memory_space<semaphore_mem>>)
      %dma_wait3A = arith.constant 0 : i32
      %dma_wait3A_212 = arith.constant 0 : i32
      %dma_wait3A_213 = tpu.memref_slice %arg3[%dma_wait3A, %dma_wait3A_212] : memref<12500x128xf32, #tpu.memory_space<hbm>> -> memref<12500x128xf32, #tpu.memory_space<hbm>>
      tpu.wait_indirect_dma semaphore(%arg15 : memref<!tpu.dma_semaphore, #tpu.memory_space<semaphore_mem>>) src(%dma_wait3A_213 : memref<12500x128xf32, #tpu.memory_space<hbm>>) dst(%arg10 : memref<64x128xf32, #tpu.memory_space<vmem>>)
      %dma_wait3A_214 = arith.constant 0 : i32
      %dma_wait3A_215 = arith.constant 0 : i32
      %dma_wait3A_216 = tpu.memref_slice %arg3[%dma_wait3A_214, %dma_wait3A_215] : memref<12500x128xf32, #tpu.memory_space<hbm>> -> memref<12500x128xf32, #tpu.memory_space<hbm>>
      tpu.wait_indirect_dma semaphore(%arg16 : memref<!tpu.dma_semaphore, #tpu.memory_space<semaphore_mem>>) src(%dma_wait3A_216 : memref<12500x128xf32, #tpu.memory_space<hbm>>) dst(%arg11 : memref<64x128xf32, #tpu.memory_space<vmem>>)
      %dma_wait3A_217 = arith.constant 0 : i32
      %dma_wait3A_218 = arith.constant 0 : i32
      %dma_wait3A_219 = tpu.memref_slice %arg3[%dma_wait3A_217, %dma_wait3A_218] : memref<12500x128xf32, #tpu.memory_space<hbm>> -> memref<12500x128xf32, #tpu.memory_space<hbm>>
      tpu.wait_indirect_dma semaphore(%arg17 : memref<!tpu.dma_semaphore, #tpu.memory_space<semaphore_mem>>) src(%dma_wait3A_219 : memref<12500x128xf32, #tpu.memory_space<hbm>>) dst(%arg12 : memref<64x128xf32, #tpu.memory_space<vmem>>)
      %dma_wait3A_220 = arith.constant 0 : i32
      %dma_wait3A_221 = arith.constant 0 : i32
      %dma_wait3A_222 = tpu.memref_slice %arg3[%dma_wait3A_220, %dma_wait3A_221] : memref<12500x128xf32, #tpu.memory_space<hbm>> -> memref<12500x128xf32, #tpu.memory_space<hbm>>
      tpu.wait_indirect_dma semaphore(%arg18 : memref<!tpu.dma_semaphore, #tpu.memory_space<semaphore_mem>>) src(%dma_wait3A_222 : memref<12500x128xf32, #tpu.memory_space<hbm>>) dst(%arg13 : memref<64x128xf32, #tpu.memory_space<vmem>>)
      %add3A_223 = arith.constant 0 : i32
      %add3A_224 = vector.broadcast %add3A_223 : i32 to vector<16xi32>
      %add3A_225 = arith.addi %add3A_224, %iota3A : vector<16xi32>
      %add3A_226 = vector.broadcast %mul3A_12 : i32 to vector<16xi32>
      %add3A_227 = arith.addi %add3A_226, %add3A_225 : vector<16xi32>
      %mul3A_228 = arith.constant 32 : i32
      %mul3A_229 = vector.broadcast %mul3A_228 : i32 to vector<16xi32>
      %mul3A_230 = arith.muli %add3A_227, %mul3A_229 : vector<16xi32>
      %broadcast_in_dim3A_231 = arith.constant 1 : i32
      %broadcast_in_dim3A_232 = vector.broadcast %broadcast_in_dim3A_231 : i32 to vector<16xi32>
      %gather3A_233 = tpu.vector_load_idx %arg5[%broadcast_in_dim3A_232, %add3A_227] : memref<5x512xi32, #tpu.memory_space<vmem>>[vector<16xi32>, vector<16xi32>], vector<16xi32>,
      %and3A = arith.constant 7 : i32
      %and3A_234 = vector.broadcast %and3A : i32 to vector<16xi32>
      %and3A_235 = arith.andi %gather3A_233, %and3A_234 : vector<16xi32>
      %shift_left3A = arith.constant 4 : i32
      %shift_left3A_236 = vector.broadcast %shift_left3A : i32 to vector<16xi32>
      %shift_left3A_237 = arith.shli %and3A_235, %shift_left3A_236 : vector<16xi32>
      %broadcast_in_dim3A_238 = arith.constant 2 : i32
      %broadcast_in_dim3A_239 = vector.broadcast %broadcast_in_dim3A_238 : i32 to vector<16xi32>
      %gather3A_240 = tpu.vector_load_idx %arg5[%broadcast_in_dim3A_239, %add3A_227] : memref<5x512xi32, #tpu.memory_space<vmem>>[vector<16xi32>, vector<16xi32>], vector<16xi32>,
      %and3A_241 = arith.constant 7 : i32
      %and3A_242 = vector.broadcast %and3A_241 : i32 to vector<16xi32>
      %and3A_243 = arith.andi %gather3A_240, %and3A_242 : vector<16xi32>
      %shift_left3A_244 = arith.constant 4 : i32
      %shift_left3A_245 = vector.broadcast %shift_left3A_244 : i32 to vector<16xi32>
      %shift_left3A_246 = arith.shli %and3A_243, %shift_left3A_245 : vector<16xi32>
      %broadcast_in_dim3A_247 = arith.constant 3 : i32
      %broadcast_in_dim3A_248 = vector.broadcast %broadcast_in_dim3A_247 : i32 to vector<16xi32>
      %gather3A_249 = tpu.vector_load_idx %arg5[%broadcast_in_dim3A_248, %add3A_227] : memref<5x512xi32, #tpu.memory_space<vmem>>[vector<16xi32>, vector<16xi32>], vector<16xi32>,
      %and3A_250 = arith.constant 7 : i32
      %and3A_251 = vector.broadcast %and3A_250 : i32 to vector<16xi32>
      %and3A_252 = arith.andi %gather3A_249, %and3A_251 : vector<16xi32>
      %shift_left3A_253 = arith.constant 4 : i32
      %shift_left3A_254 = vector.broadcast %shift_left3A_253 : i32 to vector<16xi32>
      %shift_left3A_255 = arith.shli %and3A_252, %shift_left3A_254 : vector<16xi32>
      %broadcast_in_dim3A_256 = arith.constant 4 : i32
      %broadcast_in_dim3A_257 = vector.broadcast %broadcast_in_dim3A_256 : i32 to vector<16xi32>
      %gather3A_258 = tpu.vector_load_idx %arg5[%broadcast_in_dim3A_257, %add3A_227] : memref<5x512xi32, #tpu.memory_space<vmem>>[vector<16xi32>, vector<16xi32>], vector<16xi32>,
      %and3A_259 = arith.constant 7 : i32
      %and3A_260 = vector.broadcast %and3A_259 : i32 to vector<16xi32>
      %and3A_261 = arith.andi %gather3A_258, %and3A_260 : vector<16xi32>
      %shift_left3A_262 = arith.constant 4 : i32
      %shift_left3A_263 = vector.broadcast %shift_left3A_262 : i32 to vector<16xi32>
      %shift_left3A_264 = arith.shli %and3A_261, %shift_left3A_263 : vector<16xi32>
      %add3A_265 = arith.constant 0 : i32
      %add3A_266 = vector.broadcast %add3A_265 : i32 to vector<16xi32>
      %add3A_267 = arith.addi %shift_left3A_237, %add3A_266 : vector<16xi32>
      %gather3A_268 = tpu.vector_load_idx %arg10[%add3A_225, %add3A_267] : memref<64x128xf32, #tpu.memory_space<vmem>>[vector<16xi32>, vector<16xi32>], vector<16xf32>,
      %add3A_269 = arith.constant 0 : i32
      %add3A_270 = vector.broadcast %add3A_269 : i32 to vector<16xi32>
      %add3A_271 = arith.addi %shift_left3A_246, %add3A_270 : vector<16xi32>
      %gather3A_272 = tpu.vector_load_idx %arg11[%add3A_225, %add3A_271] : memref<64x128xf32, #tpu.memory_space<vmem>>[vector<16xi32>, vector<16xi32>], vector<16xf32>,
      %add3A_273 = arith.constant 0 : i32
      %add3A_274 = vector.broadcast %add3A_273 : i32 to vector<16xi32>
      %add3A_275 = arith.addi %shift_left3A_255, %add3A_274 : vector<16xi32>
      %gather3A_276 = tpu.vector_load_idx %arg12[%add3A_225, %add3A_275] : memref<64x128xf32, #tpu.memory_space<vmem>>[vector<16xi32>, vector<16xi32>], vector<16xf32>,
      %add3A_277 = arith.addf %gather3A_272, %gather3A_276 : vector<16xf32>
      %add3A_278 = arith.constant 0 : i32
      %add3A_279 = vector.broadcast %add3A_278 : i32 to vector<16xi32>
      %add3A_280 = arith.addi %shift_left3A_264, %add3A_279 : vector<16xi32>
      %gather3A_281 = tpu.vector_load_idx %arg13[%add3A_225, %add3A_280] : memref<64x128xf32, #tpu.memory_space<vmem>>[vector<16xi32>, vector<16xi32>], vector<16xf32>,
      %add3A_282 = arith.addf %add3A_277, %gather3A_281 : vector<16xf32>
      %add3A_283 = arith.constant 0 : i32
      %add3A_284 = vector.broadcast %add3A_283 : i32 to vector<16xi32>
      %add3A_285 = arith.addi %mul3A_230, %add3A_284 : vector<16xi32>
      tpu.vector_store_idx %arg14[%add3A_285], %gather3A_268 : memref<16384xf32, #tpu.memory_space<vmem>>[vector<16xi32>], vector<16xf32>,
      %add3A_286 = arith.constant 16 : i32
      %add3A_287 = vector.broadcast %add3A_286 : i32 to vector<16xi32>
      %add3A_288 = arith.addi %mul3A_230, %add3A_287 : vector<16xi32>
      tpu.vector_store_idx %arg14[%add3A_288], %add3A_282 : memref<16384xf32, #tpu.memory_space<vmem>>[vector<16xi32>], vector<16xf32>,
      %add3A_289 = arith.constant 1 : i32
      %add3A_290 = vector.broadcast %add3A_289 : i32 to vector<16xi32>
      %add3A_291 = arith.addi %shift_left3A_237, %add3A_290 : vector<16xi32>
      %gather3A_292 = tpu.vector_load_idx %arg10[%add3A_225, %add3A_291] : memref<64x128xf32, #tpu.memory_space<vmem>>[vector<16xi32>, vector<16xi32>], vector<16xf32>,
      %add3A_293 = arith.constant 1 : i32
      %add3A_294 = vector.broadcast %add3A_293 : i32 to vector<16xi32>
      %add3A_295 = arith.addi %shift_left3A_246, %add3A_294 : vector<16xi32>
      %gather3A_296 = tpu.vector_load_idx %arg11[%add3A_225, %add3A_295] : memref<64x128xf32, #tpu.memory_space<vmem>>[vector<16xi32>, vector<16xi32>], vector<16xf32>,
      %add3A_297 = arith.constant 1 : i32
      %add3A_298 = vector.broadcast %add3A_297 : i32 to vector<16xi32>
      %add3A_299 = arith.addi %shift_left3A_255, %add3A_298 : vector<16xi32>
      %gather3A_300 = tpu.vector_load_idx %arg12[%add3A_225, %add3A_299] : memref<64x128xf32, #tpu.memory_space<vmem>>[vector<16xi32>, vector<16xi32>], vector<16xf32>,
      %add3A_301 = arith.addf %gather3A_296, %gather3A_300 : vector<16xf32>
      %add3A_302 = arith.constant 1 : i32
      %add3A_303 = vector.broadcast %add3A_302 : i32 to vector<16xi32>
      %add3A_304 = arith.addi %shift_left3A_264, %add3A_303 : vector<16xi32>
      %gather3A_305 = tpu.vector_load_idx %arg13[%add3A_225, %add3A_304] : memref<64x128xf32, #tpu.memory_space<vmem>>[vector<16xi32>, vector<16xi32>], vector<16xf32>,
      %add3A_306 = arith.addf %add3A_301, %gather3A_305 : vector<16xf32>
      %add3A_307 = arith.constant 1 : i32
      %add3A_308 = vector.broadcast %add3A_307 : i32 to vector<16xi32>
      %add3A_309 = arith.addi %mul3A_230, %add3A_308 : vector<16xi32>
      tpu.vector_store_idx %arg14[%add3A_309], %gather3A_292 : memref<16384xf32, #tpu.memory_space<vmem>>[vector<16xi32>], vector<16xf32>,
      %add3A_310 = arith.constant 17 : i32
      %add3A_311 = vector.broadcast %add3A_310 : i32 to vector<16xi32>
      %add3A_312 = arith.addi %mul3A_230, %add3A_311 : vector<16xi32>
      tpu.vector_store_idx %arg14[%add3A_312], %add3A_306 : memref<16384xf32, #tpu.memory_space<vmem>>[vector<16xi32>], vector<16xf32>,
      %add3A_313 = arith.constant 2 : i32
      %add3A_314 = vector.broadcast %add3A_313 : i32 to vector<16xi32>
      %add3A_315 = arith.addi %shift_left3A_237, %add3A_314 : vector<16xi32>
      %gather3A_316 = tpu.vector_load_idx %arg10[%add3A_225, %add3A_315] : memref<64x128xf32, #tpu.memory_space<vmem>>[vector<16xi32>, vector<16xi32>], vector<16xf32>,
      %add3A_317 = arith.constant 2 : i32
      %add3A_318 = vector.broadcast %add3A_317 : i32 to vector<16xi32>
      %add3A_319 = arith.addi %shift_left3A_246, %add3A_318 : vector<16xi32>
      %gather3A_320 = tpu.vector_load_idx %arg11[%add3A_225, %add3A_319] : memref<64x128xf32, #tpu.memory_space<vmem>>[vector<16xi32>, vector<16xi32>], vector<16xf32>,
      %add3A_321 = arith.constant 2 : i32
      %add3A_322 = vector.broadcast %add3A_321 : i32 to vector<16xi32>
      %add3A_323 = arith.addi %shift_left3A_255, %add3A_322 : vector<16xi32>
      %gather3A_324 = tpu.vector_load_idx %arg12[%add3A_225, %add3A_323] : memref<64x128xf32, #tpu.memory_space<vmem>>[vector<16xi32>, vector<16xi32>], vector<16xf32>,
      %add3A_325 = arith.addf %gather3A_320, %gather3A_324 : vector<16xf32>
      %add3A_326 = arith.constant 2 : i32
      %add3A_327 = vector.broadcast %add3A_326 : i32 to vector<16xi32>
      %add3A_328 = arith.addi %shift_left3A_264, %add3A_327 : vector<16xi32>
      %gather3A_329 = tpu.vector_load_idx %arg13[%add3A_225, %add3A_328] : memref<64x128xf32, #tpu.memory_space<vmem>>[vector<16xi32>, vector<16xi32>], vector<16xf32>,
      %add3A_330 = arith.addf %add3A_325, %gather3A_329 : vector<16xf32>
      %add3A_331 = arith.constant 2 : i32
      %add3A_332 = vector.broadcast %add3A_331 : i32 to vector<16xi32>
      %add3A_333 = arith.addi %mul3A_230, %add3A_332 : vector<16xi32>
      tpu.vector_store_idx %arg14[%add3A_333], %gather3A_316 : memref<16384xf32, #tpu.memory_space<vmem>>[vector<16xi32>], vector<16xf32>,
      %add3A_334 = arith.constant 18 : i32
      %add3A_335 = vector.broadcast %add3A_334 : i32 to vector<16xi32>
      %add3A_336 = arith.addi %mul3A_230, %add3A_335 : vector<16xi32>
      tpu.vector_store_idx %arg14[%add3A_336], %add3A_330 : memref<16384xf32, #tpu.memory_space<vmem>>[vector<16xi32>], vector<16xf32>,
      %add3A_337 = arith.constant 3 : i32
      %add3A_338 = vector.broadcast %add3A_337 : i32 to vector<16xi32>
      %add3A_339 = arith.addi %shift_left3A_237, %add3A_338 : vector<16xi32>
      %gather3A_340 = tpu.vector_load_idx %arg10[%add3A_225, %add3A_339] : memref<64x128xf32, #tpu.memory_space<vmem>>[vector<16xi32>, vector<16xi32>], vector<16xf32>,
      %add3A_341 = arith.constant 3 : i32
      %add3A_342 = vector.broadcast %add3A_341 : i32 to vector<16xi32>
      %add3A_343 = arith.addi %shift_left3A_246, %add3A_342 : vector<16xi32>
      %gather3A_344 = tpu.vector_load_idx %arg11[%add3A_225, %add3A_343] : memref<64x128xf32, #tpu.memory_space<vmem>>[vector<16xi32>, vector<16xi32>], vector<16xf32>,
      %add3A_345 = arith.constant 3 : i32
      %add3A_346 = vector.broadcast %add3A_345 : i32 to vector<16xi32>
      %add3A_347 = arith.addi %shift_left3A_255, %add3A_346 : vector<16xi32>
      %gather3A_348 = tpu.vector_load_idx %arg12[%add3A_225, %add3A_347] : memref<64x128xf32, #tpu.memory_space<vmem>>[vector<16xi32>, vector<16xi32>], vector<16xf32>,
      %add3A_349 = arith.addf %gather3A_344, %gather3A_348 : vector<16xf32>
      %add3A_350 = arith.constant 3 : i32
      %add3A_351 = vector.broadcast %add3A_350 : i32 to vector<16xi32>
      %add3A_352 = arith.addi %shift_left3A_264, %add3A_351 : vector<16xi32>
      %gather3A_353 = tpu.vector_load_idx %arg13[%add3A_225, %add3A_352] : memref<64x128xf32, #tpu.memory_space<vmem>>[vector<16xi32>, vector<16xi32>], vector<16xf32>,
      %add3A_354 = arith.addf %add3A_349, %gather3A_353 : vector<16xf32>
      %add3A_355 = arith.constant 3 : i32
      %add3A_356 = vector.broadcast %add3A_355 : i32 to vector<16xi32>
      %add3A_357 = arith.addi %mul3A_230, %add3A_356 : vector<16xi32>
      tpu.vector_store_idx %arg14[%add3A_357], %gather3A_340 : memref<16384xf32, #tpu.memory_space<vmem>>[vector<16xi32>], vector<16xf32>,
      %add3A_358 = arith.constant 19 : i32
      %add3A_359 = vector.broadcast %add3A_358 : i32 to vector<16xi32>
      %add3A_360 = arith.addi %mul3A_230, %add3A_359 : vector<16xi32>
      tpu.vector_store_idx %arg14[%add3A_360], %add3A_354 : memref<16384xf32, #tpu.memory_space<vmem>>[vector<16xi32>], vector<16xf32>,
      %add3A_361 = arith.constant 4 : i32
      %add3A_362 = vector.broadcast %add3A_361 : i32 to vector<16xi32>
      %add3A_363 = arith.addi %shift_left3A_237, %add3A_362 : vector<16xi32>
      %gather3A_364 = tpu.vector_load_idx %arg10[%add3A_225, %add3A_363] : memref<64x128xf32, #tpu.memory_space<vmem>>[vector<16xi32>, vector<16xi32>], vector<16xf32>,
      %add3A_365 = arith.constant 4 : i32
      %add3A_366 = vector.broadcast %add3A_365 : i32 to vector<16xi32>
      %add3A_367 = arith.addi %shift_left3A_246, %add3A_366 : vector<16xi32>
      %gather3A_368 = tpu.vector_load_idx %arg11[%add3A_225, %add3A_367] : memref<64x128xf32, #tpu.memory_space<vmem>>[vector<16xi32>, vector<16xi32>], vector<16xf32>,
      %add3A_369 = arith.constant 4 : i32
      %add3A_370 = vector.broadcast %add3A_369 : i32 to vector<16xi32>
      %add3A_371 = arith.addi %shift_left3A_255, %add3A_370 : vector<16xi32>
      %gather3A_372 = tpu.vector_load_idx %arg12[%add3A_225, %add3A_371] : memref<64x128xf32, #tpu.memory_space<vmem>>[vector<16xi32>, vector<16xi32>], vector<16xf32>,
      %add3A_373 = arith.addf %gather3A_368, %gather3A_372 : vector<16xf32>
      %add3A_374 = arith.constant 4 : i32
      %add3A_375 = vector.broadcast %add3A_374 : i32 to vector<16xi32>
      %add3A_376 = arith.addi %shift_left3A_264, %add3A_375 : vector<16xi32>
      %gather3A_377 = tpu.vector_load_idx %arg13[%add3A_225, %add3A_376] : memref<64x128xf32, #tpu.memory_space<vmem>>[vector<16xi32>, vector<16xi32>], vector<16xf32>,
      %add3A_378 = arith.addf %add3A_373, %gather3A_377 : vector<16xf32>
      %add3A_379 = arith.constant 4 : i32
      %add3A_380 = vector.broadcast %add3A_379 : i32 to vector<16xi32>
      %add3A_381 = arith.addi %mul3A_230, %add3A_380 : vector<16xi32>
      tpu.vector_store_idx %arg14[%add3A_381], %gather3A_364 : memref<16384xf32, #tpu.memory_space<vmem>>[vector<16xi32>], vector<16xf32>,
      %add3A_382 = arith.constant 20 : i32
      %add3A_383 = vector.broadcast %add3A_382 : i32 to vector<16xi32>
      %add3A_384 = arith.addi %mul3A_230, %add3A_383 : vector<16xi32>
      tpu.vector_store_idx %arg14[%add3A_384], %add3A_378 : memref<16384xf32, #tpu.memory_space<vmem>>[vector<16xi32>], vector<16xf32>,
      %add3A_385 = arith.constant 5 : i32
      %add3A_386 = vector.broadcast %add3A_385 : i32 to vector<16xi32>
      %add3A_387 = arith.addi %shift_left3A_237, %add3A_386 : vector<16xi32>
      %gather3A_388 = tpu.vector_load_idx %arg10[%add3A_225, %add3A_387] : memref<64x128xf32, #tpu.memory_space<vmem>>[vector<16xi32>, vector<16xi32>], vector<16xf32>,
      %add3A_389 = arith.constant 5 : i32
      %add3A_390 = vector.broadcast %add3A_389 : i32 to vector<16xi32>
      %add3A_391 = arith.addi %shift_left3A_246, %add3A_390 : vector<16xi32>
      %gather3A_392 = tpu.vector_load_idx %arg11[%add3A_225, %add3A_391] : memref<64x128xf32, #tpu.memory_space<vmem>>[vector<16xi32>, vector<16xi32>], vector<16xf32>,
      %add3A_393 = arith.constant 5 : i32
      %add3A_394 = vector.broadcast %add3A_393 : i32 to vector<16xi32>
      %add3A_395 = arith.addi %shift_left3A_255, %add3A_394 : vector<16xi32>
      %gather3A_396 = tpu.vector_load_idx %arg12[%add3A_225, %add3A_395] : memref<64x128xf32, #tpu.memory_space<vmem>>[vector<16xi32>, vector<16xi32>], vector<16xf32>,
      %add3A_397 = arith.addf %gather3A_392, %gather3A_396 : vector<16xf32>
      %add3A_398 = arith.constant 5 : i32
      %add3A_399 = vector.broadcast %add3A_398 : i32 to vector<16xi32>
      %add3A_400 = arith.addi %shift_left3A_264, %add3A_399 : vector<16xi32>
      %gather3A_401 = tpu.vector_load_idx %arg13[%add3A_225, %add3A_400] : memref<64x128xf32, #tpu.memory_space<vmem>>[vector<16xi32>, vector<16xi32>], vector<16xf32>,
      %add3A_402 = arith.addf %add3A_397, %gather3A_401 : vector<16xf32>
      %add3A_403 = arith.constant 5 : i32
      %add3A_404 = vector.broadcast %add3A_403 : i32 to vector<16xi32>
      %add3A_405 = arith.addi %mul3A_230, %add3A_404 : vector<16xi32>
      tpu.vector_store_idx %arg14[%add3A_405], %gather3A_388 : memref<16384xf32, #tpu.memory_space<vmem>>[vector<16xi32>], vector<16xf32>,
      %add3A_406 = arith.constant 21 : i32
      %add3A_407 = vector.broadcast %add3A_406 : i32 to vector<16xi32>
      %add3A_408 = arith.addi %mul3A_230, %add3A_407 : vector<16xi32>
      tpu.vector_store_idx %arg14[%add3A_408], %add3A_402 : memref<16384xf32, #tpu.memory_space<vmem>>[vector<16xi32>], vector<16xf32>,
      %add3A_409 = arith.constant 6 : i32
      %add3A_410 = vector.broadcast %add3A_409 : i32 to vector<16xi32>
      %add3A_411 = arith.addi %shift_left3A_237, %add3A_410 : vector<16xi32>
      %gather3A_412 = tpu.vector_load_idx %arg10[%add3A_225, %add3A_411] : memref<64x128xf32, #tpu.memory_space<vmem>>[vector<16xi32>, vector<16xi32>], vector<16xf32>,
      %add3A_413 = arith.constant 6 : i32
      %add3A_414 = vector.broadcast %add3A_413 : i32 to vector<16xi32>
      %add3A_415 = arith.addi %shift_left3A_246, %add3A_414 : vector<16xi32>
      %gather3A_416 = tpu.vector_load_idx %arg11[%add3A_225, %add3A_415] : memref<64x128xf32, #tpu.memory_space<vmem>>[vector<16xi32>, vector<16xi32>], vector<16xf32>,
      %add3A_417 = arith.constant 6 : i32
      %add3A_418 = vector.broadcast %add3A_417 : i32 to vector<16xi32>
      %add3A_419 = arith.addi %shift_left3A_255, %add3A_418 : vector<16xi32>
      %gather3A_420 = tpu.vector_load_idx %arg12[%add3A_225, %add3A_419] : memref<64x128xf32, #tpu.memory_space<vmem>>[vector<16xi32>, vector<16xi32>], vector<16xf32>,
      %add3A_421 = arith.addf %gather3A_416, %gather3A_420 : vector<16xf32>
      %add3A_422 = arith.constant 6 : i32
      %add3A_423 = vector.broadcast %add3A_422 : i32 to vector<16xi32>
      %add3A_424 = arith.addi %shift_left3A_264, %add3A_423 : vector<16xi32>
      %gather3A_425 = tpu.vector_load_idx %arg13[%add3A_225, %add3A_424] : memref<64x128xf32, #tpu.memory_space<vmem>>[vector<16xi32>, vector<16xi32>], vector<16xf32>,
      %add3A_426 = arith.addf %add3A_421, %gather3A_425 : vector<16xf32>
      %add3A_427 = arith.constant 6 : i32
      %add3A_428 = vector.broadcast %add3A_427 : i32 to vector<16xi32>
      %add3A_429 = arith.addi %mul3A_230, %add3A_428 : vector<16xi32>
      tpu.vector_store_idx %arg14[%add3A_429], %gather3A_412 : memref<16384xf32, #tpu.memory_space<vmem>>[vector<16xi32>], vector<16xf32>,
      %add3A_430 = arith.constant 22 : i32
      %add3A_431 = vector.broadcast %add3A_430 : i32 to vector<16xi32>
      %add3A_432 = arith.addi %mul3A_230, %add3A_431 : vector<16xi32>
      tpu.vector_store_idx %arg14[%add3A_432], %add3A_426 : memref<16384xf32, #tpu.memory_space<vmem>>[vector<16xi32>], vector<16xf32>,
      %add3A_433 = arith.constant 7 : i32
      %add3A_434 = vector.broadcast %add3A_433 : i32 to vector<16xi32>
      %add3A_435 = arith.addi %shift_left3A_237, %add3A_434 : vector<16xi32>
      %gather3A_436 = tpu.vector_load_idx %arg10[%add3A_225, %add3A_435] : memref<64x128xf32, #tpu.memory_space<vmem>>[vector<16xi32>, vector<16xi32>], vector<16xf32>,
      %add3A_437 = arith.constant 7 : i32
      %add3A_438 = vector.broadcast %add3A_437 : i32 to vector<16xi32>
      %add3A_439 = arith.addi %shift_left3A_246, %add3A_438 : vector<16xi32>
      %gather3A_440 = tpu.vector_load_idx %arg11[%add3A_225, %add3A_439] : memref<64x128xf32, #tpu.memory_space<vmem>>[vector<16xi32>, vector<16xi32>], vector<16xf32>,
      %add3A_441 = arith.constant 7 : i32
      %add3A_442 = vector.broadcast %add3A_441 : i32 to vector<16xi32>
      %add3A_443 = arith.addi %shift_left3A_255, %add3A_442 : vector<16xi32>
      %gather3A_444 = tpu.vector_load_idx %arg12[%add3A_225, %add3A_443] : memref<64x128xf32, #tpu.memory_space<vmem>>[vector<16xi32>, vector<16xi32>], vector<16xf32>,
      %add3A_445 = arith.addf %gather3A_440, %gather3A_444 : vector<16xf32>
      %add3A_446 = arith.constant 7 : i32
      %add3A_447 = vector.broadcast %add3A_446 : i32 to vector<16xi32>
      %add3A_448 = arith.addi %shift_left3A_264, %add3A_447 : vector<16xi32>
      %gather3A_449 = tpu.vector_load_idx %arg13[%add3A_225, %add3A_448] : memref<64x128xf32, #tpu.memory_space<vmem>>[vector<16xi32>, vector<16xi32>], vector<16xf32>,
      %add3A_450 = arith.addf %add3A_445, %gather3A_449 : vector<16xf32>
      %add3A_451 = arith.constant 7 : i32
      %add3A_452 = vector.broadcast %add3A_451 : i32 to vector<16xi32>
      %add3A_453 = arith.addi %mul3A_230, %add3A_452 : vector<16xi32>
      tpu.vector_store_idx %arg14[%add3A_453], %gather3A_436 : memref<16384xf32, #tpu.memory_space<vmem>>[vector<16xi32>], vector<16xf32>,
      %add3A_454 = arith.constant 23 : i32
      %add3A_455 = vector.broadcast %add3A_454 : i32 to vector<16xi32>
      %add3A_456 = arith.addi %mul3A_230, %add3A_455 : vector<16xi32>
      tpu.vector_store_idx %arg14[%add3A_456], %add3A_450 : memref<16384xf32, #tpu.memory_space<vmem>>[vector<16xi32>], vector<16xf32>,
      %add3A_457 = arith.constant 8 : i32
      %add3A_458 = vector.broadcast %add3A_457 : i32 to vector<16xi32>
      %add3A_459 = arith.addi %shift_left3A_237, %add3A_458 : vector<16xi32>
      %gather3A_460 = tpu.vector_load_idx %arg10[%add3A_225, %add3A_459] : memref<64x128xf32, #tpu.memory_space<vmem>>[vector<16xi32>, vector<16xi32>], vector<16xf32>,
      %add3A_461 = arith.constant 8 : i32
      %add3A_462 = vector.broadcast %add3A_461 : i32 to vector<16xi32>
      %add3A_463 = arith.addi %shift_left3A_246, %add3A_462 : vector<16xi32>
      %gather3A_464 = tpu.vector_load_idx %arg11[%add3A_225, %add3A_463] : memref<64x128xf32, #tpu.memory_space<vmem>>[vector<16xi32>, vector<16xi32>], vector<16xf32>,
      %add3A_465 = arith.constant 8 : i32
      %add3A_466 = vector.broadcast %add3A_465 : i32 to vector<16xi32>
      %add3A_467 = arith.addi %shift_left3A_255, %add3A_466 : vector<16xi32>
      %gather3A_468 = tpu.vector_load_idx %arg12[%add3A_225, %add3A_467] : memref<64x128xf32, #tpu.memory_space<vmem>>[vector<16xi32>, vector<16xi32>], vector<16xf32>,
      %add3A_469 = arith.addf %gather3A_464, %gather3A_468 : vector<16xf32>
      %add3A_470 = arith.constant 8 : i32
      %add3A_471 = vector.broadcast %add3A_470 : i32 to vector<16xi32>
      %add3A_472 = arith.addi %shift_left3A_264, %add3A_471 : vector<16xi32>
      %gather3A_473 = tpu.vector_load_idx %arg13[%add3A_225, %add3A_472] : memref<64x128xf32, #tpu.memory_space<vmem>>[vector<16xi32>, vector<16xi32>], vector<16xf32>,
      %add3A_474 = arith.addf %add3A_469, %gather3A_473 : vector<16xf32>
      %add3A_475 = arith.constant 8 : i32
      %add3A_476 = vector.broadcast %add3A_475 : i32 to vector<16xi32>
      %add3A_477 = arith.addi %mul3A_230, %add3A_476 : vector<16xi32>
      tpu.vector_store_idx %arg14[%add3A_477], %gather3A_460 : memref<16384xf32, #tpu.memory_space<vmem>>[vector<16xi32>], vector<16xf32>,
      %add3A_478 = arith.constant 24 : i32
      %add3A_479 = vector.broadcast %add3A_478 : i32 to vector<16xi32>
      %add3A_480 = arith.addi %mul3A_230, %add3A_479 : vector<16xi32>
      tpu.vector_store_idx %arg14[%add3A_480], %add3A_474 : memref<16384xf32, #tpu.memory_space<vmem>>[vector<16xi32>], vector<16xf32>,
      %add3A_481 = arith.constant 9 : i32
      %add3A_482 = vector.broadcast %add3A_481 : i32 to vector<16xi32>
      %add3A_483 = arith.addi %shift_left3A_237, %add3A_482 : vector<16xi32>
      %gather3A_484 = tpu.vector_load_idx %arg10[%add3A_225, %add3A_483] : memref<64x128xf32, #tpu.memory_space<vmem>>[vector<16xi32>, vector<16xi32>], vector<16xf32>,
      %add3A_485 = arith.constant 9 : i32
      %add3A_486 = vector.broadcast %add3A_485 : i32 to vector<16xi32>
      %add3A_487 = arith.addi %shift_left3A_246, %add3A_486 : vector<16xi32>
      %gather3A_488 = tpu.vector_load_idx %arg11[%add3A_225, %add3A_487] : memref<64x128xf32, #tpu.memory_space<vmem>>[vector<16xi32>, vector<16xi32>], vector<16xf32>,
      %add3A_489 = arith.constant 9 : i32
      %add3A_490 = vector.broadcast %add3A_489 : i32 to vector<16xi32>
      %add3A_491 = arith.addi %shift_left3A_255, %add3A_490 : vector<16xi32>
      %gather3A_492 = tpu.vector_load_idx %arg12[%add3A_225, %add3A_491] : memref<64x128xf32, #tpu.memory_space<vmem>>[vector<16xi32>, vector<16xi32>], vector<16xf32>,
      %add3A_493 = arith.addf %gather3A_488, %gather3A_492 : vector<16xf32>
      %add3A_494 = arith.constant 9 : i32
      %add3A_495 = vector.broadcast %add3A_494 : i32 to vector<16xi32>
      %add3A_496 = arith.addi %shift_left3A_264, %add3A_495 : vector<16xi32>
      %gather3A_497 = tpu.vector_load_idx %arg13[%add3A_225, %add3A_496] : memref<64x128xf32, #tpu.memory_space<vmem>>[vector<16xi32>, vector<16xi32>], vector<16xf32>,
      %add3A_498 = arith.addf %add3A_493, %gather3A_497 : vector<16xf32>
      %add3A_499 = arith.constant 9 : i32
      %add3A_500 = vector.broadcast %add3A_499 : i32 to vector<16xi32>
      %add3A_501 = arith.addi %mul3A_230, %add3A_500 : vector<16xi32>
      tpu.vector_store_idx %arg14[%add3A_501], %gather3A_484 : memref<16384xf32, #tpu.memory_space<vmem>>[vector<16xi32>], vector<16xf32>,
      %add3A_502 = arith.constant 25 : i32
      %add3A_503 = vector.broadcast %add3A_502 : i32 to vector<16xi32>
      %add3A_504 = arith.addi %mul3A_230, %add3A_503 : vector<16xi32>
      tpu.vector_store_idx %arg14[%add3A_504], %add3A_498 : memref<16384xf32, #tpu.memory_space<vmem>>[vector<16xi32>], vector<16xf32>,
      %add3A_505 = arith.constant 10 : i32
      %add3A_506 = vector.broadcast %add3A_505 : i32 to vector<16xi32>
      %add3A_507 = arith.addi %shift_left3A_237, %add3A_506 : vector<16xi32>
      %gather3A_508 = tpu.vector_load_idx %arg10[%add3A_225, %add3A_507] : memref<64x128xf32, #tpu.memory_space<vmem>>[vector<16xi32>, vector<16xi32>], vector<16xf32>,
      %add3A_509 = arith.constant 10 : i32
      %add3A_510 = vector.broadcast %add3A_509 : i32 to vector<16xi32>
      %add3A_511 = arith.addi %shift_left3A_246, %add3A_510 : vector<16xi32>
      %gather3A_512 = tpu.vector_load_idx %arg11[%add3A_225, %add3A_511] : memref<64x128xf32, #tpu.memory_space<vmem>>[vector<16xi32>, vector<16xi32>], vector<16xf32>,
      %add3A_513 = arith.constant 10 : i32
      %add3A_514 = vector.broadcast %add3A_513 : i32 to vector<16xi32>
      %add3A_515 = arith.addi %shift_left3A_255, %add3A_514 : vector<16xi32>
      %gather3A_516 = tpu.vector_load_idx %arg12[%add3A_225, %add3A_515] : memref<64x128xf32, #tpu.memory_space<vmem>>[vector<16xi32>, vector<16xi32>], vector<16xf32>,
      %add3A_517 = arith.addf %gather3A_512, %gather3A_516 : vector<16xf32>
      %add3A_518 = arith.constant 10 : i32
      %add3A_519 = vector.broadcast %add3A_518 : i32 to vector<16xi32>
      %add3A_520 = arith.addi %shift_left3A_264, %add3A_519 : vector<16xi32>
      %gather3A_521 = tpu.vector_load_idx %arg13[%add3A_225, %add3A_520] : memref<64x128xf32, #tpu.memory_space<vmem>>[vector<16xi32>, vector<16xi32>], vector<16xf32>,
      %add3A_522 = arith.addf %add3A_517, %gather3A_521 : vector<16xf32>
      %add3A_523 = arith.constant 10 : i32
      %add3A_524 = vector.broadcast %add3A_523 : i32 to vector<16xi32>
      %add3A_525 = arith.addi %mul3A_230, %add3A_524 : vector<16xi32>
      tpu.vector_store_idx %arg14[%add3A_525], %gather3A_508 : memref<16384xf32, #tpu.memory_space<vmem>>[vector<16xi32>], vector<16xf32>,
      %add3A_526 = arith.constant 26 : i32
      %add3A_527 = vector.broadcast %add3A_526 : i32 to vector<16xi32>
      %add3A_528 = arith.addi %mul3A_230, %add3A_527 : vector<16xi32>
      tpu.vector_store_idx %arg14[%add3A_528], %add3A_522 : memref<16384xf32, #tpu.memory_space<vmem>>[vector<16xi32>], vector<16xf32>,
      %add3A_529 = arith.constant 11 : i32
      %add3A_530 = vector.broadcast %add3A_529 : i32 to vector<16xi32>
      %add3A_531 = arith.addi %shift_left3A_237, %add3A_530 : vector<16xi32>
      %gather3A_532 = tpu.vector_load_idx %arg10[%add3A_225, %add3A_531] : memref<64x128xf32, #tpu.memory_space<vmem>>[vector<16xi32>, vector<16xi32>], vector<16xf32>,
      %add3A_533 = arith.constant 11 : i32
      %add3A_534 = vector.broadcast %add3A_533 : i32 to vector<16xi32>
      %add3A_535 = arith.addi %shift_left3A_246, %add3A_534 : vector<16xi32>
      %gather3A_536 = tpu.vector_load_idx %arg11[%add3A_225, %add3A_535] : memref<64x128xf32, #tpu.memory_space<vmem>>[vector<16xi32>, vector<16xi32>], vector<16xf32>,
      %add3A_537 = arith.constant 11 : i32
      %add3A_538 = vector.broadcast %add3A_537 : i32 to vector<16xi32>
      %add3A_539 = arith.addi %shift_left3A_255, %add3A_538 : vector<16xi32>
      %gather3A_540 = tpu.vector_load_idx %arg12[%add3A_225, %add3A_539] : memref<64x128xf32, #tpu.memory_space<vmem>>[vector<16xi32>, vector<16xi32>], vector<16xf32>,
      %add3A_541 = arith.addf %gather3A_536, %gather3A_540 : vector<16xf32>
      %add3A_542 = arith.constant 11 : i32
      %add3A_543 = vector.broadcast %add3A_542 : i32 to vector<16xi32>
      %add3A_544 = arith.addi %shift_left3A_264, %add3A_543 : vector<16xi32>
      %gather3A_545 = tpu.vector_load_idx %arg13[%add3A_225, %add3A_544] : memref<64x128xf32, #tpu.memory_space<vmem>>[vector<16xi32>, vector<16xi32>], vector<16xf32>,
      %add3A_546 = arith.addf %add3A_541, %gather3A_545 : vector<16xf32>
      %add3A_547 = arith.constant 11 : i32
      %add3A_548 = vector.broadcast %add3A_547 : i32 to vector<16xi32>
      %add3A_549 = arith.addi %mul3A_230, %add3A_548 : vector<16xi32>
      tpu.vector_store_idx %arg14[%add3A_549], %gather3A_532 : memref<16384xf32, #tpu.memory_space<vmem>>[vector<16xi32>], vector<16xf32>,
      %add3A_550 = arith.constant 27 : i32
      %add3A_551 = vector.broadcast %add3A_550 : i32 to vector<16xi32>
      %add3A_552 = arith.addi %mul3A_230, %add3A_551 : vector<16xi32>
      tpu.vector_store_idx %arg14[%add3A_552], %add3A_546 : memref<16384xf32, #tpu.memory_space<vmem>>[vector<16xi32>], vector<16xf32>,
      %add3A_553 = arith.constant 12 : i32
      %add3A_554 = vector.broadcast %add3A_553 : i32 to vector<16xi32>
      %add3A_555 = arith.addi %shift_left3A_237, %add3A_554 : vector<16xi32>
      %gather3A_556 = tpu.vector_load_idx %arg10[%add3A_225, %add3A_555] : memref<64x128xf32, #tpu.memory_space<vmem>>[vector<16xi32>, vector<16xi32>], vector<16xf32>,
      %add3A_557 = arith.constant 12 : i32
      %add3A_558 = vector.broadcast %add3A_557 : i32 to vector<16xi32>
      %add3A_559 = arith.addi %shift_left3A_246, %add3A_558 : vector<16xi32>
      %gather3A_560 = tpu.vector_load_idx %arg11[%add3A_225, %add3A_559] : memref<64x128xf32, #tpu.memory_space<vmem>>[vector<16xi32>, vector<16xi32>], vector<16xf32>,
      %add3A_561 = arith.constant 12 : i32
      %add3A_562 = vector.broadcast %add3A_561 : i32 to vector<16xi32>
      %add3A_563 = arith.addi %shift_left3A_255, %add3A_562 : vector<16xi32>
      %gather3A_564 = tpu.vector_load_idx %arg12[%add3A_225, %add3A_563] : memref<64x128xf32, #tpu.memory_space<vmem>>[vector<16xi32>, vector<16xi32>], vector<16xf32>,
      %add3A_565 = arith.addf %gather3A_560, %gather3A_564 : vector<16xf32>
      %add3A_566 = arith.constant 12 : i32
      %add3A_567 = vector.broadcast %add3A_566 : i32 to vector<16xi32>
      %add3A_568 = arith.addi %shift_left3A_264, %add3A_567 : vector<16xi32>
      %gather3A_569 = tpu.vector_load_idx %arg13[%add3A_225, %add3A_568] : memref<64x128xf32, #tpu.memory_space<vmem>>[vector<16xi32>, vector<16xi32>], vector<16xf32>,
      %add3A_570 = arith.addf %add3A_565, %gather3A_569 : vector<16xf32>
      %add3A_571 = arith.constant 12 : i32
      %add3A_572 = vector.broadcast %add3A_571 : i32 to vector<16xi32>
      %add3A_573 = arith.addi %mul3A_230, %add3A_572 : vector<16xi32>
      tpu.vector_store_idx %arg14[%add3A_573], %gather3A_556 : memref<16384xf32, #tpu.memory_space<vmem>>[vector<16xi32>], vector<16xf32>,
      %add3A_574 = arith.constant 28 : i32
      %add3A_575 = vector.broadcast %add3A_574 : i32 to vector<16xi32>
      %add3A_576 = arith.addi %mul3A_230, %add3A_575 : vector<16xi32>
      tpu.vector_store_idx %arg14[%add3A_576], %add3A_570 : memref<16384xf32, #tpu.memory_space<vmem>>[vector<16xi32>], vector<16xf32>,
      %add3A_577 = arith.constant 13 : i32
      %add3A_578 = vector.broadcast %add3A_577 : i32 to vector<16xi32>
      %add3A_579 = arith.addi %shift_left3A_237, %add3A_578 : vector<16xi32>
      %gather3A_580 = tpu.vector_load_idx %arg10[%add3A_225, %add3A_579] : memref<64x128xf32, #tpu.memory_space<vmem>>[vector<16xi32>, vector<16xi32>], vector<16xf32>,
      %add3A_581 = arith.constant 13 : i32
      %add3A_582 = vector.broadcast %add3A_581 : i32 to vector<16xi32>
      %add3A_583 = arith.addi %shift_left3A_246, %add3A_582 : vector<16xi32>
      %gather3A_584 = tpu.vector_load_idx %arg11[%add3A_225, %add3A_583] : memref<64x128xf32, #tpu.memory_space<vmem>>[vector<16xi32>, vector<16xi32>], vector<16xf32>,
      %add3A_585 = arith.constant 13 : i32
      %add3A_586 = vector.broadcast %add3A_585 : i32 to vector<16xi32>
      %add3A_587 = arith.addi %shift_left3A_255, %add3A_586 : vector<16xi32>
      %gather3A_588 = tpu.vector_load_idx %arg12[%add3A_225, %add3A_587] : memref<64x128xf32, #tpu.memory_space<vmem>>[vector<16xi32>, vector<16xi32>], vector<16xf32>,
      %add3A_589 = arith.addf %gather3A_584, %gather3A_588 : vector<16xf32>
      %add3A_590 = arith.constant 13 : i32
      %add3A_591 = vector.broadcast %add3A_590 : i32 to vector<16xi32>
      %add3A_592 = arith.addi %shift_left3A_264, %add3A_591 : vector<16xi32>
      %gather3A_593 = tpu.vector_load_idx %arg13[%add3A_225, %add3A_592] : memref<64x128xf32, #tpu.memory_space<vmem>>[vector<16xi32>, vector<16xi32>], vector<16xf32>,
      %add3A_594 = arith.addf %add3A_589, %gather3A_593 : vector<16xf32>
      %add3A_595 = arith.constant 13 : i32
      %add3A_596 = vector.broadcast %add3A_595 : i32 to vector<16xi32>
      %add3A_597 = arith.addi %mul3A_230, %add3A_596 : vector<16xi32>
      tpu.vector_store_idx %arg14[%add3A_597], %gather3A_580 : memref<16384xf32, #tpu.memory_space<vmem>>[vector<16xi32>], vector<16xf32>,
      %add3A_598 = arith.constant 29 : i32
      %add3A_599 = vector.broadcast %add3A_598 : i32 to vector<16xi32>
      %add3A_600 = arith.addi %mul3A_230, %add3A_599 : vector<16xi32>
      tpu.vector_store_idx %arg14[%add3A_600], %add3A_594 : memref<16384xf32, #tpu.memory_space<vmem>>[vector<16xi32>], vector<16xf32>,
      %add3A_601 = arith.constant 14 : i32
      %add3A_602 = vector.broadcast %add3A_601 : i32 to vector<16xi32>
      %add3A_603 = arith.addi %shift_left3A_237, %add3A_602 : vector<16xi32>
      %gather3A_604 = tpu.vector_load_idx %arg10[%add3A_225, %add3A_603] : memref<64x128xf32, #tpu.memory_space<vmem>>[vector<16xi32>, vector<16xi32>], vector<16xf32>,
      %add3A_605 = arith.constant 14 : i32
      %add3A_606 = vector.broadcast %add3A_605 : i32 to vector<16xi32>
      %add3A_607 = arith.addi %shift_left3A_246, %add3A_606 : vector<16xi32>
      %gather3A_608 = tpu.vector_load_idx %arg11[%add3A_225, %add3A_607] : memref<64x128xf32, #tpu.memory_space<vmem>>[vector<16xi32>, vector<16xi32>], vector<16xf32>,
      %add3A_609 = arith.constant 14 : i32
      %add3A_610 = vector.broadcast %add3A_609 : i32 to vector<16xi32>
      %add3A_611 = arith.addi %shift_left3A_255, %add3A_610 : vector<16xi32>
      %gather3A_612 = tpu.vector_load_idx %arg12[%add3A_225, %add3A_611] : memref<64x128xf32, #tpu.memory_space<vmem>>[vector<16xi32>, vector<16xi32>], vector<16xf32>,
      %add3A_613 = arith.addf %gather3A_608, %gather3A_612 : vector<16xf32>
      %add3A_614 = arith.constant 14 : i32
      %add3A_615 = vector.broadcast %add3A_614 : i32 to vector<16xi32>
      %add3A_616 = arith.addi %shift_left3A_264, %add3A_615 : vector<16xi32>
      %gather3A_617 = tpu.vector_load_idx %arg13[%add3A_225, %add3A_616] : memref<64x128xf32, #tpu.memory_space<vmem>>[vector<16xi32>, vector<16xi32>], vector<16xf32>,
      %add3A_618 = arith.addf %add3A_613, %gather3A_617 : vector<16xf32>
      %add3A_619 = arith.constant 14 : i32
      %add3A_620 = vector.broadcast %add3A_619 : i32 to vector<16xi32>
      %add3A_621 = arith.addi %mul3A_230, %add3A_620 : vector<16xi32>
      tpu.vector_store_idx %arg14[%add3A_621], %gather3A_604 : memref<16384xf32, #tpu.memory_space<vmem>>[vector<16xi32>], vector<16xf32>,
      %add3A_622 = arith.constant 30 : i32
      %add3A_623 = vector.broadcast %add3A_622 : i32 to vector<16xi32>
      %add3A_624 = arith.addi %mul3A_230, %add3A_623 : vector<16xi32>
      tpu.vector_store_idx %arg14[%add3A_624], %add3A_618 : memref<16384xf32, #tpu.memory_space<vmem>>[vector<16xi32>], vector<16xf32>,
      %add3A_625 = arith.constant 15 : i32
      %add3A_626 = vector.broadcast %add3A_625 : i32 to vector<16xi32>
      %add3A_627 = arith.addi %shift_left3A_237, %add3A_626 : vector<16xi32>
      %gather3A_628 = tpu.vector_load_idx %arg10[%add3A_225, %add3A_627] : memref<64x128xf32, #tpu.memory_space<vmem>>[vector<16xi32>, vector<16xi32>], vector<16xf32>,
      %add3A_629 = arith.constant 15 : i32
      %add3A_630 = vector.broadcast %add3A_629 : i32 to vector<16xi32>
      %add3A_631 = arith.addi %shift_left3A_246, %add3A_630 : vector<16xi32>
      %gather3A_632 = tpu.vector_load_idx %arg11[%add3A_225, %add3A_631] : memref<64x128xf32, #tpu.memory_space<vmem>>[vector<16xi32>, vector<16xi32>], vector<16xf32>,
      %add3A_633 = arith.constant 15 : i32
      %add3A_634 = vector.broadcast %add3A_633 : i32 to vector<16xi32>
      %add3A_635 = arith.addi %shift_left3A_255, %add3A_634 : vector<16xi32>
      %gather3A_636 = tpu.vector_load_idx %arg12[%add3A_225, %add3A_635] : memref<64x128xf32, #tpu.memory_space<vmem>>[vector<16xi32>, vector<16xi32>], vector<16xf32>,
      %add3A_637 = arith.addf %gather3A_632, %gather3A_636 : vector<16xf32>
      %add3A_638 = arith.constant 15 : i32
      %add3A_639 = vector.broadcast %add3A_638 : i32 to vector<16xi32>
      %add3A_640 = arith.addi %shift_left3A_264, %add3A_639 : vector<16xi32>
      %gather3A_641 = tpu.vector_load_idx %arg13[%add3A_225, %add3A_640] : memref<64x128xf32, #tpu.memory_space<vmem>>[vector<16xi32>, vector<16xi32>], vector<16xf32>,
      %add3A_642 = arith.addf %add3A_637, %gather3A_641 : vector<16xf32>
      %add3A_643 = arith.constant 15 : i32
      %add3A_644 = vector.broadcast %add3A_643 : i32 to vector<16xi32>
      %add3A_645 = arith.addi %mul3A_230, %add3A_644 : vector<16xi32>
      tpu.vector_store_idx %arg14[%add3A_645], %gather3A_628 : memref<16384xf32, #tpu.memory_space<vmem>>[vector<16xi32>], vector<16xf32>,
      %add3A_646 = arith.constant 31 : i32
      %add3A_647 = vector.broadcast %add3A_646 : i32 to vector<16xi32>
      %add3A_648 = arith.addi %mul3A_230, %add3A_647 : vector<16xi32>
      tpu.vector_store_idx %arg14[%add3A_648], %add3A_642 : memref<16384xf32, #tpu.memory_space<vmem>>[vector<16xi32>], vector<16xf32>,
      %add3A_649 = arith.constant 16 : i32
      %add3A_650 = vector.broadcast %add3A_649 : i32 to vector<16xi32>
      %add3A_651 = arith.addi %add3A_650, %iota3A : vector<16xi32>
      %add3A_652 = vector.broadcast %mul3A_12 : i32 to vector<16xi32>
      %add3A_653 = arith.addi %add3A_652, %add3A_651 : vector<16xi32>
      %mul3A_654 = arith.constant 32 : i32
      %mul3A_655 = vector.broadcast %mul3A_654 : i32 to vector<16xi32>
      %mul3A_656 = arith.muli %add3A_653, %mul3A_655 : vector<16xi32>
      %broadcast_in_dim3A_657 = arith.constant 1 : i32
      %broadcast_in_dim3A_658 = vector.broadcast %broadcast_in_dim3A_657 : i32 to vector<16xi32>
      %gather3A_659 = tpu.vector_load_idx %arg5[%broadcast_in_dim3A_658, %add3A_653] : memref<5x512xi32, #tpu.memory_space<vmem>>[vector<16xi32>, vector<16xi32>], vector<16xi32>,
      %and3A_660 = arith.constant 7 : i32
      %and3A_661 = vector.broadcast %and3A_660 : i32 to vector<16xi32>
      %and3A_662 = arith.andi %gather3A_659, %and3A_661 : vector<16xi32>
      %shift_left3A_663 = arith.constant 4 : i32
      %shift_left3A_664 = vector.broadcast %shift_left3A_663 : i32 to vector<16xi32>
      %shift_left3A_665 = arith.shli %and3A_662, %shift_left3A_664 : vector<16xi32>
      %broadcast_in_dim3A_666 = arith.constant 2 : i32
      %broadcast_in_dim3A_667 = vector.broadcast %broadcast_in_dim3A_666 : i32 to vector<16xi32>
      %gather3A_668 = tpu.vector_load_idx %arg5[%broadcast_in_dim3A_667, %add3A_653] : memref<5x512xi32, #tpu.memory_space<vmem>>[vector<16xi32>, vector<16xi32>], vector<16xi32>,
      %and3A_669 = arith.constant 7 : i32
      %and3A_670 = vector.broadcast %and3A_669 : i32 to vector<16xi32>
      %and3A_671 = arith.andi %gather3A_668, %and3A_670 : vector<16xi32>
      %shift_left3A_672 = arith.constant 4 : i32
      %shift_left3A_673 = vector.broadcast %shift_left3A_672 : i32 to vector<16xi32>
      %shift_left3A_674 = arith.shli %and3A_671, %shift_left3A_673 : vector<16xi32>
      %broadcast_in_dim3A_675 = arith.constant 3 : i32
      %broadcast_in_dim3A_676 = vector.broadcast %broadcast_in_dim3A_675 : i32 to vector<16xi32>
      %gather3A_677 = tpu.vector_load_idx %arg5[%broadcast_in_dim3A_676, %add3A_653] : memref<5x512xi32, #tpu.memory_space<vmem>>[vector<16xi32>, vector<16xi32>], vector<16xi32>,
      %and3A_678 = arith.constant 7 : i32
      %and3A_679 = vector.broadcast %and3A_678 : i32 to vector<16xi32>
      %and3A_680 = arith.andi %gather3A_677, %and3A_679 : vector<16xi32>
      %shift_left3A_681 = arith.constant 4 : i32
      %shift_left3A_682 = vector.broadcast %shift_left3A_681 : i32 to vector<16xi32>
      %shift_left3A_683 = arith.shli %and3A_680, %shift_left3A_682 : vector<16xi32>
      %broadcast_in_dim3A_684 = arith.constant 4 : i32
      %broadcast_in_dim3A_685 = vector.broadcast %broadcast_in_dim3A_684 : i32 to vector<16xi32>
      %gather3A_686 = tpu.vector_load_idx %arg5[%broadcast_in_dim3A_685, %add3A_653] : memref<5x512xi32, #tpu.memory_space<vmem>>[vector<16xi32>, vector<16xi32>], vector<16xi32>,
      %and3A_687 = arith.constant 7 : i32
      %and3A_688 = vector.broadcast %and3A_687 : i32 to vector<16xi32>
      %and3A_689 = arith.andi %gather3A_686, %and3A_688 : vector<16xi32>
      %shift_left3A_690 = arith.constant 4 : i32
      %shift_left3A_691 = vector.broadcast %shift_left3A_690 : i32 to vector<16xi32>
      %shift_left3A_692 = arith.shli %and3A_689, %shift_left3A_691 : vector<16xi32>
      %add3A_693 = arith.constant 0 : i32
      %add3A_694 = vector.broadcast %add3A_693 : i32 to vector<16xi32>
      %add3A_695 = arith.addi %shift_left3A_665, %add3A_694 : vector<16xi32>
      %gather3A_696 = tpu.vector_load_idx %arg10[%add3A_651, %add3A_695] : memref<64x128xf32, #tpu.memory_space<vmem>>[vector<16xi32>, vector<16xi32>], vector<16xf32>,
      %add3A_697 = arith.constant 0 : i32
      %add3A_698 = vector.broadcast %add3A_697 : i32 to vector<16xi32>
      %add3A_699 = arith.addi %shift_left3A_674, %add3A_698 : vector<16xi32>
      %gather3A_700 = tpu.vector_load_idx %arg11[%add3A_651, %add3A_699] : memref<64x128xf32, #tpu.memory_space<vmem>>[vector<16xi32>, vector<16xi32>], vector<16xf32>,
      %add3A_701 = arith.constant 0 : i32
      %add3A_702 = vector.broadcast %add3A_701 : i32 to vector<16xi32>
      %add3A_703 = arith.addi %shift_left3A_683, %add3A_702 : vector<16xi32>
      %gather3A_704 = tpu.vector_load_idx %arg12[%add3A_651, %add3A_703] : memref<64x128xf32, #tpu.memory_space<vmem>>[vector<16xi32>, vector<16xi32>], vector<16xf32>,
      %add3A_705 = arith.addf %gather3A_700, %gather3A_704 : vector<16xf32>
      %add3A_706 = arith.constant 0 : i32
      %add3A_707 = vector.broadcast %add3A_706 : i32 to vector<16xi32>
      %add3A_708 = arith.addi %shift_left3A_692, %add3A_707 : vector<16xi32>
      %gather3A_709 = tpu.vector_load_idx %arg13[%add3A_651, %add3A_708] : memref<64x128xf32, #tpu.memory_space<vmem>>[vector<16xi32>, vector<16xi32>], vector<16xf32>,
      %add3A_710 = arith.addf %add3A_705, %gather3A_709 : vector<16xf32>
      %add3A_711 = arith.constant 0 : i32
      %add3A_712 = vector.broadcast %add3A_711 : i32 to vector<16xi32>
      %add3A_713 = arith.addi %mul3A_656, %add3A_712 : vector<16xi32>
      tpu.vector_store_idx %arg14[%add3A_713], %gather3A_696 : memref<16384xf32, #tpu.memory_space<vmem>>[vector<16xi32>], vector<16xf32>,
      %add3A_714 = arith.constant 16 : i32
      %add3A_715 = vector.broadcast %add3A_714 : i32 to vector<16xi32>
      %add3A_716 = arith.addi %mul3A_656, %add3A_715 : vector<16xi32>
      tpu.vector_store_idx %arg14[%add3A_716], %add3A_710 : memref<16384xf32, #tpu.memory_space<vmem>>[vector<16xi32>], vector<16xf32>,
      %add3A_717 = arith.constant 1 : i32
      %add3A_718 = vector.broadcast %add3A_717 : i32 to vector<16xi32>
      %add3A_719 = arith.addi %shift_left3A_665, %add3A_718 : vector<16xi32>
      %gather3A_720 = tpu.vector_load_idx %arg10[%add3A_651, %add3A_719] : memref<64x128xf32, #tpu.memory_space<vmem>>[vector<16xi32>, vector<16xi32>], vector<16xf32>,
      %add3A_721 = arith.constant 1 : i32
      %add3A_722 = vector.broadcast %add3A_721 : i32 to vector<16xi32>
      %add3A_723 = arith.addi %shift_left3A_674, %add3A_722 : vector<16xi32>
      %gather3A_724 = tpu.vector_load_idx %arg11[%add3A_651, %add3A_723] : memref<64x128xf32, #tpu.memory_space<vmem>>[vector<16xi32>, vector<16xi32>], vector<16xf32>,
      %add3A_725 = arith.constant 1 : i32
      %add3A_726 = vector.broadcast %add3A_725 : i32 to vector<16xi32>
      %add3A_727 = arith.addi %shift_left3A_683, %add3A_726 : vector<16xi32>
      %gather3A_728 = tpu.vector_load_idx %arg12[%add3A_651, %add3A_727] : memref<64x128xf32, #tpu.memory_space<vmem>>[vector<16xi32>, vector<16xi32>], vector<16xf32>,
      %add3A_729 = arith.addf %gather3A_724, %gather3A_728 : vector<16xf32>
      %add3A_730 = arith.constant 1 : i32
      %add3A_731 = vector.broadcast %add3A_730 : i32 to vector<16xi32>
      %add3A_732 = arith.addi %shift_left3A_692, %add3A_731 : vector<16xi32>
      %gather3A_733 = tpu.vector_load_idx %arg13[%add3A_651, %add3A_732] : memref<64x128xf32, #tpu.memory_space<vmem>>[vector<16xi32>, vector<16xi32>], vector<16xf32>,
      %add3A_734 = arith.addf %add3A_729, %gather3A_733 : vector<16xf32>
      %add3A_735 = arith.constant 1 : i32
      %add3A_736 = vector.broadcast %add3A_735 : i32 to vector<16xi32>
      %add3A_737 = arith.addi %mul3A_656, %add3A_736 : vector<16xi32>
      tpu.vector_store_idx %arg14[%add3A_737], %gather3A_720 : memref<16384xf32, #tpu.memory_space<vmem>>[vector<16xi32>], vector<16xf32>,
      %add3A_738 = arith.constant 17 : i32
      %add3A_739 = vector.broadcast %add3A_738 : i32 to vector<16xi32>
      %add3A_740 = arith.addi %mul3A_656, %add3A_739 : vector<16xi32>
      tpu.vector_store_idx %arg14[%add3A_740], %add3A_734 : memref<16384xf32, #tpu.memory_space<vmem>>[vector<16xi32>], vector<16xf32>,
      %add3A_741 = arith.constant 2 : i32
      %add3A_742 = vector.broadcast %add3A_741 : i32 to vector<16xi32>
      %add3A_743 = arith.addi %shift_left3A_665, %add3A_742 : vector<16xi32>
      %gather3A_744 = tpu.vector_load_idx %arg10[%add3A_651, %add3A_743] : memref<64x128xf32, #tpu.memory_space<vmem>>[vector<16xi32>, vector<16xi32>], vector<16xf32>,
      %add3A_745 = arith.constant 2 : i32
      %add3A_746 = vector.broadcast %add3A_745 : i32 to vector<16xi32>
      %add3A_747 = arith.addi %shift_left3A_674, %add3A_746 : vector<16xi32>
      %gather3A_748 = tpu.vector_load_idx %arg11[%add3A_651, %add3A_747] : memref<64x128xf32, #tpu.memory_space<vmem>>[vector<16xi32>, vector<16xi32>], vector<16xf32>,
      %add3A_749 = arith.constant 2 : i32
      %add3A_750 = vector.broadcast %add3A_749 : i32 to vector<16xi32>
      %add3A_751 = arith.addi %shift_left3A_683, %add3A_750 : vector<16xi32>
      %gather3A_752 = tpu.vector_load_idx %arg12[%add3A_651, %add3A_751] : memref<64x128xf32, #tpu.memory_space<vmem>>[vector<16xi32>, vector<16xi32>], vector<16xf32>,
      %add3A_753 = arith.addf %gather3A_748, %gather3A_752 : vector<16xf32>
      %add3A_754 = arith.constant 2 : i32
      %add3A_755 = vector.broadcast %add3A_754 : i32 to vector<16xi32>
      %add3A_756 = arith.addi %shift_left3A_692, %add3A_755 : vector<16xi32>
      %gather3A_757 = tpu.vector_load_idx %arg13[%add3A_651, %add3A_756] : memref<64x128xf32, #tpu.memory_space<vmem>>[vector<16xi32>, vector<16xi32>], vector<16xf32>,
      %add3A_758 = arith.addf %add3A_753, %gather3A_757 : vector<16xf32>
      %add3A_759 = arith.constant 2 : i32
      %add3A_760 = vector.broadcast %add3A_759 : i32 to vector<16xi32>
      %add3A_761 = arith.addi %mul3A_656, %add3A_760 : vector<16xi32>
      tpu.vector_store_idx %arg14[%add3A_761], %gather3A_744 : memref<16384xf32, #tpu.memory_space<vmem>>[vector<16xi32>], vector<16xf32>,
      %add3A_762 = arith.constant 18 : i32
      %add3A_763 = vector.broadcast %add3A_762 : i32 to vector<16xi32>
      %add3A_764 = arith.addi %mul3A_656, %add3A_763 : vector<16xi32>
      tpu.vector_store_idx %arg14[%add3A_764], %add3A_758 : memref<16384xf32, #tpu.memory_space<vmem>>[vector<16xi32>], vector<16xf32>,
      %add3A_765 = arith.constant 3 : i32
      %add3A_766 = vector.broadcast %add3A_765 : i32 to vector<16xi32>
      %add3A_767 = arith.addi %shift_left3A_665, %add3A_766 : vector<16xi32>
      %gather3A_768 = tpu.vector_load_idx %arg10[%add3A_651, %add3A_767] : memref<64x128xf32, #tpu.memory_space<vmem>>[vector<16xi32>, vector<16xi32>], vector<16xf32>,
      %add3A_769 = arith.constant 3 : i32
      %add3A_770 = vector.broadcast %add3A_769 : i32 to vector<16xi32>
      %add3A_771 = arith.addi %shift_left3A_674, %add3A_770 : vector<16xi32>
      %gather3A_772 = tpu.vector_load_idx %arg11[%add3A_651, %add3A_771] : memref<64x128xf32, #tpu.memory_space<vmem>>[vector<16xi32>, vector<16xi32>], vector<16xf32>,
      %add3A_773 = arith.constant 3 : i32
      %add3A_774 = vector.broadcast %add3A_773 : i32 to vector<16xi32>
      %add3A_775 = arith.addi %shift_left3A_683, %add3A_774 : vector<16xi32>
      %gather3A_776 = tpu.vector_load_idx %arg12[%add3A_651, %add3A_775] : memref<64x128xf32, #tpu.memory_space<vmem>>[vector<16xi32>, vector<16xi32>], vector<16xf32>,
      %add3A_777 = arith.addf %gather3A_772, %gather3A_776 : vector<16xf32>
      %add3A_778 = arith.constant 3 : i32
      %add3A_779 = vector.broadcast %add3A_778 : i32 to vector<16xi32>
      %add3A_780 = arith.addi %shift_left3A_692, %add3A_779 : vector<16xi32>
      %gather3A_781 = tpu.vector_load_idx %arg13[%add3A_651, %add3A_780] : memref<64x128xf32, #tpu.memory_space<vmem>>[vector<16xi32>, vector<16xi32>], vector<16xf32>,
      %add3A_782 = arith.addf %add3A_777, %gather3A_781 : vector<16xf32>
      %add3A_783 = arith.constant 3 : i32
      %add3A_784 = vector.broadcast %add3A_783 : i32 to vector<16xi32>
      %add3A_785 = arith.addi %mul3A_656, %add3A_784 : vector<16xi32>
      tpu.vector_store_idx %arg14[%add3A_785], %gather3A_768 : memref<16384xf32, #tpu.memory_space<vmem>>[vector<16xi32>], vector<16xf32>,
      %add3A_786 = arith.constant 19 : i32
      %add3A_787 = vector.broadcast %add3A_786 : i32 to vector<16xi32>
      %add3A_788 = arith.addi %mul3A_656, %add3A_787 : vector<16xi32>
      tpu.vector_store_idx %arg14[%add3A_788], %add3A_782 : memref<16384xf32, #tpu.memory_space<vmem>>[vector<16xi32>], vector<16xf32>,
      %add3A_789 = arith.constant 4 : i32
      %add3A_790 = vector.broadcast %add3A_789 : i32 to vector<16xi32>
      %add3A_791 = arith.addi %shift_left3A_665, %add3A_790 : vector<16xi32>
      %gather3A_792 = tpu.vector_load_idx %arg10[%add3A_651, %add3A_791] : memref<64x128xf32, #tpu.memory_space<vmem>>[vector<16xi32>, vector<16xi32>], vector<16xf32>,
      %add3A_793 = arith.constant 4 : i32
      %add3A_794 = vector.broadcast %add3A_793 : i32 to vector<16xi32>
      %add3A_795 = arith.addi %shift_left3A_674, %add3A_794 : vector<16xi32>
      %gather3A_796 = tpu.vector_load_idx %arg11[%add3A_651, %add3A_795] : memref<64x128xf32, #tpu.memory_space<vmem>>[vector<16xi32>, vector<16xi32>], vector<16xf32>,
      %add3A_797 = arith.constant 4 : i32
      %add3A_798 = vector.broadcast %add3A_797 : i32 to vector<16xi32>
      %add3A_799 = arith.addi %shift_left3A_683, %add3A_798 : vector<16xi32>
      %gather3A_800 = tpu.vector_load_idx %arg12[%add3A_651, %add3A_799] : memref<64x128xf32, #tpu.memory_space<vmem>>[vector<16xi32>, vector<16xi32>], vector<16xf32>,
      %add3A_801 = arith.addf %gather3A_796, %gather3A_800 : vector<16xf32>
      %add3A_802 = arith.constant 4 : i32
      %add3A_803 = vector.broadcast %add3A_802 : i32 to vector<16xi32>
      %add3A_804 = arith.addi %shift_left3A_692, %add3A_803 : vector<16xi32>
      %gather3A_805 = tpu.vector_load_idx %arg13[%add3A_651, %add3A_804] : memref<64x128xf32, #tpu.memory_space<vmem>>[vector<16xi32>, vector<16xi32>], vector<16xf32>,
      %add3A_806 = arith.addf %add3A_801, %gather3A_805 : vector<16xf32>
      %add3A_807 = arith.constant 4 : i32
      %add3A_808 = vector.broadcast %add3A_807 : i32 to vector<16xi32>
      %add3A_809 = arith.addi %mul3A_656, %add3A_808 : vector<16xi32>
      tpu.vector_store_idx %arg14[%add3A_809], %gather3A_792 : memref<16384xf32, #tpu.memory_space<vmem>>[vector<16xi32>], vector<16xf32>,
      %add3A_810 = arith.constant 20 : i32
      %add3A_811 = vector.broadcast %add3A_810 : i32 to vector<16xi32>
      %add3A_812 = arith.addi %mul3A_656, %add3A_811 : vector<16xi32>
      tpu.vector_store_idx %arg14[%add3A_812], %add3A_806 : memref<16384xf32, #tpu.memory_space<vmem>>[vector<16xi32>], vector<16xf32>,
      %add3A_813 = arith.constant 5 : i32
      %add3A_814 = vector.broadcast %add3A_813 : i32 to vector<16xi32>
      %add3A_815 = arith.addi %shift_left3A_665, %add3A_814 : vector<16xi32>
      %gather3A_816 = tpu.vector_load_idx %arg10[%add3A_651, %add3A_815] : memref<64x128xf32, #tpu.memory_space<vmem>>[vector<16xi32>, vector<16xi32>], vector<16xf32>,
      %add3A_817 = arith.constant 5 : i32
      %add3A_818 = vector.broadcast %add3A_817 : i32 to vector<16xi32>
      %add3A_819 = arith.addi %shift_left3A_674, %add3A_818 : vector<16xi32>
      %gather3A_820 = tpu.vector_load_idx %arg11[%add3A_651, %add3A_819] : memref<64x128xf32, #tpu.memory_space<vmem>>[vector<16xi32>, vector<16xi32>], vector<16xf32>,
      %add3A_821 = arith.constant 5 : i32
      %add3A_822 = vector.broadcast %add3A_821 : i32 to vector<16xi32>
      %add3A_823 = arith.addi %shift_left3A_683, %add3A_822 : vector<16xi32>
      %gather3A_824 = tpu.vector_load_idx %arg12[%add3A_651, %add3A_823] : memref<64x128xf32, #tpu.memory_space<vmem>>[vector<16xi32>, vector<16xi32>], vector<16xf32>,
      %add3A_825 = arith.addf %gather3A_820, %gather3A_824 : vector<16xf32>
      %add3A_826 = arith.constant 5 : i32
      %add3A_827 = vector.broadcast %add3A_826 : i32 to vector<16xi32>
      %add3A_828 = arith.addi %shift_left3A_692, %add3A_827 : vector<16xi32>
      %gather3A_829 = tpu.vector_load_idx %arg13[%add3A_651, %add3A_828] : memref<64x128xf32, #tpu.memory_space<vmem>>[vector<16xi32>, vector<16xi32>], vector<16xf32>,
      %add3A_830 = arith.addf %add3A_825, %gather3A_829 : vector<16xf32>
      %add3A_831 = arith.constant 5 : i32
      %add3A_832 = vector.broadcast %add3A_831 : i32 to vector<16xi32>
      %add3A_833 = arith.addi %mul3A_656, %add3A_832 : vector<16xi32>
      tpu.vector_store_idx %arg14[%add3A_833], %gather3A_816 : memref<16384xf32, #tpu.memory_space<vmem>>[vector<16xi32>], vector<16xf32>,
      %add3A_834 = arith.constant 21 : i32
      %add3A_835 = vector.broadcast %add3A_834 : i32 to vector<16xi32>
      %add3A_836 = arith.addi %mul3A_656, %add3A_835 : vector<16xi32>
      tpu.vector_store_idx %arg14[%add3A_836], %add3A_830 : memref<16384xf32, #tpu.memory_space<vmem>>[vector<16xi32>], vector<16xf32>,
      %add3A_837 = arith.constant 6 : i32
      %add3A_838 = vector.broadcast %add3A_837 : i32 to vector<16xi32>
      %add3A_839 = arith.addi %shift_left3A_665, %add3A_838 : vector<16xi32>
      %gather3A_840 = tpu.vector_load_idx %arg10[%add3A_651, %add3A_839] : memref<64x128xf32, #tpu.memory_space<vmem>>[vector<16xi32>, vector<16xi32>], vector<16xf32>,
      %add3A_841 = arith.constant 6 : i32
      %add3A_842 = vector.broadcast %add3A_841 : i32 to vector<16xi32>
      %add3A_843 = arith.addi %shift_left3A_674, %add3A_842 : vector<16xi32>
      %gather3A_844 = tpu.vector_load_idx %arg11[%add3A_651, %add3A_843] : memref<64x128xf32, #tpu.memory_space<vmem>>[vector<16xi32>, vector<16xi32>], vector<16xf32>,
      %add3A_845 = arith.constant 6 : i32
      %add3A_846 = vector.broadcast %add3A_845 : i32 to vector<16xi32>
      %add3A_847 = arith.addi %shift_left3A_683, %add3A_846 : vector<16xi32>
      %gather3A_848 = tpu.vector_load_idx %arg12[%add3A_651, %add3A_847] : memref<64x128xf32, #tpu.memory_space<vmem>>[vector<16xi32>, vector<16xi32>], vector<16xf32>,
      %add3A_849 = arith.addf %gather3A_844, %gather3A_848 : vector<16xf32>
      %add3A_850 = arith.constant 6 : i32
      %add3A_851 = vector.broadcast %add3A_850 : i32 to vector<16xi32>
      %add3A_852 = arith.addi %shift_left3A_692, %add3A_851 : vector<16xi32>
      %gather3A_853 = tpu.vector_load_idx %arg13[%add3A_651, %add3A_852] : memref<64x128xf32, #tpu.memory_space<vmem>>[vector<16xi32>, vector<16xi32>], vector<16xf32>,
      %add3A_854 = arith.addf %add3A_849, %gather3A_853 : vector<16xf32>
      %add3A_855 = arith.constant 6 : i32
      %add3A_856 = vector.broadcast %add3A_855 : i32 to vector<16xi32>
      %add3A_857 = arith.addi %mul3A_656, %add3A_856 : vector<16xi32>
      tpu.vector_store_idx %arg14[%add3A_857], %gather3A_840 : memref<16384xf32, #tpu.memory_space<vmem>>[vector<16xi32>], vector<16xf32>,
      %add3A_858 = arith.constant 22 : i32
      %add3A_859 = vector.broadcast %add3A_858 : i32 to vector<16xi32>
      %add3A_860 = arith.addi %mul3A_656, %add3A_859 : vector<16xi32>
      tpu.vector_store_idx %arg14[%add3A_860], %add3A_854 : memref<16384xf32, #tpu.memory_space<vmem>>[vector<16xi32>], vector<16xf32>,
      %add3A_861 = arith.constant 7 : i32
      %add3A_862 = vector.broadcast %add3A_861 : i32 to vector<16xi32>
      %add3A_863 = arith.addi %shift_left3A_665, %add3A_862 : vector<16xi32>
      %gather3A_864 = tpu.vector_load_idx %arg10[%add3A_651, %add3A_863] : memref<64x128xf32, #tpu.memory_space<vmem>>[vector<16xi32>, vector<16xi32>], vector<16xf32>,
      %add3A_865 = arith.constant 7 : i32
      %add3A_866 = vector.broadcast %add3A_865 : i32 to vector<16xi32>
      %add3A_867 = arith.addi %shift_left3A_674, %add3A_866 : vector<16xi32>
      %gather3A_868 = tpu.vector_load_idx %arg11[%add3A_651, %add3A_867] : memref<64x128xf32, #tpu.memory_space<vmem>>[vector<16xi32>, vector<16xi32>], vector<16xf32>,
      %add3A_869 = arith.constant 7 : i32
      %add3A_870 = vector.broadcast %add3A_869 : i32 to vector<16xi32>
      %add3A_871 = arith.addi %shift_left3A_683, %add3A_870 : vector<16xi32>
      %gather3A_872 = tpu.vector_load_idx %arg12[%add3A_651, %add3A_871] : memref<64x128xf32, #tpu.memory_space<vmem>>[vector<16xi32>, vector<16xi32>], vector<16xf32>,
      %add3A_873 = arith.addf %gather3A_868, %gather3A_872 : vector<16xf32>
      %add3A_874 = arith.constant 7 : i32
      %add3A_875 = vector.broadcast %add3A_874 : i32 to vector<16xi32>
      %add3A_876 = arith.addi %shift_left3A_692, %add3A_875 : vector<16xi32>
      %gather3A_877 = tpu.vector_load_idx %arg13[%add3A_651, %add3A_876] : memref<64x128xf32, #tpu.memory_space<vmem>>[vector<16xi32>, vector<16xi32>], vector<16xf32>,
      %add3A_878 = arith.addf %add3A_873, %gather3A_877 : vector<16xf32>
      %add3A_879 = arith.constant 7 : i32
      %add3A_880 = vector.broadcast %add3A_879 : i32 to vector<16xi32>
      %add3A_881 = arith.addi %mul3A_656, %add3A_880 : vector<16xi32>
      tpu.vector_store_idx %arg14[%add3A_881], %gather3A_864 : memref<16384xf32, #tpu.memory_space<vmem>>[vector<16xi32>], vector<16xf32>,
      %add3A_882 = arith.constant 23 : i32
      %add3A_883 = vector.broadcast %add3A_882 : i32 to vector<16xi32>
      %add3A_884 = arith.addi %mul3A_656, %add3A_883 : vector<16xi32>
      tpu.vector_store_idx %arg14[%add3A_884], %add3A_878 : memref<16384xf32, #tpu.memory_space<vmem>>[vector<16xi32>], vector<16xf32>,
      %add3A_885 = arith.constant 8 : i32
      %add3A_886 = vector.broadcast %add3A_885 : i32 to vector<16xi32>
      %add3A_887 = arith.addi %shift_left3A_665, %add3A_886 : vector<16xi32>
      %gather3A_888 = tpu.vector_load_idx %arg10[%add3A_651, %add3A_887] : memref<64x128xf32, #tpu.memory_space<vmem>>[vector<16xi32>, vector<16xi32>], vector<16xf32>,
      %add3A_889 = arith.constant 8 : i32
      %add3A_890 = vector.broadcast %add3A_889 : i32 to vector<16xi32>
      %add3A_891 = arith.addi %shift_left3A_674, %add3A_890 : vector<16xi32>
      %gather3A_892 = tpu.vector_load_idx %arg11[%add3A_651, %add3A_891] : memref<64x128xf32, #tpu.memory_space<vmem>>[vector<16xi32>, vector<16xi32>], vector<16xf32>,
      %add3A_893 = arith.constant 8 : i32
      %add3A_894 = vector.broadcast %add3A_893 : i32 to vector<16xi32>
      %add3A_895 = arith.addi %shift_left3A_683, %add3A_894 : vector<16xi32>
      %gather3A_896 = tpu.vector_load_idx %arg12[%add3A_651, %add3A_895] : memref<64x128xf32, #tpu.memory_space<vmem>>[vector<16xi32>, vector<16xi32>], vector<16xf32>,
      %add3A_897 = arith.addf %gather3A_892, %gather3A_896 : vector<16xf32>
      %add3A_898 = arith.constant 8 : i32
      %add3A_899 = vector.broadcast %add3A_898 : i32 to vector<16xi32>
      %add3A_900 = arith.addi %shift_left3A_692, %add3A_899 : vector<16xi32>
      %gather3A_901 = tpu.vector_load_idx %arg13[%add3A_651, %add3A_900] : memref<64x128xf32, #tpu.memory_space<vmem>>[vector<16xi32>, vector<16xi32>], vector<16xf32>,
      %add3A_902 = arith.addf %add3A_897, %gather3A_901 : vector<16xf32>
      %add3A_903 = arith.constant 8 : i32
      %add3A_904 = vector.broadcast %add3A_903 : i32 to vector<16xi32>
      %add3A_905 = arith.addi %mul3A_656, %add3A_904 : vector<16xi32>
      tpu.vector_store_idx %arg14[%add3A_905], %gather3A_888 : memref<16384xf32, #tpu.memory_space<vmem>>[vector<16xi32>], vector<16xf32>,
      %add3A_906 = arith.constant 24 : i32
      %add3A_907 = vector.broadcast %add3A_906 : i32 to vector<16xi32>
      %add3A_908 = arith.addi %mul3A_656, %add3A_907 : vector<16xi32>
      tpu.vector_store_idx %arg14[%add3A_908], %add3A_902 : memref<16384xf32, #tpu.memory_space<vmem>>[vector<16xi32>], vector<16xf32>,
      %add3A_909 = arith.constant 9 : i32
      %add3A_910 = vector.broadcast %add3A_909 : i32 to vector<16xi32>
      %add3A_911 = arith.addi %shift_left3A_665, %add3A_910 : vector<16xi32>
      %gather3A_912 = tpu.vector_load_idx %arg10[%add3A_651, %add3A_911] : memref<64x128xf32, #tpu.memory_space<vmem>>[vector<16xi32>, vector<16xi32>], vector<16xf32>,
      %add3A_913 = arith.constant 9 : i32
      %add3A_914 = vector.broadcast %add3A_913 : i32 to vector<16xi32>
      %add3A_915 = arith.addi %shift_left3A_674, %add3A_914 : vector<16xi32>
      %gather3A_916 = tpu.vector_load_idx %arg11[%add3A_651, %add3A_915] : memref<64x128xf32, #tpu.memory_space<vmem>>[vector<16xi32>, vector<16xi32>], vector<16xf32>,
      %add3A_917 = arith.constant 9 : i32
      %add3A_918 = vector.broadcast %add3A_917 : i32 to vector<16xi32>
      %add3A_919 = arith.addi %shift_left3A_683, %add3A_918 : vector<16xi32>
      %gather3A_920 = tpu.vector_load_idx %arg12[%add3A_651, %add3A_919] : memref<64x128xf32, #tpu.memory_space<vmem>>[vector<16xi32>, vector<16xi32>], vector<16xf32>,
      %add3A_921 = arith.addf %gather3A_916, %gather3A_920 : vector<16xf32>
      %add3A_922 = arith.constant 9 : i32
      %add3A_923 = vector.broadcast %add3A_922 : i32 to vector<16xi32>
      %add3A_924 = arith.addi %shift_left3A_692, %add3A_923 : vector<16xi32>
      %gather3A_925 = tpu.vector_load_idx %arg13[%add3A_651, %add3A_924] : memref<64x128xf32, #tpu.memory_space<vmem>>[vector<16xi32>, vector<16xi32>], vector<16xf32>,
      %add3A_926 = arith.addf %add3A_921, %gather3A_925 : vector<16xf32>
      %add3A_927 = arith.constant 9 : i32
      %add3A_928 = vector.broadcast %add3A_927 : i32 to vector<16xi32>
      %add3A_929 = arith.addi %mul3A_656, %add3A_928 : vector<16xi32>
      tpu.vector_store_idx %arg14[%add3A_929], %gather3A_912 : memref<16384xf32, #tpu.memory_space<vmem>>[vector<16xi32>], vector<16xf32>,
      %add3A_930 = arith.constant 25 : i32
      %add3A_931 = vector.broadcast %add3A_930 : i32 to vector<16xi32>
      %add3A_932 = arith.addi %mul3A_656, %add3A_931 : vector<16xi32>
      tpu.vector_store_idx %arg14[%add3A_932], %add3A_926 : memref<16384xf32, #tpu.memory_space<vmem>>[vector<16xi32>], vector<16xf32>,
      %add3A_933 = arith.constant 10 : i32
      %add3A_934 = vector.broadcast %add3A_933 : i32 to vector<16xi32>
      %add3A_935 = arith.addi %shift_left3A_665, %add3A_934 : vector<16xi32>
      %gather3A_936 = tpu.vector_load_idx %arg10[%add3A_651, %add3A_935] : memref<64x128xf32, #tpu.memory_space<vmem>>[vector<16xi32>, vector<16xi32>], vector<16xf32>,
      %add3A_937 = arith.constant 10 : i32
      %add3A_938 = vector.broadcast %add3A_937 : i32 to vector<16xi32>
      %add3A_939 = arith.addi %shift_left3A_674, %add3A_938 : vector<16xi32>
      %gather3A_940 = tpu.vector_load_idx %arg11[%add3A_651, %add3A_939] : memref<64x128xf32, #tpu.memory_space<vmem>>[vector<16xi32>, vector<16xi32>], vector<16xf32>,
      %add3A_941 = arith.constant 10 : i32
      %add3A_942 = vector.broadcast %add3A_941 : i32 to vector<16xi32>
      %add3A_943 = arith.addi %shift_left3A_683, %add3A_942 : vector<16xi32>
      %gather3A_944 = tpu.vector_load_idx %arg12[%add3A_651, %add3A_943] : memref<64x128xf32, #tpu.memory_space<vmem>>[vector<16xi32>, vector<16xi32>], vector<16xf32>,
      %add3A_945 = arith.addf %gather3A_940, %gather3A_944 : vector<16xf32>
      %add3A_946 = arith.constant 10 : i32
      %add3A_947 = vector.broadcast %add3A_946 : i32 to vector<16xi32>
      %add3A_948 = arith.addi %shift_left3A_692, %add3A_947 : vector<16xi32>
      %gather3A_949 = tpu.vector_load_idx %arg13[%add3A_651, %add3A_948] : memref<64x128xf32, #tpu.memory_space<vmem>>[vector<16xi32>, vector<16xi32>], vector<16xf32>,
      %add3A_950 = arith.addf %add3A_945, %gather3A_949 : vector<16xf32>
      %add3A_951 = arith.constant 10 : i32
      %add3A_952 = vector.broadcast %add3A_951 : i32 to vector<16xi32>
      %add3A_953 = arith.addi %mul3A_656, %add3A_952 : vector<16xi32>
      tpu.vector_store_idx %arg14[%add3A_953], %gather3A_936 : memref<16384xf32, #tpu.memory_space<vmem>>[vector<16xi32>], vector<16xf32>,
      %add3A_954 = arith.constant 26 : i32
      %add3A_955 = vector.broadcast %add3A_954 : i32 to vector<16xi32>
      %add3A_956 = arith.addi %mul3A_656, %add3A_955 : vector<16xi32>
      tpu.vector_store_idx %arg14[%add3A_956], %add3A_950 : memref<16384xf32, #tpu.memory_space<vmem>>[vector<16xi32>], vector<16xf32>,
      %add3A_957 = arith.constant 11 : i32
      %add3A_958 = vector.broadcast %add3A_957 : i32 to vector<16xi32>
      %add3A_959 = arith.addi %shift_left3A_665, %add3A_958 : vector<16xi32>
      %gather3A_960 = tpu.vector_load_idx %arg10[%add3A_651, %add3A_959] : memref<64x128xf32, #tpu.memory_space<vmem>>[vector<16xi32>, vector<16xi32>], vector<16xf32>,
      %add3A_961 = arith.constant 11 : i32
      %add3A_962 = vector.broadcast %add3A_961 : i32 to vector<16xi32>
      %add3A_963 = arith.addi %shift_left3A_674, %add3A_962 : vector<16xi32>
      %gather3A_964 = tpu.vector_load_idx %arg11[%add3A_651, %add3A_963] : memref<64x128xf32, #tpu.memory_space<vmem>>[vector<16xi32>, vector<16xi32>], vector<16xf32>,
      %add3A_965 = arith.constant 11 : i32
      %add3A_966 = vector.broadcast %add3A_965 : i32 to vector<16xi32>
      %add3A_967 = arith.addi %shift_left3A_683, %add3A_966 : vector<16xi32>
      %gather3A_968 = tpu.vector_load_idx %arg12[%add3A_651, %add3A_967] : memref<64x128xf32, #tpu.memory_space<vmem>>[vector<16xi32>, vector<16xi32>], vector<16xf32>,
      %add3A_969 = arith.addf %gather3A_964, %gather3A_968 : vector<16xf32>
      %add3A_970 = arith.constant 11 : i32
      %add3A_971 = vector.broadcast %add3A_970 : i32 to vector<16xi32>
      %add3A_972 = arith.addi %shift_left3A_692, %add3A_971 : vector<16xi32>
      %gather3A_973 = tpu.vector_load_idx %arg13[%add3A_651, %add3A_972] : memref<64x128xf32, #tpu.memory_space<vmem>>[vector<16xi32>, vector<16xi32>], vector<16xf32>,
      %add3A_974 = arith.addf %add3A_969, %gather3A_973 : vector<16xf32>
      %add3A_975 = arith.constant 11 : i32
      %add3A_976 = vector.broadcast %add3A_975 : i32 to vector<16xi32>
      %add3A_977 = arith.addi %mul3A_656, %add3A_976 : vector<16xi32>
      tpu.vector_store_idx %arg14[%add3A_977], %gather3A_960 : memref<16384xf32, #tpu.memory_space<vmem>>[vector<16xi32>], vector<16xf32>,
      %add3A_978 = arith.constant 27 : i32
      %add3A_979 = vector.broadcast %add3A_978 : i32 to vector<16xi32>
      %add3A_980 = arith.addi %mul3A_656, %add3A_979 : vector<16xi32>
      tpu.vector_store_idx %arg14[%add3A_980], %add3A_974 : memref<16384xf32, #tpu.memory_space<vmem>>[vector<16xi32>], vector<16xf32>,
      %add3A_981 = arith.constant 12 : i32
      %add3A_982 = vector.broadcast %add3A_981 : i32 to vector<16xi32>
      %add3A_983 = arith.addi %shift_left3A_665, %add3A_982 : vector<16xi32>
      %gather3A_984 = tpu.vector_load_idx %arg10[%add3A_651, %add3A_983] : memref<64x128xf32, #tpu.memory_space<vmem>>[vector<16xi32>, vector<16xi32>], vector<16xf32>,
      %add3A_985 = arith.constant 12 : i32
      %add3A_986 = vector.broadcast %add3A_985 : i32 to vector<16xi32>
      %add3A_987 = arith.addi %shift_left3A_674, %add3A_986 : vector<16xi32>
      %gather3A_988 = tpu.vector_load_idx %arg11[%add3A_651, %add3A_987] : memref<64x128xf32, #tpu.memory_space<vmem>>[vector<16xi32>, vector<16xi32>], vector<16xf32>,
      %add3A_989 = arith.constant 12 : i32
      %add3A_990 = vector.broadcast %add3A_989 : i32 to vector<16xi32>
      %add3A_991 = arith.addi %shift_left3A_683, %add3A_990 : vector<16xi32>
      %gather3A_992 = tpu.vector_load_idx %arg12[%add3A_651, %add3A_991] : memref<64x128xf32, #tpu.memory_space<vmem>>[vector<16xi32>, vector<16xi32>], vector<16xf32>,
      %add3A_993 = arith.addf %gather3A_988, %gather3A_992 : vector<16xf32>
      %add3A_994 = arith.constant 12 : i32
      %add3A_995 = vector.broadcast %add3A_994 : i32 to vector<16xi32>
      %add3A_996 = arith.addi %shift_left3A_692, %add3A_995 : vector<16xi32>
      %gather3A_997 = tpu.vector_load_idx %arg13[%add3A_651, %add3A_996] : memref<64x128xf32, #tpu.memory_space<vmem>>[vector<16xi32>, vector<16xi32>], vector<16xf32>,
      %add3A_998 = arith.addf %add3A_993, %gather3A_997 : vector<16xf32>
      %add3A_999 = arith.constant 12 : i32
      %add3A_1000 = vector.broadcast %add3A_999 : i32 to vector<16xi32>
      %add3A_1001 = arith.addi %mul3A_656, %add3A_1000 : vector<16xi32>
      tpu.vector_store_idx %arg14[%add3A_1001], %gather3A_984 : memref<16384xf32, #tpu.memory_space<vmem>>[vector<16xi32>], vector<16xf32>,
      %add3A_1002 = arith.constant 28 : i32
      %add3A_1003 = vector.broadcast %add3A_1002 : i32 to vector<16xi32>
      %add3A_1004 = arith.addi %mul3A_656, %add3A_1003 : vector<16xi32>
      tpu.vector_store_idx %arg14[%add3A_1004], %add3A_998 : memref<16384xf32, #tpu.memory_space<vmem>>[vector<16xi32>], vector<16xf32>,
      %add3A_1005 = arith.constant 13 : i32
      %add3A_1006 = vector.broadcast %add3A_1005 : i32 to vector<16xi32>
      %add3A_1007 = arith.addi %shift_left3A_665, %add3A_1006 : vector<16xi32>
      %gather3A_1008 = tpu.vector_load_idx %arg10[%add3A_651, %add3A_1007] : memref<64x128xf32, #tpu.memory_space<vmem>>[vector<16xi32>, vector<16xi32>], vector<16xf32>,
      %add3A_1009 = arith.constant 13 : i32
      %add3A_1010 = vector.broadcast %add3A_1009 : i32 to vector<16xi32>
      %add3A_1011 = arith.addi %shift_left3A_674, %add3A_1010 : vector<16xi32>
      %gather3A_1012 = tpu.vector_load_idx %arg11[%add3A_651, %add3A_1011] : memref<64x128xf32, #tpu.memory_space<vmem>>[vector<16xi32>, vector<16xi32>], vector<16xf32>,
      %add3A_1013 = arith.constant 13 : i32
      %add3A_1014 = vector.broadcast %add3A_1013 : i32 to vector<16xi32>
      %add3A_1015 = arith.addi %shift_left3A_683, %add3A_1014 : vector<16xi32>
      %gather3A_1016 = tpu.vector_load_idx %arg12[%add3A_651, %add3A_1015] : memref<64x128xf32, #tpu.memory_space<vmem>>[vector<16xi32>, vector<16xi32>], vector<16xf32>,
      %add3A_1017 = arith.addf %gather3A_1012, %gather3A_1016 : vector<16xf32>
      %add3A_1018 = arith.constant 13 : i32
      %add3A_1019 = vector.broadcast %add3A_1018 : i32 to vector<16xi32>
      %add3A_1020 = arith.addi %shift_left3A_692, %add3A_1019 : vector<16xi32>
      %gather3A_1021 = tpu.vector_load_idx %arg13[%add3A_651, %add3A_1020] : memref<64x128xf32, #tpu.memory_space<vmem>>[vector<16xi32>, vector<16xi32>], vector<16xf32>,
      %add3A_1022 = arith.addf %add3A_1017, %gather3A_1021 : vector<16xf32>
      %add3A_1023 = arith.constant 13 : i32
      %add3A_1024 = vector.broadcast %add3A_1023 : i32 to vector<16xi32>
      %add3A_1025 = arith.addi %mul3A_656, %add3A_1024 : vector<16xi32>
      tpu.vector_store_idx %arg14[%add3A_1025], %gather3A_1008 : memref<16384xf32, #tpu.memory_space<vmem>>[vector<16xi32>], vector<16xf32>,
      %add3A_1026 = arith.constant 29 : i32
      %add3A_1027 = vector.broadcast %add3A_1026 : i32 to vector<16xi32>
      %add3A_1028 = arith.addi %mul3A_656, %add3A_1027 : vector<16xi32>
      tpu.vector_store_idx %arg14[%add3A_1028], %add3A_1022 : memref<16384xf32, #tpu.memory_space<vmem>>[vector<16xi32>], vector<16xf32>,
      %add3A_1029 = arith.constant 14 : i32
      %add3A_1030 = vector.broadcast %add3A_1029 : i32 to vector<16xi32>
      %add3A_1031 = arith.addi %shift_left3A_665, %add3A_1030 : vector<16xi32>
      %gather3A_1032 = tpu.vector_load_idx %arg10[%add3A_651, %add3A_1031] : memref<64x128xf32, #tpu.memory_space<vmem>>[vector<16xi32>, vector<16xi32>], vector<16xf32>,
      %add3A_1033 = arith.constant 14 : i32
      %add3A_1034 = vector.broadcast %add3A_1033 : i32 to vector<16xi32>
      %add3A_1035 = arith.addi %shift_left3A_674, %add3A_1034 : vector<16xi32>
      %gather3A_1036 = tpu.vector_load_idx %arg11[%add3A_651, %add3A_1035] : memref<64x128xf32, #tpu.memory_space<vmem>>[vector<16xi32>, vector<16xi32>], vector<16xf32>,
      %add3A_1037 = arith.constant 14 : i32
      %add3A_1038 = vector.broadcast %add3A_1037 : i32 to vector<16xi32>
      %add3A_1039 = arith.addi %shift_left3A_683, %add3A_1038 : vector<16xi32>
      %gather3A_1040 = tpu.vector_load_idx %arg12[%add3A_651, %add3A_1039] : memref<64x128xf32, #tpu.memory_space<vmem>>[vector<16xi32>, vector<16xi32>], vector<16xf32>,
      %add3A_1041 = arith.addf %gather3A_1036, %gather3A_1040 : vector<16xf32>
      %add3A_1042 = arith.constant 14 : i32
      %add3A_1043 = vector.broadcast %add3A_1042 : i32 to vector<16xi32>
      %add3A_1044 = arith.addi %shift_left3A_692, %add3A_1043 : vector<16xi32>
      %gather3A_1045 = tpu.vector_load_idx %arg13[%add3A_651, %add3A_1044] : memref<64x128xf32, #tpu.memory_space<vmem>>[vector<16xi32>, vector<16xi32>], vector<16xf32>,
      %add3A_1046 = arith.addf %add3A_1041, %gather3A_1045 : vector<16xf32>
      %add3A_1047 = arith.constant 14 : i32
      %add3A_1048 = vector.broadcast %add3A_1047 : i32 to vector<16xi32>
      %add3A_1049 = arith.addi %mul3A_656, %add3A_1048 : vector<16xi32>
      tpu.vector_store_idx %arg14[%add3A_1049], %gather3A_1032 : memref<16384xf32, #tpu.memory_space<vmem>>[vector<16xi32>], vector<16xf32>,
      %add3A_1050 = arith.constant 30 : i32
      %add3A_1051 = vector.broadcast %add3A_1050 : i32 to vector<16xi32>
      %add3A_1052 = arith.addi %mul3A_656, %add3A_1051 : vector<16xi32>
      tpu.vector_store_idx %arg14[%add3A_1052], %add3A_1046 : memref<16384xf32, #tpu.memory_space<vmem>>[vector<16xi32>], vector<16xf32>,
      %add3A_1053 = arith.constant 15 : i32
      %add3A_1054 = vector.broadcast %add3A_1053 : i32 to vector<16xi32>
      %add3A_1055 = arith.addi %shift_left3A_665, %add3A_1054 : vector<16xi32>
      %gather3A_1056 = tpu.vector_load_idx %arg10[%add3A_651, %add3A_1055] : memref<64x128xf32, #tpu.memory_space<vmem>>[vector<16xi32>, vector<16xi32>], vector<16xf32>,
      %add3A_1057 = arith.constant 15 : i32
      %add3A_1058 = vector.broadcast %add3A_1057 : i32 to vector<16xi32>
      %add3A_1059 = arith.addi %shift_left3A_674, %add3A_1058 : vector<16xi32>
      %gather3A_1060 = tpu.vector_load_idx %arg11[%add3A_651, %add3A_1059] : memref<64x128xf32, #tpu.memory_space<vmem>>[vector<16xi32>, vector<16xi32>], vector<16xf32>,
      %add3A_1061 = arith.constant 15 : i32
      %add3A_1062 = vector.broadcast %add3A_1061 : i32 to vector<16xi32>
      %add3A_1063 = arith.addi %shift_left3A_683, %add3A_1062 : vector<16xi32>
      %gather3A_1064 = tpu.vector_load_idx %arg12[%add3A_651, %add3A_1063] : memref<64x128xf32, #tpu.memory_space<vmem>>[vector<16xi32>, vector<16xi32>], vector<16xf32>,
      %add3A_1065 = arith.addf %gather3A_1060, %gather3A_1064 : vector<16xf32>
      %add3A_1066 = arith.constant 15 : i32
      %add3A_1067 = vector.broadcast %add3A_1066 : i32 to vector<16xi32>
      %add3A_1068 = arith.addi %shift_left3A_692, %add3A_1067 : vector<16xi32>
      %gather3A_1069 = tpu.vector_load_idx %arg13[%add3A_651, %add3A_1068] : memref<64x128xf32, #tpu.memory_space<vmem>>[vector<16xi32>, vector<16xi32>], vector<16xf32>,
      %add3A_1070 = arith.addf %add3A_1065, %gather3A_1069 : vector<16xf32>
      %add3A_1071 = arith.constant 15 : i32
      %add3A_1072 = vector.broadcast %add3A_1071 : i32 to vector<16xi32>
      %add3A_1073 = arith.addi %mul3A_656, %add3A_1072 : vector<16xi32>
      tpu.vector_store_idx %arg14[%add3A_1073], %gather3A_1056 : memref<16384xf32, #tpu.memory_space<vmem>>[vector<16xi32>], vector<16xf32>,
      %add3A_1074 = arith.constant 31 : i32
      %add3A_1075 = vector.broadcast %add3A_1074 : i32 to vector<16xi32>
      %add3A_1076 = arith.addi %mul3A_656, %add3A_1075 : vector<16xi32>
      tpu.vector_store_idx %arg14[%add3A_1076], %add3A_1070 : memref<16384xf32, #tpu.memory_space<vmem>>[vector<16xi32>], vector<16xf32>,
      %add3A_1077 = arith.constant 32 : i32
      %add3A_1078 = vector.broadcast %add3A_1077 : i32 to vector<16xi32>
      %add3A_1079 = arith.addi %add3A_1078, %iota3A : vector<16xi32>
      %add3A_1080 = vector.broadcast %mul3A_12 : i32 to vector<16xi32>
      %add3A_1081 = arith.addi %add3A_1080, %add3A_1079 : vector<16xi32>
      %mul3A_1082 = arith.constant 32 : i32
      %mul3A_1083 = vector.broadcast %mul3A_1082 : i32 to vector<16xi32>
      %mul3A_1084 = arith.muli %add3A_1081, %mul3A_1083 : vector<16xi32>
      %broadcast_in_dim3A_1085 = arith.constant 1 : i32
      %broadcast_in_dim3A_1086 = vector.broadcast %broadcast_in_dim3A_1085 : i32 to vector<16xi32>
      %gather3A_1087 = tpu.vector_load_idx %arg5[%broadcast_in_dim3A_1086, %add3A_1081] : memref<5x512xi32, #tpu.memory_space<vmem>>[vector<16xi32>, vector<16xi32>], vector<16xi32>,
      %and3A_1088 = arith.constant 7 : i32
      %and3A_1089 = vector.broadcast %and3A_1088 : i32 to vector<16xi32>
      %and3A_1090 = arith.andi %gather3A_1087, %and3A_1089 : vector<16xi32>
      %shift_left3A_1091 = arith.constant 4 : i32
      %shift_left3A_1092 = vector.broadcast %shift_left3A_1091 : i32 to vector<16xi32>
      %shift_left3A_1093 = arith.shli %and3A_1090, %shift_left3A_1092 : vector<16xi32>
      %broadcast_in_dim3A_1094 = arith.constant 2 : i32
      %broadcast_in_dim3A_1095 = vector.broadcast %broadcast_in_dim3A_1094 : i32 to vector<16xi32>
      %gather3A_1096 = tpu.vector_load_idx %arg5[%broadcast_in_dim3A_1095, %add3A_1081] : memref<5x512xi32, #tpu.memory_space<vmem>>[vector<16xi32>, vector<16xi32>], vector<16xi32>,
      %and3A_1097 = arith.constant 7 : i32
      %and3A_1098 = vector.broadcast %and3A_1097 : i32 to vector<16xi32>
      %and3A_1099 = arith.andi %gather3A_1096, %and3A_1098 : vector<16xi32>
      %shift_left3A_1100 = arith.constant 4 : i32
      %shift_left3A_1101 = vector.broadcast %shift_left3A_1100 : i32 to vector<16xi32>
      %shift_left3A_1102 = arith.shli %and3A_1099, %shift_left3A_1101 : vector<16xi32>
      %broadcast_in_dim3A_1103 = arith.constant 3 : i32
      %broadcast_in_dim3A_1104 = vector.broadcast %broadcast_in_dim3A_1103 : i32 to vector<16xi32>
      %gather3A_1105 = tpu.vector_load_idx %arg5[%broadcast_in_dim3A_1104, %add3A_1081] : memref<5x512xi32, #tpu.memory_space<vmem>>[vector<16xi32>, vector<16xi32>], vector<16xi32>,
      %and3A_1106 = arith.constant 7 : i32
      %and3A_1107 = vector.broadcast %and3A_1106 : i32 to vector<16xi32>
      %and3A_1108 = arith.andi %gather3A_1105, %and3A_1107 : vector<16xi32>
      %shift_left3A_1109 = arith.constant 4 : i32
      %shift_left3A_1110 = vector.broadcast %shift_left3A_1109 : i32 to vector<16xi32>
      %shift_left3A_1111 = arith.shli %and3A_1108, %shift_left3A_1110 : vector<16xi32>
      %broadcast_in_dim3A_1112 = arith.constant 4 : i32
      %broadcast_in_dim3A_1113 = vector.broadcast %broadcast_in_dim3A_1112 : i32 to vector<16xi32>
      %gather3A_1114 = tpu.vector_load_idx %arg5[%broadcast_in_dim3A_1113, %add3A_1081] : memref<5x512xi32, #tpu.memory_space<vmem>>[vector<16xi32>, vector<16xi32>], vector<16xi32>,
      %and3A_1115 = arith.constant 7 : i32
      %and3A_1116 = vector.broadcast %and3A_1115 : i32 to vector<16xi32>
      %and3A_1117 = arith.andi %gather3A_1114, %and3A_1116 : vector<16xi32>
      %shift_left3A_1118 = arith.constant 4 : i32
      %shift_left3A_1119 = vector.broadcast %shift_left3A_1118 : i32 to vector<16xi32>
      %shift_left3A_1120 = arith.shli %and3A_1117, %shift_left3A_1119 : vector<16xi32>
      %add3A_1121 = arith.constant 0 : i32
      %add3A_1122 = vector.broadcast %add3A_1121 : i32 to vector<16xi32>
      %add3A_1123 = arith.addi %shift_left3A_1093, %add3A_1122 : vector<16xi32>
      %gather3A_1124 = tpu.vector_load_idx %arg10[%add3A_1079, %add3A_1123] : memref<64x128xf32, #tpu.memory_space<vmem>>[vector<16xi32>, vector<16xi32>], vector<16xf32>,
      %add3A_1125 = arith.constant 0 : i32
      %add3A_1126 = vector.broadcast %add3A_1125 : i32 to vector<16xi32>
      %add3A_1127 = arith.addi %shift_left3A_1102, %add3A_1126 : vector<16xi32>
      %gather3A_1128 = tpu.vector_load_idx %arg11[%add3A_1079, %add3A_1127] : memref<64x128xf32, #tpu.memory_space<vmem>>[vector<16xi32>, vector<16xi32>], vector<16xf32>,
      %add3A_1129 = arith.constant 0 : i32
      %add3A_1130 = vector.broadcast %add3A_1129 : i32 to vector<16xi32>
      %add3A_1131 = arith.addi %shift_left3A_1111, %add3A_1130 : vector<16xi32>
      %gather3A_1132 = tpu.vector_load_idx %arg12[%add3A_1079, %add3A_1131] : memref<64x128xf32, #tpu.memory_space<vmem>>[vector<16xi32>, vector<16xi32>], vector<16xf32>,
      %add3A_1133 = arith.addf %gather3A_1128, %gather3A_1132 : vector<16xf32>
      %add3A_1134 = arith.constant 0 : i32
      %add3A_1135 = vector.broadcast %add3A_1134 : i32 to vector<16xi32>
      %add3A_1136 = arith.addi %shift_left3A_1120, %add3A_1135 : vector<16xi32>
      %gather3A_1137 = tpu.vector_load_idx %arg13[%add3A_1079, %add3A_1136] : memref<64x128xf32, #tpu.memory_space<vmem>>[vector<16xi32>, vector<16xi32>], vector<16xf32>,
      %add3A_1138 = arith.addf %add3A_1133, %gather3A_1137 : vector<16xf32>
      %add3A_1139 = arith.constant 0 : i32
      %add3A_1140 = vector.broadcast %add3A_1139 : i32 to vector<16xi32>
      %add3A_1141 = arith.addi %mul3A_1084, %add3A_1140 : vector<16xi32>
      tpu.vector_store_idx %arg14[%add3A_1141], %gather3A_1124 : memref<16384xf32, #tpu.memory_space<vmem>>[vector<16xi32>], vector<16xf32>,
      %add3A_1142 = arith.constant 16 : i32
      %add3A_1143 = vector.broadcast %add3A_1142 : i32 to vector<16xi32>
      %add3A_1144 = arith.addi %mul3A_1084, %add3A_1143 : vector<16xi32>
      tpu.vector_store_idx %arg14[%add3A_1144], %add3A_1138 : memref<16384xf32, #tpu.memory_space<vmem>>[vector<16xi32>], vector<16xf32>,
      %add3A_1145 = arith.constant 1 : i32
      %add3A_1146 = vector.broadcast %add3A_1145 : i32 to vector<16xi32>
      %add3A_1147 = arith.addi %shift_left3A_1093, %add3A_1146 : vector<16xi32>
      %gather3A_1148 = tpu.vector_load_idx %arg10[%add3A_1079, %add3A_1147] : memref<64x128xf32, #tpu.memory_space<vmem>>[vector<16xi32>, vector<16xi32>], vector<16xf32>,
      %add3A_1149 = arith.constant 1 : i32
      %add3A_1150 = vector.broadcast %add3A_1149 : i32 to vector<16xi32>
      %add3A_1151 = arith.addi %shift_left3A_1102, %add3A_1150 : vector<16xi32>
      %gather3A_1152 = tpu.vector_load_idx %arg11[%add3A_1079, %add3A_1151] : memref<64x128xf32, #tpu.memory_space<vmem>>[vector<16xi32>, vector<16xi32>], vector<16xf32>,
      %add3A_1153 = arith.constant 1 : i32
      %add3A_1154 = vector.broadcast %add3A_1153 : i32 to vector<16xi32>
      %add3A_1155 = arith.addi %shift_left3A_1111, %add3A_1154 : vector<16xi32>
      %gather3A_1156 = tpu.vector_load_idx %arg12[%add3A_1079, %add3A_1155] : memref<64x128xf32, #tpu.memory_space<vmem>>[vector<16xi32>, vector<16xi32>], vector<16xf32>,
      %add3A_1157 = arith.addf %gather3A_1152, %gather3A_1156 : vector<16xf32>
      %add3A_1158 = arith.constant 1 : i32
      %add3A_1159 = vector.broadcast %add3A_1158 : i32 to vector<16xi32>
      %add3A_1160 = arith.addi %shift_left3A_1120, %add3A_1159 : vector<16xi32>
      %gather3A_1161 = tpu.vector_load_idx %arg13[%add3A_1079, %add3A_1160] : memref<64x128xf32, #tpu.memory_space<vmem>>[vector<16xi32>, vector<16xi32>], vector<16xf32>,
      %add3A_1162 = arith.addf %add3A_1157, %gather3A_1161 : vector<16xf32>
      %add3A_1163 = arith.constant 1 : i32
      %add3A_1164 = vector.broadcast %add3A_1163 : i32 to vector<16xi32>
      %add3A_1165 = arith.addi %mul3A_1084, %add3A_1164 : vector<16xi32>
      tpu.vector_store_idx %arg14[%add3A_1165], %gather3A_1148 : memref<16384xf32, #tpu.memory_space<vmem>>[vector<16xi32>], vector<16xf32>,
      %add3A_1166 = arith.constant 17 : i32
      %add3A_1167 = vector.broadcast %add3A_1166 : i32 to vector<16xi32>
      %add3A_1168 = arith.addi %mul3A_1084, %add3A_1167 : vector<16xi32>
      tpu.vector_store_idx %arg14[%add3A_1168], %add3A_1162 : memref<16384xf32, #tpu.memory_space<vmem>>[vector<16xi32>], vector<16xf32>,
      %add3A_1169 = arith.constant 2 : i32
      %add3A_1170 = vector.broadcast %add3A_1169 : i32 to vector<16xi32>
      %add3A_1171 = arith.addi %shift_left3A_1093, %add3A_1170 : vector<16xi32>
      %gather3A_1172 = tpu.vector_load_idx %arg10[%add3A_1079, %add3A_1171] : memref<64x128xf32, #tpu.memory_space<vmem>>[vector<16xi32>, vector<16xi32>], vector<16xf32>,
      %add3A_1173 = arith.constant 2 : i32
      %add3A_1174 = vector.broadcast %add3A_1173 : i32 to vector<16xi32>
      %add3A_1175 = arith.addi %shift_left3A_1102, %add3A_1174 : vector<16xi32>
      %gather3A_1176 = tpu.vector_load_idx %arg11[%add3A_1079, %add3A_1175] : memref<64x128xf32, #tpu.memory_space<vmem>>[vector<16xi32>, vector<16xi32>], vector<16xf32>,
      %add3A_1177 = arith.constant 2 : i32
      %add3A_1178 = vector.broadcast %add3A_1177 : i32 to vector<16xi32>
      %add3A_1179 = arith.addi %shift_left3A_1111, %add3A_1178 : vector<16xi32>
      %gather3A_1180 = tpu.vector_load_idx %arg12[%add3A_1079, %add3A_1179] : memref<64x128xf32, #tpu.memory_space<vmem>>[vector<16xi32>, vector<16xi32>], vector<16xf32>,
      %add3A_1181 = arith.addf %gather3A_1176, %gather3A_1180 : vector<16xf32>
      %add3A_1182 = arith.constant 2 : i32
      %add3A_1183 = vector.broadcast %add3A_1182 : i32 to vector<16xi32>
      %add3A_1184 = arith.addi %shift_left3A_1120, %add3A_1183 : vector<16xi32>
      %gather3A_1185 = tpu.vector_load_idx %arg13[%add3A_1079, %add3A_1184] : memref<64x128xf32, #tpu.memory_space<vmem>>[vector<16xi32>, vector<16xi32>], vector<16xf32>,
      %add3A_1186 = arith.addf %add3A_1181, %gather3A_1185 : vector<16xf32>
      %add3A_1187 = arith.constant 2 : i32
      %add3A_1188 = vector.broadcast %add3A_1187 : i32 to vector<16xi32>
      %add3A_1189 = arith.addi %mul3A_1084, %add3A_1188 : vector<16xi32>
      tpu.vector_store_idx %arg14[%add3A_1189], %gather3A_1172 : memref<16384xf32, #tpu.memory_space<vmem>>[vector<16xi32>], vector<16xf32>,
      %add3A_1190 = arith.constant 18 : i32
      %add3A_1191 = vector.broadcast %add3A_1190 : i32 to vector<16xi32>
      %add3A_1192 = arith.addi %mul3A_1084, %add3A_1191 : vector<16xi32>
      tpu.vector_store_idx %arg14[%add3A_1192], %add3A_1186 : memref<16384xf32, #tpu.memory_space<vmem>>[vector<16xi32>], vector<16xf32>,
      %add3A_1193 = arith.constant 3 : i32
      %add3A_1194 = vector.broadcast %add3A_1193 : i32 to vector<16xi32>
      %add3A_1195 = arith.addi %shift_left3A_1093, %add3A_1194 : vector<16xi32>
      %gather3A_1196 = tpu.vector_load_idx %arg10[%add3A_1079, %add3A_1195] : memref<64x128xf32, #tpu.memory_space<vmem>>[vector<16xi32>, vector<16xi32>], vector<16xf32>,
      %add3A_1197 = arith.constant 3 : i32
      %add3A_1198 = vector.broadcast %add3A_1197 : i32 to vector<16xi32>
      %add3A_1199 = arith.addi %shift_left3A_1102, %add3A_1198 : vector<16xi32>
      %gather3A_1200 = tpu.vector_load_idx %arg11[%add3A_1079, %add3A_1199] : memref<64x128xf32, #tpu.memory_space<vmem>>[vector<16xi32>, vector<16xi32>], vector<16xf32>,
      %add3A_1201 = arith.constant 3 : i32
      %add3A_1202 = vector.broadcast %add3A_1201 : i32 to vector<16xi32>
      %add3A_1203 = arith.addi %shift_left3A_1111, %add3A_1202 : vector<16xi32>
      %gather3A_1204 = tpu.vector_load_idx %arg12[%add3A_1079, %add3A_1203] : memref<64x128xf32, #tpu.memory_space<vmem>>[vector<16xi32>, vector<16xi32>], vector<16xf32>,
      %add3A_1205 = arith.addf %gather3A_1200, %gather3A_1204 : vector<16xf32>
      %add3A_1206 = arith.constant 3 : i32
      %add3A_1207 = vector.broadcast %add3A_1206 : i32 to vector<16xi32>
      %add3A_1208 = arith.addi %shift_left3A_1120, %add3A_1207 : vector<16xi32>
      %gather3A_1209 = tpu.vector_load_idx %arg13[%add3A_1079, %add3A_1208] : memref<64x128xf32, #tpu.memory_space<vmem>>[vector<16xi32>, vector<16xi32>], vector<16xf32>,
      %add3A_1210 = arith.addf %add3A_1205, %gather3A_1209 : vector<16xf32>
      %add3A_1211 = arith.constant 3 : i32
      %add3A_1212 = vector.broadcast %add3A_1211 : i32 to vector<16xi32>
      %add3A_1213 = arith.addi %mul3A_1084, %add3A_1212 : vector<16xi32>
      tpu.vector_store_idx %arg14[%add3A_1213], %gather3A_1196 : memref<16384xf32, #tpu.memory_space<vmem>>[vector<16xi32>], vector<16xf32>,
      %add3A_1214 = arith.constant 19 : i32
      %add3A_1215 = vector.broadcast %add3A_1214 : i32 to vector<16xi32>
      %add3A_1216 = arith.addi %mul3A_1084, %add3A_1215 : vector<16xi32>
      tpu.vector_store_idx %arg14[%add3A_1216], %add3A_1210 : memref<16384xf32, #tpu.memory_space<vmem>>[vector<16xi32>], vector<16xf32>,
      %add3A_1217 = arith.constant 4 : i32
      %add3A_1218 = vector.broadcast %add3A_1217 : i32 to vector<16xi32>
      %add3A_1219 = arith.addi %shift_left3A_1093, %add3A_1218 : vector<16xi32>
      %gather3A_1220 = tpu.vector_load_idx %arg10[%add3A_1079, %add3A_1219] : memref<64x128xf32, #tpu.memory_space<vmem>>[vector<16xi32>, vector<16xi32>], vector<16xf32>,
      %add3A_1221 = arith.constant 4 : i32
      %add3A_1222 = vector.broadcast %add3A_1221 : i32 to vector<16xi32>
      %add3A_1223 = arith.addi %shift_left3A_1102, %add3A_1222 : vector<16xi32>
      %gather3A_1224 = tpu.vector_load_idx %arg11[%add3A_1079, %add3A_1223] : memref<64x128xf32, #tpu.memory_space<vmem>>[vector<16xi32>, vector<16xi32>], vector<16xf32>,
      %add3A_1225 = arith.constant 4 : i32
      %add3A_1226 = vector.broadcast %add3A_1225 : i32 to vector<16xi32>
      %add3A_1227 = arith.addi %shift_left3A_1111, %add3A_1226 : vector<16xi32>
      %gather3A_1228 = tpu.vector_load_idx %arg12[%add3A_1079, %add3A_1227] : memref<64x128xf32, #tpu.memory_space<vmem>>[vector<16xi32>, vector<16xi32>], vector<16xf32>,
      %add3A_1229 = arith.addf %gather3A_1224, %gather3A_1228 : vector<16xf32>
      %add3A_1230 = arith.constant 4 : i32
      %add3A_1231 = vector.broadcast %add3A_1230 : i32 to vector<16xi32>
      %add3A_1232 = arith.addi %shift_left3A_1120, %add3A_1231 : vector<16xi32>
      %gather3A_1233 = tpu.vector_load_idx %arg13[%add3A_1079, %add3A_1232] : memref<64x128xf32, #tpu.memory_space<vmem>>[vector<16xi32>, vector<16xi32>], vector<16xf32>,
      %add3A_1234 = arith.addf %add3A_1229, %gather3A_1233 : vector<16xf32>
      %add3A_1235 = arith.constant 4 : i32
      %add3A_1236 = vector.broadcast %add3A_1235 : i32 to vector<16xi32>
      %add3A_1237 = arith.addi %mul3A_1084, %add3A_1236 : vector<16xi32>
      tpu.vector_store_idx %arg14[%add3A_1237], %gather3A_1220 : memref<16384xf32, #tpu.memory_space<vmem>>[vector<16xi32>], vector<16xf32>,
      %add3A_1238 = arith.constant 20 : i32
      %add3A_1239 = vector.broadcast %add3A_1238 : i32 to vector<16xi32>
      %add3A_1240 = arith.addi %mul3A_1084, %add3A_1239 : vector<16xi32>
      tpu.vector_store_idx %arg14[%add3A_1240], %add3A_1234 : memref<16384xf32, #tpu.memory_space<vmem>>[vector<16xi32>], vector<16xf32>,
      %add3A_1241 = arith.constant 5 : i32
      %add3A_1242 = vector.broadcast %add3A_1241 : i32 to vector<16xi32>
      %add3A_1243 = arith.addi %shift_left3A_1093, %add3A_1242 : vector<16xi32>
      %gather3A_1244 = tpu.vector_load_idx %arg10[%add3A_1079, %add3A_1243] : memref<64x128xf32, #tpu.memory_space<vmem>>[vector<16xi32>, vector<16xi32>], vector<16xf32>,
      %add3A_1245 = arith.constant 5 : i32
      %add3A_1246 = vector.broadcast %add3A_1245 : i32 to vector<16xi32>
      %add3A_1247 = arith.addi %shift_left3A_1102, %add3A_1246 : vector<16xi32>
      %gather3A_1248 = tpu.vector_load_idx %arg11[%add3A_1079, %add3A_1247] : memref<64x128xf32, #tpu.memory_space<vmem>>[vector<16xi32>, vector<16xi32>], vector<16xf32>,
      %add3A_1249 = arith.constant 5 : i32
      %add3A_1250 = vector.broadcast %add3A_1249 : i32 to vector<16xi32>
      %add3A_1251 = arith.addi %shift_left3A_1111, %add3A_1250 : vector<16xi32>
      %gather3A_1252 = tpu.vector_load_idx %arg12[%add3A_1079, %add3A_1251] : memref<64x128xf32, #tpu.memory_space<vmem>>[vector<16xi32>, vector<16xi32>], vector<16xf32>,
      %add3A_1253 = arith.addf %gather3A_1248, %gather3A_1252 : vector<16xf32>
      %add3A_1254 = arith.constant 5 : i32
      %add3A_1255 = vector.broadcast %add3A_1254 : i32 to vector<16xi32>
      %add3A_1256 = arith.addi %shift_left3A_1120, %add3A_1255 : vector<16xi32>
      %gather3A_1257 = tpu.vector_load_idx %arg13[%add3A_1079, %add3A_1256] : memref<64x128xf32, #tpu.memory_space<vmem>>[vector<16xi32>, vector<16xi32>], vector<16xf32>,
      %add3A_1258 = arith.addf %add3A_1253, %gather3A_1257 : vector<16xf32>
      %add3A_1259 = arith.constant 5 : i32
      %add3A_1260 = vector.broadcast %add3A_1259 : i32 to vector<16xi32>
      %add3A_1261 = arith.addi %mul3A_1084, %add3A_1260 : vector<16xi32>
      tpu.vector_store_idx %arg14[%add3A_1261], %gather3A_1244 : memref<16384xf32, #tpu.memory_space<vmem>>[vector<16xi32>], vector<16xf32>,
      %add3A_1262 = arith.constant 21 : i32
      %add3A_1263 = vector.broadcast %add3A_1262 : i32 to vector<16xi32>
      %add3A_1264 = arith.addi %mul3A_1084, %add3A_1263 : vector<16xi32>
      tpu.vector_store_idx %arg14[%add3A_1264], %add3A_1258 : memref<16384xf32, #tpu.memory_space<vmem>>[vector<16xi32>], vector<16xf32>,
      %add3A_1265 = arith.constant 6 : i32
      %add3A_1266 = vector.broadcast %add3A_1265 : i32 to vector<16xi32>
      %add3A_1267 = arith.addi %shift_left3A_1093, %add3A_1266 : vector<16xi32>
      %gather3A_1268 = tpu.vector_load_idx %arg10[%add3A_1079, %add3A_1267] : memref<64x128xf32, #tpu.memory_space<vmem>>[vector<16xi32>, vector<16xi32>], vector<16xf32>,
      %add3A_1269 = arith.constant 6 : i32
      %add3A_1270 = vector.broadcast %add3A_1269 : i32 to vector<16xi32>
      %add3A_1271 = arith.addi %shift_left3A_1102, %add3A_1270 : vector<16xi32>
      %gather3A_1272 = tpu.vector_load_idx %arg11[%add3A_1079, %add3A_1271] : memref<64x128xf32, #tpu.memory_space<vmem>>[vector<16xi32>, vector<16xi32>], vector<16xf32>,
      %add3A_1273 = arith.constant 6 : i32
      %add3A_1274 = vector.broadcast %add3A_1273 : i32 to vector<16xi32>
      %add3A_1275 = arith.addi %shift_left3A_1111, %add3A_1274 : vector<16xi32>
      %gather3A_1276 = tpu.vector_load_idx %arg12[%add3A_1079, %add3A_1275] : memref<64x128xf32, #tpu.memory_space<vmem>>[vector<16xi32>, vector<16xi32>], vector<16xf32>,
      %add3A_1277 = arith.addf %gather3A_1272, %gather3A_1276 : vector<16xf32>
      %add3A_1278 = arith.constant 6 : i32
      %add3A_1279 = vector.broadcast %add3A_1278 : i32 to vector<16xi32>
      %add3A_1280 = arith.addi %shift_left3A_1120, %add3A_1279 : vector<16xi32>
      %gather3A_1281 = tpu.vector_load_idx %arg13[%add3A_1079, %add3A_1280] : memref<64x128xf32, #tpu.memory_space<vmem>>[vector<16xi32>, vector<16xi32>], vector<16xf32>,
      %add3A_1282 = arith.addf %add3A_1277, %gather3A_1281 : vector<16xf32>
      %add3A_1283 = arith.constant 6 : i32
      %add3A_1284 = vector.broadcast %add3A_1283 : i32 to vector<16xi32>
      %add3A_1285 = arith.addi %mul3A_1084, %add3A_1284 : vector<16xi32>
      tpu.vector_store_idx %arg14[%add3A_1285], %gather3A_1268 : memref<16384xf32, #tpu.memory_space<vmem>>[vector<16xi32>], vector<16xf32>,
      %add3A_1286 = arith.constant 22 : i32
      %add3A_1287 = vector.broadcast %add3A_1286 : i32 to vector<16xi32>
      %add3A_1288 = arith.addi %mul3A_1084, %add3A_1287 : vector<16xi32>
      tpu.vector_store_idx %arg14[%add3A_1288], %add3A_1282 : memref<16384xf32, #tpu.memory_space<vmem>>[vector<16xi32>], vector<16xf32>,
      %add3A_1289 = arith.constant 7 : i32
      %add3A_1290 = vector.broadcast %add3A_1289 : i32 to vector<16xi32>
      %add3A_1291 = arith.addi %shift_left3A_1093, %add3A_1290 : vector<16xi32>
      %gather3A_1292 = tpu.vector_load_idx %arg10[%add3A_1079, %add3A_1291] : memref<64x128xf32, #tpu.memory_space<vmem>>[vector<16xi32>, vector<16xi32>], vector<16xf32>,
      %add3A_1293 = arith.constant 7 : i32
      %add3A_1294 = vector.broadcast %add3A_1293 : i32 to vector<16xi32>
      %add3A_1295 = arith.addi %shift_left3A_1102, %add3A_1294 : vector<16xi32>
      %gather3A_1296 = tpu.vector_load_idx %arg11[%add3A_1079, %add3A_1295] : memref<64x128xf32, #tpu.memory_space<vmem>>[vector<16xi32>, vector<16xi32>], vector<16xf32>,
      %add3A_1297 = arith.constant 7 : i32
      %add3A_1298 = vector.broadcast %add3A_1297 : i32 to vector<16xi32>
      %add3A_1299 = arith.addi %shift_left3A_1111, %add3A_1298 : vector<16xi32>
      %gather3A_1300 = tpu.vector_load_idx %arg12[%add3A_1079, %add3A_1299] : memref<64x128xf32, #tpu.memory_space<vmem>>[vector<16xi32>, vector<16xi32>], vector<16xf32>,
      %add3A_1301 = arith.addf %gather3A_1296, %gather3A_1300 : vector<16xf32>
      %add3A_1302 = arith.constant 7 : i32
      %add3A_1303 = vector.broadcast %add3A_1302 : i32 to vector<16xi32>
      %add3A_1304 = arith.addi %shift_left3A_1120, %add3A_1303 : vector<16xi32>
      %gather3A_1305 = tpu.vector_load_idx %arg13[%add3A_1079, %add3A_1304] : memref<64x128xf32, #tpu.memory_space<vmem>>[vector<16xi32>, vector<16xi32>], vector<16xf32>,
      %add3A_1306 = arith.addf %add3A_1301, %gather3A_1305 : vector<16xf32>
      %add3A_1307 = arith.constant 7 : i32
      %add3A_1308 = vector.broadcast %add3A_1307 : i32 to vector<16xi32>
      %add3A_1309 = arith.addi %mul3A_1084, %add3A_1308 : vector<16xi32>
      tpu.vector_store_idx %arg14[%add3A_1309], %gather3A_1292 : memref<16384xf32, #tpu.memory_space<vmem>>[vector<16xi32>], vector<16xf32>,
      %add3A_1310 = arith.constant 23 : i32
      %add3A_1311 = vector.broadcast %add3A_1310 : i32 to vector<16xi32>
      %add3A_1312 = arith.addi %mul3A_1084, %add3A_1311 : vector<16xi32>
      tpu.vector_store_idx %arg14[%add3A_1312], %add3A_1306 : memref<16384xf32, #tpu.memory_space<vmem>>[vector<16xi32>], vector<16xf32>,
      %add3A_1313 = arith.constant 8 : i32
      %add3A_1314 = vector.broadcast %add3A_1313 : i32 to vector<16xi32>
      %add3A_1315 = arith.addi %shift_left3A_1093, %add3A_1314 : vector<16xi32>
      %gather3A_1316 = tpu.vector_load_idx %arg10[%add3A_1079, %add3A_1315] : memref<64x128xf32, #tpu.memory_space<vmem>>[vector<16xi32>, vector<16xi32>], vector<16xf32>,
      %add3A_1317 = arith.constant 8 : i32
      %add3A_1318 = vector.broadcast %add3A_1317 : i32 to vector<16xi32>
      %add3A_1319 = arith.addi %shift_left3A_1102, %add3A_1318 : vector<16xi32>
      %gather3A_1320 = tpu.vector_load_idx %arg11[%add3A_1079, %add3A_1319] : memref<64x128xf32, #tpu.memory_space<vmem>>[vector<16xi32>, vector<16xi32>], vector<16xf32>,
      %add3A_1321 = arith.constant 8 : i32
      %add3A_1322 = vector.broadcast %add3A_1321 : i32 to vector<16xi32>
      %add3A_1323 = arith.addi %shift_left3A_1111, %add3A_1322 : vector<16xi32>
      %gather3A_1324 = tpu.vector_load_idx %arg12[%add3A_1079, %add3A_1323] : memref<64x128xf32, #tpu.memory_space<vmem>>[vector<16xi32>, vector<16xi32>], vector<16xf32>,
      %add3A_1325 = arith.addf %gather3A_1320, %gather3A_1324 : vector<16xf32>
      %add3A_1326 = arith.constant 8 : i32
      %add3A_1327 = vector.broadcast %add3A_1326 : i32 to vector<16xi32>
      %add3A_1328 = arith.addi %shift_left3A_1120, %add3A_1327 : vector<16xi32>
      %gather3A_1329 = tpu.vector_load_idx %arg13[%add3A_1079, %add3A_1328] : memref<64x128xf32, #tpu.memory_space<vmem>>[vector<16xi32>, vector<16xi32>], vector<16xf32>,
      %add3A_1330 = arith.addf %add3A_1325, %gather3A_1329 : vector<16xf32>
      %add3A_1331 = arith.constant 8 : i32
      %add3A_1332 = vector.broadcast %add3A_1331 : i32 to vector<16xi32>
      %add3A_1333 = arith.addi %mul3A_1084, %add3A_1332 : vector<16xi32>
      tpu.vector_store_idx %arg14[%add3A_1333], %gather3A_1316 : memref<16384xf32, #tpu.memory_space<vmem>>[vector<16xi32>], vector<16xf32>,
      %add3A_1334 = arith.constant 24 : i32
      %add3A_1335 = vector.broadcast %add3A_1334 : i32 to vector<16xi32>
      %add3A_1336 = arith.addi %mul3A_1084, %add3A_1335 : vector<16xi32>
      tpu.vector_store_idx %arg14[%add3A_1336], %add3A_1330 : memref<16384xf32, #tpu.memory_space<vmem>>[vector<16xi32>], vector<16xf32>,
      %add3A_1337 = arith.constant 9 : i32
      %add3A_1338 = vector.broadcast %add3A_1337 : i32 to vector<16xi32>
      %add3A_1339 = arith.addi %shift_left3A_1093, %add3A_1338 : vector<16xi32>
      %gather3A_1340 = tpu.vector_load_idx %arg10[%add3A_1079, %add3A_1339] : memref<64x128xf32, #tpu.memory_space<vmem>>[vector<16xi32>, vector<16xi32>], vector<16xf32>,
      %add3A_1341 = arith.constant 9 : i32
      %add3A_1342 = vector.broadcast %add3A_1341 : i32 to vector<16xi32>
      %add3A_1343 = arith.addi %shift_left3A_1102, %add3A_1342 : vector<16xi32>
      %gather3A_1344 = tpu.vector_load_idx %arg11[%add3A_1079, %add3A_1343] : memref<64x128xf32, #tpu.memory_space<vmem>>[vector<16xi32>, vector<16xi32>], vector<16xf32>,
      %add3A_1345 = arith.constant 9 : i32
      %add3A_1346 = vector.broadcast %add3A_1345 : i32 to vector<16xi32>
      %add3A_1347 = arith.addi %shift_left3A_1111, %add3A_1346 : vector<16xi32>
      %gather3A_1348 = tpu.vector_load_idx %arg12[%add3A_1079, %add3A_1347] : memref<64x128xf32, #tpu.memory_space<vmem>>[vector<16xi32>, vector<16xi32>], vector<16xf32>,
      %add3A_1349 = arith.addf %gather3A_1344, %gather3A_1348 : vector<16xf32>
      %add3A_1350 = arith.constant 9 : i32
      %add3A_1351 = vector.broadcast %add3A_1350 : i32 to vector<16xi32>
      %add3A_1352 = arith.addi %shift_left3A_1120, %add3A_1351 : vector<16xi32>
      %gather3A_1353 = tpu.vector_load_idx %arg13[%add3A_1079, %add3A_1352] : memref<64x128xf32, #tpu.memory_space<vmem>>[vector<16xi32>, vector<16xi32>], vector<16xf32>,
      %add3A_1354 = arith.addf %add3A_1349, %gather3A_1353 : vector<16xf32>
      %add3A_1355 = arith.constant 9 : i32
      %add3A_1356 = vector.broadcast %add3A_1355 : i32 to vector<16xi32>
      %add3A_1357 = arith.addi %mul3A_1084, %add3A_1356 : vector<16xi32>
      tpu.vector_store_idx %arg14[%add3A_1357], %gather3A_1340 : memref<16384xf32, #tpu.memory_space<vmem>>[vector<16xi32>], vector<16xf32>,
      %add3A_1358 = arith.constant 25 : i32
      %add3A_1359 = vector.broadcast %add3A_1358 : i32 to vector<16xi32>
      %add3A_1360 = arith.addi %mul3A_1084, %add3A_1359 : vector<16xi32>
      tpu.vector_store_idx %arg14[%add3A_1360], %add3A_1354 : memref<16384xf32, #tpu.memory_space<vmem>>[vector<16xi32>], vector<16xf32>,
      %add3A_1361 = arith.constant 10 : i32
      %add3A_1362 = vector.broadcast %add3A_1361 : i32 to vector<16xi32>
      %add3A_1363 = arith.addi %shift_left3A_1093, %add3A_1362 : vector<16xi32>
      %gather3A_1364 = tpu.vector_load_idx %arg10[%add3A_1079, %add3A_1363] : memref<64x128xf32, #tpu.memory_space<vmem>>[vector<16xi32>, vector<16xi32>], vector<16xf32>,
      %add3A_1365 = arith.constant 10 : i32
      %add3A_1366 = vector.broadcast %add3A_1365 : i32 to vector<16xi32>
      %add3A_1367 = arith.addi %shift_left3A_1102, %add3A_1366 : vector<16xi32>
      %gather3A_1368 = tpu.vector_load_idx %arg11[%add3A_1079, %add3A_1367] : memref<64x128xf32, #tpu.memory_space<vmem>>[vector<16xi32>, vector<16xi32>], vector<16xf32>,
      %add3A_1369 = arith.constant 10 : i32
      %add3A_1370 = vector.broadcast %add3A_1369 : i32 to vector<16xi32>
      %add3A_1371 = arith.addi %shift_left3A_1111, %add3A_1370 : vector<16xi32>
      %gather3A_1372 = tpu.vector_load_idx %arg12[%add3A_1079, %add3A_1371] : memref<64x128xf32, #tpu.memory_space<vmem>>[vector<16xi32>, vector<16xi32>], vector<16xf32>,
      %add3A_1373 = arith.addf %gather3A_1368, %gather3A_1372 : vector<16xf32>
      %add3A_1374 = arith.constant 10 : i32
      %add3A_1375 = vector.broadcast %add3A_1374 : i32 to vector<16xi32>
      %add3A_1376 = arith.addi %shift_left3A_1120, %add3A_1375 : vector<16xi32>
      %gather3A_1377 = tpu.vector_load_idx %arg13[%add3A_1079, %add3A_1376] : memref<64x128xf32, #tpu.memory_space<vmem>>[vector<16xi32>, vector<16xi32>], vector<16xf32>,
      %add3A_1378 = arith.addf %add3A_1373, %gather3A_1377 : vector<16xf32>
      %add3A_1379 = arith.constant 10 : i32
      %add3A_1380 = vector.broadcast %add3A_1379 : i32 to vector<16xi32>
      %add3A_1381 = arith.addi %mul3A_1084, %add3A_1380 : vector<16xi32>
      tpu.vector_store_idx %arg14[%add3A_1381], %gather3A_1364 : memref<16384xf32, #tpu.memory_space<vmem>>[vector<16xi32>], vector<16xf32>,
      %add3A_1382 = arith.constant 26 : i32
      %add3A_1383 = vector.broadcast %add3A_1382 : i32 to vector<16xi32>
      %add3A_1384 = arith.addi %mul3A_1084, %add3A_1383 : vector<16xi32>
      tpu.vector_store_idx %arg14[%add3A_1384], %add3A_1378 : memref<16384xf32, #tpu.memory_space<vmem>>[vector<16xi32>], vector<16xf32>,
      %add3A_1385 = arith.constant 11 : i32
      %add3A_1386 = vector.broadcast %add3A_1385 : i32 to vector<16xi32>
      %add3A_1387 = arith.addi %shift_left3A_1093, %add3A_1386 : vector<16xi32>
      %gather3A_1388 = tpu.vector_load_idx %arg10[%add3A_1079, %add3A_1387] : memref<64x128xf32, #tpu.memory_space<vmem>>[vector<16xi32>, vector<16xi32>], vector<16xf32>,
      %add3A_1389 = arith.constant 11 : i32
      %add3A_1390 = vector.broadcast %add3A_1389 : i32 to vector<16xi32>
      %add3A_1391 = arith.addi %shift_left3A_1102, %add3A_1390 : vector<16xi32>
      %gather3A_1392 = tpu.vector_load_idx %arg11[%add3A_1079, %add3A_1391] : memref<64x128xf32, #tpu.memory_space<vmem>>[vector<16xi32>, vector<16xi32>], vector<16xf32>,
      %add3A_1393 = arith.constant 11 : i32
      %add3A_1394 = vector.broadcast %add3A_1393 : i32 to vector<16xi32>
      %add3A_1395 = arith.addi %shift_left3A_1111, %add3A_1394 : vector<16xi32>
      %gather3A_1396 = tpu.vector_load_idx %arg12[%add3A_1079, %add3A_1395] : memref<64x128xf32, #tpu.memory_space<vmem>>[vector<16xi32>, vector<16xi32>], vector<16xf32>,
      %add3A_1397 = arith.addf %gather3A_1392, %gather3A_1396 : vector<16xf32>
      %add3A_1398 = arith.constant 11 : i32
      %add3A_1399 = vector.broadcast %add3A_1398 : i32 to vector<16xi32>
      %add3A_1400 = arith.addi %shift_left3A_1120, %add3A_1399 : vector<16xi32>
      %gather3A_1401 = tpu.vector_load_idx %arg13[%add3A_1079, %add3A_1400] : memref<64x128xf32, #tpu.memory_space<vmem>>[vector<16xi32>, vector<16xi32>], vector<16xf32>,
      %add3A_1402 = arith.addf %add3A_1397, %gather3A_1401 : vector<16xf32>
      %add3A_1403 = arith.constant 11 : i32
      %add3A_1404 = vector.broadcast %add3A_1403 : i32 to vector<16xi32>
      %add3A_1405 = arith.addi %mul3A_1084, %add3A_1404 : vector<16xi32>
      tpu.vector_store_idx %arg14[%add3A_1405], %gather3A_1388 : memref<16384xf32, #tpu.memory_space<vmem>>[vector<16xi32>], vector<16xf32>,
      %add3A_1406 = arith.constant 27 : i32
      %add3A_1407 = vector.broadcast %add3A_1406 : i32 to vector<16xi32>
      %add3A_1408 = arith.addi %mul3A_1084, %add3A_1407 : vector<16xi32>
      tpu.vector_store_idx %arg14[%add3A_1408], %add3A_1402 : memref<16384xf32, #tpu.memory_space<vmem>>[vector<16xi32>], vector<16xf32>,
      %add3A_1409 = arith.constant 12 : i32
      %add3A_1410 = vector.broadcast %add3A_1409 : i32 to vector<16xi32>
      %add3A_1411 = arith.addi %shift_left3A_1093, %add3A_1410 : vector<16xi32>
      %gather3A_1412 = tpu.vector_load_idx %arg10[%add3A_1079, %add3A_1411] : memref<64x128xf32, #tpu.memory_space<vmem>>[vector<16xi32>, vector<16xi32>], vector<16xf32>,
      %add3A_1413 = arith.constant 12 : i32
      %add3A_1414 = vector.broadcast %add3A_1413 : i32 to vector<16xi32>
      %add3A_1415 = arith.addi %shift_left3A_1102, %add3A_1414 : vector<16xi32>
      %gather3A_1416 = tpu.vector_load_idx %arg11[%add3A_1079, %add3A_1415] : memref<64x128xf32, #tpu.memory_space<vmem>>[vector<16xi32>, vector<16xi32>], vector<16xf32>,
      %add3A_1417 = arith.constant 12 : i32
      %add3A_1418 = vector.broadcast %add3A_1417 : i32 to vector<16xi32>
      %add3A_1419 = arith.addi %shift_left3A_1111, %add3A_1418 : vector<16xi32>
      %gather3A_1420 = tpu.vector_load_idx %arg12[%add3A_1079, %add3A_1419] : memref<64x128xf32, #tpu.memory_space<vmem>>[vector<16xi32>, vector<16xi32>], vector<16xf32>,
      %add3A_1421 = arith.addf %gather3A_1416, %gather3A_1420 : vector<16xf32>
      %add3A_1422 = arith.constant 12 : i32
      %add3A_1423 = vector.broadcast %add3A_1422 : i32 to vector<16xi32>
      %add3A_1424 = arith.addi %shift_left3A_1120, %add3A_1423 : vector<16xi32>
      %gather3A_1425 = tpu.vector_load_idx %arg13[%add3A_1079, %add3A_1424] : memref<64x128xf32, #tpu.memory_space<vmem>>[vector<16xi32>, vector<16xi32>], vector<16xf32>,
      %add3A_1426 = arith.addf %add3A_1421, %gather3A_1425 : vector<16xf32>
      %add3A_1427 = arith.constant 12 : i32
      %add3A_1428 = vector.broadcast %add3A_1427 : i32 to vector<16xi32>
      %add3A_1429 = arith.addi %mul3A_1084, %add3A_1428 : vector<16xi32>
      tpu.vector_store_idx %arg14[%add3A_1429], %gather3A_1412 : memref<16384xf32, #tpu.memory_space<vmem>>[vector<16xi32>], vector<16xf32>,
      %add3A_1430 = arith.constant 28 : i32
      %add3A_1431 = vector.broadcast %add3A_1430 : i32 to vector<16xi32>
      %add3A_1432 = arith.addi %mul3A_1084, %add3A_1431 : vector<16xi32>
      tpu.vector_store_idx %arg14[%add3A_1432], %add3A_1426 : memref<16384xf32, #tpu.memory_space<vmem>>[vector<16xi32>], vector<16xf32>,
      %add3A_1433 = arith.constant 13 : i32
      %add3A_1434 = vector.broadcast %add3A_1433 : i32 to vector<16xi32>
      %add3A_1435 = arith.addi %shift_left3A_1093, %add3A_1434 : vector<16xi32>
      %gather3A_1436 = tpu.vector_load_idx %arg10[%add3A_1079, %add3A_1435] : memref<64x128xf32, #tpu.memory_space<vmem>>[vector<16xi32>, vector<16xi32>], vector<16xf32>,
      %add3A_1437 = arith.constant 13 : i32
      %add3A_1438 = vector.broadcast %add3A_1437 : i32 to vector<16xi32>
      %add3A_1439 = arith.addi %shift_left3A_1102, %add3A_1438 : vector<16xi32>
      %gather3A_1440 = tpu.vector_load_idx %arg11[%add3A_1079, %add3A_1439] : memref<64x128xf32, #tpu.memory_space<vmem>>[vector<16xi32>, vector<16xi32>], vector<16xf32>,
      %add3A_1441 = arith.constant 13 : i32
      %add3A_1442 = vector.broadcast %add3A_1441 : i32 to vector<16xi32>
      %add3A_1443 = arith.addi %shift_left3A_1111, %add3A_1442 : vector<16xi32>
      %gather3A_1444 = tpu.vector_load_idx %arg12[%add3A_1079, %add3A_1443] : memref<64x128xf32, #tpu.memory_space<vmem>>[vector<16xi32>, vector<16xi32>], vector<16xf32>,
      %add3A_1445 = arith.addf %gather3A_1440, %gather3A_1444 : vector<16xf32>
      %add3A_1446 = arith.constant 13 : i32
      %add3A_1447 = vector.broadcast %add3A_1446 : i32 to vector<16xi32>
      %add3A_1448 = arith.addi %shift_left3A_1120, %add3A_1447 : vector<16xi32>
      %gather3A_1449 = tpu.vector_load_idx %arg13[%add3A_1079, %add3A_1448] : memref<64x128xf32, #tpu.memory_space<vmem>>[vector<16xi32>, vector<16xi32>], vector<16xf32>,
      %add3A_1450 = arith.addf %add3A_1445, %gather3A_1449 : vector<16xf32>
      %add3A_1451 = arith.constant 13 : i32
      %add3A_1452 = vector.broadcast %add3A_1451 : i32 to vector<16xi32>
      %add3A_1453 = arith.addi %mul3A_1084, %add3A_1452 : vector<16xi32>
      tpu.vector_store_idx %arg14[%add3A_1453], %gather3A_1436 : memref<16384xf32, #tpu.memory_space<vmem>>[vector<16xi32>], vector<16xf32>,
      %add3A_1454 = arith.constant 29 : i32
      %add3A_1455 = vector.broadcast %add3A_1454 : i32 to vector<16xi32>
      %add3A_1456 = arith.addi %mul3A_1084, %add3A_1455 : vector<16xi32>
      tpu.vector_store_idx %arg14[%add3A_1456], %add3A_1450 : memref<16384xf32, #tpu.memory_space<vmem>>[vector<16xi32>], vector<16xf32>,
      %add3A_1457 = arith.constant 14 : i32
      %add3A_1458 = vector.broadcast %add3A_1457 : i32 to vector<16xi32>
      %add3A_1459 = arith.addi %shift_left3A_1093, %add3A_1458 : vector<16xi32>
      %gather3A_1460 = tpu.vector_load_idx %arg10[%add3A_1079, %add3A_1459] : memref<64x128xf32, #tpu.memory_space<vmem>>[vector<16xi32>, vector<16xi32>], vector<16xf32>,
      %add3A_1461 = arith.constant 14 : i32
      %add3A_1462 = vector.broadcast %add3A_1461 : i32 to vector<16xi32>
      %add3A_1463 = arith.addi %shift_left3A_1102, %add3A_1462 : vector<16xi32>
      %gather3A_1464 = tpu.vector_load_idx %arg11[%add3A_1079, %add3A_1463] : memref<64x128xf32, #tpu.memory_space<vmem>>[vector<16xi32>, vector<16xi32>], vector<16xf32>,
      %add3A_1465 = arith.constant 14 : i32
      %add3A_1466 = vector.broadcast %add3A_1465 : i32 to vector<16xi32>
      %add3A_1467 = arith.addi %shift_left3A_1111, %add3A_1466 : vector<16xi32>
      %gather3A_1468 = tpu.vector_load_idx %arg12[%add3A_1079, %add3A_1467] : memref<64x128xf32, #tpu.memory_space<vmem>>[vector<16xi32>, vector<16xi32>], vector<16xf32>,
      %add3A_1469 = arith.addf %gather3A_1464, %gather3A_1468 : vector<16xf32>
      %add3A_1470 = arith.constant 14 : i32
      %add3A_1471 = vector.broadcast %add3A_1470 : i32 to vector<16xi32>
      %add3A_1472 = arith.addi %shift_left3A_1120, %add3A_1471 : vector<16xi32>
      %gather3A_1473 = tpu.vector_load_idx %arg13[%add3A_1079, %add3A_1472] : memref<64x128xf32, #tpu.memory_space<vmem>>[vector<16xi32>, vector<16xi32>], vector<16xf32>,
      %add3A_1474 = arith.addf %add3A_1469, %gather3A_1473 : vector<16xf32>
      %add3A_1475 = arith.constant 14 : i32
      %add3A_1476 = vector.broadcast %add3A_1475 : i32 to vector<16xi32>
      %add3A_1477 = arith.addi %mul3A_1084, %add3A_1476 : vector<16xi32>
      tpu.vector_store_idx %arg14[%add3A_1477], %gather3A_1460 : memref<16384xf32, #tpu.memory_space<vmem>>[vector<16xi32>], vector<16xf32>,
      %add3A_1478 = arith.constant 30 : i32
      %add3A_1479 = vector.broadcast %add3A_1478 : i32 to vector<16xi32>
      %add3A_1480 = arith.addi %mul3A_1084, %add3A_1479 : vector<16xi32>
      tpu.vector_store_idx %arg14[%add3A_1480], %add3A_1474 : memref<16384xf32, #tpu.memory_space<vmem>>[vector<16xi32>], vector<16xf32>,
      %add3A_1481 = arith.constant 15 : i32
      %add3A_1482 = vector.broadcast %add3A_1481 : i32 to vector<16xi32>
      %add3A_1483 = arith.addi %shift_left3A_1093, %add3A_1482 : vector<16xi32>
      %gather3A_1484 = tpu.vector_load_idx %arg10[%add3A_1079, %add3A_1483] : memref<64x128xf32, #tpu.memory_space<vmem>>[vector<16xi32>, vector<16xi32>], vector<16xf32>,
      %add3A_1485 = arith.constant 15 : i32
      %add3A_1486 = vector.broadcast %add3A_1485 : i32 to vector<16xi32>
      %add3A_1487 = arith.addi %shift_left3A_1102, %add3A_1486 : vector<16xi32>
      %gather3A_1488 = tpu.vector_load_idx %arg11[%add3A_1079, %add3A_1487] : memref<64x128xf32, #tpu.memory_space<vmem>>[vector<16xi32>, vector<16xi32>], vector<16xf32>,
      %add3A_1489 = arith.constant 15 : i32
      %add3A_1490 = vector.broadcast %add3A_1489 : i32 to vector<16xi32>
      %add3A_1491 = arith.addi %shift_left3A_1111, %add3A_1490 : vector<16xi32>
      %gather3A_1492 = tpu.vector_load_idx %arg12[%add3A_1079, %add3A_1491] : memref<64x128xf32, #tpu.memory_space<vmem>>[vector<16xi32>, vector<16xi32>], vector<16xf32>,
      %add3A_1493 = arith.addf %gather3A_1488, %gather3A_1492 : vector<16xf32>
      %add3A_1494 = arith.constant 15 : i32
      %add3A_1495 = vector.broadcast %add3A_1494 : i32 to vector<16xi32>
      %add3A_1496 = arith.addi %shift_left3A_1120, %add3A_1495 : vector<16xi32>
      %gather3A_1497 = tpu.vector_load_idx %arg13[%add3A_1079, %add3A_1496] : memref<64x128xf32, #tpu.memory_space<vmem>>[vector<16xi32>, vector<16xi32>], vector<16xf32>,
      %add3A_1498 = arith.addf %add3A_1493, %gather3A_1497 : vector<16xf32>
      %add3A_1499 = arith.constant 15 : i32
      %add3A_1500 = vector.broadcast %add3A_1499 : i32 to vector<16xi32>
      %add3A_1501 = arith.addi %mul3A_1084, %add3A_1500 : vector<16xi32>
      tpu.vector_store_idx %arg14[%add3A_1501], %gather3A_1484 : memref<16384xf32, #tpu.memory_space<vmem>>[vector<16xi32>], vector<16xf32>,
      %add3A_1502 = arith.constant 31 : i32
      %add3A_1503 = vector.broadcast %add3A_1502 : i32 to vector<16xi32>
      %add3A_1504 = arith.addi %mul3A_1084, %add3A_1503 : vector<16xi32>
      tpu.vector_store_idx %arg14[%add3A_1504], %add3A_1498 : memref<16384xf32, #tpu.memory_space<vmem>>[vector<16xi32>], vector<16xf32>,
      %add3A_1505 = arith.constant 48 : i32
      %add3A_1506 = vector.broadcast %add3A_1505 : i32 to vector<16xi32>
      %add3A_1507 = arith.addi %add3A_1506, %iota3A : vector<16xi32>
      %add3A_1508 = vector.broadcast %mul3A_12 : i32 to vector<16xi32>
      %add3A_1509 = arith.addi %add3A_1508, %add3A_1507 : vector<16xi32>
      %mul3A_1510 = arith.constant 32 : i32
      %mul3A_1511 = vector.broadcast %mul3A_1510 : i32 to vector<16xi32>
      %mul3A_1512 = arith.muli %add3A_1509, %mul3A_1511 : vector<16xi32>
      %broadcast_in_dim3A_1513 = arith.constant 1 : i32
      %broadcast_in_dim3A_1514 = vector.broadcast %broadcast_in_dim3A_1513 : i32 to vector<16xi32>
      %gather3A_1515 = tpu.vector_load_idx %arg5[%broadcast_in_dim3A_1514, %add3A_1509] : memref<5x512xi32, #tpu.memory_space<vmem>>[vector<16xi32>, vector<16xi32>], vector<16xi32>,
      %and3A_1516 = arith.constant 7 : i32
      %and3A_1517 = vector.broadcast %and3A_1516 : i32 to vector<16xi32>
      %and3A_1518 = arith.andi %gather3A_1515, %and3A_1517 : vector<16xi32>
      %shift_left3A_1519 = arith.constant 4 : i32
      %shift_left3A_1520 = vector.broadcast %shift_left3A_1519 : i32 to vector<16xi32>
      %shift_left3A_1521 = arith.shli %and3A_1518, %shift_left3A_1520 : vector<16xi32>
      %broadcast_in_dim3A_1522 = arith.constant 2 : i32
      %broadcast_in_dim3A_1523 = vector.broadcast %broadcast_in_dim3A_1522 : i32 to vector<16xi32>
      %gather3A_1524 = tpu.vector_load_idx %arg5[%broadcast_in_dim3A_1523, %add3A_1509] : memref<5x512xi32, #tpu.memory_space<vmem>>[vector<16xi32>, vector<16xi32>], vector<16xi32>,
      %and3A_1525 = arith.constant 7 : i32
      %and3A_1526 = vector.broadcast %and3A_1525 : i32 to vector<16xi32>
      %and3A_1527 = arith.andi %gather3A_1524, %and3A_1526 : vector<16xi32>
      %shift_left3A_1528 = arith.constant 4 : i32
      %shift_left3A_1529 = vector.broadcast %shift_left3A_1528 : i32 to vector<16xi32>
      %shift_left3A_1530 = arith.shli %and3A_1527, %shift_left3A_1529 : vector<16xi32>
      %broadcast_in_dim3A_1531 = arith.constant 3 : i32
      %broadcast_in_dim3A_1532 = vector.broadcast %broadcast_in_dim3A_1531 : i32 to vector<16xi32>
      %gather3A_1533 = tpu.vector_load_idx %arg5[%broadcast_in_dim3A_1532, %add3A_1509] : memref<5x512xi32, #tpu.memory_space<vmem>>[vector<16xi32>, vector<16xi32>], vector<16xi32>,
      %and3A_1534 = arith.constant 7 : i32
      %and3A_1535 = vector.broadcast %and3A_1534 : i32 to vector<16xi32>
      %and3A_1536 = arith.andi %gather3A_1533, %and3A_1535 : vector<16xi32>
      %shift_left3A_1537 = arith.constant 4 : i32
      %shift_left3A_1538 = vector.broadcast %shift_left3A_1537 : i32 to vector<16xi32>
      %shift_left3A_1539 = arith.shli %and3A_1536, %shift_left3A_1538 : vector<16xi32>
      %broadcast_in_dim3A_1540 = arith.constant 4 : i32
      %broadcast_in_dim3A_1541 = vector.broadcast %broadcast_in_dim3A_1540 : i32 to vector<16xi32>
      %gather3A_1542 = tpu.vector_load_idx %arg5[%broadcast_in_dim3A_1541, %add3A_1509] : memref<5x512xi32, #tpu.memory_space<vmem>>[vector<16xi32>, vector<16xi32>], vector<16xi32>,
      %and3A_1543 = arith.constant 7 : i32
      %and3A_1544 = vector.broadcast %and3A_1543 : i32 to vector<16xi32>
      %and3A_1545 = arith.andi %gather3A_1542, %and3A_1544 : vector<16xi32>
      %shift_left3A_1546 = arith.constant 4 : i32
      %shift_left3A_1547 = vector.broadcast %shift_left3A_1546 : i32 to vector<16xi32>
      %shift_left3A_1548 = arith.shli %and3A_1545, %shift_left3A_1547 : vector<16xi32>
      %add3A_1549 = arith.constant 0 : i32
      %add3A_1550 = vector.broadcast %add3A_1549 : i32 to vector<16xi32>
      %add3A_1551 = arith.addi %shift_left3A_1521, %add3A_1550 : vector<16xi32>
      %gather3A_1552 = tpu.vector_load_idx %arg10[%add3A_1507, %add3A_1551] : memref<64x128xf32, #tpu.memory_space<vmem>>[vector<16xi32>, vector<16xi32>], vector<16xf32>,
      %add3A_1553 = arith.constant 0 : i32
      %add3A_1554 = vector.broadcast %add3A_1553 : i32 to vector<16xi32>
      %add3A_1555 = arith.addi %shift_left3A_1530, %add3A_1554 : vector<16xi32>
      %gather3A_1556 = tpu.vector_load_idx %arg11[%add3A_1507, %add3A_1555] : memref<64x128xf32, #tpu.memory_space<vmem>>[vector<16xi32>, vector<16xi32>], vector<16xf32>,
      %add3A_1557 = arith.constant 0 : i32
      %add3A_1558 = vector.broadcast %add3A_1557 : i32 to vector<16xi32>
      %add3A_1559 = arith.addi %shift_left3A_1539, %add3A_1558 : vector<16xi32>
      %gather3A_1560 = tpu.vector_load_idx %arg12[%add3A_1507, %add3A_1559] : memref<64x128xf32, #tpu.memory_space<vmem>>[vector<16xi32>, vector<16xi32>], vector<16xf32>,
      %add3A_1561 = arith.addf %gather3A_1556, %gather3A_1560 : vector<16xf32>
      %add3A_1562 = arith.constant 0 : i32
      %add3A_1563 = vector.broadcast %add3A_1562 : i32 to vector<16xi32>
      %add3A_1564 = arith.addi %shift_left3A_1548, %add3A_1563 : vector<16xi32>
      %gather3A_1565 = tpu.vector_load_idx %arg13[%add3A_1507, %add3A_1564] : memref<64x128xf32, #tpu.memory_space<vmem>>[vector<16xi32>, vector<16xi32>], vector<16xf32>,
      %add3A_1566 = arith.addf %add3A_1561, %gather3A_1565 : vector<16xf32>
      %add3A_1567 = arith.constant 0 : i32
      %add3A_1568 = vector.broadcast %add3A_1567 : i32 to vector<16xi32>
      %add3A_1569 = arith.addi %mul3A_1512, %add3A_1568 : vector<16xi32>
      tpu.vector_store_idx %arg14[%add3A_1569], %gather3A_1552 : memref<16384xf32, #tpu.memory_space<vmem>>[vector<16xi32>], vector<16xf32>,
      %add3A_1570 = arith.constant 16 : i32
      %add3A_1571 = vector.broadcast %add3A_1570 : i32 to vector<16xi32>
      %add3A_1572 = arith.addi %mul3A_1512, %add3A_1571 : vector<16xi32>
      tpu.vector_store_idx %arg14[%add3A_1572], %add3A_1566 : memref<16384xf32, #tpu.memory_space<vmem>>[vector<16xi32>], vector<16xf32>,
      %add3A_1573 = arith.constant 1 : i32
      %add3A_1574 = vector.broadcast %add3A_1573 : i32 to vector<16xi32>
      %add3A_1575 = arith.addi %shift_left3A_1521, %add3A_1574 : vector<16xi32>
      %gather3A_1576 = tpu.vector_load_idx %arg10[%add3A_1507, %add3A_1575] : memref<64x128xf32, #tpu.memory_space<vmem>>[vector<16xi32>, vector<16xi32>], vector<16xf32>,
      %add3A_1577 = arith.constant 1 : i32
      %add3A_1578 = vector.broadcast %add3A_1577 : i32 to vector<16xi32>
      %add3A_1579 = arith.addi %shift_left3A_1530, %add3A_1578 : vector<16xi32>
      %gather3A_1580 = tpu.vector_load_idx %arg11[%add3A_1507, %add3A_1579] : memref<64x128xf32, #tpu.memory_space<vmem>>[vector<16xi32>, vector<16xi32>], vector<16xf32>,
      %add3A_1581 = arith.constant 1 : i32
      %add3A_1582 = vector.broadcast %add3A_1581 : i32 to vector<16xi32>
      %add3A_1583 = arith.addi %shift_left3A_1539, %add3A_1582 : vector<16xi32>
      %gather3A_1584 = tpu.vector_load_idx %arg12[%add3A_1507, %add3A_1583] : memref<64x128xf32, #tpu.memory_space<vmem>>[vector<16xi32>, vector<16xi32>], vector<16xf32>,
      %add3A_1585 = arith.addf %gather3A_1580, %gather3A_1584 : vector<16xf32>
      %add3A_1586 = arith.constant 1 : i32
      %add3A_1587 = vector.broadcast %add3A_1586 : i32 to vector<16xi32>
      %add3A_1588 = arith.addi %shift_left3A_1548, %add3A_1587 : vector<16xi32>
      %gather3A_1589 = tpu.vector_load_idx %arg13[%add3A_1507, %add3A_1588] : memref<64x128xf32, #tpu.memory_space<vmem>>[vector<16xi32>, vector<16xi32>], vector<16xf32>,
      %add3A_1590 = arith.addf %add3A_1585, %gather3A_1589 : vector<16xf32>
      %add3A_1591 = arith.constant 1 : i32
      %add3A_1592 = vector.broadcast %add3A_1591 : i32 to vector<16xi32>
      %add3A_1593 = arith.addi %mul3A_1512, %add3A_1592 : vector<16xi32>
      tpu.vector_store_idx %arg14[%add3A_1593], %gather3A_1576 : memref<16384xf32, #tpu.memory_space<vmem>>[vector<16xi32>], vector<16xf32>,
      %add3A_1594 = arith.constant 17 : i32
      %add3A_1595 = vector.broadcast %add3A_1594 : i32 to vector<16xi32>
      %add3A_1596 = arith.addi %mul3A_1512, %add3A_1595 : vector<16xi32>
      tpu.vector_store_idx %arg14[%add3A_1596], %add3A_1590 : memref<16384xf32, #tpu.memory_space<vmem>>[vector<16xi32>], vector<16xf32>,
      %add3A_1597 = arith.constant 2 : i32
      %add3A_1598 = vector.broadcast %add3A_1597 : i32 to vector<16xi32>
      %add3A_1599 = arith.addi %shift_left3A_1521, %add3A_1598 : vector<16xi32>
      %gather3A_1600 = tpu.vector_load_idx %arg10[%add3A_1507, %add3A_1599] : memref<64x128xf32, #tpu.memory_space<vmem>>[vector<16xi32>, vector<16xi32>], vector<16xf32>,
      %add3A_1601 = arith.constant 2 : i32
      %add3A_1602 = vector.broadcast %add3A_1601 : i32 to vector<16xi32>
      %add3A_1603 = arith.addi %shift_left3A_1530, %add3A_1602 : vector<16xi32>
      %gather3A_1604 = tpu.vector_load_idx %arg11[%add3A_1507, %add3A_1603] : memref<64x128xf32, #tpu.memory_space<vmem>>[vector<16xi32>, vector<16xi32>], vector<16xf32>,
      %add3A_1605 = arith.constant 2 : i32
      %add3A_1606 = vector.broadcast %add3A_1605 : i32 to vector<16xi32>
      %add3A_1607 = arith.addi %shift_left3A_1539, %add3A_1606 : vector<16xi32>
      %gather3A_1608 = tpu.vector_load_idx %arg12[%add3A_1507, %add3A_1607] : memref<64x128xf32, #tpu.memory_space<vmem>>[vector<16xi32>, vector<16xi32>], vector<16xf32>,
      %add3A_1609 = arith.addf %gather3A_1604, %gather3A_1608 : vector<16xf32>
      %add3A_1610 = arith.constant 2 : i32
      %add3A_1611 = vector.broadcast %add3A_1610 : i32 to vector<16xi32>
      %add3A_1612 = arith.addi %shift_left3A_1548, %add3A_1611 : vector<16xi32>
      %gather3A_1613 = tpu.vector_load_idx %arg13[%add3A_1507, %add3A_1612] : memref<64x128xf32, #tpu.memory_space<vmem>>[vector<16xi32>, vector<16xi32>], vector<16xf32>,
      %add3A_1614 = arith.addf %add3A_1609, %gather3A_1613 : vector<16xf32>
      %add3A_1615 = arith.constant 2 : i32
      %add3A_1616 = vector.broadcast %add3A_1615 : i32 to vector<16xi32>
      %add3A_1617 = arith.addi %mul3A_1512, %add3A_1616 : vector<16xi32>
      tpu.vector_store_idx %arg14[%add3A_1617], %gather3A_1600 : memref<16384xf32, #tpu.memory_space<vmem>>[vector<16xi32>], vector<16xf32>,
      %add3A_1618 = arith.constant 18 : i32
      %add3A_1619 = vector.broadcast %add3A_1618 : i32 to vector<16xi32>
      %add3A_1620 = arith.addi %mul3A_1512, %add3A_1619 : vector<16xi32>
      tpu.vector_store_idx %arg14[%add3A_1620], %add3A_1614 : memref<16384xf32, #tpu.memory_space<vmem>>[vector<16xi32>], vector<16xf32>,
      %add3A_1621 = arith.constant 3 : i32
      %add3A_1622 = vector.broadcast %add3A_1621 : i32 to vector<16xi32>
      %add3A_1623 = arith.addi %shift_left3A_1521, %add3A_1622 : vector<16xi32>
      %gather3A_1624 = tpu.vector_load_idx %arg10[%add3A_1507, %add3A_1623] : memref<64x128xf32, #tpu.memory_space<vmem>>[vector<16xi32>, vector<16xi32>], vector<16xf32>,
      %add3A_1625 = arith.constant 3 : i32
      %add3A_1626 = vector.broadcast %add3A_1625 : i32 to vector<16xi32>
      %add3A_1627 = arith.addi %shift_left3A_1530, %add3A_1626 : vector<16xi32>
      %gather3A_1628 = tpu.vector_load_idx %arg11[%add3A_1507, %add3A_1627] : memref<64x128xf32, #tpu.memory_space<vmem>>[vector<16xi32>, vector<16xi32>], vector<16xf32>,
      %add3A_1629 = arith.constant 3 : i32
      %add3A_1630 = vector.broadcast %add3A_1629 : i32 to vector<16xi32>
      %add3A_1631 = arith.addi %shift_left3A_1539, %add3A_1630 : vector<16xi32>
      %gather3A_1632 = tpu.vector_load_idx %arg12[%add3A_1507, %add3A_1631] : memref<64x128xf32, #tpu.memory_space<vmem>>[vector<16xi32>, vector<16xi32>], vector<16xf32>,
      %add3A_1633 = arith.addf %gather3A_1628, %gather3A_1632 : vector<16xf32>
      %add3A_1634 = arith.constant 3 : i32
      %add3A_1635 = vector.broadcast %add3A_1634 : i32 to vector<16xi32>
      %add3A_1636 = arith.addi %shift_left3A_1548, %add3A_1635 : vector<16xi32>
      %gather3A_1637 = tpu.vector_load_idx %arg13[%add3A_1507, %add3A_1636] : memref<64x128xf32, #tpu.memory_space<vmem>>[vector<16xi32>, vector<16xi32>], vector<16xf32>,
      %add3A_1638 = arith.addf %add3A_1633, %gather3A_1637 : vector<16xf32>
      %add3A_1639 = arith.constant 3 : i32
      %add3A_1640 = vector.broadcast %add3A_1639 : i32 to vector<16xi32>
      %add3A_1641 = arith.addi %mul3A_1512, %add3A_1640 : vector<16xi32>
      tpu.vector_store_idx %arg14[%add3A_1641], %gather3A_1624 : memref<16384xf32, #tpu.memory_space<vmem>>[vector<16xi32>], vector<16xf32>,
      %add3A_1642 = arith.constant 19 : i32
      %add3A_1643 = vector.broadcast %add3A_1642 : i32 to vector<16xi32>
      %add3A_1644 = arith.addi %mul3A_1512, %add3A_1643 : vector<16xi32>
      tpu.vector_store_idx %arg14[%add3A_1644], %add3A_1638 : memref<16384xf32, #tpu.memory_space<vmem>>[vector<16xi32>], vector<16xf32>,
      %add3A_1645 = arith.constant 4 : i32
      %add3A_1646 = vector.broadcast %add3A_1645 : i32 to vector<16xi32>
      %add3A_1647 = arith.addi %shift_left3A_1521, %add3A_1646 : vector<16xi32>
      %gather3A_1648 = tpu.vector_load_idx %arg10[%add3A_1507, %add3A_1647] : memref<64x128xf32, #tpu.memory_space<vmem>>[vector<16xi32>, vector<16xi32>], vector<16xf32>,
      %add3A_1649 = arith.constant 4 : i32
      %add3A_1650 = vector.broadcast %add3A_1649 : i32 to vector<16xi32>
      %add3A_1651 = arith.addi %shift_left3A_1530, %add3A_1650 : vector<16xi32>
      %gather3A_1652 = tpu.vector_load_idx %arg11[%add3A_1507, %add3A_1651] : memref<64x128xf32, #tpu.memory_space<vmem>>[vector<16xi32>, vector<16xi32>], vector<16xf32>,
      %add3A_1653 = arith.constant 4 : i32
      %add3A_1654 = vector.broadcast %add3A_1653 : i32 to vector<16xi32>
      %add3A_1655 = arith.addi %shift_left3A_1539, %add3A_1654 : vector<16xi32>
      %gather3A_1656 = tpu.vector_load_idx %arg12[%add3A_1507, %add3A_1655] : memref<64x128xf32, #tpu.memory_space<vmem>>[vector<16xi32>, vector<16xi32>], vector<16xf32>,
      %add3A_1657 = arith.addf %gather3A_1652, %gather3A_1656 : vector<16xf32>
      %add3A_1658 = arith.constant 4 : i32
      %add3A_1659 = vector.broadcast %add3A_1658 : i32 to vector<16xi32>
      %add3A_1660 = arith.addi %shift_left3A_1548, %add3A_1659 : vector<16xi32>
      %gather3A_1661 = tpu.vector_load_idx %arg13[%add3A_1507, %add3A_1660] : memref<64x128xf32, #tpu.memory_space<vmem>>[vector<16xi32>, vector<16xi32>], vector<16xf32>,
      %add3A_1662 = arith.addf %add3A_1657, %gather3A_1661 : vector<16xf32>
      %add3A_1663 = arith.constant 4 : i32
      %add3A_1664 = vector.broadcast %add3A_1663 : i32 to vector<16xi32>
      %add3A_1665 = arith.addi %mul3A_1512, %add3A_1664 : vector<16xi32>
      tpu.vector_store_idx %arg14[%add3A_1665], %gather3A_1648 : memref<16384xf32, #tpu.memory_space<vmem>>[vector<16xi32>], vector<16xf32>,
      %add3A_1666 = arith.constant 20 : i32
      %add3A_1667 = vector.broadcast %add3A_1666 : i32 to vector<16xi32>
      %add3A_1668 = arith.addi %mul3A_1512, %add3A_1667 : vector<16xi32>
      tpu.vector_store_idx %arg14[%add3A_1668], %add3A_1662 : memref<16384xf32, #tpu.memory_space<vmem>>[vector<16xi32>], vector<16xf32>,
      %add3A_1669 = arith.constant 5 : i32
      %add3A_1670 = vector.broadcast %add3A_1669 : i32 to vector<16xi32>
      %add3A_1671 = arith.addi %shift_left3A_1521, %add3A_1670 : vector<16xi32>
      %gather3A_1672 = tpu.vector_load_idx %arg10[%add3A_1507, %add3A_1671] : memref<64x128xf32, #tpu.memory_space<vmem>>[vector<16xi32>, vector<16xi32>], vector<16xf32>,
      %add3A_1673 = arith.constant 5 : i32
      %add3A_1674 = vector.broadcast %add3A_1673 : i32 to vector<16xi32>
      %add3A_1675 = arith.addi %shift_left3A_1530, %add3A_1674 : vector<16xi32>
      %gather3A_1676 = tpu.vector_load_idx %arg11[%add3A_1507, %add3A_1675] : memref<64x128xf32, #tpu.memory_space<vmem>>[vector<16xi32>, vector<16xi32>], vector<16xf32>,
      %add3A_1677 = arith.constant 5 : i32
      %add3A_1678 = vector.broadcast %add3A_1677 : i32 to vector<16xi32>
      %add3A_1679 = arith.addi %shift_left3A_1539, %add3A_1678 : vector<16xi32>
      %gather3A_1680 = tpu.vector_load_idx %arg12[%add3A_1507, %add3A_1679] : memref<64x128xf32, #tpu.memory_space<vmem>>[vector<16xi32>, vector<16xi32>], vector<16xf32>,
      %add3A_1681 = arith.addf %gather3A_1676, %gather3A_1680 : vector<16xf32>
      %add3A_1682 = arith.constant 5 : i32
      %add3A_1683 = vector.broadcast %add3A_1682 : i32 to vector<16xi32>
      %add3A_1684 = arith.addi %shift_left3A_1548, %add3A_1683 : vector<16xi32>
      %gather3A_1685 = tpu.vector_load_idx %arg13[%add3A_1507, %add3A_1684] : memref<64x128xf32, #tpu.memory_space<vmem>>[vector<16xi32>, vector<16xi32>], vector<16xf32>,
      %add3A_1686 = arith.addf %add3A_1681, %gather3A_1685 : vector<16xf32>
      %add3A_1687 = arith.constant 5 : i32
      %add3A_1688 = vector.broadcast %add3A_1687 : i32 to vector<16xi32>
      %add3A_1689 = arith.addi %mul3A_1512, %add3A_1688 : vector<16xi32>
      tpu.vector_store_idx %arg14[%add3A_1689], %gather3A_1672 : memref<16384xf32, #tpu.memory_space<vmem>>[vector<16xi32>], vector<16xf32>,
      %add3A_1690 = arith.constant 21 : i32
      %add3A_1691 = vector.broadcast %add3A_1690 : i32 to vector<16xi32>
      %add3A_1692 = arith.addi %mul3A_1512, %add3A_1691 : vector<16xi32>
      tpu.vector_store_idx %arg14[%add3A_1692], %add3A_1686 : memref<16384xf32, #tpu.memory_space<vmem>>[vector<16xi32>], vector<16xf32>,
      %add3A_1693 = arith.constant 6 : i32
      %add3A_1694 = vector.broadcast %add3A_1693 : i32 to vector<16xi32>
      %add3A_1695 = arith.addi %shift_left3A_1521, %add3A_1694 : vector<16xi32>
      %gather3A_1696 = tpu.vector_load_idx %arg10[%add3A_1507, %add3A_1695] : memref<64x128xf32, #tpu.memory_space<vmem>>[vector<16xi32>, vector<16xi32>], vector<16xf32>,
      %add3A_1697 = arith.constant 6 : i32
      %add3A_1698 = vector.broadcast %add3A_1697 : i32 to vector<16xi32>
      %add3A_1699 = arith.addi %shift_left3A_1530, %add3A_1698 : vector<16xi32>
      %gather3A_1700 = tpu.vector_load_idx %arg11[%add3A_1507, %add3A_1699] : memref<64x128xf32, #tpu.memory_space<vmem>>[vector<16xi32>, vector<16xi32>], vector<16xf32>,
      %add3A_1701 = arith.constant 6 : i32
      %add3A_1702 = vector.broadcast %add3A_1701 : i32 to vector<16xi32>
      %add3A_1703 = arith.addi %shift_left3A_1539, %add3A_1702 : vector<16xi32>
      %gather3A_1704 = tpu.vector_load_idx %arg12[%add3A_1507, %add3A_1703] : memref<64x128xf32, #tpu.memory_space<vmem>>[vector<16xi32>, vector<16xi32>], vector<16xf32>,
      %add3A_1705 = arith.addf %gather3A_1700, %gather3A_1704 : vector<16xf32>
      %add3A_1706 = arith.constant 6 : i32
      %add3A_1707 = vector.broadcast %add3A_1706 : i32 to vector<16xi32>
      %add3A_1708 = arith.addi %shift_left3A_1548, %add3A_1707 : vector<16xi32>
      %gather3A_1709 = tpu.vector_load_idx %arg13[%add3A_1507, %add3A_1708] : memref<64x128xf32, #tpu.memory_space<vmem>>[vector<16xi32>, vector<16xi32>], vector<16xf32>,
      %add3A_1710 = arith.addf %add3A_1705, %gather3A_1709 : vector<16xf32>
      %add3A_1711 = arith.constant 6 : i32
      %add3A_1712 = vector.broadcast %add3A_1711 : i32 to vector<16xi32>
      %add3A_1713 = arith.addi %mul3A_1512, %add3A_1712 : vector<16xi32>
      tpu.vector_store_idx %arg14[%add3A_1713], %gather3A_1696 : memref<16384xf32, #tpu.memory_space<vmem>>[vector<16xi32>], vector<16xf32>,
      %add3A_1714 = arith.constant 22 : i32
      %add3A_1715 = vector.broadcast %add3A_1714 : i32 to vector<16xi32>
      %add3A_1716 = arith.addi %mul3A_1512, %add3A_1715 : vector<16xi32>
      tpu.vector_store_idx %arg14[%add3A_1716], %add3A_1710 : memref<16384xf32, #tpu.memory_space<vmem>>[vector<16xi32>], vector<16xf32>,
      %add3A_1717 = arith.constant 7 : i32
      %add3A_1718 = vector.broadcast %add3A_1717 : i32 to vector<16xi32>
      %add3A_1719 = arith.addi %shift_left3A_1521, %add3A_1718 : vector<16xi32>
      %gather3A_1720 = tpu.vector_load_idx %arg10[%add3A_1507, %add3A_1719] : memref<64x128xf32, #tpu.memory_space<vmem>>[vector<16xi32>, vector<16xi32>], vector<16xf32>,
      %add3A_1721 = arith.constant 7 : i32
      %add3A_1722 = vector.broadcast %add3A_1721 : i32 to vector<16xi32>
      %add3A_1723 = arith.addi %shift_left3A_1530, %add3A_1722 : vector<16xi32>
      %gather3A_1724 = tpu.vector_load_idx %arg11[%add3A_1507, %add3A_1723] : memref<64x128xf32, #tpu.memory_space<vmem>>[vector<16xi32>, vector<16xi32>], vector<16xf32>,
      %add3A_1725 = arith.constant 7 : i32
      %add3A_1726 = vector.broadcast %add3A_1725 : i32 to vector<16xi32>
      %add3A_1727 = arith.addi %shift_left3A_1539, %add3A_1726 : vector<16xi32>
      %gather3A_1728 = tpu.vector_load_idx %arg12[%add3A_1507, %add3A_1727] : memref<64x128xf32, #tpu.memory_space<vmem>>[vector<16xi32>, vector<16xi32>], vector<16xf32>,
      %add3A_1729 = arith.addf %gather3A_1724, %gather3A_1728 : vector<16xf32>
      %add3A_1730 = arith.constant 7 : i32
      %add3A_1731 = vector.broadcast %add3A_1730 : i32 to vector<16xi32>
      %add3A_1732 = arith.addi %shift_left3A_1548, %add3A_1731 : vector<16xi32>
      %gather3A_1733 = tpu.vector_load_idx %arg13[%add3A_1507, %add3A_1732] : memref<64x128xf32, #tpu.memory_space<vmem>>[vector<16xi32>, vector<16xi32>], vector<16xf32>,
      %add3A_1734 = arith.addf %add3A_1729, %gather3A_1733 : vector<16xf32>
      %add3A_1735 = arith.constant 7 : i32
      %add3A_1736 = vector.broadcast %add3A_1735 : i32 to vector<16xi32>
      %add3A_1737 = arith.addi %mul3A_1512, %add3A_1736 : vector<16xi32>
      tpu.vector_store_idx %arg14[%add3A_1737], %gather3A_1720 : memref<16384xf32, #tpu.memory_space<vmem>>[vector<16xi32>], vector<16xf32>,
      %add3A_1738 = arith.constant 23 : i32
      %add3A_1739 = vector.broadcast %add3A_1738 : i32 to vector<16xi32>
      %add3A_1740 = arith.addi %mul3A_1512, %add3A_1739 : vector<16xi32>
      tpu.vector_store_idx %arg14[%add3A_1740], %add3A_1734 : memref<16384xf32, #tpu.memory_space<vmem>>[vector<16xi32>], vector<16xf32>,
      %add3A_1741 = arith.constant 8 : i32
      %add3A_1742 = vector.broadcast %add3A_1741 : i32 to vector<16xi32>
      %add3A_1743 = arith.addi %shift_left3A_1521, %add3A_1742 : vector<16xi32>
      %gather3A_1744 = tpu.vector_load_idx %arg10[%add3A_1507, %add3A_1743] : memref<64x128xf32, #tpu.memory_space<vmem>>[vector<16xi32>, vector<16xi32>], vector<16xf32>,
      %add3A_1745 = arith.constant 8 : i32
      %add3A_1746 = vector.broadcast %add3A_1745 : i32 to vector<16xi32>
      %add3A_1747 = arith.addi %shift_left3A_1530, %add3A_1746 : vector<16xi32>
      %gather3A_1748 = tpu.vector_load_idx %arg11[%add3A_1507, %add3A_1747] : memref<64x128xf32, #tpu.memory_space<vmem>>[vector<16xi32>, vector<16xi32>], vector<16xf32>,
      %add3A_1749 = arith.constant 8 : i32
      %add3A_1750 = vector.broadcast %add3A_1749 : i32 to vector<16xi32>
      %add3A_1751 = arith.addi %shift_left3A_1539, %add3A_1750 : vector<16xi32>
      %gather3A_1752 = tpu.vector_load_idx %arg12[%add3A_1507, %add3A_1751] : memref<64x128xf32, #tpu.memory_space<vmem>>[vector<16xi32>, vector<16xi32>], vector<16xf32>,
      %add3A_1753 = arith.addf %gather3A_1748, %gather3A_1752 : vector<16xf32>
      %add3A_1754 = arith.constant 8 : i32
      %add3A_1755 = vector.broadcast %add3A_1754 : i32 to vector<16xi32>
      %add3A_1756 = arith.addi %shift_left3A_1548, %add3A_1755 : vector<16xi32>
      %gather3A_1757 = tpu.vector_load_idx %arg13[%add3A_1507, %add3A_1756] : memref<64x128xf32, #tpu.memory_space<vmem>>[vector<16xi32>, vector<16xi32>], vector<16xf32>,
      %add3A_1758 = arith.addf %add3A_1753, %gather3A_1757 : vector<16xf32>
      %add3A_1759 = arith.constant 8 : i32
      %add3A_1760 = vector.broadcast %add3A_1759 : i32 to vector<16xi32>
      %add3A_1761 = arith.addi %mul3A_1512, %add3A_1760 : vector<16xi32>
      tpu.vector_store_idx %arg14[%add3A_1761], %gather3A_1744 : memref<16384xf32, #tpu.memory_space<vmem>>[vector<16xi32>], vector<16xf32>,
      %add3A_1762 = arith.constant 24 : i32
      %add3A_1763 = vector.broadcast %add3A_1762 : i32 to vector<16xi32>
      %add3A_1764 = arith.addi %mul3A_1512, %add3A_1763 : vector<16xi32>
      tpu.vector_store_idx %arg14[%add3A_1764], %add3A_1758 : memref<16384xf32, #tpu.memory_space<vmem>>[vector<16xi32>], vector<16xf32>,
      %add3A_1765 = arith.constant 9 : i32
      %add3A_1766 = vector.broadcast %add3A_1765 : i32 to vector<16xi32>
      %add3A_1767 = arith.addi %shift_left3A_1521, %add3A_1766 : vector<16xi32>
      %gather3A_1768 = tpu.vector_load_idx %arg10[%add3A_1507, %add3A_1767] : memref<64x128xf32, #tpu.memory_space<vmem>>[vector<16xi32>, vector<16xi32>], vector<16xf32>,
      %add3A_1769 = arith.constant 9 : i32
      %add3A_1770 = vector.broadcast %add3A_1769 : i32 to vector<16xi32>
      %add3A_1771 = arith.addi %shift_left3A_1530, %add3A_1770 : vector<16xi32>
      %gather3A_1772 = tpu.vector_load_idx %arg11[%add3A_1507, %add3A_1771] : memref<64x128xf32, #tpu.memory_space<vmem>>[vector<16xi32>, vector<16xi32>], vector<16xf32>,
      %add3A_1773 = arith.constant 9 : i32
      %add3A_1774 = vector.broadcast %add3A_1773 : i32 to vector<16xi32>
      %add3A_1775 = arith.addi %shift_left3A_1539, %add3A_1774 : vector<16xi32>
      %gather3A_1776 = tpu.vector_load_idx %arg12[%add3A_1507, %add3A_1775] : memref<64x128xf32, #tpu.memory_space<vmem>>[vector<16xi32>, vector<16xi32>], vector<16xf32>,
      %add3A_1777 = arith.addf %gather3A_1772, %gather3A_1776 : vector<16xf32>
      %add3A_1778 = arith.constant 9 : i32
      %add3A_1779 = vector.broadcast %add3A_1778 : i32 to vector<16xi32>
      %add3A_1780 = arith.addi %shift_left3A_1548, %add3A_1779 : vector<16xi32>
      %gather3A_1781 = tpu.vector_load_idx %arg13[%add3A_1507, %add3A_1780] : memref<64x128xf32, #tpu.memory_space<vmem>>[vector<16xi32>, vector<16xi32>], vector<16xf32>,
      %add3A_1782 = arith.addf %add3A_1777, %gather3A_1781 : vector<16xf32>
      %add3A_1783 = arith.constant 9 : i32
      %add3A_1784 = vector.broadcast %add3A_1783 : i32 to vector<16xi32>
      %add3A_1785 = arith.addi %mul3A_1512, %add3A_1784 : vector<16xi32>
      tpu.vector_store_idx %arg14[%add3A_1785], %gather3A_1768 : memref<16384xf32, #tpu.memory_space<vmem>>[vector<16xi32>], vector<16xf32>,
      %add3A_1786 = arith.constant 25 : i32
      %add3A_1787 = vector.broadcast %add3A_1786 : i32 to vector<16xi32>
      %add3A_1788 = arith.addi %mul3A_1512, %add3A_1787 : vector<16xi32>
      tpu.vector_store_idx %arg14[%add3A_1788], %add3A_1782 : memref<16384xf32, #tpu.memory_space<vmem>>[vector<16xi32>], vector<16xf32>,
      %add3A_1789 = arith.constant 10 : i32
      %add3A_1790 = vector.broadcast %add3A_1789 : i32 to vector<16xi32>
      %add3A_1791 = arith.addi %shift_left3A_1521, %add3A_1790 : vector<16xi32>
      %gather3A_1792 = tpu.vector_load_idx %arg10[%add3A_1507, %add3A_1791] : memref<64x128xf32, #tpu.memory_space<vmem>>[vector<16xi32>, vector<16xi32>], vector<16xf32>,
      %add3A_1793 = arith.constant 10 : i32
      %add3A_1794 = vector.broadcast %add3A_1793 : i32 to vector<16xi32>
      %add3A_1795 = arith.addi %shift_left3A_1530, %add3A_1794 : vector<16xi32>
      %gather3A_1796 = tpu.vector_load_idx %arg11[%add3A_1507, %add3A_1795] : memref<64x128xf32, #tpu.memory_space<vmem>>[vector<16xi32>, vector<16xi32>], vector<16xf32>,
      %add3A_1797 = arith.constant 10 : i32
      %add3A_1798 = vector.broadcast %add3A_1797 : i32 to vector<16xi32>
      %add3A_1799 = arith.addi %shift_left3A_1539, %add3A_1798 : vector<16xi32>
      %gather3A_1800 = tpu.vector_load_idx %arg12[%add3A_1507, %add3A_1799] : memref<64x128xf32, #tpu.memory_space<vmem>>[vector<16xi32>, vector<16xi32>], vector<16xf32>,
      %add3A_1801 = arith.addf %gather3A_1796, %gather3A_1800 : vector<16xf32>
      %add3A_1802 = arith.constant 10 : i32
      %add3A_1803 = vector.broadcast %add3A_1802 : i32 to vector<16xi32>
      %add3A_1804 = arith.addi %shift_left3A_1548, %add3A_1803 : vector<16xi32>
      %gather3A_1805 = tpu.vector_load_idx %arg13[%add3A_1507, %add3A_1804] : memref<64x128xf32, #tpu.memory_space<vmem>>[vector<16xi32>, vector<16xi32>], vector<16xf32>,
      %add3A_1806 = arith.addf %add3A_1801, %gather3A_1805 : vector<16xf32>
      %add3A_1807 = arith.constant 10 : i32
      %add3A_1808 = vector.broadcast %add3A_1807 : i32 to vector<16xi32>
      %add3A_1809 = arith.addi %mul3A_1512, %add3A_1808 : vector<16xi32>
      tpu.vector_store_idx %arg14[%add3A_1809], %gather3A_1792 : memref<16384xf32, #tpu.memory_space<vmem>>[vector<16xi32>], vector<16xf32>,
      %add3A_1810 = arith.constant 26 : i32
      %add3A_1811 = vector.broadcast %add3A_1810 : i32 to vector<16xi32>
      %add3A_1812 = arith.addi %mul3A_1512, %add3A_1811 : vector<16xi32>
      tpu.vector_store_idx %arg14[%add3A_1812], %add3A_1806 : memref<16384xf32, #tpu.memory_space<vmem>>[vector<16xi32>], vector<16xf32>,
      %add3A_1813 = arith.constant 11 : i32
      %add3A_1814 = vector.broadcast %add3A_1813 : i32 to vector<16xi32>
      %add3A_1815 = arith.addi %shift_left3A_1521, %add3A_1814 : vector<16xi32>
      %gather3A_1816 = tpu.vector_load_idx %arg10[%add3A_1507, %add3A_1815] : memref<64x128xf32, #tpu.memory_space<vmem>>[vector<16xi32>, vector<16xi32>], vector<16xf32>,
      %add3A_1817 = arith.constant 11 : i32
      %add3A_1818 = vector.broadcast %add3A_1817 : i32 to vector<16xi32>
      %add3A_1819 = arith.addi %shift_left3A_1530, %add3A_1818 : vector<16xi32>
      %gather3A_1820 = tpu.vector_load_idx %arg11[%add3A_1507, %add3A_1819] : memref<64x128xf32, #tpu.memory_space<vmem>>[vector<16xi32>, vector<16xi32>], vector<16xf32>,
      %add3A_1821 = arith.constant 11 : i32
      %add3A_1822 = vector.broadcast %add3A_1821 : i32 to vector<16xi32>
      %add3A_1823 = arith.addi %shift_left3A_1539, %add3A_1822 : vector<16xi32>
      %gather3A_1824 = tpu.vector_load_idx %arg12[%add3A_1507, %add3A_1823] : memref<64x128xf32, #tpu.memory_space<vmem>>[vector<16xi32>, vector<16xi32>], vector<16xf32>,
      %add3A_1825 = arith.addf %gather3A_1820, %gather3A_1824 : vector<16xf32>
      %add3A_1826 = arith.constant 11 : i32
      %add3A_1827 = vector.broadcast %add3A_1826 : i32 to vector<16xi32>
      %add3A_1828 = arith.addi %shift_left3A_1548, %add3A_1827 : vector<16xi32>
      %gather3A_1829 = tpu.vector_load_idx %arg13[%add3A_1507, %add3A_1828] : memref<64x128xf32, #tpu.memory_space<vmem>>[vector<16xi32>, vector<16xi32>], vector<16xf32>,
      %add3A_1830 = arith.addf %add3A_1825, %gather3A_1829 : vector<16xf32>
      %add3A_1831 = arith.constant 11 : i32
      %add3A_1832 = vector.broadcast %add3A_1831 : i32 to vector<16xi32>
      %add3A_1833 = arith.addi %mul3A_1512, %add3A_1832 : vector<16xi32>
      tpu.vector_store_idx %arg14[%add3A_1833], %gather3A_1816 : memref<16384xf32, #tpu.memory_space<vmem>>[vector<16xi32>], vector<16xf32>,
      %add3A_1834 = arith.constant 27 : i32
      %add3A_1835 = vector.broadcast %add3A_1834 : i32 to vector<16xi32>
      %add3A_1836 = arith.addi %mul3A_1512, %add3A_1835 : vector<16xi32>
      tpu.vector_store_idx %arg14[%add3A_1836], %add3A_1830 : memref<16384xf32, #tpu.memory_space<vmem>>[vector<16xi32>], vector<16xf32>,
      %add3A_1837 = arith.constant 12 : i32
      %add3A_1838 = vector.broadcast %add3A_1837 : i32 to vector<16xi32>
      %add3A_1839 = arith.addi %shift_left3A_1521, %add3A_1838 : vector<16xi32>
      %gather3A_1840 = tpu.vector_load_idx %arg10[%add3A_1507, %add3A_1839] : memref<64x128xf32, #tpu.memory_space<vmem>>[vector<16xi32>, vector<16xi32>], vector<16xf32>,
      %add3A_1841 = arith.constant 12 : i32
      %add3A_1842 = vector.broadcast %add3A_1841 : i32 to vector<16xi32>
      %add3A_1843 = arith.addi %shift_left3A_1530, %add3A_1842 : vector<16xi32>
      %gather3A_1844 = tpu.vector_load_idx %arg11[%add3A_1507, %add3A_1843] : memref<64x128xf32, #tpu.memory_space<vmem>>[vector<16xi32>, vector<16xi32>], vector<16xf32>,
      %add3A_1845 = arith.constant 12 : i32
      %add3A_1846 = vector.broadcast %add3A_1845 : i32 to vector<16xi32>
      %add3A_1847 = arith.addi %shift_left3A_1539, %add3A_1846 : vector<16xi32>
      %gather3A_1848 = tpu.vector_load_idx %arg12[%add3A_1507, %add3A_1847] : memref<64x128xf32, #tpu.memory_space<vmem>>[vector<16xi32>, vector<16xi32>], vector<16xf32>,
      %add3A_1849 = arith.addf %gather3A_1844, %gather3A_1848 : vector<16xf32>
      %add3A_1850 = arith.constant 12 : i32
      %add3A_1851 = vector.broadcast %add3A_1850 : i32 to vector<16xi32>
      %add3A_1852 = arith.addi %shift_left3A_1548, %add3A_1851 : vector<16xi32>
      %gather3A_1853 = tpu.vector_load_idx %arg13[%add3A_1507, %add3A_1852] : memref<64x128xf32, #tpu.memory_space<vmem>>[vector<16xi32>, vector<16xi32>], vector<16xf32>,
      %add3A_1854 = arith.addf %add3A_1849, %gather3A_1853 : vector<16xf32>
      %add3A_1855 = arith.constant 12 : i32
      %add3A_1856 = vector.broadcast %add3A_1855 : i32 to vector<16xi32>
      %add3A_1857 = arith.addi %mul3A_1512, %add3A_1856 : vector<16xi32>
      tpu.vector_store_idx %arg14[%add3A_1857], %gather3A_1840 : memref<16384xf32, #tpu.memory_space<vmem>>[vector<16xi32>], vector<16xf32>,
      %add3A_1858 = arith.constant 28 : i32
      %add3A_1859 = vector.broadcast %add3A_1858 : i32 to vector<16xi32>
      %add3A_1860 = arith.addi %mul3A_1512, %add3A_1859 : vector<16xi32>
      tpu.vector_store_idx %arg14[%add3A_1860], %add3A_1854 : memref<16384xf32, #tpu.memory_space<vmem>>[vector<16xi32>], vector<16xf32>,
      %add3A_1861 = arith.constant 13 : i32
      %add3A_1862 = vector.broadcast %add3A_1861 : i32 to vector<16xi32>
      %add3A_1863 = arith.addi %shift_left3A_1521, %add3A_1862 : vector<16xi32>
      %gather3A_1864 = tpu.vector_load_idx %arg10[%add3A_1507, %add3A_1863] : memref<64x128xf32, #tpu.memory_space<vmem>>[vector<16xi32>, vector<16xi32>], vector<16xf32>,
      %add3A_1865 = arith.constant 13 : i32
      %add3A_1866 = vector.broadcast %add3A_1865 : i32 to vector<16xi32>
      %add3A_1867 = arith.addi %shift_left3A_1530, %add3A_1866 : vector<16xi32>
      %gather3A_1868 = tpu.vector_load_idx %arg11[%add3A_1507, %add3A_1867] : memref<64x128xf32, #tpu.memory_space<vmem>>[vector<16xi32>, vector<16xi32>], vector<16xf32>,
      %add3A_1869 = arith.constant 13 : i32
      %add3A_1870 = vector.broadcast %add3A_1869 : i32 to vector<16xi32>
      %add3A_1871 = arith.addi %shift_left3A_1539, %add3A_1870 : vector<16xi32>
      %gather3A_1872 = tpu.vector_load_idx %arg12[%add3A_1507, %add3A_1871] : memref<64x128xf32, #tpu.memory_space<vmem>>[vector<16xi32>, vector<16xi32>], vector<16xf32>,
      %add3A_1873 = arith.addf %gather3A_1868, %gather3A_1872 : vector<16xf32>
      %add3A_1874 = arith.constant 13 : i32
      %add3A_1875 = vector.broadcast %add3A_1874 : i32 to vector<16xi32>
      %add3A_1876 = arith.addi %shift_left3A_1548, %add3A_1875 : vector<16xi32>
      %gather3A_1877 = tpu.vector_load_idx %arg13[%add3A_1507, %add3A_1876] : memref<64x128xf32, #tpu.memory_space<vmem>>[vector<16xi32>, vector<16xi32>], vector<16xf32>,
      %add3A_1878 = arith.addf %add3A_1873, %gather3A_1877 : vector<16xf32>
      %add3A_1879 = arith.constant 13 : i32
      %add3A_1880 = vector.broadcast %add3A_1879 : i32 to vector<16xi32>
      %add3A_1881 = arith.addi %mul3A_1512, %add3A_1880 : vector<16xi32>
      tpu.vector_store_idx %arg14[%add3A_1881], %gather3A_1864 : memref<16384xf32, #tpu.memory_space<vmem>>[vector<16xi32>], vector<16xf32>,
      %add3A_1882 = arith.constant 29 : i32
      %add3A_1883 = vector.broadcast %add3A_1882 : i32 to vector<16xi32>
      %add3A_1884 = arith.addi %mul3A_1512, %add3A_1883 : vector<16xi32>
      tpu.vector_store_idx %arg14[%add3A_1884], %add3A_1878 : memref<16384xf32, #tpu.memory_space<vmem>>[vector<16xi32>], vector<16xf32>,
      %add3A_1885 = arith.constant 14 : i32
      %add3A_1886 = vector.broadcast %add3A_1885 : i32 to vector<16xi32>
      %add3A_1887 = arith.addi %shift_left3A_1521, %add3A_1886 : vector<16xi32>
      %gather3A_1888 = tpu.vector_load_idx %arg10[%add3A_1507, %add3A_1887] : memref<64x128xf32, #tpu.memory_space<vmem>>[vector<16xi32>, vector<16xi32>], vector<16xf32>,
      %add3A_1889 = arith.constant 14 : i32
      %add3A_1890 = vector.broadcast %add3A_1889 : i32 to vector<16xi32>
      %add3A_1891 = arith.addi %shift_left3A_1530, %add3A_1890 : vector<16xi32>
      %gather3A_1892 = tpu.vector_load_idx %arg11[%add3A_1507, %add3A_1891] : memref<64x128xf32, #tpu.memory_space<vmem>>[vector<16xi32>, vector<16xi32>], vector<16xf32>,
      %add3A_1893 = arith.constant 14 : i32
      %add3A_1894 = vector.broadcast %add3A_1893 : i32 to vector<16xi32>
      %add3A_1895 = arith.addi %shift_left3A_1539, %add3A_1894 : vector<16xi32>
      %gather3A_1896 = tpu.vector_load_idx %arg12[%add3A_1507, %add3A_1895] : memref<64x128xf32, #tpu.memory_space<vmem>>[vector<16xi32>, vector<16xi32>], vector<16xf32>,
      %add3A_1897 = arith.addf %gather3A_1892, %gather3A_1896 : vector<16xf32>
      %add3A_1898 = arith.constant 14 : i32
      %add3A_1899 = vector.broadcast %add3A_1898 : i32 to vector<16xi32>
      %add3A_1900 = arith.addi %shift_left3A_1548, %add3A_1899 : vector<16xi32>
      %gather3A_1901 = tpu.vector_load_idx %arg13[%add3A_1507, %add3A_1900] : memref<64x128xf32, #tpu.memory_space<vmem>>[vector<16xi32>, vector<16xi32>], vector<16xf32>,
      %add3A_1902 = arith.addf %add3A_1897, %gather3A_1901 : vector<16xf32>
      %add3A_1903 = arith.constant 14 : i32
      %add3A_1904 = vector.broadcast %add3A_1903 : i32 to vector<16xi32>
      %add3A_1905 = arith.addi %mul3A_1512, %add3A_1904 : vector<16xi32>
      tpu.vector_store_idx %arg14[%add3A_1905], %gather3A_1888 : memref<16384xf32, #tpu.memory_space<vmem>>[vector<16xi32>], vector<16xf32>,
      %add3A_1906 = arith.constant 30 : i32
      %add3A_1907 = vector.broadcast %add3A_1906 : i32 to vector<16xi32>
      %add3A_1908 = arith.addi %mul3A_1512, %add3A_1907 : vector<16xi32>
      tpu.vector_store_idx %arg14[%add3A_1908], %add3A_1902 : memref<16384xf32, #tpu.memory_space<vmem>>[vector<16xi32>], vector<16xf32>,
      %add3A_1909 = arith.constant 15 : i32
      %add3A_1910 = vector.broadcast %add3A_1909 : i32 to vector<16xi32>
      %add3A_1911 = arith.addi %shift_left3A_1521, %add3A_1910 : vector<16xi32>
      %gather3A_1912 = tpu.vector_load_idx %arg10[%add3A_1507, %add3A_1911] : memref<64x128xf32, #tpu.memory_space<vmem>>[vector<16xi32>, vector<16xi32>], vector<16xf32>,
      %add3A_1913 = arith.constant 15 : i32
      %add3A_1914 = vector.broadcast %add3A_1913 : i32 to vector<16xi32>
      %add3A_1915 = arith.addi %shift_left3A_1530, %add3A_1914 : vector<16xi32>
      %gather3A_1916 = tpu.vector_load_idx %arg11[%add3A_1507, %add3A_1915] : memref<64x128xf32, #tpu.memory_space<vmem>>[vector<16xi32>, vector<16xi32>], vector<16xf32>,
      %add3A_1917 = arith.constant 15 : i32
      %add3A_1918 = vector.broadcast %add3A_1917 : i32 to vector<16xi32>
      %add3A_1919 = arith.addi %shift_left3A_1539, %add3A_1918 : vector<16xi32>
      %gather3A_1920 = tpu.vector_load_idx %arg12[%add3A_1507, %add3A_1919] : memref<64x128xf32, #tpu.memory_space<vmem>>[vector<16xi32>, vector<16xi32>], vector<16xf32>,
      %add3A_1921 = arith.addf %gather3A_1916, %gather3A_1920 : vector<16xf32>
      %add3A_1922 = arith.constant 15 : i32
      %add3A_1923 = vector.broadcast %add3A_1922 : i32 to vector<16xi32>
      %add3A_1924 = arith.addi %shift_left3A_1548, %add3A_1923 : vector<16xi32>
      %gather3A_1925 = tpu.vector_load_idx %arg13[%add3A_1507, %add3A_1924] : memref<64x128xf32, #tpu.memory_space<vmem>>[vector<16xi32>, vector<16xi32>], vector<16xf32>,
      %add3A_1926 = arith.addf %add3A_1921, %gather3A_1925 : vector<16xf32>
      %add3A_1927 = arith.constant 15 : i32
      %add3A_1928 = vector.broadcast %add3A_1927 : i32 to vector<16xi32>
      %add3A_1929 = arith.addi %mul3A_1512, %add3A_1928 : vector<16xi32>
      tpu.vector_store_idx %arg14[%add3A_1929], %gather3A_1912 : memref<16384xf32, #tpu.memory_space<vmem>>[vector<16xi32>], vector<16xf32>,
      %add3A_1930 = arith.constant 31 : i32
      %add3A_1931 = vector.broadcast %add3A_1930 : i32 to vector<16xi32>
      %add3A_1932 = arith.addi %mul3A_1512, %add3A_1931 : vector<16xi32>
      tpu.vector_store_idx %arg14[%add3A_1932], %add3A_1926 : memref<16384xf32, #tpu.memory_space<vmem>>[vector<16xi32>], vector<16xf32>,
    }
    %scan3A_7 = arith.constant 8 : i32
    %mul3A_8 = arith.constant 32 : i32
    %mul3A_9 = arith.muli %mul3A_2, %mul3A_8 : i32
    "tpu.region"() ({
      %run_scoped3A = tpu.sem_alloc : memref<!tpu.dma_semaphore, #tpu.memory_space<semaphore_mem>>
      %dma_start3A = tpu.memref_slice %arg4[%mul3A_9] : memref<524288xf32, #tpu.memory_space<hbm>> -> memref<16384xf32, #tpu.memory_space<hbm>>
      %dma_start3A_10 = tpu.memref_slice %arg4[%mul3A_9] : memref<524288xf32, #tpu.memory_space<hbm>> -> memref<16384xf32, #tpu.memory_space<hbm>>
      tpu.enqueue_dma source(%arg14 : memref<16384xf32, #tpu.memory_space<vmem>>) target(%dma_start3A_10 : memref<16384xf32, #tpu.memory_space<hbm>>) target_semaphore(%run_scoped3A : memref<!tpu.dma_semaphore, #tpu.memory_space<semaphore_mem>>)
      %dma_wait3A = tpu.memref_slice %arg4[%mul3A_9] : memref<524288xf32, #tpu.memory_space<hbm>> -> memref<16384xf32, #tpu.memory_space<hbm>>
      %dma_wait3A_11 = tpu.memref_slice %arg4[%mul3A_9] : memref<524288xf32, #tpu.memory_space<hbm>> -> memref<16384xf32, #tpu.memory_space<hbm>>
      tpu.wait_dma2 semaphore(%run_scoped3A : memref<!tpu.dma_semaphore, #tpu.memory_space<semaphore_mem>>) src(%arg14 : memref<16384xf32, #tpu.memory_space<vmem>>) dst(%dma_wait3A_11 : memref<16384xf32, #tpu.memory_space<hbm>>)
      tpu.yield
    }) : () -> ()
    return
  }
}

#map = affine_map<(d0, d1) -> (0, 0)>
#map1 = affine_map<(d0, d1) -> (0)>
module attributes {stable_mosaic.version = 14 : i64} {
  func.func @_k2_body(%arg0: i32, %arg1: i32, %arg2: memref<5x16384xi32, #tpu.memory_space<hbm>>, %arg3: memref<100000x112xf32, #tpu.memory_space<hbm>>, %arg4: memref<524288xf32, #tpu.memory_space<hbm>>, %arg5: memref<16384xf32, #tpu.memory_space<hbm>>, %arg6: memref<5x512xi32, #tpu.memory_space<vmem>>, %arg7: memref<512x112xf32, #tpu.memory_space<vmem>>, %arg8: memref<16384xf32, #tpu.memory_space<vmem>>, %arg9: memref<512xf32, #tpu.memory_space<vmem>>, %arg10: memref<!tpu.dma_semaphore, #tpu.memory_space<semaphore_mem>>) attributes {dimension_semantics = [#tpu.dimension_semantics<core_parallel>, #tpu.dimension_semantics<subcore_parallel>], iteration_bounds = array<i64: 2, 16>, scalar_prefetch = 0 : i64, scratch_operands = 5 : i64, tpu.core_type = #tpu.core_type<sc_vector_subcore>, window_params = [{transform_indices = #map}, {transform_indices = #map}, {transform_indices = #map1}, {transform_indices = #map1}]} {
    %mul3A = arith.constant 2 : i32
    %mul3A_0 = arith.muli %arg1, %mul3A : i32
    %add3A = arith.addi %mul3A_0, %arg0 : i32
    %mul3A_1 = arith.constant 512 : i32
    %mul3A_2 = arith.muli %add3A, %mul3A_1 : i32
    %iota3A = tpu.iota {dimensions = array<i32: 0>} : vector<16xi32>
    "tpu.region"() ({
      %run_scoped3A = tpu.sem_alloc : memref<!tpu.dma_semaphore, #tpu.memory_space<semaphore_mem>>
      %dma_start3A = arith.constant 0 : i32
      %dma_start3A_21 = tpu.memref_slice %arg2[%dma_start3A, %mul3A_2] : memref<5x16384xi32, #tpu.memory_space<hbm>> -> memref<5x512xi32, #tpu.memory_space<hbm>>
      %dma_start3A_22 = arith.constant 0 : i32
      %dma_start3A_23 = tpu.memref_slice %arg2[%dma_start3A_22, %mul3A_2] : memref<5x16384xi32, #tpu.memory_space<hbm>> -> memref<5x512xi32, #tpu.memory_space<hbm>>
      tpu.enqueue_dma source(%dma_start3A_23 : memref<5x512xi32, #tpu.memory_space<hbm>>) target(%arg6 : memref<5x512xi32, #tpu.memory_space<vmem>>) target_semaphore(%run_scoped3A : memref<!tpu.dma_semaphore, #tpu.memory_space<semaphore_mem>>)
      %dma_wait3A_24 = arith.constant 0 : i32
      %dma_wait3A_25 = tpu.memref_slice %arg2[%dma_wait3A_24, %mul3A_2] : memref<5x16384xi32, #tpu.memory_space<hbm>> -> memref<5x512xi32, #tpu.memory_space<hbm>>
      %dma_wait3A_26 = arith.constant 0 : i32
      %dma_wait3A_27 = tpu.memref_slice %arg2[%dma_wait3A_26, %mul3A_2] : memref<5x16384xi32, #tpu.memory_space<hbm>> -> memref<5x512xi32, #tpu.memory_space<hbm>>
      tpu.wait_dma2 semaphore(%run_scoped3A : memref<!tpu.dma_semaphore, #tpu.memory_space<semaphore_mem>>) src(%dma_wait3A_27 : memref<5x512xi32, #tpu.memory_space<hbm>>) dst(%arg6 : memref<5x512xi32, #tpu.memory_space<vmem>>)
      tpu.yield
    }) : () -> ()
    %scan3A = arith.constant 0 : i32
    %scan3A_3 = arith.constant 0 : i32
    %scan3A_4 = arith.constant 32 : i32
    %scan3A_5 = arith.addi %scan3A_3, %scan3A_4 : i32
    %scan3A_6 = arith.constant 1 : i32
    scf.for %scan3A_21 = %scan3A_3 to %scan3A_5 step %scan3A_6  : i32 {
      %broadcast_in_dim3A = arith.constant 0 : i32
      %broadcast_in_dim3A_22 = vector.broadcast %broadcast_in_dim3A : i32 to vector<16xi32>
      %mul3A_23 = arith.constant 16 : i32
      %mul3A_24 = arith.muli %scan3A_21, %mul3A_23 : i32
      %add3A_25 = vector.broadcast %mul3A_24 : i32 to vector<16xi32>
      %add3A_26 = arith.addi %add3A_25, %iota3A : vector<16xi32>
      %gather3A = tpu.vector_load_idx %arg6[%broadcast_in_dim3A_22, %add3A_26] : memref<5x512xi32, #tpu.memory_space<vmem>>[vector<16xi32>, vector<16xi32>], vector<16xi32>,
      %slice3A = vector.extract_strided_slice %gather3A {offsets = [0], sizes = [1], strides = [1]} : vector<16xi32> to vector<1xi32>
      %squeeze3A = vector.extract %slice3A[0] : i32 from vector<1xi32>
      %mul3A_27 = arith.constant 16 : i32
      %mul3A_28 = arith.muli %scan3A_21, %mul3A_27 : i32
      %add3A_29 = arith.constant 0 : i32
      %add3A_30 = arith.addi %mul3A_28, %add3A_29 : i32
      %dma_start3A = arith.constant 0 : i32
      %dma_start3A_31 = tpu.memref_slice %arg7[%add3A_30, %dma_start3A] : memref<512x112xf32, #tpu.memory_space<vmem>> -> memref<1x112xf32, #tpu.memory_space<vmem>>
      %dma_start3A_32 = arith.constant 0 : i32
      %dma_start3A_33 = tpu.memref_slice %arg3[%squeeze3A, %dma_start3A_32] : memref<100000x112xf32, #tpu.memory_space<hbm>> -> memref<1x112xf32, #tpu.memory_space<hbm>>
      %dma_start3A_34 = arith.constant 0 : i32
      %dma_start3A_35 = tpu.memref_slice %arg7[%add3A_30, %dma_start3A_34] : memref<512x112xf32, #tpu.memory_space<vmem>> -> memref<1x112xf32, #tpu.memory_space<vmem>>
      %dma_start3A_36 = arith.constant 0 : i32
      %dma_start3A_37 = tpu.memref_slice %arg3[%squeeze3A, %dma_start3A_36] : memref<100000x112xf32, #tpu.memory_space<hbm>> -> memref<1x112xf32, #tpu.memory_space<hbm>>
      tpu.enqueue_dma source(%dma_start3A_37 : memref<1x112xf32, #tpu.memory_space<hbm>>) target(%dma_start3A_35 : memref<1x112xf32, #tpu.memory_space<vmem>>) target_semaphore(%arg10 : memref<!tpu.dma_semaphore, #tpu.memory_space<semaphore_mem>>)
      %slice3A_38 = vector.extract_strided_slice %gather3A {offsets = [1], sizes = [1], strides = [1]} : vector<16xi32> to vector<1xi32>
      %squeeze3A_39 = vector.extract %slice3A_38[0] : i32 from vector<1xi32>
      %mul3A_40 = arith.constant 16 : i32
      %mul3A_41 = arith.muli %scan3A_21, %mul3A_40 : i32
      %add3A_42 = arith.constant 1 : i32
      %add3A_43 = arith.addi %mul3A_41, %add3A_42 : i32
      %dma_start3A_44 = arith.constant 0 : i32
      %dma_start3A_45 = tpu.memref_slice %arg7[%add3A_43, %dma_start3A_44] : memref<512x112xf32, #tpu.memory_space<vmem>> -> memref<1x112xf32, #tpu.memory_space<vmem>>
      %dma_start3A_46 = arith.constant 0 : i32
      %dma_start3A_47 = tpu.memref_slice %arg3[%squeeze3A_39, %dma_start3A_46] : memref<100000x112xf32, #tpu.memory_space<hbm>> -> memref<1x112xf32, #tpu.memory_space<hbm>>
      %dma_start3A_48 = arith.constant 0 : i32
      %dma_start3A_49 = tpu.memref_slice %arg7[%add3A_43, %dma_start3A_48] : memref<512x112xf32, #tpu.memory_space<vmem>> -> memref<1x112xf32, #tpu.memory_space<vmem>>
      %dma_start3A_50 = arith.constant 0 : i32
      %dma_start3A_51 = tpu.memref_slice %arg3[%squeeze3A_39, %dma_start3A_50] : memref<100000x112xf32, #tpu.memory_space<hbm>> -> memref<1x112xf32, #tpu.memory_space<hbm>>
      tpu.enqueue_dma source(%dma_start3A_51 : memref<1x112xf32, #tpu.memory_space<hbm>>) target(%dma_start3A_49 : memref<1x112xf32, #tpu.memory_space<vmem>>) target_semaphore(%arg10 : memref<!tpu.dma_semaphore, #tpu.memory_space<semaphore_mem>>)
      %slice3A_52 = vector.extract_strided_slice %gather3A {offsets = [2], sizes = [1], strides = [1]} : vector<16xi32> to vector<1xi32>
      %squeeze3A_53 = vector.extract %slice3A_52[0] : i32 from vector<1xi32>
      %mul3A_54 = arith.constant 16 : i32
      %mul3A_55 = arith.muli %scan3A_21, %mul3A_54 : i32
      %add3A_56 = arith.constant 2 : i32
      %add3A_57 = arith.addi %mul3A_55, %add3A_56 : i32
      %dma_start3A_58 = arith.constant 0 : i32
      %dma_start3A_59 = tpu.memref_slice %arg7[%add3A_57, %dma_start3A_58] : memref<512x112xf32, #tpu.memory_space<vmem>> -> memref<1x112xf32, #tpu.memory_space<vmem>>
      %dma_start3A_60 = arith.constant 0 : i32
      %dma_start3A_61 = tpu.memref_slice %arg3[%squeeze3A_53, %dma_start3A_60] : memref<100000x112xf32, #tpu.memory_space<hbm>> -> memref<1x112xf32, #tpu.memory_space<hbm>>
      %dma_start3A_62 = arith.constant 0 : i32
      %dma_start3A_63 = tpu.memref_slice %arg7[%add3A_57, %dma_start3A_62] : memref<512x112xf32, #tpu.memory_space<vmem>> -> memref<1x112xf32, #tpu.memory_space<vmem>>
      %dma_start3A_64 = arith.constant 0 : i32
      %dma_start3A_65 = tpu.memref_slice %arg3[%squeeze3A_53, %dma_start3A_64] : memref<100000x112xf32, #tpu.memory_space<hbm>> -> memref<1x112xf32, #tpu.memory_space<hbm>>
      tpu.enqueue_dma source(%dma_start3A_65 : memref<1x112xf32, #tpu.memory_space<hbm>>) target(%dma_start3A_63 : memref<1x112xf32, #tpu.memory_space<vmem>>) target_semaphore(%arg10 : memref<!tpu.dma_semaphore, #tpu.memory_space<semaphore_mem>>)
      %slice3A_66 = vector.extract_strided_slice %gather3A {offsets = [3], sizes = [1], strides = [1]} : vector<16xi32> to vector<1xi32>
      %squeeze3A_67 = vector.extract %slice3A_66[0] : i32 from vector<1xi32>
      %mul3A_68 = arith.constant 16 : i32
      %mul3A_69 = arith.muli %scan3A_21, %mul3A_68 : i32
      %add3A_70 = arith.constant 3 : i32
      %add3A_71 = arith.addi %mul3A_69, %add3A_70 : i32
      %dma_start3A_72 = arith.constant 0 : i32
      %dma_start3A_73 = tpu.memref_slice %arg7[%add3A_71, %dma_start3A_72] : memref<512x112xf32, #tpu.memory_space<vmem>> -> memref<1x112xf32, #tpu.memory_space<vmem>>
      %dma_start3A_74 = arith.constant 0 : i32
      %dma_start3A_75 = tpu.memref_slice %arg3[%squeeze3A_67, %dma_start3A_74] : memref<100000x112xf32, #tpu.memory_space<hbm>> -> memref<1x112xf32, #tpu.memory_space<hbm>>
      %dma_start3A_76 = arith.constant 0 : i32
      %dma_start3A_77 = tpu.memref_slice %arg7[%add3A_71, %dma_start3A_76] : memref<512x112xf32, #tpu.memory_space<vmem>> -> memref<1x112xf32, #tpu.memory_space<vmem>>
      %dma_start3A_78 = arith.constant 0 : i32
      %dma_start3A_79 = tpu.memref_slice %arg3[%squeeze3A_67, %dma_start3A_78] : memref<100000x112xf32, #tpu.memory_space<hbm>> -> memref<1x112xf32, #tpu.memory_space<hbm>>
      tpu.enqueue_dma source(%dma_start3A_79 : memref<1x112xf32, #tpu.memory_space<hbm>>) target(%dma_start3A_77 : memref<1x112xf32, #tpu.memory_space<vmem>>) target_semaphore(%arg10 : memref<!tpu.dma_semaphore, #tpu.memory_space<semaphore_mem>>)
      %slice3A_80 = vector.extract_strided_slice %gather3A {offsets = [4], sizes = [1], strides = [1]} : vector<16xi32> to vector<1xi32>
      %squeeze3A_81 = vector.extract %slice3A_80[0] : i32 from vector<1xi32>
      %mul3A_82 = arith.constant 16 : i32
      %mul3A_83 = arith.muli %scan3A_21, %mul3A_82 : i32
      %add3A_84 = arith.constant 4 : i32
      %add3A_85 = arith.addi %mul3A_83, %add3A_84 : i32
      %dma_start3A_86 = arith.constant 0 : i32
      %dma_start3A_87 = tpu.memref_slice %arg7[%add3A_85, %dma_start3A_86] : memref<512x112xf32, #tpu.memory_space<vmem>> -> memref<1x112xf32, #tpu.memory_space<vmem>>
      %dma_start3A_88 = arith.constant 0 : i32
      %dma_start3A_89 = tpu.memref_slice %arg3[%squeeze3A_81, %dma_start3A_88] : memref<100000x112xf32, #tpu.memory_space<hbm>> -> memref<1x112xf32, #tpu.memory_space<hbm>>
      %dma_start3A_90 = arith.constant 0 : i32
      %dma_start3A_91 = tpu.memref_slice %arg7[%add3A_85, %dma_start3A_90] : memref<512x112xf32, #tpu.memory_space<vmem>> -> memref<1x112xf32, #tpu.memory_space<vmem>>
      %dma_start3A_92 = arith.constant 0 : i32
      %dma_start3A_93 = tpu.memref_slice %arg3[%squeeze3A_81, %dma_start3A_92] : memref<100000x112xf32, #tpu.memory_space<hbm>> -> memref<1x112xf32, #tpu.memory_space<hbm>>
      tpu.enqueue_dma source(%dma_start3A_93 : memref<1x112xf32, #tpu.memory_space<hbm>>) target(%dma_start3A_91 : memref<1x112xf32, #tpu.memory_space<vmem>>) target_semaphore(%arg10 : memref<!tpu.dma_semaphore, #tpu.memory_space<semaphore_mem>>)
      %slice3A_94 = vector.extract_strided_slice %gather3A {offsets = [5], sizes = [1], strides = [1]} : vector<16xi32> to vector<1xi32>
      %squeeze3A_95 = vector.extract %slice3A_94[0] : i32 from vector<1xi32>
      %mul3A_96 = arith.constant 16 : i32
      %mul3A_97 = arith.muli %scan3A_21, %mul3A_96 : i32
      %add3A_98 = arith.constant 5 : i32
      %add3A_99 = arith.addi %mul3A_97, %add3A_98 : i32
      %dma_start3A_100 = arith.constant 0 : i32
      %dma_start3A_101 = tpu.memref_slice %arg7[%add3A_99, %dma_start3A_100] : memref<512x112xf32, #tpu.memory_space<vmem>> -> memref<1x112xf32, #tpu.memory_space<vmem>>
      %dma_start3A_102 = arith.constant 0 : i32
      %dma_start3A_103 = tpu.memref_slice %arg3[%squeeze3A_95, %dma_start3A_102] : memref<100000x112xf32, #tpu.memory_space<hbm>> -> memref<1x112xf32, #tpu.memory_space<hbm>>
      %dma_start3A_104 = arith.constant 0 : i32
      %dma_start3A_105 = tpu.memref_slice %arg7[%add3A_99, %dma_start3A_104] : memref<512x112xf32, #tpu.memory_space<vmem>> -> memref<1x112xf32, #tpu.memory_space<vmem>>
      %dma_start3A_106 = arith.constant 0 : i32
      %dma_start3A_107 = tpu.memref_slice %arg3[%squeeze3A_95, %dma_start3A_106] : memref<100000x112xf32, #tpu.memory_space<hbm>> -> memref<1x112xf32, #tpu.memory_space<hbm>>
      tpu.enqueue_dma source(%dma_start3A_107 : memref<1x112xf32, #tpu.memory_space<hbm>>) target(%dma_start3A_105 : memref<1x112xf32, #tpu.memory_space<vmem>>) target_semaphore(%arg10 : memref<!tpu.dma_semaphore, #tpu.memory_space<semaphore_mem>>)
      %slice3A_108 = vector.extract_strided_slice %gather3A {offsets = [6], sizes = [1], strides = [1]} : vector<16xi32> to vector<1xi32>
      %squeeze3A_109 = vector.extract %slice3A_108[0] : i32 from vector<1xi32>
      %mul3A_110 = arith.constant 16 : i32
      %mul3A_111 = arith.muli %scan3A_21, %mul3A_110 : i32
      %add3A_112 = arith.constant 6 : i32
      %add3A_113 = arith.addi %mul3A_111, %add3A_112 : i32
      %dma_start3A_114 = arith.constant 0 : i32
      %dma_start3A_115 = tpu.memref_slice %arg7[%add3A_113, %dma_start3A_114] : memref<512x112xf32, #tpu.memory_space<vmem>> -> memref<1x112xf32, #tpu.memory_space<vmem>>
      %dma_start3A_116 = arith.constant 0 : i32
      %dma_start3A_117 = tpu.memref_slice %arg3[%squeeze3A_109, %dma_start3A_116] : memref<100000x112xf32, #tpu.memory_space<hbm>> -> memref<1x112xf32, #tpu.memory_space<hbm>>
      %dma_start3A_118 = arith.constant 0 : i32
      %dma_start3A_119 = tpu.memref_slice %arg7[%add3A_113, %dma_start3A_118] : memref<512x112xf32, #tpu.memory_space<vmem>> -> memref<1x112xf32, #tpu.memory_space<vmem>>
      %dma_start3A_120 = arith.constant 0 : i32
      %dma_start3A_121 = tpu.memref_slice %arg3[%squeeze3A_109, %dma_start3A_120] : memref<100000x112xf32, #tpu.memory_space<hbm>> -> memref<1x112xf32, #tpu.memory_space<hbm>>
      tpu.enqueue_dma source(%dma_start3A_121 : memref<1x112xf32, #tpu.memory_space<hbm>>) target(%dma_start3A_119 : memref<1x112xf32, #tpu.memory_space<vmem>>) target_semaphore(%arg10 : memref<!tpu.dma_semaphore, #tpu.memory_space<semaphore_mem>>)
      %slice3A_122 = vector.extract_strided_slice %gather3A {offsets = [7], sizes = [1], strides = [1]} : vector<16xi32> to vector<1xi32>
      %squeeze3A_123 = vector.extract %slice3A_122[0] : i32 from vector<1xi32>
      %mul3A_124 = arith.constant 16 : i32
      %mul3A_125 = arith.muli %scan3A_21, %mul3A_124 : i32
      %add3A_126 = arith.constant 7 : i32
      %add3A_127 = arith.addi %mul3A_125, %add3A_126 : i32
      %dma_start3A_128 = arith.constant 0 : i32
      %dma_start3A_129 = tpu.memref_slice %arg7[%add3A_127, %dma_start3A_128] : memref<512x112xf32, #tpu.memory_space<vmem>> -> memref<1x112xf32, #tpu.memory_space<vmem>>
      %dma_start3A_130 = arith.constant 0 : i32
      %dma_start3A_131 = tpu.memref_slice %arg3[%squeeze3A_123, %dma_start3A_130] : memref<100000x112xf32, #tpu.memory_space<hbm>> -> memref<1x112xf32, #tpu.memory_space<hbm>>
      %dma_start3A_132 = arith.constant 0 : i32
      %dma_start3A_133 = tpu.memref_slice %arg7[%add3A_127, %dma_start3A_132] : memref<512x112xf32, #tpu.memory_space<vmem>> -> memref<1x112xf32, #tpu.memory_space<vmem>>
      %dma_start3A_134 = arith.constant 0 : i32
      %dma_start3A_135 = tpu.memref_slice %arg3[%squeeze3A_123, %dma_start3A_134] : memref<100000x112xf32, #tpu.memory_space<hbm>> -> memref<1x112xf32, #tpu.memory_space<hbm>>
      tpu.enqueue_dma source(%dma_start3A_135 : memref<1x112xf32, #tpu.memory_space<hbm>>) target(%dma_start3A_133 : memref<1x112xf32, #tpu.memory_space<vmem>>) target_semaphore(%arg10 : memref<!tpu.dma_semaphore, #tpu.memory_space<semaphore_mem>>)
      %slice3A_136 = vector.extract_strided_slice %gather3A {offsets = [8], sizes = [1], strides = [1]} : vector<16xi32> to vector<1xi32>
      %squeeze3A_137 = vector.extract %slice3A_136[0] : i32 from vector<1xi32>
      %mul3A_138 = arith.constant 16 : i32
      %mul3A_139 = arith.muli %scan3A_21, %mul3A_138 : i32
      %add3A_140 = arith.constant 8 : i32
      %add3A_141 = arith.addi %mul3A_139, %add3A_140 : i32
      %dma_start3A_142 = arith.constant 0 : i32
      %dma_start3A_143 = tpu.memref_slice %arg7[%add3A_141, %dma_start3A_142] : memref<512x112xf32, #tpu.memory_space<vmem>> -> memref<1x112xf32, #tpu.memory_space<vmem>>
      %dma_start3A_144 = arith.constant 0 : i32
      %dma_start3A_145 = tpu.memref_slice %arg3[%squeeze3A_137, %dma_start3A_144] : memref<100000x112xf32, #tpu.memory_space<hbm>> -> memref<1x112xf32, #tpu.memory_space<hbm>>
      %dma_start3A_146 = arith.constant 0 : i32
      %dma_start3A_147 = tpu.memref_slice %arg7[%add3A_141, %dma_start3A_146] : memref<512x112xf32, #tpu.memory_space<vmem>> -> memref<1x112xf32, #tpu.memory_space<vmem>>
      %dma_start3A_148 = arith.constant 0 : i32
      %dma_start3A_149 = tpu.memref_slice %arg3[%squeeze3A_137, %dma_start3A_148] : memref<100000x112xf32, #tpu.memory_space<hbm>> -> memref<1x112xf32, #tpu.memory_space<hbm>>
      tpu.enqueue_dma source(%dma_start3A_149 : memref<1x112xf32, #tpu.memory_space<hbm>>) target(%dma_start3A_147 : memref<1x112xf32, #tpu.memory_space<vmem>>) target_semaphore(%arg10 : memref<!tpu.dma_semaphore, #tpu.memory_space<semaphore_mem>>)
      %slice3A_150 = vector.extract_strided_slice %gather3A {offsets = [9], sizes = [1], strides = [1]} : vector<16xi32> to vector<1xi32>
      %squeeze3A_151 = vector.extract %slice3A_150[0] : i32 from vector<1xi32>
      %mul3A_152 = arith.constant 16 : i32
      %mul3A_153 = arith.muli %scan3A_21, %mul3A_152 : i32
      %add3A_154 = arith.constant 9 : i32
      %add3A_155 = arith.addi %mul3A_153, %add3A_154 : i32
      %dma_start3A_156 = arith.constant 0 : i32
      %dma_start3A_157 = tpu.memref_slice %arg7[%add3A_155, %dma_start3A_156] : memref<512x112xf32, #tpu.memory_space<vmem>> -> memref<1x112xf32, #tpu.memory_space<vmem>>
      %dma_start3A_158 = arith.constant 0 : i32
      %dma_start3A_159 = tpu.memref_slice %arg3[%squeeze3A_151, %dma_start3A_158] : memref<100000x112xf32, #tpu.memory_space<hbm>> -> memref<1x112xf32, #tpu.memory_space<hbm>>
      %dma_start3A_160 = arith.constant 0 : i32
      %dma_start3A_161 = tpu.memref_slice %arg7[%add3A_155, %dma_start3A_160] : memref<512x112xf32, #tpu.memory_space<vmem>> -> memref<1x112xf32, #tpu.memory_space<vmem>>
      %dma_start3A_162 = arith.constant 0 : i32
      %dma_start3A_163 = tpu.memref_slice %arg3[%squeeze3A_151, %dma_start3A_162] : memref<100000x112xf32, #tpu.memory_space<hbm>> -> memref<1x112xf32, #tpu.memory_space<hbm>>
      tpu.enqueue_dma source(%dma_start3A_163 : memref<1x112xf32, #tpu.memory_space<hbm>>) target(%dma_start3A_161 : memref<1x112xf32, #tpu.memory_space<vmem>>) target_semaphore(%arg10 : memref<!tpu.dma_semaphore, #tpu.memory_space<semaphore_mem>>)
      %slice3A_164 = vector.extract_strided_slice %gather3A {offsets = [10], sizes = [1], strides = [1]} : vector<16xi32> to vector<1xi32>
      %squeeze3A_165 = vector.extract %slice3A_164[0] : i32 from vector<1xi32>
      %mul3A_166 = arith.constant 16 : i32
      %mul3A_167 = arith.muli %scan3A_21, %mul3A_166 : i32
      %add3A_168 = arith.constant 10 : i32
      %add3A_169 = arith.addi %mul3A_167, %add3A_168 : i32
      %dma_start3A_170 = arith.constant 0 : i32
      %dma_start3A_171 = tpu.memref_slice %arg7[%add3A_169, %dma_start3A_170] : memref<512x112xf32, #tpu.memory_space<vmem>> -> memref<1x112xf32, #tpu.memory_space<vmem>>
      %dma_start3A_172 = arith.constant 0 : i32
      %dma_start3A_173 = tpu.memref_slice %arg3[%squeeze3A_165, %dma_start3A_172] : memref<100000x112xf32, #tpu.memory_space<hbm>> -> memref<1x112xf32, #tpu.memory_space<hbm>>
      %dma_start3A_174 = arith.constant 0 : i32
      %dma_start3A_175 = tpu.memref_slice %arg7[%add3A_169, %dma_start3A_174] : memref<512x112xf32, #tpu.memory_space<vmem>> -> memref<1x112xf32, #tpu.memory_space<vmem>>
      %dma_start3A_176 = arith.constant 0 : i32
      %dma_start3A_177 = tpu.memref_slice %arg3[%squeeze3A_165, %dma_start3A_176] : memref<100000x112xf32, #tpu.memory_space<hbm>> -> memref<1x112xf32, #tpu.memory_space<hbm>>
      tpu.enqueue_dma source(%dma_start3A_177 : memref<1x112xf32, #tpu.memory_space<hbm>>) target(%dma_start3A_175 : memref<1x112xf32, #tpu.memory_space<vmem>>) target_semaphore(%arg10 : memref<!tpu.dma_semaphore, #tpu.memory_space<semaphore_mem>>)
      %slice3A_178 = vector.extract_strided_slice %gather3A {offsets = [11], sizes = [1], strides = [1]} : vector<16xi32> to vector<1xi32>
      %squeeze3A_179 = vector.extract %slice3A_178[0] : i32 from vector<1xi32>
      %mul3A_180 = arith.constant 16 : i32
      %mul3A_181 = arith.muli %scan3A_21, %mul3A_180 : i32
      %add3A_182 = arith.constant 11 : i32
      %add3A_183 = arith.addi %mul3A_181, %add3A_182 : i32
      %dma_start3A_184 = arith.constant 0 : i32
      %dma_start3A_185 = tpu.memref_slice %arg7[%add3A_183, %dma_start3A_184] : memref<512x112xf32, #tpu.memory_space<vmem>> -> memref<1x112xf32, #tpu.memory_space<vmem>>
      %dma_start3A_186 = arith.constant 0 : i32
      %dma_start3A_187 = tpu.memref_slice %arg3[%squeeze3A_179, %dma_start3A_186] : memref<100000x112xf32, #tpu.memory_space<hbm>> -> memref<1x112xf32, #tpu.memory_space<hbm>>
      %dma_start3A_188 = arith.constant 0 : i32
      %dma_start3A_189 = tpu.memref_slice %arg7[%add3A_183, %dma_start3A_188] : memref<512x112xf32, #tpu.memory_space<vmem>> -> memref<1x112xf32, #tpu.memory_space<vmem>>
      %dma_start3A_190 = arith.constant 0 : i32
      %dma_start3A_191 = tpu.memref_slice %arg3[%squeeze3A_179, %dma_start3A_190] : memref<100000x112xf32, #tpu.memory_space<hbm>> -> memref<1x112xf32, #tpu.memory_space<hbm>>
      tpu.enqueue_dma source(%dma_start3A_191 : memref<1x112xf32, #tpu.memory_space<hbm>>) target(%dma_start3A_189 : memref<1x112xf32, #tpu.memory_space<vmem>>) target_semaphore(%arg10 : memref<!tpu.dma_semaphore, #tpu.memory_space<semaphore_mem>>)
      %slice3A_192 = vector.extract_strided_slice %gather3A {offsets = [12], sizes = [1], strides = [1]} : vector<16xi32> to vector<1xi32>
      %squeeze3A_193 = vector.extract %slice3A_192[0] : i32 from vector<1xi32>
      %mul3A_194 = arith.constant 16 : i32
      %mul3A_195 = arith.muli %scan3A_21, %mul3A_194 : i32
      %add3A_196 = arith.constant 12 : i32
      %add3A_197 = arith.addi %mul3A_195, %add3A_196 : i32
      %dma_start3A_198 = arith.constant 0 : i32
      %dma_start3A_199 = tpu.memref_slice %arg7[%add3A_197, %dma_start3A_198] : memref<512x112xf32, #tpu.memory_space<vmem>> -> memref<1x112xf32, #tpu.memory_space<vmem>>
      %dma_start3A_200 = arith.constant 0 : i32
      %dma_start3A_201 = tpu.memref_slice %arg3[%squeeze3A_193, %dma_start3A_200] : memref<100000x112xf32, #tpu.memory_space<hbm>> -> memref<1x112xf32, #tpu.memory_space<hbm>>
      %dma_start3A_202 = arith.constant 0 : i32
      %dma_start3A_203 = tpu.memref_slice %arg7[%add3A_197, %dma_start3A_202] : memref<512x112xf32, #tpu.memory_space<vmem>> -> memref<1x112xf32, #tpu.memory_space<vmem>>
      %dma_start3A_204 = arith.constant 0 : i32
      %dma_start3A_205 = tpu.memref_slice %arg3[%squeeze3A_193, %dma_start3A_204] : memref<100000x112xf32, #tpu.memory_space<hbm>> -> memref<1x112xf32, #tpu.memory_space<hbm>>
      tpu.enqueue_dma source(%dma_start3A_205 : memref<1x112xf32, #tpu.memory_space<hbm>>) target(%dma_start3A_203 : memref<1x112xf32, #tpu.memory_space<vmem>>) target_semaphore(%arg10 : memref<!tpu.dma_semaphore, #tpu.memory_space<semaphore_mem>>)
      %slice3A_206 = vector.extract_strided_slice %gather3A {offsets = [13], sizes = [1], strides = [1]} : vector<16xi32> to vector<1xi32>
      %squeeze3A_207 = vector.extract %slice3A_206[0] : i32 from vector<1xi32>
      %mul3A_208 = arith.constant 16 : i32
      %mul3A_209 = arith.muli %scan3A_21, %mul3A_208 : i32
      %add3A_210 = arith.constant 13 : i32
      %add3A_211 = arith.addi %mul3A_209, %add3A_210 : i32
      %dma_start3A_212 = arith.constant 0 : i32
      %dma_start3A_213 = tpu.memref_slice %arg7[%add3A_211, %dma_start3A_212] : memref<512x112xf32, #tpu.memory_space<vmem>> -> memref<1x112xf32, #tpu.memory_space<vmem>>
      %dma_start3A_214 = arith.constant 0 : i32
      %dma_start3A_215 = tpu.memref_slice %arg3[%squeeze3A_207, %dma_start3A_214] : memref<100000x112xf32, #tpu.memory_space<hbm>> -> memref<1x112xf32, #tpu.memory_space<hbm>>
      %dma_start3A_216 = arith.constant 0 : i32
      %dma_start3A_217 = tpu.memref_slice %arg7[%add3A_211, %dma_start3A_216] : memref<512x112xf32, #tpu.memory_space<vmem>> -> memref<1x112xf32, #tpu.memory_space<vmem>>
      %dma_start3A_218 = arith.constant 0 : i32
      %dma_start3A_219 = tpu.memref_slice %arg3[%squeeze3A_207, %dma_start3A_218] : memref<100000x112xf32, #tpu.memory_space<hbm>> -> memref<1x112xf32, #tpu.memory_space<hbm>>
      tpu.enqueue_dma source(%dma_start3A_219 : memref<1x112xf32, #tpu.memory_space<hbm>>) target(%dma_start3A_217 : memref<1x112xf32, #tpu.memory_space<vmem>>) target_semaphore(%arg10 : memref<!tpu.dma_semaphore, #tpu.memory_space<semaphore_mem>>)
      %slice3A_220 = vector.extract_strided_slice %gather3A {offsets = [14], sizes = [1], strides = [1]} : vector<16xi32> to vector<1xi32>
      %squeeze3A_221 = vector.extract %slice3A_220[0] : i32 from vector<1xi32>
      %mul3A_222 = arith.constant 16 : i32
      %mul3A_223 = arith.muli %scan3A_21, %mul3A_222 : i32
      %add3A_224 = arith.constant 14 : i32
      %add3A_225 = arith.addi %mul3A_223, %add3A_224 : i32
      %dma_start3A_226 = arith.constant 0 : i32
      %dma_start3A_227 = tpu.memref_slice %arg7[%add3A_225, %dma_start3A_226] : memref<512x112xf32, #tpu.memory_space<vmem>> -> memref<1x112xf32, #tpu.memory_space<vmem>>
      %dma_start3A_228 = arith.constant 0 : i32
      %dma_start3A_229 = tpu.memref_slice %arg3[%squeeze3A_221, %dma_start3A_228] : memref<100000x112xf32, #tpu.memory_space<hbm>> -> memref<1x112xf32, #tpu.memory_space<hbm>>
      %dma_start3A_230 = arith.constant 0 : i32
      %dma_start3A_231 = tpu.memref_slice %arg7[%add3A_225, %dma_start3A_230] : memref<512x112xf32, #tpu.memory_space<vmem>> -> memref<1x112xf32, #tpu.memory_space<vmem>>
      %dma_start3A_232 = arith.constant 0 : i32
      %dma_start3A_233 = tpu.memref_slice %arg3[%squeeze3A_221, %dma_start3A_232] : memref<100000x112xf32, #tpu.memory_space<hbm>> -> memref<1x112xf32, #tpu.memory_space<hbm>>
      tpu.enqueue_dma source(%dma_start3A_233 : memref<1x112xf32, #tpu.memory_space<hbm>>) target(%dma_start3A_231 : memref<1x112xf32, #tpu.memory_space<vmem>>) target_semaphore(%arg10 : memref<!tpu.dma_semaphore, #tpu.memory_space<semaphore_mem>>)
      %slice3A_234 = vector.extract_strided_slice %gather3A {offsets = [15], sizes = [1], strides = [1]} : vector<16xi32> to vector<1xi32>
      %squeeze3A_235 = vector.extract %slice3A_234[0] : i32 from vector<1xi32>
      %mul3A_236 = arith.constant 16 : i32
      %mul3A_237 = arith.muli %scan3A_21, %mul3A_236 : i32
      %add3A_238 = arith.constant 15 : i32
      %add3A_239 = arith.addi %mul3A_237, %add3A_238 : i32
      %dma_start3A_240 = arith.constant 0 : i32
      %dma_start3A_241 = tpu.memref_slice %arg7[%add3A_239, %dma_start3A_240] : memref<512x112xf32, #tpu.memory_space<vmem>> -> memref<1x112xf32, #tpu.memory_space<vmem>>
      %dma_start3A_242 = arith.constant 0 : i32
      %dma_start3A_243 = tpu.memref_slice %arg3[%squeeze3A_235, %dma_start3A_242] : memref<100000x112xf32, #tpu.memory_space<hbm>> -> memref<1x112xf32, #tpu.memory_space<hbm>>
      %dma_start3A_244 = arith.constant 0 : i32
      %dma_start3A_245 = tpu.memref_slice %arg7[%add3A_239, %dma_start3A_244] : memref<512x112xf32, #tpu.memory_space<vmem>> -> memref<1x112xf32, #tpu.memory_space<vmem>>
      %dma_start3A_246 = arith.constant 0 : i32
      %dma_start3A_247 = tpu.memref_slice %arg3[%squeeze3A_235, %dma_start3A_246] : memref<100000x112xf32, #tpu.memory_space<hbm>> -> memref<1x112xf32, #tpu.memory_space<hbm>>
      tpu.enqueue_dma source(%dma_start3A_247 : memref<1x112xf32, #tpu.memory_space<hbm>>) target(%dma_start3A_245 : memref<1x112xf32, #tpu.memory_space<vmem>>) target_semaphore(%arg10 : memref<!tpu.dma_semaphore, #tpu.memory_space<semaphore_mem>>)
    }
    %scan3A_7 = arith.constant 32 : i32
    %mul3A_8 = arith.constant 32 : i32
    %mul3A_9 = arith.muli %mul3A_2, %mul3A_8 : i32
    "tpu.region"() ({
      %run_scoped3A = tpu.sem_alloc : memref<!tpu.dma_semaphore, #tpu.memory_space<semaphore_mem>>
      %dma_start3A = tpu.memref_slice %arg4[%mul3A_9] : memref<524288xf32, #tpu.memory_space<hbm>> -> memref<16384xf32, #tpu.memory_space<hbm>>
      %dma_start3A_21 = tpu.memref_slice %arg4[%mul3A_9] : memref<524288xf32, #tpu.memory_space<hbm>> -> memref<16384xf32, #tpu.memory_space<hbm>>
      tpu.enqueue_dma source(%dma_start3A_21 : memref<16384xf32, #tpu.memory_space<hbm>>) target(%arg8 : memref<16384xf32, #tpu.memory_space<vmem>>) target_semaphore(%run_scoped3A : memref<!tpu.dma_semaphore, #tpu.memory_space<semaphore_mem>>)
      %dma_wait3A_22 = tpu.memref_slice %arg4[%mul3A_9] : memref<524288xf32, #tpu.memory_space<hbm>> -> memref<16384xf32, #tpu.memory_space<hbm>>
      %dma_wait3A_23 = tpu.memref_slice %arg4[%mul3A_9] : memref<524288xf32, #tpu.memory_space<hbm>> -> memref<16384xf32, #tpu.memory_space<hbm>>
      tpu.wait_dma2 semaphore(%run_scoped3A : memref<!tpu.dma_semaphore, #tpu.memory_space<semaphore_mem>>) src(%dma_wait3A_23 : memref<16384xf32, #tpu.memory_space<hbm>>) dst(%arg8 : memref<16384xf32, #tpu.memory_space<vmem>>)
      tpu.yield
    }) : () -> ()
    %dma_wait3A = arith.constant 0 : i32
    %dma_wait3A_10 = arith.constant 0 : i32
    %dma_wait3A_11 = tpu.memref_slice %arg3[%dma_wait3A, %dma_wait3A_10] : memref<100000x112xf32, #tpu.memory_space<hbm>> -> memref<512x112xf32, #tpu.memory_space<hbm>>
    %dma_wait3A_12 = arith.constant 0 : i32
    %dma_wait3A_13 = arith.constant 0 : i32
    %dma_wait3A_14 = tpu.memref_slice %arg3[%dma_wait3A_12, %dma_wait3A_13] : memref<100000x112xf32, #tpu.memory_space<hbm>> -> memref<512x112xf32, #tpu.memory_space<hbm>>
    tpu.wait_dma2 semaphore(%arg10 : memref<!tpu.dma_semaphore, #tpu.memory_space<semaphore_mem>>) src(%dma_wait3A_14 : memref<512x112xf32, #tpu.memory_space<hbm>>) dst(%arg7 : memref<512x112xf32, #tpu.memory_space<vmem>>)
    %scan3A_15 = arith.constant 0 : i32
    %scan3A_16 = arith.constant 0 : i32
    %scan3A_17 = arith.constant 32 : i32
    %scan3A_18 = arith.addi %scan3A_16, %scan3A_17 : i32
    %scan3A_19 = arith.constant 1 : i32
    scf.for %scan3A_21 = %scan3A_16 to %scan3A_18 step %scan3A_19  : i32 {
      %mul3A_22 = arith.constant 16 : i32
      %mul3A_23 = arith.muli %scan3A_21, %mul3A_22 : i32
      %add3A_24 = vector.broadcast %mul3A_23 : i32 to vector<16xi32>
      %add3A_25 = arith.addi %add3A_24, %iota3A : vector<16xi32>
      %mul3A_26 = arith.constant 32 : i32
      %mul3A_27 = vector.broadcast %mul3A_26 : i32 to vector<16xi32>
      %mul3A_28 = arith.muli %add3A_25, %mul3A_27 : vector<16xi32>
      %add3A_29 = arith.constant 0 : i32
      %add3A_30 = vector.broadcast %add3A_29 : i32 to vector<16xi32>
      %add3A_31 = arith.addi %mul3A_28, %add3A_30 : vector<16xi32>
      %gather3A = tpu.vector_load_idx %arg8[%add3A_31] : memref<16384xf32, #tpu.memory_space<vmem>>[vector<16xi32>], vector<16xf32>,
      %add3A_32 = arith.constant 1 : i32
      %add3A_33 = vector.broadcast %add3A_32 : i32 to vector<16xi32>
      %add3A_34 = arith.addi %mul3A_28, %add3A_33 : vector<16xi32>
      %gather3A_35 = tpu.vector_load_idx %arg8[%add3A_34] : memref<16384xf32, #tpu.memory_space<vmem>>[vector<16xi32>], vector<16xf32>,
      %add3A_36 = arith.constant 2 : i32
      %add3A_37 = vector.broadcast %add3A_36 : i32 to vector<16xi32>
      %add3A_38 = arith.addi %mul3A_28, %add3A_37 : vector<16xi32>
      %gather3A_39 = tpu.vector_load_idx %arg8[%add3A_38] : memref<16384xf32, #tpu.memory_space<vmem>>[vector<16xi32>], vector<16xf32>,
      %add3A_40 = arith.constant 3 : i32
      %add3A_41 = vector.broadcast %add3A_40 : i32 to vector<16xi32>
      %add3A_42 = arith.addi %mul3A_28, %add3A_41 : vector<16xi32>
      %gather3A_43 = tpu.vector_load_idx %arg8[%add3A_42] : memref<16384xf32, #tpu.memory_space<vmem>>[vector<16xi32>], vector<16xf32>,
      %add3A_44 = arith.constant 4 : i32
      %add3A_45 = vector.broadcast %add3A_44 : i32 to vector<16xi32>
      %add3A_46 = arith.addi %mul3A_28, %add3A_45 : vector<16xi32>
      %gather3A_47 = tpu.vector_load_idx %arg8[%add3A_46] : memref<16384xf32, #tpu.memory_space<vmem>>[vector<16xi32>], vector<16xf32>,
      %add3A_48 = arith.constant 5 : i32
      %add3A_49 = vector.broadcast %add3A_48 : i32 to vector<16xi32>
      %add3A_50 = arith.addi %mul3A_28, %add3A_49 : vector<16xi32>
      %gather3A_51 = tpu.vector_load_idx %arg8[%add3A_50] : memref<16384xf32, #tpu.memory_space<vmem>>[vector<16xi32>], vector<16xf32>,
      %add3A_52 = arith.constant 6 : i32
      %add3A_53 = vector.broadcast %add3A_52 : i32 to vector<16xi32>
      %add3A_54 = arith.addi %mul3A_28, %add3A_53 : vector<16xi32>
      %gather3A_55 = tpu.vector_load_idx %arg8[%add3A_54] : memref<16384xf32, #tpu.memory_space<vmem>>[vector<16xi32>], vector<16xf32>,
      %add3A_56 = arith.constant 7 : i32
      %add3A_57 = vector.broadcast %add3A_56 : i32 to vector<16xi32>
      %add3A_58 = arith.addi %mul3A_28, %add3A_57 : vector<16xi32>
      %gather3A_59 = tpu.vector_load_idx %arg8[%add3A_58] : memref<16384xf32, #tpu.memory_space<vmem>>[vector<16xi32>], vector<16xf32>,
      %add3A_60 = arith.constant 8 : i32
      %add3A_61 = vector.broadcast %add3A_60 : i32 to vector<16xi32>
      %add3A_62 = arith.addi %mul3A_28, %add3A_61 : vector<16xi32>
      %gather3A_63 = tpu.vector_load_idx %arg8[%add3A_62] : memref<16384xf32, #tpu.memory_space<vmem>>[vector<16xi32>], vector<16xf32>,
      %add3A_64 = arith.constant 9 : i32
      %add3A_65 = vector.broadcast %add3A_64 : i32 to vector<16xi32>
      %add3A_66 = arith.addi %mul3A_28, %add3A_65 : vector<16xi32>
      %gather3A_67 = tpu.vector_load_idx %arg8[%add3A_66] : memref<16384xf32, #tpu.memory_space<vmem>>[vector<16xi32>], vector<16xf32>,
      %add3A_68 = arith.constant 10 : i32
      %add3A_69 = vector.broadcast %add3A_68 : i32 to vector<16xi32>
      %add3A_70 = arith.addi %mul3A_28, %add3A_69 : vector<16xi32>
      %gather3A_71 = tpu.vector_load_idx %arg8[%add3A_70] : memref<16384xf32, #tpu.memory_space<vmem>>[vector<16xi32>], vector<16xf32>,
      %add3A_72 = arith.constant 11 : i32
      %add3A_73 = vector.broadcast %add3A_72 : i32 to vector<16xi32>
      %add3A_74 = arith.addi %mul3A_28, %add3A_73 : vector<16xi32>
      %gather3A_75 = tpu.vector_load_idx %arg8[%add3A_74] : memref<16384xf32, #tpu.memory_space<vmem>>[vector<16xi32>], vector<16xf32>,
      %add3A_76 = arith.constant 12 : i32
      %add3A_77 = vector.broadcast %add3A_76 : i32 to vector<16xi32>
      %add3A_78 = arith.addi %mul3A_28, %add3A_77 : vector<16xi32>
      %gather3A_79 = tpu.vector_load_idx %arg8[%add3A_78] : memref<16384xf32, #tpu.memory_space<vmem>>[vector<16xi32>], vector<16xf32>,
      %add3A_80 = arith.constant 13 : i32
      %add3A_81 = vector.broadcast %add3A_80 : i32 to vector<16xi32>
      %add3A_82 = arith.addi %mul3A_28, %add3A_81 : vector<16xi32>
      %gather3A_83 = tpu.vector_load_idx %arg8[%add3A_82] : memref<16384xf32, #tpu.memory_space<vmem>>[vector<16xi32>], vector<16xf32>,
      %add3A_84 = arith.constant 14 : i32
      %add3A_85 = vector.broadcast %add3A_84 : i32 to vector<16xi32>
      %add3A_86 = arith.addi %mul3A_28, %add3A_85 : vector<16xi32>
      %gather3A_87 = tpu.vector_load_idx %arg8[%add3A_86] : memref<16384xf32, #tpu.memory_space<vmem>>[vector<16xi32>], vector<16xf32>,
      %add3A_88 = arith.constant 15 : i32
      %add3A_89 = vector.broadcast %add3A_88 : i32 to vector<16xi32>
      %add3A_90 = arith.addi %mul3A_28, %add3A_89 : vector<16xi32>
      %gather3A_91 = tpu.vector_load_idx %arg8[%add3A_90] : memref<16384xf32, #tpu.memory_space<vmem>>[vector<16xi32>], vector<16xf32>,
      %add3A_92 = arith.constant 16 : i32
      %add3A_93 = vector.broadcast %add3A_92 : i32 to vector<16xi32>
      %add3A_94 = arith.addi %mul3A_28, %add3A_93 : vector<16xi32>
      %gather3A_95 = tpu.vector_load_idx %arg8[%add3A_94] : memref<16384xf32, #tpu.memory_space<vmem>>[vector<16xi32>], vector<16xf32>,
      %add3A_96 = arith.constant 17 : i32
      %add3A_97 = vector.broadcast %add3A_96 : i32 to vector<16xi32>
      %add3A_98 = arith.addi %mul3A_28, %add3A_97 : vector<16xi32>
      %gather3A_99 = tpu.vector_load_idx %arg8[%add3A_98] : memref<16384xf32, #tpu.memory_space<vmem>>[vector<16xi32>], vector<16xf32>,
      %add3A_100 = arith.constant 18 : i32
      %add3A_101 = vector.broadcast %add3A_100 : i32 to vector<16xi32>
      %add3A_102 = arith.addi %mul3A_28, %add3A_101 : vector<16xi32>
      %gather3A_103 = tpu.vector_load_idx %arg8[%add3A_102] : memref<16384xf32, #tpu.memory_space<vmem>>[vector<16xi32>], vector<16xf32>,
      %add3A_104 = arith.constant 19 : i32
      %add3A_105 = vector.broadcast %add3A_104 : i32 to vector<16xi32>
      %add3A_106 = arith.addi %mul3A_28, %add3A_105 : vector<16xi32>
      %gather3A_107 = tpu.vector_load_idx %arg8[%add3A_106] : memref<16384xf32, #tpu.memory_space<vmem>>[vector<16xi32>], vector<16xf32>,
      %add3A_108 = arith.constant 20 : i32
      %add3A_109 = vector.broadcast %add3A_108 : i32 to vector<16xi32>
      %add3A_110 = arith.addi %mul3A_28, %add3A_109 : vector<16xi32>
      %gather3A_111 = tpu.vector_load_idx %arg8[%add3A_110] : memref<16384xf32, #tpu.memory_space<vmem>>[vector<16xi32>], vector<16xf32>,
      %add3A_112 = arith.constant 21 : i32
      %add3A_113 = vector.broadcast %add3A_112 : i32 to vector<16xi32>
      %add3A_114 = arith.addi %mul3A_28, %add3A_113 : vector<16xi32>
      %gather3A_115 = tpu.vector_load_idx %arg8[%add3A_114] : memref<16384xf32, #tpu.memory_space<vmem>>[vector<16xi32>], vector<16xf32>,
      %add3A_116 = arith.constant 22 : i32
      %add3A_117 = vector.broadcast %add3A_116 : i32 to vector<16xi32>
      %add3A_118 = arith.addi %mul3A_28, %add3A_117 : vector<16xi32>
      %gather3A_119 = tpu.vector_load_idx %arg8[%add3A_118] : memref<16384xf32, #tpu.memory_space<vmem>>[vector<16xi32>], vector<16xf32>,
      %add3A_120 = arith.constant 23 : i32
      %add3A_121 = vector.broadcast %add3A_120 : i32 to vector<16xi32>
      %add3A_122 = arith.addi %mul3A_28, %add3A_121 : vector<16xi32>
      %gather3A_123 = tpu.vector_load_idx %arg8[%add3A_122] : memref<16384xf32, #tpu.memory_space<vmem>>[vector<16xi32>], vector<16xf32>,
      %add3A_124 = arith.constant 24 : i32
      %add3A_125 = vector.broadcast %add3A_124 : i32 to vector<16xi32>
      %add3A_126 = arith.addi %mul3A_28, %add3A_125 : vector<16xi32>
      %gather3A_127 = tpu.vector_load_idx %arg8[%add3A_126] : memref<16384xf32, #tpu.memory_space<vmem>>[vector<16xi32>], vector<16xf32>,
      %add3A_128 = arith.constant 25 : i32
      %add3A_129 = vector.broadcast %add3A_128 : i32 to vector<16xi32>
      %add3A_130 = arith.addi %mul3A_28, %add3A_129 : vector<16xi32>
      %gather3A_131 = tpu.vector_load_idx %arg8[%add3A_130] : memref<16384xf32, #tpu.memory_space<vmem>>[vector<16xi32>], vector<16xf32>,
      %add3A_132 = arith.constant 26 : i32
      %add3A_133 = vector.broadcast %add3A_132 : i32 to vector<16xi32>
      %add3A_134 = arith.addi %mul3A_28, %add3A_133 : vector<16xi32>
      %gather3A_135 = tpu.vector_load_idx %arg8[%add3A_134] : memref<16384xf32, #tpu.memory_space<vmem>>[vector<16xi32>], vector<16xf32>,
      %add3A_136 = arith.constant 27 : i32
      %add3A_137 = vector.broadcast %add3A_136 : i32 to vector<16xi32>
      %add3A_138 = arith.addi %mul3A_28, %add3A_137 : vector<16xi32>
      %gather3A_139 = tpu.vector_load_idx %arg8[%add3A_138] : memref<16384xf32, #tpu.memory_space<vmem>>[vector<16xi32>], vector<16xf32>,
      %add3A_140 = arith.constant 28 : i32
      %add3A_141 = vector.broadcast %add3A_140 : i32 to vector<16xi32>
      %add3A_142 = arith.addi %mul3A_28, %add3A_141 : vector<16xi32>
      %gather3A_143 = tpu.vector_load_idx %arg8[%add3A_142] : memref<16384xf32, #tpu.memory_space<vmem>>[vector<16xi32>], vector<16xf32>,
      %add3A_144 = arith.constant 29 : i32
      %add3A_145 = vector.broadcast %add3A_144 : i32 to vector<16xi32>
      %add3A_146 = arith.addi %mul3A_28, %add3A_145 : vector<16xi32>
      %gather3A_147 = tpu.vector_load_idx %arg8[%add3A_146] : memref<16384xf32, #tpu.memory_space<vmem>>[vector<16xi32>], vector<16xf32>,
      %add3A_148 = arith.constant 30 : i32
      %add3A_149 = vector.broadcast %add3A_148 : i32 to vector<16xi32>
      %add3A_150 = arith.addi %mul3A_28, %add3A_149 : vector<16xi32>
      %gather3A_151 = tpu.vector_load_idx %arg8[%add3A_150] : memref<16384xf32, #tpu.memory_space<vmem>>[vector<16xi32>], vector<16xf32>,
      %add3A_152 = arith.constant 31 : i32
      %add3A_153 = vector.broadcast %add3A_152 : i32 to vector<16xi32>
      %add3A_154 = arith.addi %mul3A_28, %add3A_153 : vector<16xi32>
      %gather3A_155 = tpu.vector_load_idx %arg8[%add3A_154] : memref<16384xf32, #tpu.memory_space<vmem>>[vector<16xi32>], vector<16xf32>,
      %broadcast_in_dim3A = arith.constant 0 : i32
      %broadcast_in_dim3A_156 = vector.broadcast %broadcast_in_dim3A : i32 to vector<16xi32>
      %gather3A_157 = tpu.vector_load_idx %arg7[%add3A_25, %broadcast_in_dim3A_156] : memref<512x112xf32, #tpu.memory_space<vmem>>[vector<16xi32>, vector<16xi32>], vector<16xf32>,
      %mul3A_158 = arith.mulf %gather3A_157, %gather3A : vector<16xf32>
      %broadcast_in_dim3A_159 = arith.constant 1 : i32
      %broadcast_in_dim3A_160 = vector.broadcast %broadcast_in_dim3A_159 : i32 to vector<16xi32>
      %gather3A_161 = tpu.vector_load_idx %arg7[%add3A_25, %broadcast_in_dim3A_160] : memref<512x112xf32, #tpu.memory_space<vmem>>[vector<16xi32>, vector<16xi32>], vector<16xf32>,
      %mul3A_162 = arith.mulf %gather3A_161, %gather3A_35 : vector<16xf32>
      %add3A_163 = arith.addf %mul3A_158, %mul3A_162 : vector<16xf32>
      %broadcast_in_dim3A_164 = arith.constant 2 : i32
      %broadcast_in_dim3A_165 = vector.broadcast %broadcast_in_dim3A_164 : i32 to vector<16xi32>
      %gather3A_166 = tpu.vector_load_idx %arg7[%add3A_25, %broadcast_in_dim3A_165] : memref<512x112xf32, #tpu.memory_space<vmem>>[vector<16xi32>, vector<16xi32>], vector<16xf32>,
      %mul3A_167 = arith.mulf %gather3A_166, %gather3A_39 : vector<16xf32>
      %add3A_168 = arith.addf %add3A_163, %mul3A_167 : vector<16xf32>
      %broadcast_in_dim3A_169 = arith.constant 3 : i32
      %broadcast_in_dim3A_170 = vector.broadcast %broadcast_in_dim3A_169 : i32 to vector<16xi32>
      %gather3A_171 = tpu.vector_load_idx %arg7[%add3A_25, %broadcast_in_dim3A_170] : memref<512x112xf32, #tpu.memory_space<vmem>>[vector<16xi32>, vector<16xi32>], vector<16xf32>,
      %mul3A_172 = arith.mulf %gather3A_171, %gather3A_43 : vector<16xf32>
      %add3A_173 = arith.addf %add3A_168, %mul3A_172 : vector<16xf32>
      %broadcast_in_dim3A_174 = arith.constant 4 : i32
      %broadcast_in_dim3A_175 = vector.broadcast %broadcast_in_dim3A_174 : i32 to vector<16xi32>
      %gather3A_176 = tpu.vector_load_idx %arg7[%add3A_25, %broadcast_in_dim3A_175] : memref<512x112xf32, #tpu.memory_space<vmem>>[vector<16xi32>, vector<16xi32>], vector<16xf32>,
      %mul3A_177 = arith.mulf %gather3A_176, %gather3A_47 : vector<16xf32>
      %add3A_178 = arith.addf %add3A_173, %mul3A_177 : vector<16xf32>
      %broadcast_in_dim3A_179 = arith.constant 5 : i32
      %broadcast_in_dim3A_180 = vector.broadcast %broadcast_in_dim3A_179 : i32 to vector<16xi32>
      %gather3A_181 = tpu.vector_load_idx %arg7[%add3A_25, %broadcast_in_dim3A_180] : memref<512x112xf32, #tpu.memory_space<vmem>>[vector<16xi32>, vector<16xi32>], vector<16xf32>,
      %mul3A_182 = arith.mulf %gather3A_181, %gather3A_51 : vector<16xf32>
      %add3A_183 = arith.addf %add3A_178, %mul3A_182 : vector<16xf32>
      %broadcast_in_dim3A_184 = arith.constant 6 : i32
      %broadcast_in_dim3A_185 = vector.broadcast %broadcast_in_dim3A_184 : i32 to vector<16xi32>
      %gather3A_186 = tpu.vector_load_idx %arg7[%add3A_25, %broadcast_in_dim3A_185] : memref<512x112xf32, #tpu.memory_space<vmem>>[vector<16xi32>, vector<16xi32>], vector<16xf32>,
      %mul3A_187 = arith.mulf %gather3A_186, %gather3A_55 : vector<16xf32>
      %add3A_188 = arith.addf %add3A_183, %mul3A_187 : vector<16xf32>
      %broadcast_in_dim3A_189 = arith.constant 7 : i32
      %broadcast_in_dim3A_190 = vector.broadcast %broadcast_in_dim3A_189 : i32 to vector<16xi32>
      %gather3A_191 = tpu.vector_load_idx %arg7[%add3A_25, %broadcast_in_dim3A_190] : memref<512x112xf32, #tpu.memory_space<vmem>>[vector<16xi32>, vector<16xi32>], vector<16xf32>,
      %mul3A_192 = arith.mulf %gather3A_191, %gather3A_59 : vector<16xf32>
      %add3A_193 = arith.addf %add3A_188, %mul3A_192 : vector<16xf32>
      %broadcast_in_dim3A_194 = arith.constant 8 : i32
      %broadcast_in_dim3A_195 = vector.broadcast %broadcast_in_dim3A_194 : i32 to vector<16xi32>
      %gather3A_196 = tpu.vector_load_idx %arg7[%add3A_25, %broadcast_in_dim3A_195] : memref<512x112xf32, #tpu.memory_space<vmem>>[vector<16xi32>, vector<16xi32>], vector<16xf32>,
      %mul3A_197 = arith.mulf %gather3A_196, %gather3A_63 : vector<16xf32>
      %add3A_198 = arith.addf %add3A_193, %mul3A_197 : vector<16xf32>
      %broadcast_in_dim3A_199 = arith.constant 9 : i32
      %broadcast_in_dim3A_200 = vector.broadcast %broadcast_in_dim3A_199 : i32 to vector<16xi32>
      %gather3A_201 = tpu.vector_load_idx %arg7[%add3A_25, %broadcast_in_dim3A_200] : memref<512x112xf32, #tpu.memory_space<vmem>>[vector<16xi32>, vector<16xi32>], vector<16xf32>,
      %mul3A_202 = arith.mulf %gather3A_201, %gather3A_67 : vector<16xf32>
      %add3A_203 = arith.addf %add3A_198, %mul3A_202 : vector<16xf32>
      %broadcast_in_dim3A_204 = arith.constant 10 : i32
      %broadcast_in_dim3A_205 = vector.broadcast %broadcast_in_dim3A_204 : i32 to vector<16xi32>
      %gather3A_206 = tpu.vector_load_idx %arg7[%add3A_25, %broadcast_in_dim3A_205] : memref<512x112xf32, #tpu.memory_space<vmem>>[vector<16xi32>, vector<16xi32>], vector<16xf32>,
      %mul3A_207 = arith.mulf %gather3A_206, %gather3A_71 : vector<16xf32>
      %add3A_208 = arith.addf %add3A_203, %mul3A_207 : vector<16xf32>
      %broadcast_in_dim3A_209 = arith.constant 11 : i32
      %broadcast_in_dim3A_210 = vector.broadcast %broadcast_in_dim3A_209 : i32 to vector<16xi32>
      %gather3A_211 = tpu.vector_load_idx %arg7[%add3A_25, %broadcast_in_dim3A_210] : memref<512x112xf32, #tpu.memory_space<vmem>>[vector<16xi32>, vector<16xi32>], vector<16xf32>,
      %mul3A_212 = arith.mulf %gather3A_211, %gather3A_75 : vector<16xf32>
      %add3A_213 = arith.addf %add3A_208, %mul3A_212 : vector<16xf32>
      %broadcast_in_dim3A_214 = arith.constant 12 : i32
      %broadcast_in_dim3A_215 = vector.broadcast %broadcast_in_dim3A_214 : i32 to vector<16xi32>
      %gather3A_216 = tpu.vector_load_idx %arg7[%add3A_25, %broadcast_in_dim3A_215] : memref<512x112xf32, #tpu.memory_space<vmem>>[vector<16xi32>, vector<16xi32>], vector<16xf32>,
      %mul3A_217 = arith.mulf %gather3A_216, %gather3A_79 : vector<16xf32>
      %add3A_218 = arith.addf %add3A_213, %mul3A_217 : vector<16xf32>
      %broadcast_in_dim3A_219 = arith.constant 13 : i32
      %broadcast_in_dim3A_220 = vector.broadcast %broadcast_in_dim3A_219 : i32 to vector<16xi32>
      %gather3A_221 = tpu.vector_load_idx %arg7[%add3A_25, %broadcast_in_dim3A_220] : memref<512x112xf32, #tpu.memory_space<vmem>>[vector<16xi32>, vector<16xi32>], vector<16xf32>,
      %mul3A_222 = arith.mulf %gather3A_221, %gather3A_83 : vector<16xf32>
      %add3A_223 = arith.addf %add3A_218, %mul3A_222 : vector<16xf32>
      %broadcast_in_dim3A_224 = arith.constant 14 : i32
      %broadcast_in_dim3A_225 = vector.broadcast %broadcast_in_dim3A_224 : i32 to vector<16xi32>
      %gather3A_226 = tpu.vector_load_idx %arg7[%add3A_25, %broadcast_in_dim3A_225] : memref<512x112xf32, #tpu.memory_space<vmem>>[vector<16xi32>, vector<16xi32>], vector<16xf32>,
      %mul3A_227 = arith.mulf %gather3A_226, %gather3A_87 : vector<16xf32>
      %add3A_228 = arith.addf %add3A_223, %mul3A_227 : vector<16xf32>
      %broadcast_in_dim3A_229 = arith.constant 15 : i32
      %broadcast_in_dim3A_230 = vector.broadcast %broadcast_in_dim3A_229 : i32 to vector<16xi32>
      %gather3A_231 = tpu.vector_load_idx %arg7[%add3A_25, %broadcast_in_dim3A_230] : memref<512x112xf32, #tpu.memory_space<vmem>>[vector<16xi32>, vector<16xi32>], vector<16xf32>,
      %mul3A_232 = arith.mulf %gather3A_231, %gather3A_91 : vector<16xf32>
      %add3A_233 = arith.addf %add3A_228, %mul3A_232 : vector<16xf32>
      %broadcast_in_dim3A_234 = arith.constant 16 : i32
      %broadcast_in_dim3A_235 = vector.broadcast %broadcast_in_dim3A_234 : i32 to vector<16xi32>
      %gather3A_236 = tpu.vector_load_idx %arg7[%add3A_25, %broadcast_in_dim3A_235] : memref<512x112xf32, #tpu.memory_space<vmem>>[vector<16xi32>, vector<16xi32>], vector<16xf32>,
      %mul3A_237 = arith.mulf %gather3A_236, %gather3A : vector<16xf32>
      %broadcast_in_dim3A_238 = arith.constant 17 : i32
      %broadcast_in_dim3A_239 = vector.broadcast %broadcast_in_dim3A_238 : i32 to vector<16xi32>
      %gather3A_240 = tpu.vector_load_idx %arg7[%add3A_25, %broadcast_in_dim3A_239] : memref<512x112xf32, #tpu.memory_space<vmem>>[vector<16xi32>, vector<16xi32>], vector<16xf32>,
      %mul3A_241 = arith.mulf %gather3A_240, %gather3A : vector<16xf32>
      %broadcast_in_dim3A_242 = arith.constant 18 : i32
      %broadcast_in_dim3A_243 = vector.broadcast %broadcast_in_dim3A_242 : i32 to vector<16xi32>
      %gather3A_244 = tpu.vector_load_idx %arg7[%add3A_25, %broadcast_in_dim3A_243] : memref<512x112xf32, #tpu.memory_space<vmem>>[vector<16xi32>, vector<16xi32>], vector<16xf32>,
      %mul3A_245 = arith.mulf %gather3A_244, %gather3A : vector<16xf32>
      %broadcast_in_dim3A_246 = arith.constant 19 : i32
      %broadcast_in_dim3A_247 = vector.broadcast %broadcast_in_dim3A_246 : i32 to vector<16xi32>
      %gather3A_248 = tpu.vector_load_idx %arg7[%add3A_25, %broadcast_in_dim3A_247] : memref<512x112xf32, #tpu.memory_space<vmem>>[vector<16xi32>, vector<16xi32>], vector<16xf32>,
      %mul3A_249 = arith.mulf %gather3A_248, %gather3A_35 : vector<16xf32>
      %add3A_250 = arith.addf %mul3A_237, %mul3A_249 : vector<16xf32>
      %broadcast_in_dim3A_251 = arith.constant 20 : i32
      %broadcast_in_dim3A_252 = vector.broadcast %broadcast_in_dim3A_251 : i32 to vector<16xi32>
      %gather3A_253 = tpu.vector_load_idx %arg7[%add3A_25, %broadcast_in_dim3A_252] : memref<512x112xf32, #tpu.memory_space<vmem>>[vector<16xi32>, vector<16xi32>], vector<16xf32>,
      %mul3A_254 = arith.mulf %gather3A_253, %gather3A_35 : vector<16xf32>
      %add3A_255 = arith.addf %mul3A_241, %mul3A_254 : vector<16xf32>
      %broadcast_in_dim3A_256 = arith.constant 21 : i32
      %broadcast_in_dim3A_257 = vector.broadcast %broadcast_in_dim3A_256 : i32 to vector<16xi32>
      %gather3A_258 = tpu.vector_load_idx %arg7[%add3A_25, %broadcast_in_dim3A_257] : memref<512x112xf32, #tpu.memory_space<vmem>>[vector<16xi32>, vector<16xi32>], vector<16xf32>,
      %mul3A_259 = arith.mulf %gather3A_258, %gather3A_35 : vector<16xf32>
      %add3A_260 = arith.addf %mul3A_245, %mul3A_259 : vector<16xf32>
      %broadcast_in_dim3A_261 = arith.constant 22 : i32
      %broadcast_in_dim3A_262 = vector.broadcast %broadcast_in_dim3A_261 : i32 to vector<16xi32>
      %gather3A_263 = tpu.vector_load_idx %arg7[%add3A_25, %broadcast_in_dim3A_262] : memref<512x112xf32, #tpu.memory_space<vmem>>[vector<16xi32>, vector<16xi32>], vector<16xf32>,
      %mul3A_264 = arith.mulf %gather3A_263, %gather3A_39 : vector<16xf32>
      %add3A_265 = arith.addf %add3A_250, %mul3A_264 : vector<16xf32>
      %broadcast_in_dim3A_266 = arith.constant 23 : i32
      %broadcast_in_dim3A_267 = vector.broadcast %broadcast_in_dim3A_266 : i32 to vector<16xi32>
      %gather3A_268 = tpu.vector_load_idx %arg7[%add3A_25, %broadcast_in_dim3A_267] : memref<512x112xf32, #tpu.memory_space<vmem>>[vector<16xi32>, vector<16xi32>], vector<16xf32>,
      %mul3A_269 = arith.mulf %gather3A_268, %gather3A_39 : vector<16xf32>
      %add3A_270 = arith.addf %add3A_255, %mul3A_269 : vector<16xf32>
      %broadcast_in_dim3A_271 = arith.constant 24 : i32
      %broadcast_in_dim3A_272 = vector.broadcast %broadcast_in_dim3A_271 : i32 to vector<16xi32>
      %gather3A_273 = tpu.vector_load_idx %arg7[%add3A_25, %broadcast_in_dim3A_272] : memref<512x112xf32, #tpu.memory_space<vmem>>[vector<16xi32>, vector<16xi32>], vector<16xf32>,
      %mul3A_274 = arith.mulf %gather3A_273, %gather3A_39 : vector<16xf32>
      %add3A_275 = arith.addf %add3A_260, %mul3A_274 : vector<16xf32>
      %broadcast_in_dim3A_276 = arith.constant 25 : i32
      %broadcast_in_dim3A_277 = vector.broadcast %broadcast_in_dim3A_276 : i32 to vector<16xi32>
      %gather3A_278 = tpu.vector_load_idx %arg7[%add3A_25, %broadcast_in_dim3A_277] : memref<512x112xf32, #tpu.memory_space<vmem>>[vector<16xi32>, vector<16xi32>], vector<16xf32>,
      %mul3A_279 = arith.mulf %gather3A_278, %gather3A_43 : vector<16xf32>
      %add3A_280 = arith.addf %add3A_265, %mul3A_279 : vector<16xf32>
      %broadcast_in_dim3A_281 = arith.constant 26 : i32
      %broadcast_in_dim3A_282 = vector.broadcast %broadcast_in_dim3A_281 : i32 to vector<16xi32>
      %gather3A_283 = tpu.vector_load_idx %arg7[%add3A_25, %broadcast_in_dim3A_282] : memref<512x112xf32, #tpu.memory_space<vmem>>[vector<16xi32>, vector<16xi32>], vector<16xf32>,
      %mul3A_284 = arith.mulf %gather3A_283, %gather3A_43 : vector<16xf32>
      %add3A_285 = arith.addf %add3A_270, %mul3A_284 : vector<16xf32>
      %broadcast_in_dim3A_286 = arith.constant 27 : i32
      %broadcast_in_dim3A_287 = vector.broadcast %broadcast_in_dim3A_286 : i32 to vector<16xi32>
      %gather3A_288 = tpu.vector_load_idx %arg7[%add3A_25, %broadcast_in_dim3A_287] : memref<512x112xf32, #tpu.memory_space<vmem>>[vector<16xi32>, vector<16xi32>], vector<16xf32>,
      %mul3A_289 = arith.mulf %gather3A_288, %gather3A_43 : vector<16xf32>
      %add3A_290 = arith.addf %add3A_275, %mul3A_289 : vector<16xf32>
      %broadcast_in_dim3A_291 = arith.constant 28 : i32
      %broadcast_in_dim3A_292 = vector.broadcast %broadcast_in_dim3A_291 : i32 to vector<16xi32>
      %gather3A_293 = tpu.vector_load_idx %arg7[%add3A_25, %broadcast_in_dim3A_292] : memref<512x112xf32, #tpu.memory_space<vmem>>[vector<16xi32>, vector<16xi32>], vector<16xf32>,
      %mul3A_294 = arith.mulf %gather3A_293, %gather3A_47 : vector<16xf32>
      %add3A_295 = arith.addf %add3A_280, %mul3A_294 : vector<16xf32>
      %broadcast_in_dim3A_296 = arith.constant 29 : i32
      %broadcast_in_dim3A_297 = vector.broadcast %broadcast_in_dim3A_296 : i32 to vector<16xi32>
      %gather3A_298 = tpu.vector_load_idx %arg7[%add3A_25, %broadcast_in_dim3A_297] : memref<512x112xf32, #tpu.memory_space<vmem>>[vector<16xi32>, vector<16xi32>], vector<16xf32>,
      %mul3A_299 = arith.mulf %gather3A_298, %gather3A_47 : vector<16xf32>
      %add3A_300 = arith.addf %add3A_285, %mul3A_299 : vector<16xf32>
      %broadcast_in_dim3A_301 = arith.constant 30 : i32
      %broadcast_in_dim3A_302 = vector.broadcast %broadcast_in_dim3A_301 : i32 to vector<16xi32>
      %gather3A_303 = tpu.vector_load_idx %arg7[%add3A_25, %broadcast_in_dim3A_302] : memref<512x112xf32, #tpu.memory_space<vmem>>[vector<16xi32>, vector<16xi32>], vector<16xf32>,
      %mul3A_304 = arith.mulf %gather3A_303, %gather3A_47 : vector<16xf32>
      %add3A_305 = arith.addf %add3A_290, %mul3A_304 : vector<16xf32>
      %broadcast_in_dim3A_306 = arith.constant 31 : i32
      %broadcast_in_dim3A_307 = vector.broadcast %broadcast_in_dim3A_306 : i32 to vector<16xi32>
      %gather3A_308 = tpu.vector_load_idx %arg7[%add3A_25, %broadcast_in_dim3A_307] : memref<512x112xf32, #tpu.memory_space<vmem>>[vector<16xi32>, vector<16xi32>], vector<16xf32>,
      %mul3A_309 = arith.mulf %gather3A_308, %gather3A_51 : vector<16xf32>
      %add3A_310 = arith.addf %add3A_295, %mul3A_309 : vector<16xf32>
      %broadcast_in_dim3A_311 = arith.constant 32 : i32
      %broadcast_in_dim3A_312 = vector.broadcast %broadcast_in_dim3A_311 : i32 to vector<16xi32>
      %gather3A_313 = tpu.vector_load_idx %arg7[%add3A_25, %broadcast_in_dim3A_312] : memref<512x112xf32, #tpu.memory_space<vmem>>[vector<16xi32>, vector<16xi32>], vector<16xf32>,
      %mul3A_314 = arith.mulf %gather3A_313, %gather3A_51 : vector<16xf32>
      %add3A_315 = arith.addf %add3A_300, %mul3A_314 : vector<16xf32>
      %broadcast_in_dim3A_316 = arith.constant 33 : i32
      %broadcast_in_dim3A_317 = vector.broadcast %broadcast_in_dim3A_316 : i32 to vector<16xi32>
      %gather3A_318 = tpu.vector_load_idx %arg7[%add3A_25, %broadcast_in_dim3A_317] : memref<512x112xf32, #tpu.memory_space<vmem>>[vector<16xi32>, vector<16xi32>], vector<16xf32>,
      %mul3A_319 = arith.mulf %gather3A_318, %gather3A_51 : vector<16xf32>
      %add3A_320 = arith.addf %add3A_305, %mul3A_319 : vector<16xf32>
      %broadcast_in_dim3A_321 = arith.constant 34 : i32
      %broadcast_in_dim3A_322 = vector.broadcast %broadcast_in_dim3A_321 : i32 to vector<16xi32>
      %gather3A_323 = tpu.vector_load_idx %arg7[%add3A_25, %broadcast_in_dim3A_322] : memref<512x112xf32, #tpu.memory_space<vmem>>[vector<16xi32>, vector<16xi32>], vector<16xf32>,
      %mul3A_324 = arith.mulf %gather3A_323, %gather3A_55 : vector<16xf32>
      %add3A_325 = arith.addf %add3A_310, %mul3A_324 : vector<16xf32>
      %broadcast_in_dim3A_326 = arith.constant 35 : i32
      %broadcast_in_dim3A_327 = vector.broadcast %broadcast_in_dim3A_326 : i32 to vector<16xi32>
      %gather3A_328 = tpu.vector_load_idx %arg7[%add3A_25, %broadcast_in_dim3A_327] : memref<512x112xf32, #tpu.memory_space<vmem>>[vector<16xi32>, vector<16xi32>], vector<16xf32>,
      %mul3A_329 = arith.mulf %gather3A_328, %gather3A_55 : vector<16xf32>
      %add3A_330 = arith.addf %add3A_315, %mul3A_329 : vector<16xf32>
      %broadcast_in_dim3A_331 = arith.constant 36 : i32
      %broadcast_in_dim3A_332 = vector.broadcast %broadcast_in_dim3A_331 : i32 to vector<16xi32>
      %gather3A_333 = tpu.vector_load_idx %arg7[%add3A_25, %broadcast_in_dim3A_332] : memref<512x112xf32, #tpu.memory_space<vmem>>[vector<16xi32>, vector<16xi32>], vector<16xf32>,
      %mul3A_334 = arith.mulf %gather3A_333, %gather3A_55 : vector<16xf32>
      %add3A_335 = arith.addf %add3A_320, %mul3A_334 : vector<16xf32>
      %broadcast_in_dim3A_336 = arith.constant 37 : i32
      %broadcast_in_dim3A_337 = vector.broadcast %broadcast_in_dim3A_336 : i32 to vector<16xi32>
      %gather3A_338 = tpu.vector_load_idx %arg7[%add3A_25, %broadcast_in_dim3A_337] : memref<512x112xf32, #tpu.memory_space<vmem>>[vector<16xi32>, vector<16xi32>], vector<16xf32>,
      %mul3A_339 = arith.mulf %gather3A_338, %gather3A_59 : vector<16xf32>
      %add3A_340 = arith.addf %add3A_325, %mul3A_339 : vector<16xf32>
      %broadcast_in_dim3A_341 = arith.constant 38 : i32
      %broadcast_in_dim3A_342 = vector.broadcast %broadcast_in_dim3A_341 : i32 to vector<16xi32>
      %gather3A_343 = tpu.vector_load_idx %arg7[%add3A_25, %broadcast_in_dim3A_342] : memref<512x112xf32, #tpu.memory_space<vmem>>[vector<16xi32>, vector<16xi32>], vector<16xf32>,
      %mul3A_344 = arith.mulf %gather3A_343, %gather3A_59 : vector<16xf32>
      %add3A_345 = arith.addf %add3A_330, %mul3A_344 : vector<16xf32>
      %broadcast_in_dim3A_346 = arith.constant 39 : i32
      %broadcast_in_dim3A_347 = vector.broadcast %broadcast_in_dim3A_346 : i32 to vector<16xi32>
      %gather3A_348 = tpu.vector_load_idx %arg7[%add3A_25, %broadcast_in_dim3A_347] : memref<512x112xf32, #tpu.memory_space<vmem>>[vector<16xi32>, vector<16xi32>], vector<16xf32>,
      %mul3A_349 = arith.mulf %gather3A_348, %gather3A_59 : vector<16xf32>
      %add3A_350 = arith.addf %add3A_335, %mul3A_349 : vector<16xf32>
      %broadcast_in_dim3A_351 = arith.constant 40 : i32
      %broadcast_in_dim3A_352 = vector.broadcast %broadcast_in_dim3A_351 : i32 to vector<16xi32>
      %gather3A_353 = tpu.vector_load_idx %arg7[%add3A_25, %broadcast_in_dim3A_352] : memref<512x112xf32, #tpu.memory_space<vmem>>[vector<16xi32>, vector<16xi32>], vector<16xf32>,
      %mul3A_354 = arith.mulf %gather3A_353, %gather3A_63 : vector<16xf32>
      %add3A_355 = arith.addf %add3A_340, %mul3A_354 : vector<16xf32>
      %broadcast_in_dim3A_356 = arith.constant 41 : i32
      %broadcast_in_dim3A_357 = vector.broadcast %broadcast_in_dim3A_356 : i32 to vector<16xi32>
      %gather3A_358 = tpu.vector_load_idx %arg7[%add3A_25, %broadcast_in_dim3A_357] : memref<512x112xf32, #tpu.memory_space<vmem>>[vector<16xi32>, vector<16xi32>], vector<16xf32>,
      %mul3A_359 = arith.mulf %gather3A_358, %gather3A_63 : vector<16xf32>
      %add3A_360 = arith.addf %add3A_345, %mul3A_359 : vector<16xf32>
      %broadcast_in_dim3A_361 = arith.constant 42 : i32
      %broadcast_in_dim3A_362 = vector.broadcast %broadcast_in_dim3A_361 : i32 to vector<16xi32>
      %gather3A_363 = tpu.vector_load_idx %arg7[%add3A_25, %broadcast_in_dim3A_362] : memref<512x112xf32, #tpu.memory_space<vmem>>[vector<16xi32>, vector<16xi32>], vector<16xf32>,
      %mul3A_364 = arith.mulf %gather3A_363, %gather3A_63 : vector<16xf32>
      %add3A_365 = arith.addf %add3A_350, %mul3A_364 : vector<16xf32>
      %broadcast_in_dim3A_366 = arith.constant 43 : i32
      %broadcast_in_dim3A_367 = vector.broadcast %broadcast_in_dim3A_366 : i32 to vector<16xi32>
      %gather3A_368 = tpu.vector_load_idx %arg7[%add3A_25, %broadcast_in_dim3A_367] : memref<512x112xf32, #tpu.memory_space<vmem>>[vector<16xi32>, vector<16xi32>], vector<16xf32>,
      %mul3A_369 = arith.mulf %gather3A_368, %gather3A_67 : vector<16xf32>
      %add3A_370 = arith.addf %add3A_355, %mul3A_369 : vector<16xf32>
      %broadcast_in_dim3A_371 = arith.constant 44 : i32
      %broadcast_in_dim3A_372 = vector.broadcast %broadcast_in_dim3A_371 : i32 to vector<16xi32>
      %gather3A_373 = tpu.vector_load_idx %arg7[%add3A_25, %broadcast_in_dim3A_372] : memref<512x112xf32, #tpu.memory_space<vmem>>[vector<16xi32>, vector<16xi32>], vector<16xf32>,
      %mul3A_374 = arith.mulf %gather3A_373, %gather3A_67 : vector<16xf32>
      %add3A_375 = arith.addf %add3A_360, %mul3A_374 : vector<16xf32>
      %broadcast_in_dim3A_376 = arith.constant 45 : i32
      %broadcast_in_dim3A_377 = vector.broadcast %broadcast_in_dim3A_376 : i32 to vector<16xi32>
      %gather3A_378 = tpu.vector_load_idx %arg7[%add3A_25, %broadcast_in_dim3A_377] : memref<512x112xf32, #tpu.memory_space<vmem>>[vector<16xi32>, vector<16xi32>], vector<16xf32>,
      %mul3A_379 = arith.mulf %gather3A_378, %gather3A_67 : vector<16xf32>
      %add3A_380 = arith.addf %add3A_365, %mul3A_379 : vector<16xf32>
      %broadcast_in_dim3A_381 = arith.constant 46 : i32
      %broadcast_in_dim3A_382 = vector.broadcast %broadcast_in_dim3A_381 : i32 to vector<16xi32>
      %gather3A_383 = tpu.vector_load_idx %arg7[%add3A_25, %broadcast_in_dim3A_382] : memref<512x112xf32, #tpu.memory_space<vmem>>[vector<16xi32>, vector<16xi32>], vector<16xf32>,
      %mul3A_384 = arith.mulf %gather3A_383, %gather3A_71 : vector<16xf32>
      %add3A_385 = arith.addf %add3A_370, %mul3A_384 : vector<16xf32>
      %broadcast_in_dim3A_386 = arith.constant 47 : i32
      %broadcast_in_dim3A_387 = vector.broadcast %broadcast_in_dim3A_386 : i32 to vector<16xi32>
      %gather3A_388 = tpu.vector_load_idx %arg7[%add3A_25, %broadcast_in_dim3A_387] : memref<512x112xf32, #tpu.memory_space<vmem>>[vector<16xi32>, vector<16xi32>], vector<16xf32>,
      %mul3A_389 = arith.mulf %gather3A_388, %gather3A_71 : vector<16xf32>
      %add3A_390 = arith.addf %add3A_375, %mul3A_389 : vector<16xf32>
      %broadcast_in_dim3A_391 = arith.constant 48 : i32
      %broadcast_in_dim3A_392 = vector.broadcast %broadcast_in_dim3A_391 : i32 to vector<16xi32>
      %gather3A_393 = tpu.vector_load_idx %arg7[%add3A_25, %broadcast_in_dim3A_392] : memref<512x112xf32, #tpu.memory_space<vmem>>[vector<16xi32>, vector<16xi32>], vector<16xf32>,
      %mul3A_394 = arith.mulf %gather3A_393, %gather3A_71 : vector<16xf32>
      %add3A_395 = arith.addf %add3A_380, %mul3A_394 : vector<16xf32>
      %broadcast_in_dim3A_396 = arith.constant 49 : i32
      %broadcast_in_dim3A_397 = vector.broadcast %broadcast_in_dim3A_396 : i32 to vector<16xi32>
      %gather3A_398 = tpu.vector_load_idx %arg7[%add3A_25, %broadcast_in_dim3A_397] : memref<512x112xf32, #tpu.memory_space<vmem>>[vector<16xi32>, vector<16xi32>], vector<16xf32>,
      %mul3A_399 = arith.mulf %gather3A_398, %gather3A_75 : vector<16xf32>
      %add3A_400 = arith.addf %add3A_385, %mul3A_399 : vector<16xf32>
      %broadcast_in_dim3A_401 = arith.constant 50 : i32
      %broadcast_in_dim3A_402 = vector.broadcast %broadcast_in_dim3A_401 : i32 to vector<16xi32>
      %gather3A_403 = tpu.vector_load_idx %arg7[%add3A_25, %broadcast_in_dim3A_402] : memref<512x112xf32, #tpu.memory_space<vmem>>[vector<16xi32>, vector<16xi32>], vector<16xf32>,
      %mul3A_404 = arith.mulf %gather3A_403, %gather3A_75 : vector<16xf32>
      %add3A_405 = arith.addf %add3A_390, %mul3A_404 : vector<16xf32>
      %broadcast_in_dim3A_406 = arith.constant 51 : i32
      %broadcast_in_dim3A_407 = vector.broadcast %broadcast_in_dim3A_406 : i32 to vector<16xi32>
      %gather3A_408 = tpu.vector_load_idx %arg7[%add3A_25, %broadcast_in_dim3A_407] : memref<512x112xf32, #tpu.memory_space<vmem>>[vector<16xi32>, vector<16xi32>], vector<16xf32>,
      %mul3A_409 = arith.mulf %gather3A_408, %gather3A_75 : vector<16xf32>
      %add3A_410 = arith.addf %add3A_395, %mul3A_409 : vector<16xf32>
      %broadcast_in_dim3A_411 = arith.constant 52 : i32
      %broadcast_in_dim3A_412 = vector.broadcast %broadcast_in_dim3A_411 : i32 to vector<16xi32>
      %gather3A_413 = tpu.vector_load_idx %arg7[%add3A_25, %broadcast_in_dim3A_412] : memref<512x112xf32, #tpu.memory_space<vmem>>[vector<16xi32>, vector<16xi32>], vector<16xf32>,
      %mul3A_414 = arith.mulf %gather3A_413, %gather3A_79 : vector<16xf32>
      %add3A_415 = arith.addf %add3A_400, %mul3A_414 : vector<16xf32>
      %broadcast_in_dim3A_416 = arith.constant 53 : i32
      %broadcast_in_dim3A_417 = vector.broadcast %broadcast_in_dim3A_416 : i32 to vector<16xi32>
      %gather3A_418 = tpu.vector_load_idx %arg7[%add3A_25, %broadcast_in_dim3A_417] : memref<512x112xf32, #tpu.memory_space<vmem>>[vector<16xi32>, vector<16xi32>], vector<16xf32>,
      %mul3A_419 = arith.mulf %gather3A_418, %gather3A_79 : vector<16xf32>
      %add3A_420 = arith.addf %add3A_405, %mul3A_419 : vector<16xf32>
      %broadcast_in_dim3A_421 = arith.constant 54 : i32
      %broadcast_in_dim3A_422 = vector.broadcast %broadcast_in_dim3A_421 : i32 to vector<16xi32>
      %gather3A_423 = tpu.vector_load_idx %arg7[%add3A_25, %broadcast_in_dim3A_422] : memref<512x112xf32, #tpu.memory_space<vmem>>[vector<16xi32>, vector<16xi32>], vector<16xf32>,
      %mul3A_424 = arith.mulf %gather3A_423, %gather3A_79 : vector<16xf32>
      %add3A_425 = arith.addf %add3A_410, %mul3A_424 : vector<16xf32>
      %broadcast_in_dim3A_426 = arith.constant 55 : i32
      %broadcast_in_dim3A_427 = vector.broadcast %broadcast_in_dim3A_426 : i32 to vector<16xi32>
      %gather3A_428 = tpu.vector_load_idx %arg7[%add3A_25, %broadcast_in_dim3A_427] : memref<512x112xf32, #tpu.memory_space<vmem>>[vector<16xi32>, vector<16xi32>], vector<16xf32>,
      %mul3A_429 = arith.mulf %gather3A_428, %gather3A_83 : vector<16xf32>
      %add3A_430 = arith.addf %add3A_415, %mul3A_429 : vector<16xf32>
      %broadcast_in_dim3A_431 = arith.constant 56 : i32
      %broadcast_in_dim3A_432 = vector.broadcast %broadcast_in_dim3A_431 : i32 to vector<16xi32>
      %gather3A_433 = tpu.vector_load_idx %arg7[%add3A_25, %broadcast_in_dim3A_432] : memref<512x112xf32, #tpu.memory_space<vmem>>[vector<16xi32>, vector<16xi32>], vector<16xf32>,
      %mul3A_434 = arith.mulf %gather3A_433, %gather3A_83 : vector<16xf32>
      %add3A_435 = arith.addf %add3A_420, %mul3A_434 : vector<16xf32>
      %broadcast_in_dim3A_436 = arith.constant 57 : i32
      %broadcast_in_dim3A_437 = vector.broadcast %broadcast_in_dim3A_436 : i32 to vector<16xi32>
      %gather3A_438 = tpu.vector_load_idx %arg7[%add3A_25, %broadcast_in_dim3A_437] : memref<512x112xf32, #tpu.memory_space<vmem>>[vector<16xi32>, vector<16xi32>], vector<16xf32>,
      %mul3A_439 = arith.mulf %gather3A_438, %gather3A_83 : vector<16xf32>
      %add3A_440 = arith.addf %add3A_425, %mul3A_439 : vector<16xf32>
      %broadcast_in_dim3A_441 = arith.constant 58 : i32
      %broadcast_in_dim3A_442 = vector.broadcast %broadcast_in_dim3A_441 : i32 to vector<16xi32>
      %gather3A_443 = tpu.vector_load_idx %arg7[%add3A_25, %broadcast_in_dim3A_442] : memref<512x112xf32, #tpu.memory_space<vmem>>[vector<16xi32>, vector<16xi32>], vector<16xf32>,
      %mul3A_444 = arith.mulf %gather3A_443, %gather3A_87 : vector<16xf32>
      %add3A_445 = arith.addf %add3A_430, %mul3A_444 : vector<16xf32>
      %broadcast_in_dim3A_446 = arith.constant 59 : i32
      %broadcast_in_dim3A_447 = vector.broadcast %broadcast_in_dim3A_446 : i32 to vector<16xi32>
      %gather3A_448 = tpu.vector_load_idx %arg7[%add3A_25, %broadcast_in_dim3A_447] : memref<512x112xf32, #tpu.memory_space<vmem>>[vector<16xi32>, vector<16xi32>], vector<16xf32>,
      %mul3A_449 = arith.mulf %gather3A_448, %gather3A_87 : vector<16xf32>
      %add3A_450 = arith.addf %add3A_435, %mul3A_449 : vector<16xf32>
      %broadcast_in_dim3A_451 = arith.constant 60 : i32
      %broadcast_in_dim3A_452 = vector.broadcast %broadcast_in_dim3A_451 : i32 to vector<16xi32>
      %gather3A_453 = tpu.vector_load_idx %arg7[%add3A_25, %broadcast_in_dim3A_452] : memref<512x112xf32, #tpu.memory_space<vmem>>[vector<16xi32>, vector<16xi32>], vector<16xf32>,
      %mul3A_454 = arith.mulf %gather3A_453, %gather3A_87 : vector<16xf32>
      %add3A_455 = arith.addf %add3A_440, %mul3A_454 : vector<16xf32>
      %broadcast_in_dim3A_456 = arith.constant 61 : i32
      %broadcast_in_dim3A_457 = vector.broadcast %broadcast_in_dim3A_456 : i32 to vector<16xi32>
      %gather3A_458 = tpu.vector_load_idx %arg7[%add3A_25, %broadcast_in_dim3A_457] : memref<512x112xf32, #tpu.memory_space<vmem>>[vector<16xi32>, vector<16xi32>], vector<16xf32>,
      %mul3A_459 = arith.mulf %gather3A_458, %gather3A_91 : vector<16xf32>
      %add3A_460 = arith.addf %add3A_445, %mul3A_459 : vector<16xf32>
      %broadcast_in_dim3A_461 = arith.constant 62 : i32
      %broadcast_in_dim3A_462 = vector.broadcast %broadcast_in_dim3A_461 : i32 to vector<16xi32>
      %gather3A_463 = tpu.vector_load_idx %arg7[%add3A_25, %broadcast_in_dim3A_462] : memref<512x112xf32, #tpu.memory_space<vmem>>[vector<16xi32>, vector<16xi32>], vector<16xf32>,
      %mul3A_464 = arith.mulf %gather3A_463, %gather3A_91 : vector<16xf32>
      %add3A_465 = arith.addf %add3A_450, %mul3A_464 : vector<16xf32>
      %broadcast_in_dim3A_466 = arith.constant 63 : i32
      %broadcast_in_dim3A_467 = vector.broadcast %broadcast_in_dim3A_466 : i32 to vector<16xi32>
      %gather3A_468 = tpu.vector_load_idx %arg7[%add3A_25, %broadcast_in_dim3A_467] : memref<512x112xf32, #tpu.memory_space<vmem>>[vector<16xi32>, vector<16xi32>], vector<16xf32>,
      %mul3A_469 = arith.mulf %gather3A_468, %gather3A_91 : vector<16xf32>
      %add3A_470 = arith.addf %add3A_455, %mul3A_469 : vector<16xf32>
      %broadcast_in_dim3A_471 = arith.constant 64 : i32
      %broadcast_in_dim3A_472 = vector.broadcast %broadcast_in_dim3A_471 : i32 to vector<16xi32>
      %gather3A_473 = tpu.vector_load_idx %arg7[%add3A_25, %broadcast_in_dim3A_472] : memref<512x112xf32, #tpu.memory_space<vmem>>[vector<16xi32>, vector<16xi32>], vector<16xf32>,
      %mul3A_474 = arith.mulf %gather3A_473, %gather3A_95 : vector<16xf32>
      %broadcast_in_dim3A_475 = arith.constant 65 : i32
      %broadcast_in_dim3A_476 = vector.broadcast %broadcast_in_dim3A_475 : i32 to vector<16xi32>
      %gather3A_477 = tpu.vector_load_idx %arg7[%add3A_25, %broadcast_in_dim3A_476] : memref<512x112xf32, #tpu.memory_space<vmem>>[vector<16xi32>, vector<16xi32>], vector<16xf32>,
      %mul3A_478 = arith.mulf %gather3A_477, %gather3A_95 : vector<16xf32>
      %broadcast_in_dim3A_479 = arith.constant 66 : i32
      %broadcast_in_dim3A_480 = vector.broadcast %broadcast_in_dim3A_479 : i32 to vector<16xi32>
      %gather3A_481 = tpu.vector_load_idx %arg7[%add3A_25, %broadcast_in_dim3A_480] : memref<512x112xf32, #tpu.memory_space<vmem>>[vector<16xi32>, vector<16xi32>], vector<16xf32>,
      %mul3A_482 = arith.mulf %gather3A_481, %gather3A_95 : vector<16xf32>
      %broadcast_in_dim3A_483 = arith.constant 67 : i32
      %broadcast_in_dim3A_484 = vector.broadcast %broadcast_in_dim3A_483 : i32 to vector<16xi32>
      %gather3A_485 = tpu.vector_load_idx %arg7[%add3A_25, %broadcast_in_dim3A_484] : memref<512x112xf32, #tpu.memory_space<vmem>>[vector<16xi32>, vector<16xi32>], vector<16xf32>,
      %mul3A_486 = arith.mulf %gather3A_485, %gather3A_99 : vector<16xf32>
      %add3A_487 = arith.addf %mul3A_474, %mul3A_486 : vector<16xf32>
      %broadcast_in_dim3A_488 = arith.constant 68 : i32
      %broadcast_in_dim3A_489 = vector.broadcast %broadcast_in_dim3A_488 : i32 to vector<16xi32>
      %gather3A_490 = tpu.vector_load_idx %arg7[%add3A_25, %broadcast_in_dim3A_489] : memref<512x112xf32, #tpu.memory_space<vmem>>[vector<16xi32>, vector<16xi32>], vector<16xf32>,
      %mul3A_491 = arith.mulf %gather3A_490, %gather3A_99 : vector<16xf32>
      %add3A_492 = arith.addf %mul3A_478, %mul3A_491 : vector<16xf32>
      %broadcast_in_dim3A_493 = arith.constant 69 : i32
      %broadcast_in_dim3A_494 = vector.broadcast %broadcast_in_dim3A_493 : i32 to vector<16xi32>
      %gather3A_495 = tpu.vector_load_idx %arg7[%add3A_25, %broadcast_in_dim3A_494] : memref<512x112xf32, #tpu.memory_space<vmem>>[vector<16xi32>, vector<16xi32>], vector<16xf32>,
      %mul3A_496 = arith.mulf %gather3A_495, %gather3A_99 : vector<16xf32>
      %add3A_497 = arith.addf %mul3A_482, %mul3A_496 : vector<16xf32>
      %broadcast_in_dim3A_498 = arith.constant 70 : i32
      %broadcast_in_dim3A_499 = vector.broadcast %broadcast_in_dim3A_498 : i32 to vector<16xi32>
      %gather3A_500 = tpu.vector_load_idx %arg7[%add3A_25, %broadcast_in_dim3A_499] : memref<512x112xf32, #tpu.memory_space<vmem>>[vector<16xi32>, vector<16xi32>], vector<16xf32>,
      %mul3A_501 = arith.mulf %gather3A_500, %gather3A_103 : vector<16xf32>
      %add3A_502 = arith.addf %add3A_487, %mul3A_501 : vector<16xf32>
      %broadcast_in_dim3A_503 = arith.constant 71 : i32
      %broadcast_in_dim3A_504 = vector.broadcast %broadcast_in_dim3A_503 : i32 to vector<16xi32>
      %gather3A_505 = tpu.vector_load_idx %arg7[%add3A_25, %broadcast_in_dim3A_504] : memref<512x112xf32, #tpu.memory_space<vmem>>[vector<16xi32>, vector<16xi32>], vector<16xf32>,
      %mul3A_506 = arith.mulf %gather3A_505, %gather3A_103 : vector<16xf32>
      %add3A_507 = arith.addf %add3A_492, %mul3A_506 : vector<16xf32>
      %broadcast_in_dim3A_508 = arith.constant 72 : i32
      %broadcast_in_dim3A_509 = vector.broadcast %broadcast_in_dim3A_508 : i32 to vector<16xi32>
      %gather3A_510 = tpu.vector_load_idx %arg7[%add3A_25, %broadcast_in_dim3A_509] : memref<512x112xf32, #tpu.memory_space<vmem>>[vector<16xi32>, vector<16xi32>], vector<16xf32>,
      %mul3A_511 = arith.mulf %gather3A_510, %gather3A_103 : vector<16xf32>
      %add3A_512 = arith.addf %add3A_497, %mul3A_511 : vector<16xf32>
      %broadcast_in_dim3A_513 = arith.constant 73 : i32
      %broadcast_in_dim3A_514 = vector.broadcast %broadcast_in_dim3A_513 : i32 to vector<16xi32>
      %gather3A_515 = tpu.vector_load_idx %arg7[%add3A_25, %broadcast_in_dim3A_514] : memref<512x112xf32, #tpu.memory_space<vmem>>[vector<16xi32>, vector<16xi32>], vector<16xf32>,
      %mul3A_516 = arith.mulf %gather3A_515, %gather3A_107 : vector<16xf32>
      %add3A_517 = arith.addf %add3A_502, %mul3A_516 : vector<16xf32>
      %broadcast_in_dim3A_518 = arith.constant 74 : i32
      %broadcast_in_dim3A_519 = vector.broadcast %broadcast_in_dim3A_518 : i32 to vector<16xi32>
      %gather3A_520 = tpu.vector_load_idx %arg7[%add3A_25, %broadcast_in_dim3A_519] : memref<512x112xf32, #tpu.memory_space<vmem>>[vector<16xi32>, vector<16xi32>], vector<16xf32>,
      %mul3A_521 = arith.mulf %gather3A_520, %gather3A_107 : vector<16xf32>
      %add3A_522 = arith.addf %add3A_507, %mul3A_521 : vector<16xf32>
      %broadcast_in_dim3A_523 = arith.constant 75 : i32
      %broadcast_in_dim3A_524 = vector.broadcast %broadcast_in_dim3A_523 : i32 to vector<16xi32>
      %gather3A_525 = tpu.vector_load_idx %arg7[%add3A_25, %broadcast_in_dim3A_524] : memref<512x112xf32, #tpu.memory_space<vmem>>[vector<16xi32>, vector<16xi32>], vector<16xf32>,
      %mul3A_526 = arith.mulf %gather3A_525, %gather3A_107 : vector<16xf32>
      %add3A_527 = arith.addf %add3A_512, %mul3A_526 : vector<16xf32>
      %broadcast_in_dim3A_528 = arith.constant 76 : i32
      %broadcast_in_dim3A_529 = vector.broadcast %broadcast_in_dim3A_528 : i32 to vector<16xi32>
      %gather3A_530 = tpu.vector_load_idx %arg7[%add3A_25, %broadcast_in_dim3A_529] : memref<512x112xf32, #tpu.memory_space<vmem>>[vector<16xi32>, vector<16xi32>], vector<16xf32>,
      %mul3A_531 = arith.mulf %gather3A_530, %gather3A_111 : vector<16xf32>
      %add3A_532 = arith.addf %add3A_517, %mul3A_531 : vector<16xf32>
      %broadcast_in_dim3A_533 = arith.constant 77 : i32
      %broadcast_in_dim3A_534 = vector.broadcast %broadcast_in_dim3A_533 : i32 to vector<16xi32>
      %gather3A_535 = tpu.vector_load_idx %arg7[%add3A_25, %broadcast_in_dim3A_534] : memref<512x112xf32, #tpu.memory_space<vmem>>[vector<16xi32>, vector<16xi32>], vector<16xf32>,
      %mul3A_536 = arith.mulf %gather3A_535, %gather3A_111 : vector<16xf32>
      %add3A_537 = arith.addf %add3A_522, %mul3A_536 : vector<16xf32>
      %broadcast_in_dim3A_538 = arith.constant 78 : i32
      %broadcast_in_dim3A_539 = vector.broadcast %broadcast_in_dim3A_538 : i32 to vector<16xi32>
      %gather3A_540 = tpu.vector_load_idx %arg7[%add3A_25, %broadcast_in_dim3A_539] : memref<512x112xf32, #tpu.memory_space<vmem>>[vector<16xi32>, vector<16xi32>], vector<16xf32>,
      %mul3A_541 = arith.mulf %gather3A_540, %gather3A_111 : vector<16xf32>
      %add3A_542 = arith.addf %add3A_527, %mul3A_541 : vector<16xf32>
      %broadcast_in_dim3A_543 = arith.constant 79 : i32
      %broadcast_in_dim3A_544 = vector.broadcast %broadcast_in_dim3A_543 : i32 to vector<16xi32>
      %gather3A_545 = tpu.vector_load_idx %arg7[%add3A_25, %broadcast_in_dim3A_544] : memref<512x112xf32, #tpu.memory_space<vmem>>[vector<16xi32>, vector<16xi32>], vector<16xf32>,
      %mul3A_546 = arith.mulf %gather3A_545, %gather3A_115 : vector<16xf32>
      %add3A_547 = arith.addf %add3A_532, %mul3A_546 : vector<16xf32>
      %broadcast_in_dim3A_548 = arith.constant 80 : i32
      %broadcast_in_dim3A_549 = vector.broadcast %broadcast_in_dim3A_548 : i32 to vector<16xi32>
      %gather3A_550 = tpu.vector_load_idx %arg7[%add3A_25, %broadcast_in_dim3A_549] : memref<512x112xf32, #tpu.memory_space<vmem>>[vector<16xi32>, vector<16xi32>], vector<16xf32>,
      %mul3A_551 = arith.mulf %gather3A_550, %gather3A_115 : vector<16xf32>
      %add3A_552 = arith.addf %add3A_537, %mul3A_551 : vector<16xf32>
      %broadcast_in_dim3A_553 = arith.constant 81 : i32
      %broadcast_in_dim3A_554 = vector.broadcast %broadcast_in_dim3A_553 : i32 to vector<16xi32>
      %gather3A_555 = tpu.vector_load_idx %arg7[%add3A_25, %broadcast_in_dim3A_554] : memref<512x112xf32, #tpu.memory_space<vmem>>[vector<16xi32>, vector<16xi32>], vector<16xf32>,
      %mul3A_556 = arith.mulf %gather3A_555, %gather3A_115 : vector<16xf32>
      %add3A_557 = arith.addf %add3A_542, %mul3A_556 : vector<16xf32>
      %broadcast_in_dim3A_558 = arith.constant 82 : i32
      %broadcast_in_dim3A_559 = vector.broadcast %broadcast_in_dim3A_558 : i32 to vector<16xi32>
      %gather3A_560 = tpu.vector_load_idx %arg7[%add3A_25, %broadcast_in_dim3A_559] : memref<512x112xf32, #tpu.memory_space<vmem>>[vector<16xi32>, vector<16xi32>], vector<16xf32>,
      %mul3A_561 = arith.mulf %gather3A_560, %gather3A_119 : vector<16xf32>
      %add3A_562 = arith.addf %add3A_547, %mul3A_561 : vector<16xf32>
      %broadcast_in_dim3A_563 = arith.constant 83 : i32
      %broadcast_in_dim3A_564 = vector.broadcast %broadcast_in_dim3A_563 : i32 to vector<16xi32>
      %gather3A_565 = tpu.vector_load_idx %arg7[%add3A_25, %broadcast_in_dim3A_564] : memref<512x112xf32, #tpu.memory_space<vmem>>[vector<16xi32>, vector<16xi32>], vector<16xf32>,
      %mul3A_566 = arith.mulf %gather3A_565, %gather3A_119 : vector<16xf32>
      %add3A_567 = arith.addf %add3A_552, %mul3A_566 : vector<16xf32>
      %broadcast_in_dim3A_568 = arith.constant 84 : i32
      %broadcast_in_dim3A_569 = vector.broadcast %broadcast_in_dim3A_568 : i32 to vector<16xi32>
      %gather3A_570 = tpu.vector_load_idx %arg7[%add3A_25, %broadcast_in_dim3A_569] : memref<512x112xf32, #tpu.memory_space<vmem>>[vector<16xi32>, vector<16xi32>], vector<16xf32>,
      %mul3A_571 = arith.mulf %gather3A_570, %gather3A_119 : vector<16xf32>
      %add3A_572 = arith.addf %add3A_557, %mul3A_571 : vector<16xf32>
      %broadcast_in_dim3A_573 = arith.constant 85 : i32
      %broadcast_in_dim3A_574 = vector.broadcast %broadcast_in_dim3A_573 : i32 to vector<16xi32>
      %gather3A_575 = tpu.vector_load_idx %arg7[%add3A_25, %broadcast_in_dim3A_574] : memref<512x112xf32, #tpu.memory_space<vmem>>[vector<16xi32>, vector<16xi32>], vector<16xf32>,
      %mul3A_576 = arith.mulf %gather3A_575, %gather3A_123 : vector<16xf32>
      %add3A_577 = arith.addf %add3A_562, %mul3A_576 : vector<16xf32>
      %broadcast_in_dim3A_578 = arith.constant 86 : i32
      %broadcast_in_dim3A_579 = vector.broadcast %broadcast_in_dim3A_578 : i32 to vector<16xi32>
      %gather3A_580 = tpu.vector_load_idx %arg7[%add3A_25, %broadcast_in_dim3A_579] : memref<512x112xf32, #tpu.memory_space<vmem>>[vector<16xi32>, vector<16xi32>], vector<16xf32>,
      %mul3A_581 = arith.mulf %gather3A_580, %gather3A_123 : vector<16xf32>
      %add3A_582 = arith.addf %add3A_567, %mul3A_581 : vector<16xf32>
      %broadcast_in_dim3A_583 = arith.constant 87 : i32
      %broadcast_in_dim3A_584 = vector.broadcast %broadcast_in_dim3A_583 : i32 to vector<16xi32>
      %gather3A_585 = tpu.vector_load_idx %arg7[%add3A_25, %broadcast_in_dim3A_584] : memref<512x112xf32, #tpu.memory_space<vmem>>[vector<16xi32>, vector<16xi32>], vector<16xf32>,
      %mul3A_586 = arith.mulf %gather3A_585, %gather3A_123 : vector<16xf32>
      %add3A_587 = arith.addf %add3A_572, %mul3A_586 : vector<16xf32>
      %broadcast_in_dim3A_588 = arith.constant 88 : i32
      %broadcast_in_dim3A_589 = vector.broadcast %broadcast_in_dim3A_588 : i32 to vector<16xi32>
      %gather3A_590 = tpu.vector_load_idx %arg7[%add3A_25, %broadcast_in_dim3A_589] : memref<512x112xf32, #tpu.memory_space<vmem>>[vector<16xi32>, vector<16xi32>], vector<16xf32>,
      %mul3A_591 = arith.mulf %gather3A_590, %gather3A_127 : vector<16xf32>
      %add3A_592 = arith.addf %add3A_577, %mul3A_591 : vector<16xf32>
      %broadcast_in_dim3A_593 = arith.constant 89 : i32
      %broadcast_in_dim3A_594 = vector.broadcast %broadcast_in_dim3A_593 : i32 to vector<16xi32>
      %gather3A_595 = tpu.vector_load_idx %arg7[%add3A_25, %broadcast_in_dim3A_594] : memref<512x112xf32, #tpu.memory_space<vmem>>[vector<16xi32>, vector<16xi32>], vector<16xf32>,
      %mul3A_596 = arith.mulf %gather3A_595, %gather3A_127 : vector<16xf32>
      %add3A_597 = arith.addf %add3A_582, %mul3A_596 : vector<16xf32>
      %broadcast_in_dim3A_598 = arith.constant 90 : i32
      %broadcast_in_dim3A_599 = vector.broadcast %broadcast_in_dim3A_598 : i32 to vector<16xi32>
      %gather3A_600 = tpu.vector_load_idx %arg7[%add3A_25, %broadcast_in_dim3A_599] : memref<512x112xf32, #tpu.memory_space<vmem>>[vector<16xi32>, vector<16xi32>], vector<16xf32>,
      %mul3A_601 = arith.mulf %gather3A_600, %gather3A_127 : vector<16xf32>
      %add3A_602 = arith.addf %add3A_587, %mul3A_601 : vector<16xf32>
      %broadcast_in_dim3A_603 = arith.constant 91 : i32
      %broadcast_in_dim3A_604 = vector.broadcast %broadcast_in_dim3A_603 : i32 to vector<16xi32>
      %gather3A_605 = tpu.vector_load_idx %arg7[%add3A_25, %broadcast_in_dim3A_604] : memref<512x112xf32, #tpu.memory_space<vmem>>[vector<16xi32>, vector<16xi32>], vector<16xf32>,
      %mul3A_606 = arith.mulf %gather3A_605, %gather3A_131 : vector<16xf32>
      %add3A_607 = arith.addf %add3A_592, %mul3A_606 : vector<16xf32>
      %broadcast_in_dim3A_608 = arith.constant 92 : i32
      %broadcast_in_dim3A_609 = vector.broadcast %broadcast_in_dim3A_608 : i32 to vector<16xi32>
      %gather3A_610 = tpu.vector_load_idx %arg7[%add3A_25, %broadcast_in_dim3A_609] : memref<512x112xf32, #tpu.memory_space<vmem>>[vector<16xi32>, vector<16xi32>], vector<16xf32>,
      %mul3A_611 = arith.mulf %gather3A_610, %gather3A_131 : vector<16xf32>
      %add3A_612 = arith.addf %add3A_597, %mul3A_611 : vector<16xf32>
      %broadcast_in_dim3A_613 = arith.constant 93 : i32
      %broadcast_in_dim3A_614 = vector.broadcast %broadcast_in_dim3A_613 : i32 to vector<16xi32>
      %gather3A_615 = tpu.vector_load_idx %arg7[%add3A_25, %broadcast_in_dim3A_614] : memref<512x112xf32, #tpu.memory_space<vmem>>[vector<16xi32>, vector<16xi32>], vector<16xf32>,
      %mul3A_616 = arith.mulf %gather3A_615, %gather3A_131 : vector<16xf32>
      %add3A_617 = arith.addf %add3A_602, %mul3A_616 : vector<16xf32>
      %broadcast_in_dim3A_618 = arith.constant 94 : i32
      %broadcast_in_dim3A_619 = vector.broadcast %broadcast_in_dim3A_618 : i32 to vector<16xi32>
      %gather3A_620 = tpu.vector_load_idx %arg7[%add3A_25, %broadcast_in_dim3A_619] : memref<512x112xf32, #tpu.memory_space<vmem>>[vector<16xi32>, vector<16xi32>], vector<16xf32>,
      %mul3A_621 = arith.mulf %gather3A_620, %gather3A_135 : vector<16xf32>
      %add3A_622 = arith.addf %add3A_607, %mul3A_621 : vector<16xf32>
      %broadcast_in_dim3A_623 = arith.constant 95 : i32
      %broadcast_in_dim3A_624 = vector.broadcast %broadcast_in_dim3A_623 : i32 to vector<16xi32>
      %gather3A_625 = tpu.vector_load_idx %arg7[%add3A_25, %broadcast_in_dim3A_624] : memref<512x112xf32, #tpu.memory_space<vmem>>[vector<16xi32>, vector<16xi32>], vector<16xf32>,
      %mul3A_626 = arith.mulf %gather3A_625, %gather3A_135 : vector<16xf32>
      %add3A_627 = arith.addf %add3A_612, %mul3A_626 : vector<16xf32>
      %broadcast_in_dim3A_628 = arith.constant 96 : i32
      %broadcast_in_dim3A_629 = vector.broadcast %broadcast_in_dim3A_628 : i32 to vector<16xi32>
      %gather3A_630 = tpu.vector_load_idx %arg7[%add3A_25, %broadcast_in_dim3A_629] : memref<512x112xf32, #tpu.memory_space<vmem>>[vector<16xi32>, vector<16xi32>], vector<16xf32>,
      %mul3A_631 = arith.mulf %gather3A_630, %gather3A_135 : vector<16xf32>
      %add3A_632 = arith.addf %add3A_617, %mul3A_631 : vector<16xf32>
      %broadcast_in_dim3A_633 = arith.constant 97 : i32
      %broadcast_in_dim3A_634 = vector.broadcast %broadcast_in_dim3A_633 : i32 to vector<16xi32>
      %gather3A_635 = tpu.vector_load_idx %arg7[%add3A_25, %broadcast_in_dim3A_634] : memref<512x112xf32, #tpu.memory_space<vmem>>[vector<16xi32>, vector<16xi32>], vector<16xf32>,
      %mul3A_636 = arith.mulf %gather3A_635, %gather3A_139 : vector<16xf32>
      %add3A_637 = arith.addf %add3A_622, %mul3A_636 : vector<16xf32>
      %broadcast_in_dim3A_638 = arith.constant 98 : i32
      %broadcast_in_dim3A_639 = vector.broadcast %broadcast_in_dim3A_638 : i32 to vector<16xi32>
      %gather3A_640 = tpu.vector_load_idx %arg7[%add3A_25, %broadcast_in_dim3A_639] : memref<512x112xf32, #tpu.memory_space<vmem>>[vector<16xi32>, vector<16xi32>], vector<16xf32>,
      %mul3A_641 = arith.mulf %gather3A_640, %gather3A_139 : vector<16xf32>
      %add3A_642 = arith.addf %add3A_627, %mul3A_641 : vector<16xf32>
      %broadcast_in_dim3A_643 = arith.constant 99 : i32
      %broadcast_in_dim3A_644 = vector.broadcast %broadcast_in_dim3A_643 : i32 to vector<16xi32>
      %gather3A_645 = tpu.vector_load_idx %arg7[%add3A_25, %broadcast_in_dim3A_644] : memref<512x112xf32, #tpu.memory_space<vmem>>[vector<16xi32>, vector<16xi32>], vector<16xf32>,
      %mul3A_646 = arith.mulf %gather3A_645, %gather3A_139 : vector<16xf32>
      %add3A_647 = arith.addf %add3A_632, %mul3A_646 : vector<16xf32>
      %broadcast_in_dim3A_648 = arith.constant 100 : i32
      %broadcast_in_dim3A_649 = vector.broadcast %broadcast_in_dim3A_648 : i32 to vector<16xi32>
      %gather3A_650 = tpu.vector_load_idx %arg7[%add3A_25, %broadcast_in_dim3A_649] : memref<512x112xf32, #tpu.memory_space<vmem>>[vector<16xi32>, vector<16xi32>], vector<16xf32>,
      %mul3A_651 = arith.mulf %gather3A_650, %gather3A_143 : vector<16xf32>
      %add3A_652 = arith.addf %add3A_637, %mul3A_651 : vector<16xf32>
      %broadcast_in_dim3A_653 = arith.constant 101 : i32
      %broadcast_in_dim3A_654 = vector.broadcast %broadcast_in_dim3A_653 : i32 to vector<16xi32>
      %gather3A_655 = tpu.vector_load_idx %arg7[%add3A_25, %broadcast_in_dim3A_654] : memref<512x112xf32, #tpu.memory_space<vmem>>[vector<16xi32>, vector<16xi32>], vector<16xf32>,
      %mul3A_656 = arith.mulf %gather3A_655, %gather3A_143 : vector<16xf32>
      %add3A_657 = arith.addf %add3A_642, %mul3A_656 : vector<16xf32>
      %broadcast_in_dim3A_658 = arith.constant 102 : i32
      %broadcast_in_dim3A_659 = vector.broadcast %broadcast_in_dim3A_658 : i32 to vector<16xi32>
      %gather3A_660 = tpu.vector_load_idx %arg7[%add3A_25, %broadcast_in_dim3A_659] : memref<512x112xf32, #tpu.memory_space<vmem>>[vector<16xi32>, vector<16xi32>], vector<16xf32>,
      %mul3A_661 = arith.mulf %gather3A_660, %gather3A_143 : vector<16xf32>
      %add3A_662 = arith.addf %add3A_647, %mul3A_661 : vector<16xf32>
      %broadcast_in_dim3A_663 = arith.constant 103 : i32
      %broadcast_in_dim3A_664 = vector.broadcast %broadcast_in_dim3A_663 : i32 to vector<16xi32>
      %gather3A_665 = tpu.vector_load_idx %arg7[%add3A_25, %broadcast_in_dim3A_664] : memref<512x112xf32, #tpu.memory_space<vmem>>[vector<16xi32>, vector<16xi32>], vector<16xf32>,
      %mul3A_666 = arith.mulf %gather3A_665, %gather3A_147 : vector<16xf32>
      %add3A_667 = arith.addf %add3A_652, %mul3A_666 : vector<16xf32>
      %broadcast_in_dim3A_668 = arith.constant 104 : i32
      %broadcast_in_dim3A_669 = vector.broadcast %broadcast_in_dim3A_668 : i32 to vector<16xi32>
      %gather3A_670 = tpu.vector_load_idx %arg7[%add3A_25, %broadcast_in_dim3A_669] : memref<512x112xf32, #tpu.memory_space<vmem>>[vector<16xi32>, vector<16xi32>], vector<16xf32>,
      %mul3A_671 = arith.mulf %gather3A_670, %gather3A_147 : vector<16xf32>
      %add3A_672 = arith.addf %add3A_657, %mul3A_671 : vector<16xf32>
      %broadcast_in_dim3A_673 = arith.constant 105 : i32
      %broadcast_in_dim3A_674 = vector.broadcast %broadcast_in_dim3A_673 : i32 to vector<16xi32>
      %gather3A_675 = tpu.vector_load_idx %arg7[%add3A_25, %broadcast_in_dim3A_674] : memref<512x112xf32, #tpu.memory_space<vmem>>[vector<16xi32>, vector<16xi32>], vector<16xf32>,
      %mul3A_676 = arith.mulf %gather3A_675, %gather3A_147 : vector<16xf32>
      %add3A_677 = arith.addf %add3A_662, %mul3A_676 : vector<16xf32>
      %broadcast_in_dim3A_678 = arith.constant 106 : i32
      %broadcast_in_dim3A_679 = vector.broadcast %broadcast_in_dim3A_678 : i32 to vector<16xi32>
      %gather3A_680 = tpu.vector_load_idx %arg7[%add3A_25, %broadcast_in_dim3A_679] : memref<512x112xf32, #tpu.memory_space<vmem>>[vector<16xi32>, vector<16xi32>], vector<16xf32>,
      %mul3A_681 = arith.mulf %gather3A_680, %gather3A_151 : vector<16xf32>
      %add3A_682 = arith.addf %add3A_667, %mul3A_681 : vector<16xf32>
      %broadcast_in_dim3A_683 = arith.constant 107 : i32
      %broadcast_in_dim3A_684 = vector.broadcast %broadcast_in_dim3A_683 : i32 to vector<16xi32>
      %gather3A_685 = tpu.vector_load_idx %arg7[%add3A_25, %broadcast_in_dim3A_684] : memref<512x112xf32, #tpu.memory_space<vmem>>[vector<16xi32>, vector<16xi32>], vector<16xf32>,
      %mul3A_686 = arith.mulf %gather3A_685, %gather3A_151 : vector<16xf32>
      %add3A_687 = arith.addf %add3A_672, %mul3A_686 : vector<16xf32>
      %broadcast_in_dim3A_688 = arith.constant 108 : i32
      %broadcast_in_dim3A_689 = vector.broadcast %broadcast_in_dim3A_688 : i32 to vector<16xi32>
      %gather3A_690 = tpu.vector_load_idx %arg7[%add3A_25, %broadcast_in_dim3A_689] : memref<512x112xf32, #tpu.memory_space<vmem>>[vector<16xi32>, vector<16xi32>], vector<16xf32>,
      %mul3A_691 = arith.mulf %gather3A_690, %gather3A_151 : vector<16xf32>
      %add3A_692 = arith.addf %add3A_677, %mul3A_691 : vector<16xf32>
      %broadcast_in_dim3A_693 = arith.constant 109 : i32
      %broadcast_in_dim3A_694 = vector.broadcast %broadcast_in_dim3A_693 : i32 to vector<16xi32>
      %gather3A_695 = tpu.vector_load_idx %arg7[%add3A_25, %broadcast_in_dim3A_694] : memref<512x112xf32, #tpu.memory_space<vmem>>[vector<16xi32>, vector<16xi32>], vector<16xf32>,
      %mul3A_696 = arith.mulf %gather3A_695, %gather3A_155 : vector<16xf32>
      %add3A_697 = arith.addf %add3A_682, %mul3A_696 : vector<16xf32>
      %broadcast_in_dim3A_698 = arith.constant 110 : i32
      %broadcast_in_dim3A_699 = vector.broadcast %broadcast_in_dim3A_698 : i32 to vector<16xi32>
      %gather3A_700 = tpu.vector_load_idx %arg7[%add3A_25, %broadcast_in_dim3A_699] : memref<512x112xf32, #tpu.memory_space<vmem>>[vector<16xi32>, vector<16xi32>], vector<16xf32>,
      %mul3A_701 = arith.mulf %gather3A_700, %gather3A_155 : vector<16xf32>
      %add3A_702 = arith.addf %add3A_687, %mul3A_701 : vector<16xf32>
      %broadcast_in_dim3A_703 = arith.constant 111 : i32
      %broadcast_in_dim3A_704 = vector.broadcast %broadcast_in_dim3A_703 : i32 to vector<16xi32>
      %gather3A_705 = tpu.vector_load_idx %arg7[%add3A_25, %broadcast_in_dim3A_704] : memref<512x112xf32, #tpu.memory_space<vmem>>[vector<16xi32>, vector<16xi32>], vector<16xf32>,
      %mul3A_706 = arith.mulf %gather3A_705, %gather3A_155 : vector<16xf32>
      %add3A_707 = arith.addf %add3A_692, %mul3A_706 : vector<16xf32>
      %mul3A_708 = arith.constant 1.000000e-03 : f32
      %mul3A_709 = vector.broadcast %mul3A_708 : f32 to vector<16xf32>
      %mul3A_710 = arith.mulf %mul3A_709, %add3A_233 : vector<16xf32>
      %mul3A_711 = arith.mulf %add3A_460, %add3A_697 : vector<16xf32>
      %mul3A_712 = arith.mulf %add3A_465, %add3A_702 : vector<16xf32>
      %add3A_713 = arith.addf %mul3A_711, %mul3A_712 : vector<16xf32>
      %mul3A_714 = arith.mulf %add3A_470, %add3A_707 : vector<16xf32>
      %add3A_715 = arith.addf %add3A_713, %mul3A_714 : vector<16xf32>
      %mul3A_716 = arith.constant 9.99999997E-7 : f32
      %mul3A_717 = vector.broadcast %mul3A_716 : f32 to vector<16xf32>
      %mul3A_718 = arith.mulf %mul3A_717, %add3A_715 : vector<16xf32>
      %add3A_719 = arith.addf %mul3A_710, %mul3A_718 : vector<16xf32>
      tpu.vector_store_idx %arg9[%add3A_25], %add3A_719 : memref<512xf32, #tpu.memory_space<vmem>>[vector<16xi32>], vector<16xf32>,
    }
    %scan3A_20 = arith.constant 32 : i32
    "tpu.region"() ({
      %run_scoped3A = tpu.sem_alloc : memref<!tpu.dma_semaphore, #tpu.memory_space<semaphore_mem>>
      %dma_start3A = tpu.memref_slice %arg5[%mul3A_2] : memref<16384xf32, #tpu.memory_space<hbm>> -> memref<512xf32, #tpu.memory_space<hbm>>
      %dma_start3A_21 = tpu.memref_slice %arg5[%mul3A_2] : memref<16384xf32, #tpu.memory_space<hbm>> -> memref<512xf32, #tpu.memory_space<hbm>>
      tpu.enqueue_dma source(%arg9 : memref<512xf32, #tpu.memory_space<vmem>>) target(%dma_start3A_21 : memref<512xf32, #tpu.memory_space<hbm>>) target_semaphore(%run_scoped3A : memref<!tpu.dma_semaphore, #tpu.memory_space<semaphore_mem>>)
      %dma_wait3A_22 = tpu.memref_slice %arg5[%mul3A_2] : memref<16384xf32, #tpu.memory_space<hbm>> -> memref<512xf32, #tpu.memory_space<hbm>>
      %dma_wait3A_23 = tpu.memref_slice %arg5[%mul3A_2] : memref<16384xf32, #tpu.memory_space<hbm>> -> memref<512xf32, #tpu.memory_space<hbm>>
      tpu.wait_dma2 semaphore(%run_scoped3A : memref<!tpu.dma_semaphore, #tpu.memory_space<semaphore_mem>>) src(%arg9 : memref<512xf32, #tpu.memory_space<vmem>>) dst(%dma_wait3A_23 : memref<512xf32, #tpu.memory_space<hbm>>)
      tpu.yield
    }) : () -> ()
    return
  }
}

</mosaic_0001>

<sc_bundles>
// kernel: _mf_call.4.cloned.1.call-start
scs
__scs_entry_jumppad:
0x0: {  	(pc) =	sbr.rel $0x88, $3  }
0x1: {  	(tag) =	ssettag $0x0;
	lr =	simm.s32 $0x1  }
0x2: {  	[smem:$0x3F9E] =	sst lr;
	_ =	strace $0xD0000000  }
0x3: {  	_ = 	snop  }
0x4: {  	_ = 	snop  }
0x5: {  	_ = 	snop  }
0x6: {  	_ = 	snop  }
0x7: {  	_ = 	snop  }
__scs_overlays_trampoline_lowered:
0x8: {  	[smem:$0x3FAD] =	sst s0  }
0x9: {  	[smem:$0x3FAE] =	sst s1  }
0xa: {  	[smem:$0x3FAF] =	sst s2  }
0xb: {  	[smem:$0x3FB0] =	sst s3  }
0xc: {  	[smem:$0x3FB1] =	sst s4  }
0xd: {  	[smem:$0x3FB2] =	sst s5  }
0xe: {  	[smem:$0x3FB3] =	sst s6  }
0xf: {  	[smem:$0x3FB4] =	sst s7  }
0x10: {  	[smem:$0x3FB5] =	sst s8  }
0x11: {  	[smem:$0x3FB6] =	sst s9;
	s0 =	simm.s32 @!p0 $0x0  }
0x12: {  	s1 =	sld [smem:$0x3F9C];
	s0 =	simm.s32 @p0 $0x1  }
0x13: {  	[smem:$0x3FB7] =	sst s0;
	s0 =	simm.s32 @!p1 $0x0  }
0x14: {  	s2 =	sld [smem:$0x3F9B];
	s0 =	simm.s32 @p1 $0x1  }
0x15: {  	[smem:$0x3FB8] =	sst s0;
	s0 =	simm.s32 @!p2 $0x0  }
0x16: {  	s3 =	sld [smem:$0x3FDB];
	s0 =	simm.s32 @p2 $0x1  }
0x17: {  	s4 =	simm.s32 $0x1BF5;
	[smem:$0x3FBA] =	sst s0  }
0x18: {  	s0 =	sld [smem:$0x3F9D];
	_ =	swait.ge [sflag:s4], $0x0  }
0x19: {  	s7 =	sld [smem:$0x3F9E]  }
0x1a: {  	s8 =	sadd.s32 $0xFFFFE003, lr  }
0x1b: {  	s9 =	sadd.s32 $0xFFFFFEF7, lr;
	s5 =	simm.s32 $0xFFFFFFFF;
	p2 =	slt.u32 s8, $0xFFFFF086  }
0x1c: {  	p1 =	slt.u32 s9, $0xF7A;
	s5 =	simm.s32 @!p2 $0x0  }
0x1d: {  	s5 =	simm.s32 @p1 $0x1;
	p0 =	seq.s32 s7, s2  }
0x1e: {  	s7 =	smul.u32 @!p0 $0xF7A, s2;
	p2 =	seq.s32 @!p0 s5, $0x0  }
0x1f: {  	s9 =	smul.u32 $0xF7A, s1;
	s8 =	simm.s32 @!p0 $0x1BF5;
	p2 =	por !p2, p0  }
0x20: {  	[sflag:s8] =	ssyncset.s32 @!p0 $0xFFFFF086;
	s6 =	sadd.s32 @!p0 s3, s7;
	s7 =	simm.s32 @!p0 $0x108  }
0x21: {  	s3 =	sadd.s32 s3, s9;
	s6 =	sadd.s32 @!p0 $0x88, s6;
	s7 =	simm.s32 @p2 $0x1082  }
0x22: {  	[simem:s7], [sflag:s8] =	dma.local @!p0 [hbm:s6], $0xF7A  }
0x23: {  	s9 =	sor.u32 $0xD0000000, s2;
	s6 =	simm.s32 $0x108;
	_ =	swait.ge @!p0 [sflag:s8], $0x0  }
0x24: {  	s3 =	sadd.s32 $0x88, s3;
	s6 =	simm.s32 @!p1 $0x1082;
	[sflag:s4] =	ssyncset.s32 $0xFFFFF086  }
0x25: {  	[simem:s6], [sflag:s4] =	dma.local [hbm:s3], $0xF7A  }
0x26: {  	[smem:$0x3F9E] =	sst s1;
	(tag) =	ssettag s2;
	_ =	strace s9  }
0x27: {  	s1 =	sld [smem:$0x3FAE]  }
0x28: {  	s2 =	sld [smem:$0x3FAF]  }
0x29: {  	s4 =	sld [smem:$0x3FB1]  }
0x2a: {  	p0 =	seq.s32 s5, $0x0;
	s5 =	sld [smem:$0x3FB2]  }
0x2b: {  	s6 =	sld [smem:$0x3FB3]  }
0x2c: {  	s7 =	sld [smem:$0x3FB4]  }
0x2d: {  	s3 =	simm.s32 $0x108;
	s8 =	sld [smem:$0x3FB5]  }
0x2e: {  	s3 =	simm.s32 @!p0 $0x1082;
	s9 =	sld [smem:$0x3FB6]  }
0x2f: {  	lr =	sadd.s32 s0, s3;
	s0 =	sld [smem:$0x3FAD]  }
0x30: {  	s3 =	sld [smem:$0x3FB0]  }
0x31: {  	[smem:$0x3FB9] =	sst s10  }
0x32: {  	s10 =	sld [smem:$0x3FB7];
	_ =	sdelay $0x3  }
0x33: {  	p0 =	seq.s32 s10, $0x1;
	s10 =	sld [smem:$0x3FB9];
	_ =	sdelay $0x3  }
0x34: {  	[smem:$0x3FB9] =	sst s10  }
0x35: {  	s10 =	sld [smem:$0x3FB8];
	_ =	sdelay $0x3  }
0x36: {  	p1 =	seq.s32 s10, $0x1;
	s10 =	sld [smem:$0x3FB9];
	_ =	sdelay $0x3  }
0x37: {  	[smem:$0x3FB9] =	sst s10  }
0x38: {  	s10 =	sld [smem:$0x3FBA]  }
0x39: {  	_ = 	snop;
	(pc) =	sbr.ind lr, $3  }
0x3a: {  	_ = 	snop  }
0x3b: {  	_ = 	snop  }
0x3c: {  	p2 =	seq.s32 s10, $0x1;
	s10 =	sld [smem:$0x3FB9]  }
0x3d: {  	_ =	shalt  }
0x3e: {  	_ =	shalt  }
0x3f: {  	_ =	shalt  }
0x40: {  	_ =	shalt  }
0x41: {  	_ =	shalt  }
0x42: {  	_ =	shalt  }
0x43: {  	_ =	shalt  }
0x44: {  	_ =	shalt  }
0x45: {  	_ =	shalt  }
0x46: {  	_ =	shalt  }
0x47: {  	_ =	shalt  }
0x48: {  	_ =	shalt  }
0x49: {  	_ =	shalt  }
0x4a: {  	_ =	shalt  }
0x4b: {  	_ =	shalt  }
0x4c: {  	_ =	shalt  }
0x4d: {  	_ =	shalt  }
0x4e: {  	_ =	shalt  }
0x4f: {  	_ =	shalt  }
0x50: {  	_ =	shalt  }
0x51: {  	_ =	shalt  }
0x52: {  	_ =	shalt  }
0x53: {  	_ =	shalt  }
0x54: {  	_ =	shalt  }
0x55: {  	_ =	shalt  }
0x56: {  	_ =	shalt  }
0x57: {  	_ =	shalt  }
0x58: {  	_ =	shalt  }
0x59: {  	_ =	shalt  }
0x5a: {  	_ =	shalt  }
0x5b: {  	_ =	shalt  }
0x5c: {  	_ =	shalt  }
0x5d: {  	_ =	shalt  }
0x5e: {  	_ =	shalt  }
0x5f: {  	_ =	shalt  }
0x60: {  	_ =	shalt  }
0x61: {  	_ =	shalt  }
0x62: {  	_ =	shalt  }
0x63: {  	_ =	shalt  }
0x64: {  	_ =	shalt  }
0x65: {  	_ =	shalt  }
0x66: {  	_ =	shalt  }
0x67: {  	_ =	shalt  }
0x68: {  	_ =	shalt  }
0x69: {  	_ =	shalt  }
0x6a: {  	_ =	shalt  }
0x6b: {  	_ =	shalt  }
0x6c: {  	_ =	shalt  }
0x6d: {  	_ =	shalt  }
0x6e: {  	_ =	shalt  }
0x6f: {  	_ =	shalt  }
0x70: {  	_ =	shalt  }
0x71: {  	_ =	shalt  }
0x72: {  	_ =	shalt  }
0x73: {  	_ =	shalt  }
0x74: {  	_ =	shalt  }
0x75: {  	_ =	shalt  }
0x76: {  	_ =	shalt  }
0x77: {  	_ =	shalt  }
0x78: {  	_ =	shalt  }
0x79: {  	_ =	shalt  }
0x7a: {  	_ =	shalt  }
0x7b: {  	_ =	shalt  }
0x7c: {  	_ =	shalt  }
0x7d: {  	_ =	shalt  }
0x7e: {  	_ =	shalt  }
0x7f: {  	_ =	shalt  }
0x80: {  	_ =	shalt  }
0x81: {  	_ =	shalt  }
0x82: {  	_ =	shalt  }
0x83: {  	_ =	shalt  }
0x84: {  	_ =	shalt  }
0x85: {  	_ =	shalt  }
0x86: {  	_ =	shalt  }
0x87: {  	_ =	shalt  }
.Lfunc_end0:
.L_simem_size_0:
called_computation_lowered:
.L_overlay_start_0:
0x88: {  	s2 =	sld [smem:$0x3FD9]  }
0x89: {  	s3 =	sld [smem:$0x3FFE];
	_ =	sdelay $0x1  }
0x8a: {  	s1 =	srdreg.scid  }
0x8b: {  	s0 =	sand.u32 $0x1, s1  }
0x8c: {  	s17 =	sshll.u32 s0, $0xA;
	s2 =	sadd.s32 s3, s2  }
0x8d: {  	s2 =	sadd.s32 s2, s17  }
0x8e: {  	[smem:$0x3FC5] =	sst s2  }
0x8f: {  	_ = 	snop  }
0x90: {  	s2 =	sld [smem:$0x3FC9];
	(tm) =	ssettm $0x1  }
0x91: {  	s18 =	sld [smem:$0x3FFB];
	_ =	sdelay $0x3  }
0x92: {  	_ =	strace s18  }
0x93: {  	s3 =	sld [smem:$0x3FFC];
	_ =	sdelay $0x3  }
0x94: {  	_ =	strace s3  }
0x95: {  	s3 =	sld [smem:$0x3FFD];
	_ =	sdelay $0x3  }
0x96: {  	_ =	strace s3  }
0x97: {  	_ =	strace $0x8FFFFFFF  }
0x98: {  	s19 =	sld [smem:$0x3FDB];
	_ =	sdelay $0x1  }
0x99: {  	s4 =	simm.s32 $_scs_section_size  }
0x9a: {  	s5 =	simm.s32 $_size__tile_overlayer_lowered;
	s6 =	simm.s32 $_tile_overlayer_lowered  }
0x9b: {  	s22 =	simm.s32 $0x1BFF;
	s21 =	sshll.u32 s6, $0x1;
	s3 =	sadd.s32 s4, s19  }
0x9c: {  	s7 =	simm.s32 $0x0;
	s20 =	sshll.u32 s5, $0x1;
	s5 =	sadd.s32 s21, s3  }
0x9d: {  	[timem:s7], [sflag:s22] =	dma.local [hbm:s5], s20  }
0x9e: {  	_ =	swait.ge [sflag:s22], s20  }
0x9f: {  	s4 =	ssub.s32 $0x0, s20;
	[sflag:s22] =	ssyncset.done $0x0  }
0xa0: {  	[sflag:s22] =	ssyncadd.s32 s4;
	_ =	sdelay $0x1  }
0xa1: {  	s23 =	simm.s32 $0x1B8B  }
0xa2: {  	_ =	swait.ge [sflag:s23], $0x1  }
0xa3: {  	[sflag:s23] =	ssyncset.done $0x0  }
0xa4: {  	s25 =	simm.s32 $0x1B8E;
	s24 =	sld [smem:$0x3FFE];
	[sflag:s23] =	ssyncadd.s32 $0xFFFFFFFF  }
0xa5: {  	s26 =	simm.s32 $execute0_lowered;
	[smem:$0x3FD2] =	sst s25  }
0xa6: {  	s5 =	sshll.u32 s26, $0x1;
	_ =	strace $0x80000046;
	[dreg:$0x1] =	wrdreg $0xFFFFFFFF  }
0xa7: {  	s28 =	simm.s32 $_size_execute0_lowered;
	s3 =	sadd.s32 s3, s5;
	[dreg:$0x0] =	wrdreg $0x0  }
0xa8: {  	s5 =	sshll.u32 s28, $0x1;
	[dreg:$0x2] =	wrdreg s3  }
0xa9: {  	[dreg:$0x3] =	wrdreg s5  }
0xaa: {  	[dreg:$0x4] =	wrdreg $0xC0  }
0xab: {  	_ =	task [dreg:s7], $0x5FFFF  }
0xac: {  	[dreg:$0x1] =	wrdreg $0xFFFFFFFF  }
0xad: {  	[dreg:$0x0] =	wrdreg $0x60  }
0xae: {  	[dreg:$0x2] =	wrdreg s2  }
0xaf: {  	[dreg:$0x3] =	wrdreg s24  }
0xb0: {  	[dreg:$0x4] =	wrdreg $0x9  }
0xb1: {  	_ =	task.clear_ibuf [dreg:s7], $0x5FFFF;
	_ =	strace $0x90000046  }
0xb2: {  	s29 =	simm.s32 $0x9;
	_ =	strace $0x80000048  }
0xb3: {  	_ =	swait.ge [sflag:s29], $0x1  }
0xb4: {  	[sflag:s29] =	ssyncadd.s32 $0xFFFFFFFF  }
0xb5: {  	_ =	strace $0x90000048  }
0xb6: {  	_ =	sfence  }
0xb7: {  	s30 =	sld [smem:$0x0];
	_ =	sdelay $0x2  }
0xb8: {  	s31 =	sshll.u32 s1, $0xD;
	s1 =	sshrl.u32 s1, $0x2  }
0xb9: {  	s3 =	sand.u32 $0x4000, s31;
	s1 =	sadd.s32 s1, s30  }
0xba: {  	s0 =	sor.u32 s3, s0;
	s1 =	sshll.u32 s1, $0x11  }
0xbb: {  	s0 =	sor.u32 s1, s0  }
0xbc: {  	s0 =	sadd.s32 $0x8F2B, s0  }
0xbd: {  	[sflag:s0] =	ssyncadd.remote.s32 $0x1  }
0xbe: {  	_ =	sfence.sel $0xFFFF  }
0xbf: {  	[dreg:$0x0] =	wrdreg $0xFFFFFFFF;
	(pc) =	sbr.abs _section_cstart, $3  }
0xc0: {  	[dreg:$0x1] =	wrdreg $0xFFFFFFFF  }
0xc1: {  	_ =	task.clear_ibuf [dreg:s7], $0x2FFFF;
	_ =	strace $0x9FFFFFFF  }
0xc2: {  	(tm) =	ssettm $0x7FFFFFFF  }
0xc3: {  	_ =	shalt  }
tec
execute0_lowered:
.L_overlay_start_1:
0x0: {  	(tag) =	ssettag $0x1  }
0x1: {  	v9 =	vlaneseq.u32  }
0x2: {  	v1 =	vmul.u32 $0x80, v9;
	_ =	sdelay $0x1  }
0x3: {  	v0 =	vor.u32 $0x2, v1  }
0x4: {  	[tilespmem:$0x1FC30] =	vst v0;
	v0 =	vor.u32 $0x3, v1  }
0x5: {  	[tilespmem:$0x1FC40] =	vst v0;
	v0 =	vor.u32 $0x4, v1  }
0x6: {  	[tilespmem:$0x1FC50] =	vst v0;
	v0 =	vor.u32 $0x5, v1  }
0x7: {  	[tilespmem:$0x1FC60] =	vst v0;
	v0 =	vor.u32 $0x6, v1  }
0x8: {  	[tilespmem:$0x1FC70] =	vst v0;
	v0 =	vor.u32 $0x7, v1  }
0x9: {  	[tilespmem:$0x1FC80] =	vst v0;
	v0 =	vor.u32 $0x8, v1  }
0xa: {  	[tilespmem:$0x1FC90] =	vst v0;
	v0 =	vor.u32 $0x9, v1  }
0xb: {  	[tilespmem:$0x1FCA0] =	vst v0;
	v0 =	vor.u32 $0xA, v1  }
0xc: {  	[tilespmem:$0x1FCB0] =	vst v0;
	v0 =	vor.u32 $0xB, v1  }
0xd: {  	[tilespmem:$0x1FCC0] =	vst v0;
	v0 =	vor.u32 $0xC, v1  }
0xe: {  	[tilespmem:$0x1FCD0] =	vst v0;
	v0 =	vor.u32 $0xD, v1  }
0xf: {  	[tilespmem:$0x1FCE0] =	vst v0;
	v0 =	vor.u32 $0xE, v1  }
0x10: {  	[tilespmem:$0x1FCF0] =	vst v0;
	v0 =	vor.u32 $0xF, v1  }
0x11: {  	[tilespmem:$0x1FD00] =	vst v0;
	v0 =	vor.u32 $0x10, v9  }
0x12: {  	[tilespmem:$0x1FD10] =	vst v0;
	v0 =	vor.u32 $0x800, v1  }
0x13: {  	[tilespmem:$0x1FD20] =	vst v0;
	v0 =	vor.u32 $0x801, v1  }
0x14: {  	[tilespmem:$0x1FD30] =	vst v0;
	v0 =	vor.u32 $0x802, v1  }
0x15: {  	[tilespmem:$0x1FD40] =	vst v0;
	v0 =	vor.u32 $0x803, v1  }
0x16: {  	[tilespmem:$0x1FD50] =	vst v0;
	v0 =	vor.u32 $0x804, v1  }
0x17: {  	[tilespmem:$0x1FD60] =	vst v0;
	v0 =	vor.u32 $0x805, v1  }
0x18: {  	[tilespmem:$0x1FD70] =	vst v0;
	v0 =	vor.u32 $0x806, v1  }
0x19: {  	[tilespmem:$0x1FD80] =	vst v0;
	v0 =	vor.u32 $0x807, v1  }
0x1a: {  	[tilespmem:$0x1FD90] =	vst v0;
	v0 =	vor.u32 $0x808, v1  }
0x1b: {  	[tilespmem:$0x1FDA0] =	vst v0;
	v0 =	vor.u32 $0x809, v1  }
0x1c: {  	[tilespmem:$0x1FDB0] =	vst v0;
	v0 =	vor.u32 $0x80A, v1  }
0x1d: {  	[tilespmem:$0x1FDC0] =	vst v0;
	v0 =	vor.u32 $0x80B, v1  }
0x1e: {  	[tilespmem:$0x1FDD0] =	vst v0;
	v0 =	vor.u32 $0x80C, v1  }
0x1f: {  	[tilespmem:$0x1FDE0] =	vst v0;
	v0 =	vor.u32 $0x80D, v1  }
0x20: {  	s4 =	rddreg [dreg:$0x0];
	[tilespmem:$0x1FDF0] =	vst v0;
	v0 =	vor.u32 $0x80E, v1  }
0x21: {  	s5 =	rddreg [dreg:$0x1];
	s1 =	simm.s32 $0x0;
	[tilespmem:$0x1FE00] =	vst v0;
	v0 =	vor.u32 $0x80F, v1  }
0x22: {  	[smem:$0x7FF] =	sst s1;
	[tilespmem:$0x1FE10] =	vst v0;
	v0 =	vor.u32 $0x20, v9  }
0x23: {  	s0 =	rddreg [dreg:$0x2];
	v13 =	vor.u32 $0x1, v1;
	_ =	strace $0x80000047;
	[tilespmem:$0x1FE20] =	vst v0  }
0x24: {  	v11 =	vor.u32 $0x1800, v1;
	[tilespmem:$0x1FFD0] =	vst v13  }
0x25: {  	v12 =	vor.u32 $0x1801, v1;
	[tilespmem:$0x1FFE0] =	vst v11  }
0x26: {  	v0 =	vor.u32 $0x1000, v1;
	[tilespmem:$0x1FFF0] =	vst v12  }
0x27: {  	[tilespmem:$0x1FE30] =	vst v0;
	v0 =	vor.u32 $0x1001, v1  }
0x28: {  	[tilespmem:$0x1FE40] =	vst v0;
	v0 =	vor.u32 $0x1002, v1  }
0x29: {  	[tilespmem:$0x1FE50] =	vst v0;
	v0 =	vor.u32 $0x1003, v1  }
0x2a: {  	[tilespmem:$0x1FE60] =	vst v0;
	v0 =	vor.u32 $0x1004, v1  }
0x2b: {  	[tilespmem:$0x1FE70] =	vst v0;
	v0 =	vor.u32 $0x1005, v1  }
0x2c: {  	[tilespmem:$0x1FE80] =	vst v0;
	v0 =	vor.u32 $0x1006, v1  }
0x2d: {  	[tilespmem:$0x1FE90] =	vst v0;
	v0 =	vor.u32 $0x1007, v1  }
0x2e: {  	[tilespmem:$0x1FEA0] =	vst v0;
	v0 =	vor.u32 $0x1008, v1  }
0x2f: {  	[tilespmem:$0x1FEB0] =	vst v0;
	v0 =	vor.u32 $0x1009, v1  }
0x30: {  	[tilespmem:$0x1FEC0] =	vst v0;
	v0 =	vor.u32 $0x100A, v1  }
0x31: {  	[tilespmem:$0x1FED0] =	vst v0;
	v0 =	vor.u32 $0x100B, v1  }
0x32: {  	[tilespmem:$0x1FEE0] =	vst v0;
	v0 =	vor.u32 $0x100C, v1  }
0x33: {  	[tilespmem:$0x1FEF0] =	vst v0;
	v0 =	vor.u32 $0x100D, v1  }
0x34: {  	[tilespmem:$0x1FF00] =	vst v0;
	v0 =	vor.u32 $0x100E, v1  }
0x35: {  	[tilespmem:$0x1FF10] =	vst v0;
	v0 =	vor.u32 $0x30, v9  }
0x36: {  	s3 =	srdreg.scid;
	[tilespmem:$0x1FF20] =	vst v0;
	v0 =	vor.u32 $0x1802, v1  }
0x37: {  	s2 =	stileid.u32;
	s10 =	simm.s32 $0x1200;
	s11 =	simm.s32 $0x1080;
	[tilespmem:$0x1FF30] =	vst v0;
	v0 =	vor.u32 $0x1803, v1  }
0x38: {  	s12 =	simm.s32 $0x3200;
	s13 =	simm.s32 $0x1100;
	s14 =	simm.s32 $0x5200;
	[tilespmem:$0x1FF40] =	vst v0;
	v0 =	vor.u32 $0x1804, v1  }
0x39: {  	s15 =	simm.s32 $0x1180;
	s16 =	simm.s32 $0x7200;
	s17 =	simm.s32 $0x1;
	[tilespmem:$0x1FF50] =	vst v0;
	v0 =	vor.u32 $0x1805, v1  }
0x3a: {  	s18 =	simm.s32 $0x2;
	s19 =	simm.s32 $0x3;
	s20 =	simm.s32 $0x4;
	[tilespmem:$0x1FF60] =	vst v0;
	v0 =	vor.u32 $0x1806, v1  }
0x3b: {  	s21 =	simm.s32 $0x9200;
	s6 =	sand.u32 $0x1, s3;
	s7 =	sshll.u32 s2, $0x1;
	[tilespmem:$0x1FF70] =	vst v0;
	v0 =	vor.u32 $0x1807, v1  }
0x3c: {  	s22 =	simm.s32 $0x0;
	s7 =	sor.u32 s6, s7;
	s6 =	ssub.s32 $0x2, s6;
	[tilespmem:$0x1FF80] =	vst v0;
	v0 =	vor.u32 $0x1808, v1  }
0x3d: {  	s3 =	sadd.s32 $0x187200, s5;
	s8 =	sshll.u32 s7, $0xB;
	s9 =	sshrl.u32 s6, $0x1;
	[tilespmem:$0x1FF90] =	vst v0;
	v0 =	vor.u32 $0x1809, v1  }
0x3e: {  	s7 =	sshll.u32 s7, $0x9;
	s5 =	sadd.s32 s8, s5;
	s6 =	ssub.s32 s6, s9;
	[tilespmem:$0x1FFA0] =	vst v0;
	v0 =	vor.u32 $0x180A, v1  }
0x3f: {  	s4 =	sadd.s32 s4, s7;
	s7 =	simm.s32 $0x5;
	s8 =	simm.s32 $0x40;
	[tilespmem:$0x1FFB0] =	vst v0;
	v0 =	vor.u32 $0x180B, v1  }
0x40: {  	v62 =	vor.u32 $0x100F, v1;
	s9 =	simm.s32 $0x1000;
	s5 =	sadd.s32 $0x800, s5;
	s6 =	smax.u32 s6, $0x1;
	[tilespmem:$0x1FFC0] =	vst v0  }
.LBB2_1:
0x41: {  	[tilespmem:s1], [sflag:$0x5] =	stream.linear.gather [hbm4b:s4+s1], $0x1000, $0x38;
	[tilespmem:$0xD200] =	vst v63  }
0x42: {  	_ =	swait.ge [sflag:s7], $0x1000  }
0x43: {  	v25 =	vld [tilespmem:$0x1FCD0]  }
0x44: {  	v26 =	vld [tilespmem:$0x1FCE0]  }
0x45: {  	v27 =	vld [tilespmem:$0x1FCF0]  }
0x46: {  	v28 =	vld [tilespmem:$0x1FD00]  }
0x47: {  	v29 =	vld [tilespmem:$0x1FD20]  }
0x48: {  	v30 =	vld [tilespmem:$0x1FD30]  }
0x49: {  	v31 =	vld [tilespmem:$0x1FD40]  }
0x4a: {  	v32 =	vld [tilespmem:$0x1FD50]  }
0x4b: {  	v33 =	vld [tilespmem:$0x1FD60]  }
0x4c: {  	v35 =	vld [tilespmem:$0x1FD70]  }
0x4d: {  	v36 =	vld [tilespmem:$0x1FD80]  }
0x4e: {  	v37 =	vld [tilespmem:$0x1FD90]  }
0x4f: {  	v38 =	vld [tilespmem:$0x1FDA0]  }
0x50: {  	v39 =	vld [tilespmem:$0x1FDB0]  }
0x51: {  	v40 =	vld [tilespmem:$0x1FDC0]  }
0x52: {  	v41 =	vld [tilespmem:$0x1FDD0]  }
0x53: {  	v42 =	vld [tilespmem:$0x1FDE0]  }
0x54: {  	v43 =	vld [tilespmem:$0x1FDF0]  }
0x55: {  	v44 =	vld [tilespmem:$0x1FE00]  }
0x56: {  	v45 =	vld [tilespmem:$0x1FE10]  }
0x57: {  	v46 =	vld [tilespmem:$0x1FE30]  }
0x58: {  	v47 =	vld [tilespmem:$0x1FE40]  }
0x59: {  	v48 =	vld [tilespmem:$0x1FE50]  }
0x5a: {  	v49 =	vld [tilespmem:$0x1FE60]  }
0x5b: {  	v50 =	vld [tilespmem:$0x1FE70]  }
0x5c: {  	v52 =	vld [tilespmem:$0x1FE80]  }
0x5d: {  	v53 =	vld [tilespmem:$0x1FE90]  }
0x5e: {  	v54 =	vld [tilespmem:$0x1FEA0]  }
0x5f: {  	v55 =	vld [tilespmem:$0x1FEB0]  }
0x60: {  	v56 =	vld [tilespmem:$0x1FEC0]  }
0x61: {  	v57 =	vld [tilespmem:$0x1FED0]  }
0x62: {  	v58 =	vld [tilespmem:$0x1FEE0]  }
0x63: {  	v59 =	vld [tilespmem:$0x1FEF0]  }
0x64: {  	v60 =	vld [tilespmem:$0x1FF00]  }
0x65: {  	v61 =	vld [tilespmem:$0x1FF10]  }
0x66: {  	v63 =	vld [tilespmem:$0x1FF30]  }
0x67: {  	v14 =	vld [tilespmem:$0x1FF40]  }
0x68: {  	v15 =	vld [tilespmem:$0x1FF50]  }
0x69: {  	v16 =	vld [tilespmem:$0x1FF60]  }
0x6a: {  	v18 =	vld [tilespmem:$0x1FF70]  }
0x6b: {  	v19 =	vld [tilespmem:$0x1FF80]  }
0x6c: {  	v20 =	vld [tilespmem:$0x1FF90]  }
0x6d: {  	v21 =	vld [tilespmem:$0x1FFA0]  }
0x6e: {  	[sflag:s7] =	ssyncset.done $0x0;
	v22 =	vld [tilespmem:$0x1FFB0]  }
0x6f: {  	s23 =	simm.s32 $0x0;
	v23 =	vld [tilespmem:$0x1FFC0];
	[sflag:s7] =	ssyncadd.s32 $0xFFFFF000  }
.LBB2_2:
0x70: {  	v0 =	vmov s23  }
0x71: {  	v0 =	vshll.u32 v0, $0x3  }
0x72: {  	v3 =	vor.u32 s23, v9;
	v2 =	vand.u32 $0xC00, v0  }
0x73: {  	v4 =	vand.u32 $0x4F, v3;
	v17 =	vor.u32 $0x80, v2  }
0x74: {  	v5 =	vor.u32 v4, v17;
	_ =	sdelay $0x1  }
0x75: {  	s24 =	sadd.s32 $0x10, s23  }
0x76: {  	v6 =	vmov s24  }
0x77: {  	v34 =	vor.u32 s24, v9;
	v6 =	vshll.u32 v6, $0x3  }
0x78: {  	v34 =	vand.u32 $0x5F, v34;
	v6 =	vand.u32 $0xC00, v6;
	v51 =	vld.idx.msk [tilespmem:v5+s1+$0x0], $0xffff  }
0x79: {  	v6 =	vor.u32 v6, v34  }
0x7a: {  	v34 =	vor.u32 $0x80, v6;
	_ =	sdelay $0x1  }
0x7b: {  	s30 =	sadd.s32 $0x20, s23  }
0x7c: {  	v7 =	vmov s30;
	v51 =	vshra.s32 v51, $0x3  }
0x7d: {  	v7 =	vshll.u32 v7, $0x3;
	[tilespmem:$0x1000] =	vst v51;
	v51 =	vor.u32 s30, v9  }
0x7e: {  	v7 =	vand.u32 $0xC00, v7;
	v34 =	vld.idx.msk [tilespmem:v34+s1+$0x0], $0xffff;
	v51 =	vand.u32 $0x6F, v51  }
0x7f: {  	v7 =	vor.u32 v7, v51  }
0x80: {  	v51 =	vor.u32 $0x80, v7;
	_ =	sdelay $0x1  }
0x81: {  	s31 =	sadd.s32 $0x30, s23  }
0x82: {  	v8 =	vmov s31;
	v34 =	vshra.s32 v34, $0x3  }
0x83: {  	v8 =	vshll.u32 v8, $0x3;
	[tilespmem:$0x1010] =	vst v34;
	v34 =	vor.u32 s31, v9  }
0x84: {  	v8 =	vand.u32 $0xC00, v8;
	v51 =	vld.idx.msk [tilespmem:v51+s1+$0x0], $0xffff;
	v34 =	vand.u32 $0x7F, v34  }
0x85: {  	v8 =	vor.u32 v8, v34  }
0x86: {  	v34 =	vor.u32 $0x80, v8;
	_ =	sdelay $0x2  }
0x87: {  	v51 =	vshra.s32 v51, $0x3  }
0x88: {  	[tilespmem:$0x1020] =	vst v51  }
0x89: {  	v51 =	vld.idx.msk [tilespmem:v34+s1+$0x0], $0xffff  }
0x8a: {  	v34 =	vor.u32 $0x100, v2  }
0x8b: {  	v9 =	vor.u32 v4, v34;
	_ =	sdelay $0x2  }
0x8c: {  	v51 =	vshra.s32 v51, $0x3  }
0x8d: {  	[tilespmem:$0x1030] =	vst v51  }
0x8e: {  	v51 =	vld.idx.msk [tilespmem:v9+s1+$0x0], $0xffff;
	_ =	sdelay $0x1  }
0x8f: {  	v10 =	vor.u32 $0x100, v6;
	_ =	sdelay $0x2  }
0x90: {  	v51 =	vshra.s32 v51, $0x3  }
0x91: {  	[tilespmem:$0x1080] =	vst v51  }
0x92: {  	v10 =	vld.idx.msk [tilespmem:v10+s1+$0x0], $0xffff;
	_ =	sdelay $0x1  }
0x93: {  	v51 =	vor.u32 $0x100, v7;
	_ =	sdelay $0x2  }
0x94: {  	v10 =	vshra.s32 v10, $0x3  }
0x95: {  	[tilespmem:$0x1090] =	vst v10  }
0x96: {  	v10 =	vld.idx.msk [tilespmem:v51+s1+$0x0], $0xffff;
	_ =	sdelay $0x1  }
0x97: {  	v51 =	vor.u32 $0x100, v8;
	_ =	sdelay $0x2  }
0x98: {  	v10 =	vshra.s32 v10, $0x3  }
0x99: {  	[tilespmem:$0x10A0] =	vst v10  }
0x9a: {  	v10 =	vld.idx.msk [tilespmem:v51+s1+$0x0], $0xffff  }
0x9b: {  	v51 =	vor.u32 $0x180, v2  }
0x9c: {  	v2 =	vor.u32 v4, v51;
	_ =	sdelay $0x2  }
0x9d: {  	v10 =	vshra.s32 v10, $0x3  }
0x9e: {  	[tilespmem:$0x10B0] =	vst v10  }
0x9f: {  	v10 =	vld.idx.msk [tilespmem:v2+s1+$0x0], $0xffff;
	_ =	sdelay $0x1  }
0xa0: {  	v11 =	vor.u32 $0x180, v6;
	_ =	sdelay $0x2  }
0xa1: {  	v10 =	vshra.s32 v10, $0x3  }
0xa2: {  	[tilespmem:$0x1100] =	vst v10  }
0xa3: {  	v10 =	vld.idx.msk [tilespmem:v11+s1+$0x0], $0xffff;
	_ =	sdelay $0x1  }
0xa4: {  	v11 =	vor.u32 $0x180, v7;
	_ =	sdelay $0x2  }
0xa5: {  	v10 =	vshra.s32 v10, $0x3  }
0xa6: {  	[tilespmem:$0x1110] =	vst v10  }
0xa7: {  	v10 =	vld.idx.msk [tilespmem:v11+s1+$0x0], $0xffff;
	_ =	sdelay $0x1  }
0xa8: {  	v11 =	vor.u32 $0x180, v8;
	_ =	sdelay $0x2  }
0xa9: {  	v10 =	vshra.s32 v10, $0x3  }
0xaa: {  	[tilespmem:$0x1120] =	vst v10  }
0xab: {  	v10 =	vld.idx.msk [tilespmem:v11+s1+$0x0], $0xffff  }
0xac: {  	v0 =	vor.u32 $0x200, v0  }
0xad: {  	v4 =	vor.u32 v4, v0;
	_ =	sdelay $0x2  }
0xae: {  	v10 =	vshra.s32 v10, $0x3  }
0xaf: {  	[tilespmem:$0x1130] =	vst v10  }
0xb0: {  	v10 =	vld.idx.msk [tilespmem:v4+s1+$0x0], $0xffff;
	_ =	sdelay $0x1  }
0xb1: {  	v6 =	vor.u32 $0x200, v6;
	_ =	sdelay $0x2  }
0xb2: {  	v10 =	vshra.s32 v10, $0x3  }
0xb3: {  	[tilespmem:$0x1180] =	vst v10  }
0xb4: {  	v6 =	vld.idx.msk [tilespmem:v6+s1+$0x0], $0xffff;
	_ =	sdelay $0x1  }
0xb5: {  	v7 =	vor.u32 $0x200, v7;
	_ =	sdelay $0x2  }
0xb6: {  	v6 =	vshra.s32 v6, $0x3  }
0xb7: {  	[tilespmem:$0x1190] =	vst v6  }
0xb8: {  	v6 =	vld.idx.msk [tilespmem:v7+s1+$0x0], $0xffff;
	_ =	sdelay $0x1  }
0xb9: {  	v7 =	vor.u32 $0x200, v8;
	_ =	sdelay $0x2  }
0xba: {  	v6 =	vshra.s32 v6, $0x3  }
0xbb: {  	[tilespmem:$0x11A0] =	vst v6  }
0xbc: {  	v6 =	vld.idx.msk [tilespmem:v7+s1+$0x0], $0xffff;
	_ =	sdelay $0x4  }
0xbd: {  	v6 =	vshra.s32 v6, $0x3  }
0xbe: {  	[tilespmem:$0x11B0] =	vst v6  }
0xbf: {  	[tilespmem:s10], [sflag:$0x1] =	stream.indirect.gather [hbm4b:s3+s8], $0x80, s9, s8, $0xb8;
	[tilespmem:$0xD200] =	vst v63  }
0xc0: {  	_ = 	snop  }
0xc1: {  	[tilespmem:s12], [sflag:$0x2] =	stream.indirect.gather [hbm4b:s3+s8], $0x80, s11, s8, $0xb8;
	[tilespmem:$0xD200] =	vst v63  }
0xc2: {  	_ = 	snop  }
0xc3: {  	[tilespmem:s14], [sflag:$0x3] =	stream.indirect.gather [hbm4b:s3+s8], $0x80, s13, s8, $0xb8;
	[tilespmem:$0xD200] =	vst v63  }
0xc4: {  	_ = 	snop  }
0xc5: {  	[tilespmem:s16], [sflag:$0x4] =	stream.indirect.gather [hbm4b:s3+s8], $0x80, s15, s8, $0xb8;
	[tilespmem:$0xD200] =	vst v63  }
0xc6: {  	_ =	swait.ge [sflag:s17], $0x2000  }
0xc7: {  	[sflag:s17] =	ssyncset.done $0x0  }
0xc8: {  	[sflag:s17] =	ssyncadd.s32 $0xFFFFE000  }
0xc9: {  	_ =	swait.ge [sflag:s18], $0x2000  }
0xca: {  	[sflag:s18] =	ssyncset.done $0x0  }
0xcb: {  	[sflag:s18] =	ssyncadd.s32 $0xFFFFE000  }
0xcc: {  	_ =	swait.ge [sflag:s19], $0x2000  }
0xcd: {  	[sflag:s19] =	ssyncset.done $0x0  }
0xce: {  	[sflag:s19] =	ssyncadd.s32 $0xFFFFE000  }
0xcf: {  	_ =	swait.ge [sflag:s20], $0x2000  }
0xd0: {  	[sflag:s20] =	ssyncset.done $0x0  }
0xd1: {  	[sflag:s20] =	ssyncadd.s32 $0xFFFFE000  }
0xd2: {  	v6 =	vld.idx.msk [tilespmem:v9+s1+$0x0], $0xffff  }
0xd3: {  	v7 =	vld.idx.msk [tilespmem:v2+s1+$0x0], $0xffff;
	_ =	sdelay $0x1  }
0xd4: {  	v8 =	vld.idx.msk [tilespmem:v4+s1+$0x0], $0xffff  }
0xd5: {  	v5 =	vld.idx.msk [tilespmem:v5+s1+$0x0], $0xffff  }
0xd6: {  	v2 =	vshll.u32 v6, $0x4  }
0xd7: {  	v4 =	vshll.u32 v7, $0x4;
	v2 =	vand.u32 $0x70, v2  }
0xd8: {  	v4 =	vand.u32 $0x70, v4;
	v7 =	vor.u32 v1, v2  }
0xd9: {  	v6 =	vshll.u32 v8, $0x4;
	v8 =	vor.u32 v1, v4  }
0xda: {  	v5 =	vshll.u32 v5, $0x4;
	v6 =	vand.u32 $0x70, v6  }
0xdb: {  	v5 =	vand.u32 $0x70, v5;
	v9 =	vor.u32 v1, v6  }
0xdc: {  	v10 =	vor.u32 v1, v5  }
0xdd: {  	v7 =	vld.idx.msk [tilespmem:v7+s12+$0x0], $0xffff  }
0xde: {  	v8 =	vld.idx.msk [tilespmem:v8+s14+$0x0], $0xffff;
	_ =	sdelay $0x1  }
0xdf: {  	v9 =	vld.idx.msk [tilespmem:v9+s16+$0x0], $0xffff  }
0xe0: {  	v3 =	vshll.u32 v3, $0x5;
	v10 =	vld.idx.msk [tilespmem:v10+s10+$0x0], $0xffff  }
0xe1: {  	v11 =	vor.u32 $0x10, v3  }
0xe2: {  	v7 =	vadd.f32 v8, v7;
	v8 =	vor.u32 v13, v2  }
0xe3: {  	v12 =	vor.u32 v13, v4  }
0xe4: {  	v7 =	vadd.f32 v9, v7  }
0xe5: {  	[tilespmem:v3+s21+$0x0] =	vst.idx.msk $0xffff, v10;
	v9 =	vor.u32 v13, v6  }
0xe6: {  	v24 =	vld [tilespmem:$0x1FC30];
	[tilespmem:v11+s21+$0x0] =	vst.idx.msk $0xffff, v7;
	v7 =	vor.u32 v13, v5  }
0xe7: {  	v8 =	vld.idx.msk [tilespmem:v8+s12+$0x0], $0xffff  }
0xe8: {  	v10 =	vld.idx.msk [tilespmem:v12+s14+$0x0], $0xffff;
	_ =	sdelay $0x1  }
0xe9: {  	v9 =	vld.idx.msk [tilespmem:v9+s16+$0x0], $0xffff  }
0xea: {  	v11 =	vor.u32 $0x1, v3;
	v7 =	vld.idx.msk [tilespmem:v7+s10+$0x0], $0xffff  }
0xeb: {  	v12 =	vor.u32 $0x11, v3  }
0xec: {  	v8 =	vadd.f32 v10, v8;
	v10 =	vor.u32 v24, v2  }
0xed: {  	v13 =	vor.u32 v24, v4  }
0xee: {  	v8 =	vadd.f32 v9, v8  }
0xef: {  	[tilespmem:v11+s21+$0x0] =	vst.idx.msk $0xffff, v7;
	v7 =	vor.u32 v24, v6  }
0xf0: {  	[tilespmem:v12+s21+$0x0] =	vst.idx.msk $0xffff, v8;
	v8 =	vor.u32 v24, v5;
	v24 =	vld [tilespmem:$0x1FC40]  }
0xf1: {  	v9 =	vld.idx.msk [tilespmem:v10+s12+$0x0], $0xffff  }
0xf2: {  	v10 =	vld.idx.msk [tilespmem:v13+s14+$0x0], $0xffff;
	_ =	sdelay $0x1  }
0xf3: {  	v7 =	vld.idx.msk [tilespmem:v7+s16+$0x0], $0xffff  }
0xf4: {  	v11 =	vor.u32 $0x2, v3;
	v8 =	vld.idx.msk [tilespmem:v8+s10+$0x0], $0xffff  }
0xf5: {  	v12 =	vor.u32 $0x12, v3  }
0xf6: {  	v9 =	vadd.f32 v10, v9;
	v10 =	vor.u32 v24, v2  }
0xf7: {  	v13 =	vor.u32 v24, v4  }
0xf8: {  	v7 =	vadd.f32 v7, v9  }
0xf9: {  	[tilespmem:v11+s21+$0x0] =	vst.idx.msk $0xffff, v8;
	v8 =	vor.u32 v24, v6  }
0xfa: {  	[tilespmem:v12+s21+$0x0] =	vst.idx.msk $0xffff, v7;
	v7 =	vor.u32 v24, v5;
	v24 =	vld [tilespmem:$0x1FC50]  }
0xfb: {  	v9 =	vld.idx.msk [tilespmem:v10+s12+$0x0], $0xffff  }
0xfc: {  	v10 =	vld.idx.msk [tilespmem:v13+s14+$0x0], $0xffff;
	_ =	sdelay $0x1  }
0xfd: {  	v8 =	vld.idx.msk [tilespmem:v8+s16+$0x0], $0xffff  }
0xfe: {  	v11 =	vor.u32 $0x3, v3;
	v7 =	vld.idx.msk [tilespmem:v7+s10+$0x0], $0xffff  }
0xff: {  	v12 =	vor.u32 $0x13, v3  }
0x100: {  	v9 =	vadd.f32 v10, v9;
	v10 =	vor.u32 v24, v2  }
0x101: {  	v13 =	vor.u32 v24, v4  }
0x102: {  	v8 =	vadd.f32 v8, v9  }
0x103: {  	[tilespmem:v11+s21+$0x0] =	vst.idx.msk $0xffff, v7;
	v7 =	vor.u32 v24, v6  }
0x104: {  	[tilespmem:v12+s21+$0x0] =	vst.idx.msk $0xffff, v8;
	v8 =	vor.u32 v24, v5;
	v24 =	vld [tilespmem:$0x1FC60]  }
0x105: {  	v9 =	vld.idx.msk [tilespmem:v10+s12+$0x0], $0xffff  }
0x106: {  	v10 =	vld.idx.msk [tilespmem:v13+s14+$0x0], $0xffff;
	_ =	sdelay $0x1  }
0x107: {  	v7 =	vld.idx.msk [tilespmem:v7+s16+$0x0], $0xffff  }
0x108: {  	v11 =	vor.u32 $0x4, v3;
	v8 =	vld.idx.msk [tilespmem:v8+s10+$0x0], $0xffff  }
0x109: {  	v12 =	vor.u32 $0x14, v3  }
0x10a: {  	v9 =	vadd.f32 v10, v9;
	v10 =	vor.u32 v24, v2  }
0x10b: {  	v13 =	vor.u32 v24, v4  }
0x10c: {  	v7 =	vadd.f32 v7, v9  }
0x10d: {  	[tilespmem:v11+s21+$0x0] =	vst.idx.msk $0xffff, v8;
	v8 =	vor.u32 v24, v6  }
0x10e: {  	[tilespmem:v12+s21+$0x0] =	vst.idx.msk $0xffff, v7;
	v7 =	vor.u32 v24, v5;
	v24 =	vld [tilespmem:$0x1FC70]  }
0x10f: {  	v9 =	vld.idx.msk [tilespmem:v10+s12+$0x0], $0xffff  }
0x110: {  	v10 =	vld.idx.msk [tilespmem:v13+s14+$0x0], $0xffff;
	_ =	sdelay $0x1  }
0x111: {  	v8 =	vld.idx.msk [tilespmem:v8+s16+$0x0], $0xffff  }
0x112: {  	v11 =	vor.u32 $0x5, v3;
	v7 =	vld.idx.msk [tilespmem:v7+s10+$0x0], $0xffff  }
0x113: {  	v12 =	vor.u32 $0x15, v3  }
0x114: {  	v9 =	vadd.f32 v10, v9;
	v10 =	vor.u32 v24, v2  }
0x115: {  	v13 =	vor.u32 v24, v4  }
0x116: {  	v8 =	vadd.f32 v8, v9  }
0x117: {  	[tilespmem:v11+s21+$0x0] =	vst.idx.msk $0xffff, v7;
	v7 =	vor.u32 v24, v6  }
0x118: {  	[tilespmem:v12+s21+$0x0] =	vst.idx.msk $0xffff, v8;
	v8 =	vor.u32 v24, v5;
	v24 =	vld [tilespmem:$0x1FC80]  }
0x119: {  	v9 =	vld.idx.msk [tilespmem:v10+s12+$0x0], $0xffff  }
0x11a: {  	v10 =	vld.idx.msk [tilespmem:v13+s14+$0x0], $0xffff;
	_ =	sdelay $0x1  }
0x11b: {  	v7 =	vld.idx.msk [tilespmem:v7+s16+$0x0], $0xffff  }
0x11c: {  	v11 =	vor.u32 $0x6, v3;
	v8 =	vld.idx.msk [tilespmem:v8+s10+$0x0], $0xffff  }
0x11d: {  	v12 =	vor.u32 $0x16, v3  }
0x11e: {  	v9 =	vadd.f32 v10, v9;
	v10 =	vor.u32 v24, v2  }
0x11f: {  	v13 =	vor.u32 v24, v4  }
0x120: {  	v7 =	vadd.f32 v7, v9  }
0x121: {  	[tilespmem:v11+s21+$0x0] =	vst.idx.msk $0xffff, v8;
	v8 =	vor.u32 v24, v6  }
0x122: {  	[tilespmem:v12+s21+$0x0] =	vst.idx.msk $0xffff, v7;
	v7 =	vor.u32 v24, v5;
	v24 =	vld [tilespmem:$0x1FC90]  }
0x123: {  	v9 =	vld.idx.msk [tilespmem:v10+s12+$0x0], $0xffff  }
0x124: {  	v10 =	vld.idx.msk [tilespmem:v13+s14+$0x0], $0xffff;
	_ =	sdelay $0x1  }
0x125: {  	v8 =	vld.idx.msk [tilespmem:v8+s16+$0x0], $0xffff  }
0x126: {  	v11 =	vor.u32 $0x7, v3;
	v7 =	vld.idx.msk [tilespmem:v7+s10+$0x0], $0xffff  }
0x127: {  	v12 =	vor.u32 $0x17, v3  }
0x128: {  	v9 =	vadd.f32 v10, v9;
	v10 =	vor.u32 v24, v2  }
0x129: {  	v13 =	vor.u32 v24, v4  }
0x12a: {  	v8 =	vadd.f32 v8, v9  }
0x12b: {  	[tilespmem:v11+s21+$0x0] =	vst.idx.msk $0xffff, v7;
	v7 =	vor.u32 v24, v6  }
0x12c: {  	[tilespmem:v12+s21+$0x0] =	vst.idx.msk $0xffff, v8;
	v8 =	vor.u32 v24, v5;
	v24 =	vld [tilespmem:$0x1FCA0]  }
0x12d: {  	v9 =	vld.idx.msk [tilespmem:v10+s12+$0x0], $0xffff  }
0x12e: {  	v10 =	vld.idx.msk [tilespmem:v13+s14+$0x0], $0xffff;
	_ =	sdelay $0x1  }
0x12f: {  	v7 =	vld.idx.msk [tilespmem:v7+s16+$0x0], $0xffff  }
0x130: {  	v11 =	vor.u32 $0x8, v3;
	v8 =	vld.idx.msk [tilespmem:v8+s10+$0x0], $0xffff  }
0x131: {  	v12 =	vor.u32 $0x18, v3  }
0x132: {  	v9 =	vadd.f32 v10, v9;
	v10 =	vor.u32 v24, v2  }
0x133: {  	v13 =	vor.u32 v24, v4  }
0x134: {  	v7 =	vadd.f32 v7, v9  }
0x135: {  	[tilespmem:v11+s21+$0x0] =	vst.idx.msk $0xffff, v8;
	v8 =	vor.u32 v24, v6  }
0x136: {  	[tilespmem:v12+s21+$0x0] =	vst.idx.msk $0xffff, v7;
	v7 =	vor.u32 v24, v5;
	v24 =	vld [tilespmem:$0x1FCB0]  }
0x137: {  	v9 =	vld.idx.msk [tilespmem:v10+s12+$0x0], $0xffff  }
0x138: {  	v10 =	vld.idx.msk [tilespmem:v13+s14+$0x0], $0xffff;
	_ =	sdelay $0x1  }
0x139: {  	v8 =	vld.idx.msk [tilespmem:v8+s16+$0x0], $0xffff  }
0x13a: {  	v11 =	vor.u32 $0x9, v3;
	v7 =	vld.idx.msk [tilespmem:v7+s10+$0x0], $0xffff  }
0x13b: {  	v12 =	vor.u32 $0x19, v3  }
0x13c: {  	v9 =	vadd.f32 v10, v9;
	v10 =	vor.u32 v24, v2  }
0x13d: {  	v13 =	vor.u32 v24, v4  }
0x13e: {  	v8 =	vadd.f32 v8, v9  }
0x13f: {  	[tilespmem:v11+s21+$0x0] =	vst.idx.msk $0xffff, v7;
	v7 =	vor.u32 v24, v6  }
0x140: {  	[tilespmem:v12+s21+$0x0] =	vst.idx.msk $0xffff, v8;
	v8 =	vor.u32 v24, v5;
	v24 =	vld [tilespmem:$0x1FCC0]  }
0x141: {  	v9 =	vld.idx.msk [tilespmem:v10+s12+$0x0], $0xffff  }
0x142: {  	v10 =	vld.idx.msk [tilespmem:v13+s14+$0x0], $0xffff;
	_ =	sdelay $0x1  }
0x143: {  	v7 =	vld.idx.msk [tilespmem:v7+s16+$0x0], $0xffff  }
0x144: {  	v11 =	vor.u32 $0xA, v3;
	v8 =	vld.idx.msk [tilespmem:v8+s10+$0x0], $0xffff  }
0x145: {  	v12 =	vor.u32 $0x1A, v3  }
0x146: {  	v9 =	vadd.f32 v10, v9;
	v10 =	vor.u32 v24, v2  }
0x147: {  	v13 =	vor.u32 v24, v4  }
0x148: {  	v7 =	vadd.f32 v7, v9  }
0x149: {  	[tilespmem:v11+s21+$0x0] =	vst.idx.msk $0xffff, v8;
	v8 =	vor.u32 v24, v6  }
0x14a: {  	[tilespmem:v12+s21+$0x0] =	vst.idx.msk $0xffff, v7;
	v7 =	vor.u32 v24, v5  }
0x14b: {  	v9 =	vld.idx.msk [tilespmem:v10+s12+$0x0], $0xffff  }
0x14c: {  	v10 =	vld.idx.msk [tilespmem:v13+s14+$0x0], $0xffff;
	_ =	sdelay $0x1  }
0x14d: {  	v8 =	vld.idx.msk [tilespmem:v8+s16+$0x0], $0xffff  }
0x14e: {  	v11 =	vor.u32 $0xB, v3;
	v7 =	vld.idx.msk [tilespmem:v7+s10+$0x0], $0xffff  }
0x14f: {  	v12 =	vor.u32 $0x1B, v3  }
0x150: {  	v9 =	vadd.f32 v10, v9;
	v10 =	vor.u32 v25, v2  }
0x151: {  	v13 =	vor.u32 v25, v4  }
0x152: {  	v8 =	vadd.f32 v8, v9  }
0x153: {  	[tilespmem:v11+s21+$0x0] =	vst.idx.msk $0xffff, v7;
	v7 =	vor.u32 v25, v6  }
0x154: {  	[tilespmem:v12+s21+$0x0] =	vst.idx.msk $0xffff, v8;
	v8 =	vor.u32 v25, v5  }
0x155: {  	v9 =	vld.idx.msk [tilespmem:v10+s12+$0x0], $0xffff  }
0x156: {  	v10 =	vld.idx.msk [tilespmem:v13+s14+$0x0], $0xffff;
	_ =	sdelay $0x1  }
0x157: {  	v7 =	vld.idx.msk [tilespmem:v7+s16+$0x0], $0xffff  }
0x158: {  	v11 =	vor.u32 $0xC, v3;
	v8 =	vld.idx.msk [tilespmem:v8+s10+$0x0], $0xffff  }
0x159: {  	v12 =	vor.u32 $0x1C, v3  }
0x15a: {  	v9 =	vadd.f32 v10, v9;
	v10 =	vor.u32 v26, v2  }
0x15b: {  	v13 =	vor.u32 v26, v4  }
0x15c: {  	v7 =	vadd.f32 v7, v9  }
0x15d: {  	[tilespmem:v11+s21+$0x0] =	vst.idx.msk $0xffff, v8;
	v8 =	vor.u32 v26, v6  }
0x15e: {  	[tilespmem:v12+s21+$0x0] =	vst.idx.msk $0xffff, v7;
	v7 =	vor.u32 v26, v5  }
0x15f: {  	v9 =	vld.idx.msk [tilespmem:v10+s12+$0x0], $0xffff  }
0x160: {  	v10 =	vld.idx.msk [tilespmem:v13+s14+$0x0], $0xffff;
	_ =	sdelay $0x1  }
0x161: {  	v8 =	vld.idx.msk [tilespmem:v8+s16+$0x0], $0xffff  }
0x162: {  	v11 =	vor.u32 $0xD, v3;
	v7 =	vld.idx.msk [tilespmem:v7+s10+$0x0], $0xffff  }
0x163: {  	v12 =	vor.u32 $0x1D, v3  }
0x164: {  	v9 =	vadd.f32 v10, v9;
	v10 =	vor.u32 v27, v2  }
0x165: {  	v13 =	vor.u32 v27, v4  }
0x166: {  	v8 =	vadd.f32 v8, v9  }
0x167: {  	[tilespmem:v11+s21+$0x0] =	vst.idx.msk $0xffff, v7;
	v7 =	vor.u32 v27, v6  }
0x168: {  	[tilespmem:v12+s21+$0x0] =	vst.idx.msk $0xffff, v8;
	v8 =	vor.u32 v27, v5  }
0x169: {  	v9 =	vld.idx.msk [tilespmem:v10+s12+$0x0], $0xffff  }
0x16a: {  	v10 =	vld.idx.msk [tilespmem:v13+s14+$0x0], $0xffff;
	_ =	sdelay $0x1  }
0x16b: {  	v7 =	vld.idx.msk [tilespmem:v7+s16+$0x0], $0xffff  }
0x16c: {  	v11 =	vor.u32 $0xE, v3;
	v8 =	vld.idx.msk [tilespmem:v8+s10+$0x0], $0xffff  }
0x16d: {  	v12 =	vor.u32 $0x1E, v3  }
0x16e: {  	v2 =	vor.u32 v28, v2;
	v9 =	vadd.f32 v10, v9  }
0x16f: {  	v4 =	vor.u32 v28, v4  }
0x170: {  	v7 =	vadd.f32 v7, v9  }
0x171: {  	v6 =	vor.u32 v28, v6;
	[tilespmem:v11+s21+$0x0] =	vst.idx.msk $0xffff, v8  }
0x172: {  	v5 =	vor.u32 v28, v5;
	v8 =	vld [tilespmem:$0x1FD10];
	[tilespmem:v12+s21+$0x0] =	vst.idx.msk $0xffff, v7  }
0x173: {  	v2 =	vld.idx.msk [tilespmem:v2+s12+$0x0], $0xffff  }
0x174: {  	v4 =	vld.idx.msk [tilespmem:v4+s14+$0x0], $0xffff;
	_ =	sdelay $0x1  }
0x175: {  	v6 =	vld.idx.msk [tilespmem:v6+s16+$0x0], $0xffff  }
0x176: {  	v7 =	vor.u32 $0xF, v3;
	v5 =	vld.idx.msk [tilespmem:v5+s10+$0x0], $0xffff;
	v8 =	vor.u32 s23, v8  }
0x177: {  	v3 =	vor.u32 $0x1F, v3;
	v9 =	vand.u32 $0x5F, v8  }
0x178: {  	v2 =	vadd.f32 v4, v2;
	v4 =	vor.u32 v9, v34  }
0x179: {  	v10 =	vor.u32 v9, v51  }
0x17a: {  	v2 =	vadd.f32 v6, v2  }
0x17b: {  	[tilespmem:v7+s21+$0x0] =	vst.idx.msk $0xffff, v5;
	v5 =	vor.u32 v9, v0  }
0x17c: {  	[tilespmem:v3+s21+$0x0] =	vst.idx.msk $0xffff, v2;
	v2 =	vor.u32 v9, v17  }
0x17d: {  	v3 =	vld.idx.msk [tilespmem:v4+s1+$0x0], $0xffff  }
0x17e: {  	v4 =	vld.idx.msk [tilespmem:v10+s1+$0x0], $0xffff;
	_ =	sdelay $0x1  }
0x17f: {  	v5 =	vld.idx.msk [tilespmem:v5+s1+$0x0], $0xffff  }
0x180: {  	v6 =	vld.idx.msk [tilespmem:v2+s1+$0x0], $0xffff  }
0x181: {  	v2 =	vshll.u32 v3, $0x4  }
0x182: {  	v3 =	vshll.u32 v4, $0x4;
	v2 =	vand.u32 $0x70, v2  }
0x183: {  	v4 =	vand.u32 $0x70, v3;
	v3 =	vor.u32 v29, v2  }
0x184: {  	v5 =	vshll.u32 v5, $0x4;
	v7 =	vor.u32 v29, v4  }
0x185: {  	v9 =	vshll.u32 v6, $0x4;
	v6 =	vand.u32 $0x70, v5  }
0x186: {  	v5 =	vand.u32 $0x70, v9;
	v9 =	vor.u32 v29, v6  }
0x187: {  	v10 =	vor.u32 v29, v5  }
0x188: {  	v11 =	vld.idx.msk [tilespmem:v3+s12+$0x0], $0xffff  }
0x189: {  	v7 =	vld.idx.msk [tilespmem:v7+s14+$0x0], $0xffff;
	_ =	sdelay $0x1  }
0x18a: {  	v9 =	vld.idx.msk [tilespmem:v9+s16+$0x0], $0xffff  }
0x18b: {  	v3 =	vshll.u32 v8, $0x5;
	v8 =	vld.idx.msk [tilespmem:v10+s10+$0x0], $0xffff  }
0x18c: {  	v10 =	vor.u32 $0x10, v3  }
0x18d: {  	v7 =	vadd.f32 v7, v11;
	v11 =	vor.u32 v30, v2  }
0x18e: {  	v12 =	vor.u32 v30, v4  }
0x18f: {  	v7 =	vadd.f32 v9, v7  }
0x190: {  	[tilespmem:v3+s21+$0x0] =	vst.idx.msk $0xffff, v8;
	v8 =	vor.u32 v30, v6  }
0x191: {  	[tilespmem:v10+s21+$0x0] =	vst.idx.msk $0xffff, v7;
	v7 =	vor.u32 v30, v5  }
0x192: {  	v9 =	vld.idx.msk [tilespmem:v11+s12+$0x0], $0xffff  }
0x193: {  	v10 =	vld.idx.msk [tilespmem:v12+s14+$0x0], $0xffff;
	_ =	sdelay $0x1  }
0x194: {  	v8 =	vld.idx.msk [tilespmem:v8+s16+$0x0], $0xffff  }
0x195: {  	v11 =	vor.u32 $0x1, v3;
	v7 =	vld.idx.msk [tilespmem:v7+s10+$0x0], $0xffff  }
0x196: {  	v12 =	vor.u32 $0x11, v3  }
0x197: {  	v9 =	vadd.f32 v10, v9;
	v10 =	vor.u32 v31, v2  }
0x198: {  	v13 =	vor.u32 v31, v4  }
0x199: {  	v8 =	vadd.f32 v8, v9  }
0x19a: {  	[tilespmem:v11+s21+$0x0] =	vst.idx.msk $0xffff, v7;
	v7 =	vor.u32 v31, v6  }
0x19b: {  	[tilespmem:v12+s21+$0x0] =	vst.idx.msk $0xffff, v8;
	v8 =	vor.u32 v31, v5  }
0x19c: {  	v9 =	vld.idx.msk [tilespmem:v10+s12+$0x0], $0xffff  }
0x19d: {  	v10 =	vld.idx.msk [tilespmem:v13+s14+$0x0], $0xffff;
	_ =	sdelay $0x1  }
0x19e: {  	v7 =	vld.idx.msk [tilespmem:v7+s16+$0x0], $0xffff  }
0x19f: {  	v11 =	vor.u32 $0x2, v3;
	v8 =	vld.idx.msk [tilespmem:v8+s10+$0x0], $0xffff  }
0x1a0: {  	v12 =	vor.u32 $0x12, v3  }
0x1a1: {  	v9 =	vadd.f32 v10, v9;
	v10 =	vor.u32 v32, v2  }
0x1a2: {  	v13 =	vor.u32 v32, v4  }
0x1a3: {  	v7 =	vadd.f32 v7, v9  }
0x1a4: {  	[tilespmem:v11+s21+$0x0] =	vst.idx.msk $0xffff, v8;
	v8 =	vor.u32 v32, v6  }
0x1a5: {  	[tilespmem:v12+s21+$0x0] =	vst.idx.msk $0xffff, v7;
	v7 =	vor.u32 v32, v5  }
0x1a6: {  	v9 =	vld.idx.msk [tilespmem:v10+s12+$0x0], $0xffff  }
0x1a7: {  	v10 =	vld.idx.msk [tilespmem:v13+s14+$0x0], $0xffff;
	_ =	sdelay $0x1  }
0x1a8: {  	v8 =	vld.idx.msk [tilespmem:v8+s16+$0x0], $0xffff  }
0x1a9: {  	v11 =	vor.u32 $0x3, v3;
	v7 =	vld.idx.msk [tilespmem:v7+s10+$0x0], $0xffff  }
0x1aa: {  	v12 =	vor.u32 $0x13, v3  }
0x1ab: {  	v9 =	vadd.f32 v10, v9;
	v10 =	vor.u32 v33, v2  }
0x1ac: {  	v13 =	vor.u32 v33, v4  }
0x1ad: {  	v8 =	vadd.f32 v8, v9  }
0x1ae: {  	[tilespmem:v11+s21+$0x0] =	vst.idx.msk $0xffff, v7;
	v7 =	vor.u32 v33, v6  }
0x1af: {  	[tilespmem:v12+s21+$0x0] =	vst.idx.msk $0xffff, v8;
	v8 =	vor.u32 v33, v5  }
0x1b0: {  	v9 =	vld.idx.msk [tilespmem:v10+s12+$0x0], $0xffff  }
0x1b1: {  	v10 =	vld.idx.msk [tilespmem:v13+s14+$0x0], $0xffff;
	_ =	sdelay $0x1  }
0x1b2: {  	v7 =	vld.idx.msk [tilespmem:v7+s16+$0x0], $0xffff  }
0x1b3: {  	v11 =	vor.u32 $0x4, v3;
	v8 =	vld.idx.msk [tilespmem:v8+s10+$0x0], $0xffff  }
0x1b4: {  	v12 =	vor.u32 $0x14, v3  }
0x1b5: {  	v9 =	vadd.f32 v10, v9;
	v10 =	vor.u32 v35, v2  }
0x1b6: {  	v13 =	vor.u32 v35, v4  }
0x1b7: {  	v7 =	vadd.f32 v7, v9  }
0x1b8: {  	[tilespmem:v11+s21+$0x0] =	vst.idx.msk $0xffff, v8;
	v8 =	vor.u32 v35, v6  }
0x1b9: {  	[tilespmem:v12+s21+$0x0] =	vst.idx.msk $0xffff, v7;
	v7 =	vor.u32 v35, v5  }
0x1ba: {  	v9 =	vld.idx.msk [tilespmem:v10+s12+$0x0], $0xffff  }
0x1bb: {  	v10 =	vld.idx.msk [tilespmem:v13+s14+$0x0], $0xffff;
	_ =	sdelay $0x1  }
0x1bc: {  	v8 =	vld.idx.msk [tilespmem:v8+s16+$0x0], $0xffff  }
0x1bd: {  	v11 =	vor.u32 $0x5, v3;
	v7 =	vld.idx.msk [tilespmem:v7+s10+$0x0], $0xffff  }
0x1be: {  	v12 =	vor.u32 $0x15, v3  }
0x1bf: {  	v9 =	vadd.f32 v10, v9;
	v10 =	vor.u32 v36, v2  }
0x1c0: {  	v13 =	vor.u32 v36, v4  }
0x1c1: {  	v8 =	vadd.f32 v8, v9  }
0x1c2: {  	[tilespmem:v11+s21+$0x0] =	vst.idx.msk $0xffff, v7;
	v7 =	vor.u32 v36, v6  }
0x1c3: {  	[tilespmem:v12+s21+$0x0] =	vst.idx.msk $0xffff, v8;
	v8 =	vor.u32 v36, v5  }
0x1c4: {  	v9 =	vld.idx.msk [tilespmem:v10+s12+$0x0], $0xffff  }
0x1c5: {  	v10 =	vld.idx.msk [tilespmem:v13+s14+$0x0], $0xffff;
	_ =	sdelay $0x1  }
0x1c6: {  	v7 =	vld.idx.msk [tilespmem:v7+s16+$0x0], $0xffff  }
0x1c7: {  	v11 =	vor.u32 $0x6, v3;
	v8 =	vld.idx.msk [tilespmem:v8+s10+$0x0], $0xffff  }
0x1c8: {  	v12 =	vor.u32 $0x16, v3  }
0x1c9: {  	v9 =	vadd.f32 v10, v9;
	v10 =	vor.u32 v37, v2  }
0x1ca: {  	v13 =	vor.u32 v37, v4  }
0x1cb: {  	v7 =	vadd.f32 v7, v9  }
0x1cc: {  	[tilespmem:v11+s21+$0x0] =	vst.idx.msk $0xffff, v8;
	v8 =	vor.u32 v37, v6  }
0x1cd: {  	[tilespmem:v12+s21+$0x0] =	vst.idx.msk $0xffff, v7;
	v7 =	vor.u32 v37, v5  }
0x1ce: {  	v9 =	vld.idx.msk [tilespmem:v10+s12+$0x0], $0xffff  }
0x1cf: {  	v10 =	vld.idx.msk [tilespmem:v13+s14+$0x0], $0xffff;
	_ =	sdelay $0x1  }
0x1d0: {  	v8 =	vld.idx.msk [tilespmem:v8+s16+$0x0], $0xffff  }
0x1d1: {  	v11 =	vor.u32 $0x7, v3;
	v7 =	vld.idx.msk [tilespmem:v7+s10+$0x0], $0xffff  }
0x1d2: {  	v12 =	vor.u32 $0x17, v3  }
0x1d3: {  	v9 =	vadd.f32 v10, v9;
	v10 =	vor.u32 v38, v2  }
0x1d4: {  	v13 =	vor.u32 v38, v4  }
0x1d5: {  	v8 =	vadd.f32 v8, v9  }
0x1d6: {  	[tilespmem:v11+s21+$0x0] =	vst.idx.msk $0xffff, v7;
	v7 =	vor.u32 v38, v6  }
0x1d7: {  	[tilespmem:v12+s21+$0x0] =	vst.idx.msk $0xffff, v8;
	v8 =	vor.u32 v38, v5  }
0x1d8: {  	v9 =	vld.idx.msk [tilespmem:v10+s12+$0x0], $0xffff  }
0x1d9: {  	v10 =	vld.idx.msk [tilespmem:v13+s14+$0x0], $0xffff;
	_ =	sdelay $0x1  }
0x1da: {  	v7 =	vld.idx.msk [tilespmem:v7+s16+$0x0], $0xffff  }
0x1db: {  	v11 =	vor.u32 $0x8, v3;
	v8 =	vld.idx.msk [tilespmem:v8+s10+$0x0], $0xffff  }
0x1dc: {  	v12 =	vor.u32 $0x18, v3  }
0x1dd: {  	v9 =	vadd.f32 v10, v9;
	v10 =	vor.u32 v39, v2  }
0x1de: {  	v13 =	vor.u32 v39, v4  }
0x1df: {  	v7 =	vadd.f32 v7, v9  }
0x1e0: {  	[tilespmem:v11+s21+$0x0] =	vst.idx.msk $0xffff, v8;
	v8 =	vor.u32 v39, v6  }
0x1e1: {  	[tilespmem:v12+s21+$0x0] =	vst.idx.msk $0xffff, v7;
	v7 =	vor.u32 v39, v5  }
0x1e2: {  	v9 =	vld.idx.msk [tilespmem:v10+s12+$0x0], $0xffff  }
0x1e3: {  	v10 =	vld.idx.msk [tilespmem:v13+s14+$0x0], $0xffff;
	_ =	sdelay $0x1  }
0x1e4: {  	v8 =	vld.idx.msk [tilespmem:v8+s16+$0x0], $0xffff  }
0x1e5: {  	v11 =	vor.u32 $0x9, v3;
	v7 =	vld.idx.msk [tilespmem:v7+s10+$0x0], $0xffff  }
0x1e6: {  	v12 =	vor.u32 $0x19, v3  }
0x1e7: {  	v9 =	vadd.f32 v10, v9;
	v10 =	vor.u32 v40, v2  }
0x1e8: {  	v13 =	vor.u32 v40, v4  }
0x1e9: {  	v8 =	vadd.f32 v8, v9  }
0x1ea: {  	[tilespmem:v11+s21+$0x0] =	vst.idx.msk $0xffff, v7;
	v7 =	vor.u32 v40, v6  }
0x1eb: {  	[tilespmem:v12+s21+$0x0] =	vst.idx.msk $0xffff, v8;
	v8 =	vor.u32 v40, v5  }
0x1ec: {  	v9 =	vld.idx.msk [tilespmem:v10+s12+$0x0], $0xffff  }
0x1ed: {  	v10 =	vld.idx.msk [tilespmem:v13+s14+$0x0], $0xffff;
	_ =	sdelay $0x1  }
0x1ee: {  	v7 =	vld.idx.msk [tilespmem:v7+s16+$0x0], $0xffff  }
0x1ef: {  	v11 =	vor.u32 $0xA, v3;
	v8 =	vld.idx.msk [tilespmem:v8+s10+$0x0], $0xffff  }
0x1f0: {  	v12 =	vor.u32 $0x1A, v3  }
0x1f1: {  	v9 =	vadd.f32 v10, v9;
	v10 =	vor.u32 v41, v2  }
0x1f2: {  	v13 =	vor.u32 v41, v4  }
0x1f3: {  	v7 =	vadd.f32 v7, v9  }
0x1f4: {  	[tilespmem:v11+s21+$0x0] =	vst.idx.msk $0xffff, v8;
	v8 =	vor.u32 v41, v6  }
0x1f5: {  	[tilespmem:v12+s21+$0x0] =	vst.idx.msk $0xffff, v7;
	v7 =	vor.u32 v41, v5  }
0x1f6: {  	v9 =	vld.idx.msk [tilespmem:v10+s12+$0x0], $0xffff  }
0x1f7: {  	v10 =	vld.idx.msk [tilespmem:v13+s14+$0x0], $0xffff;
	_ =	sdelay $0x1  }
0x1f8: {  	v8 =	vld.idx.msk [tilespmem:v8+s16+$0x0], $0xffff  }
0x1f9: {  	v11 =	vor.u32 $0xB, v3;
	v7 =	vld.idx.msk [tilespmem:v7+s10+$0x0], $0xffff  }
0x1fa: {  	v12 =	vor.u32 $0x1B, v3  }
0x1fb: {  	v9 =	vadd.f32 v10, v9;
	v10 =	vor.u32 v42, v2  }
0x1fc: {  	v13 =	vor.u32 v42, v4  }
0x1fd: {  	v8 =	vadd.f32 v8, v9  }
0x1fe: {  	[tilespmem:v11+s21+$0x0] =	vst.idx.msk $0xffff, v7;
	v7 =	vor.u32 v42, v6  }
0x1ff: {  	[tilespmem:v12+s21+$0x0] =	vst.idx.msk $0xffff, v8;
	v8 =	vor.u32 v42, v5  }
0x200: {  	v9 =	vld.idx.msk [tilespmem:v10+s12+$0x0], $0xffff  }
0x201: {  	v10 =	vld.idx.msk [tilespmem:v13+s14+$0x0], $0xffff;
	_ =	sdelay $0x1  }
0x202: {  	v7 =	vld.idx.msk [tilespmem:v7+s16+$0x0], $0xffff  }
0x203: {  	v11 =	vor.u32 $0xC, v3;
	v8 =	vld.idx.msk [tilespmem:v8+s10+$0x0], $0xffff  }
0x204: {  	v12 =	vor.u32 $0x1C, v3  }
0x205: {  	v9 =	vadd.f32 v10, v9;
	v10 =	vor.u32 v43, v2  }
0x206: {  	v13 =	vor.u32 v43, v4  }
0x207: {  	v7 =	vadd.f32 v7, v9  }
0x208: {  	[tilespmem:v11+s21+$0x0] =	vst.idx.msk $0xffff, v8;
	v8 =	vor.u32 v43, v6  }
0x209: {  	[tilespmem:v12+s21+$0x0] =	vst.idx.msk $0xffff, v7;
	v7 =	vor.u32 v43, v5  }
0x20a: {  	v9 =	vld.idx.msk [tilespmem:v10+s12+$0x0], $0xffff  }
0x20b: {  	v10 =	vld.idx.msk [tilespmem:v13+s14+$0x0], $0xffff;
	_ =	sdelay $0x1  }
0x20c: {  	v8 =	vld.idx.msk [tilespmem:v8+s16+$0x0], $0xffff  }
0x20d: {  	v11 =	vor.u32 $0xD, v3;
	v7 =	vld.idx.msk [tilespmem:v7+s10+$0x0], $0xffff  }
0x20e: {  	v12 =	vor.u32 $0x1D, v3  }
0x20f: {  	v9 =	vadd.f32 v10, v9;
	v10 =	vor.u32 v44, v2  }
0x210: {  	v13 =	vor.u32 v44, v4  }
0x211: {  	v8 =	vadd.f32 v8, v9  }
0x212: {  	[tilespmem:v11+s21+$0x0] =	vst.idx.msk $0xffff, v7;
	v7 =	vor.u32 v44, v6  }
0x213: {  	[tilespmem:v12+s21+$0x0] =	vst.idx.msk $0xffff, v8;
	v8 =	vor.u32 v44, v5  }
0x214: {  	v9 =	vld.idx.msk [tilespmem:v10+s12+$0x0], $0xffff  }
0x215: {  	v10 =	vld.idx.msk [tilespmem:v13+s14+$0x0], $0xffff;
	_ =	sdelay $0x1  }
0x216: {  	v7 =	vld.idx.msk [tilespmem:v7+s16+$0x0], $0xffff  }
0x217: {  	v11 =	vor.u32 $0xE, v3;
	v8 =	vld.idx.msk [tilespmem:v8+s10+$0x0], $0xffff  }
0x218: {  	v12 =	vor.u32 $0x1E, v3  }
0x219: {  	v2 =	vor.u32 v45, v2;
	v9 =	vadd.f32 v10, v9  }
0x21a: {  	v4 =	vor.u32 v45, v4  }
0x21b: {  	v7 =	vadd.f32 v7, v9  }
0x21c: {  	v6 =	vor.u32 v45, v6;
	[tilespmem:v11+s21+$0x0] =	vst.idx.msk $0xffff, v8  }
0x21d: {  	v5 =	vor.u32 v45, v5;
	v8 =	vld [tilespmem:$0x1FE20];
	[tilespmem:v12+s21+$0x0] =	vst.idx.msk $0xffff, v7  }
0x21e: {  	v2 =	vld.idx.msk [tilespmem:v2+s12+$0x0], $0xffff  }
0x21f: {  	v4 =	vld.idx.msk [tilespmem:v4+s14+$0x0], $0xffff;
	_ =	sdelay $0x1  }
0x220: {  	v6 =	vld.idx.msk [tilespmem:v6+s16+$0x0], $0xffff  }
0x221: {  	v7 =	vor.u32 $0xF, v3;
	v5 =	vld.idx.msk [tilespmem:v5+s10+$0x0], $0xffff;
	v8 =	vor.u32 s23, v8  }
0x222: {  	v3 =	vor.u32 $0x1F, v3;
	v9 =	vand.u32 $0x6F, v8  }
0x223: {  	v2 =	vadd.f32 v4, v2;
	v4 =	vor.u32 v9, v34  }
0x224: {  	v10 =	vor.u32 v9, v51  }
0x225: {  	v2 =	vadd.f32 v6, v2  }
0x226: {  	[tilespmem:v7+s21+$0x0] =	vst.idx.msk $0xffff, v5;
	v5 =	vor.u32 v9, v0  }
0x227: {  	[tilespmem:v3+s21+$0x0] =	vst.idx.msk $0xffff, v2;
	v2 =	vor.u32 v9, v17  }
0x228: {  	v3 =	vld.idx.msk [tilespmem:v4+s1+$0x0], $0xffff  }
0x229: {  	v4 =	vld.idx.msk [tilespmem:v10+s1+$0x0], $0xffff;
	_ =	sdelay $0x1  }
0x22a: {  	v5 =	vld.idx.msk [tilespmem:v5+s1+$0x0], $0xffff  }
0x22b: {  	v6 =	vld.idx.msk [tilespmem:v2+s1+$0x0], $0xffff  }
0x22c: {  	v2 =	vshll.u32 v3, $0x4  }
0x22d: {  	v3 =	vshll.u32 v4, $0x4;
	v2 =	vand.u32 $0x70, v2  }
0x22e: {  	v4 =	vand.u32 $0x70, v3;
	v3 =	vor.u32 v46, v2  }
0x22f: {  	v5 =	vshll.u32 v5, $0x4;
	v7 =	vor.u32 v46, v4  }
0x230: {  	v9 =	vshll.u32 v6, $0x4;
	v6 =	vand.u32 $0x70, v5  }
0x231: {  	v5 =	vand.u32 $0x70, v9;
	v9 =	vor.u32 v46, v6  }
0x232: {  	v10 =	vor.u32 v46, v5  }
0x233: {  	v11 =	vld.idx.msk [tilespmem:v3+s12+$0x0], $0xffff  }
0x234: {  	v7 =	vld.idx.msk [tilespmem:v7+s14+$0x0], $0xffff;
	_ =	sdelay $0x1  }
0x235: {  	v9 =	vld.idx.msk [tilespmem:v9+s16+$0x0], $0xffff  }
0x236: {  	v3 =	vshll.u32 v8, $0x5;
	v8 =	vld.idx.msk [tilespmem:v10+s10+$0x0], $0xffff  }
0x237: {  	v10 =	vor.u32 $0x10, v3  }
0x238: {  	v7 =	vadd.f32 v7, v11;
	v11 =	vor.u32 v47, v2  }
0x239: {  	v12 =	vor.u32 v47, v4  }
0x23a: {  	v7 =	vadd.f32 v9, v7  }
0x23b: {  	[tilespmem:v3+s21+$0x0] =	vst.idx.msk $0xffff, v8;
	v8 =	vor.u32 v47, v6  }
0x23c: {  	[tilespmem:v10+s21+$0x0] =	vst.idx.msk $0xffff, v7;
	v7 =	vor.u32 v47, v5  }
0x23d: {  	v9 =	vld.idx.msk [tilespmem:v11+s12+$0x0], $0xffff  }
0x23e: {  	v10 =	vld.idx.msk [tilespmem:v12+s14+$0x0], $0xffff;
	_ =	sdelay $0x1  }
0x23f: {  	v8 =	vld.idx.msk [tilespmem:v8+s16+$0x0], $0xffff  }
0x240: {  	v11 =	vor.u32 $0x1, v3;
	v7 =	vld.idx.msk [tilespmem:v7+s10+$0x0], $0xffff  }
0x241: {  	v12 =	vor.u32 $0x11, v3  }
0x242: {  	v9 =	vadd.f32 v10, v9;
	v10 =	vor.u32 v48, v2  }
0x243: {  	v13 =	vor.u32 v48, v4  }
0x244: {  	v8 =	vadd.f32 v8, v9  }
0x245: {  	[tilespmem:v11+s21+$0x0] =	vst.idx.msk $0xffff, v7;
	v7 =	vor.u32 v48, v6  }
0x246: {  	[tilespmem:v12+s21+$0x0] =	vst.idx.msk $0xffff, v8;
	v8 =	vor.u32 v48, v5  }
0x247: {  	v9 =	vld.idx.msk [tilespmem:v10+s12+$0x0], $0xffff  }
0x248: {  	v10 =	vld.idx.msk [tilespmem:v13+s14+$0x0], $0xffff;
	_ =	sdelay $0x1  }
0x249: {  	v7 =	vld.idx.msk [tilespmem:v7+s16+$0x0], $0xffff  }
0x24a: {  	v11 =	vor.u32 $0x2, v3;
	v8 =	vld.idx.msk [tilespmem:v8+s10+$0x0], $0xffff  }
0x24b: {  	v12 =	vor.u32 $0x12, v3  }
0x24c: {  	v9 =	vadd.f32 v10, v9;
	v10 =	vor.u32 v49, v2  }
0x24d: {  	v13 =	vor.u32 v49, v4  }
0x24e: {  	v7 =	vadd.f32 v7, v9  }
0x24f: {  	[tilespmem:v11+s21+$0x0] =	vst.idx.msk $0xffff, v8;
	v8 =	vor.u32 v49, v6  }
0x250: {  	[tilespmem:v12+s21+$0x0] =	vst.idx.msk $0xffff, v7;
	v7 =	vor.u32 v49, v5  }
0x251: {  	v9 =	vld.idx.msk [tilespmem:v10+s12+$0x0], $0xffff  }
0x252: {  	v10 =	vld.idx.msk [tilespmem:v13+s14+$0x0], $0xffff;
	_ =	sdelay $0x1  }
0x253: {  	v8 =	vld.idx.msk [tilespmem:v8+s16+$0x0], $0xffff  }
0x254: {  	v11 =	vor.u32 $0x3, v3;
	v7 =	vld.idx.msk [tilespmem:v7+s10+$0x0], $0xffff  }
0x255: {  	v12 =	vor.u32 $0x13, v3  }
0x256: {  	v9 =	vadd.f32 v10, v9;
	v10 =	vor.u32 v50, v2  }
0x257: {  	v13 =	vor.u32 v50, v4  }
0x258: {  	v8 =	vadd.f32 v8, v9  }
0x259: {  	[tilespmem:v11+s21+$0x0] =	vst.idx.msk $0xffff, v7;
	v7 =	vor.u32 v50, v6  }
0x25a: {  	[tilespmem:v12+s21+$0x0] =	vst.idx.msk $0xffff, v8;
	v8 =	vor.u32 v50, v5  }
0x25b: {  	v9 =	vld.idx.msk [tilespmem:v10+s12+$0x0], $0xffff  }
0x25c: {  	v10 =	vld.idx.msk [tilespmem:v13+s14+$0x0], $0xffff;
	_ =	sdelay $0x1  }
0x25d: {  	v7 =	vld.idx.msk [tilespmem:v7+s16+$0x0], $0xffff  }
0x25e: {  	v11 =	vor.u32 $0x4, v3;
	v8 =	vld.idx.msk [tilespmem:v8+s10+$0x0], $0xffff  }
0x25f: {  	v12 =	vor.u32 $0x14, v3  }
0x260: {  	v9 =	vadd.f32 v10, v9;
	v10 =	vor.u32 v52, v2  }
0x261: {  	v13 =	vor.u32 v52, v4  }
0x262: {  	v7 =	vadd.f32 v7, v9  }
0x263: {  	[tilespmem:v11+s21+$0x0] =	vst.idx.msk $0xffff, v8;
	v8 =	vor.u32 v52, v6  }
0x264: {  	[tilespmem:v12+s21+$0x0] =	vst.idx.msk $0xffff, v7;
	v7 =	vor.u32 v52, v5  }
0x265: {  	v9 =	vld.idx.msk [tilespmem:v10+s12+$0x0], $0xffff  }
0x266: {  	v10 =	vld.idx.msk [tilespmem:v13+s14+$0x0], $0xffff;
	_ =	sdelay $0x1  }
0x267: {  	v8 =	vld.idx.msk [tilespmem:v8+s16+$0x0], $0xffff  }
0x268: {  	v11 =	vor.u32 $0x5, v3;
	v7 =	vld.idx.msk [tilespmem:v7+s10+$0x0], $0xffff  }
0x269: {  	v12 =	vor.u32 $0x15, v3  }
0x26a: {  	v9 =	vadd.f32 v10, v9;
	v10 =	vor.u32 v53, v2  }
0x26b: {  	v13 =	vor.u32 v53, v4  }
0x26c: {  	v8 =	vadd.f32 v8, v9  }
0x26d: {  	[tilespmem:v11+s21+$0x0] =	vst.idx.msk $0xffff, v7;
	v7 =	vor.u32 v53, v6  }
0x26e: {  	[tilespmem:v12+s21+$0x0] =	vst.idx.msk $0xffff, v8;
	v8 =	vor.u32 v53, v5  }
0x26f: {  	v9 =	vld.idx.msk [tilespmem:v10+s12+$0x0], $0xffff  }
0x270: {  	v10 =	vld.idx.msk [tilespmem:v13+s14+$0x0], $0xffff;
	_ =	sdelay $0x1  }
0x271: {  	v7 =	vld.idx.msk [tilespmem:v7+s16+$0x0], $0xffff  }
0x272: {  	v11 =	vor.u32 $0x6, v3;
	v8 =	vld.idx.msk [tilespmem:v8+s10+$0x0], $0xffff  }
0x273: {  	v12 =	vor.u32 $0x16, v3  }
0x274: {  	v9 =	vadd.f32 v10, v9;
	v10 =	vor.u32 v54, v2  }
0x275: {  	v13 =	vor.u32 v54, v4  }
0x276: {  	v7 =	vadd.f32 v7, v9  }
0x277: {  	[tilespmem:v11+s21+$0x0] =	vst.idx.msk $0xffff, v8;
	v8 =	vor.u32 v54, v6  }
0x278: {  	[tilespmem:v12+s21+$0x0] =	vst.idx.msk $0xffff, v7;
	v7 =	vor.u32 v54, v5  }
0x279: {  	v9 =	vld.idx.msk [tilespmem:v10+s12+$0x0], $0xffff  }
0x27a: {  	v10 =	vld.idx.msk [tilespmem:v13+s14+$0x0], $0xffff;
	_ =	sdelay $0x1  }
0x27b: {  	v8 =	vld.idx.msk [tilespmem:v8+s16+$0x0], $0xffff  }
0x27c: {  	v11 =	vor.u32 $0x7, v3;
	v7 =	vld.idx.msk [tilespmem:v7+s10+$0x0], $0xffff  }
0x27d: {  	v12 =	vor.u32 $0x17, v3  }
0x27e: {  	v9 =	vadd.f32 v10, v9;
	v10 =	vor.u32 v55, v2  }
0x27f: {  	v13 =	vor.u32 v55, v4  }
0x280: {  	v8 =	vadd.f32 v8, v9  }
0x281: {  	[tilespmem:v11+s21+$0x0] =	vst.idx.msk $0xffff, v7;
	v7 =	vor.u32 v55, v6  }
0x282: {  	[tilespmem:v12+s21+$0x0] =	vst.idx.msk $0xffff, v8;
	v8 =	vor.u32 v55, v5  }
0x283: {  	v9 =	vld.idx.msk [tilespmem:v10+s12+$0x0], $0xffff  }
0x284: {  	v10 =	vld.idx.msk [tilespmem:v13+s14+$0x0], $0xffff;
	_ =	sdelay $0x1  }
0x285: {  	v7 =	vld.idx.msk [tilespmem:v7+s16+$0x0], $0xffff  }
0x286: {  	v11 =	vor.u32 $0x8, v3;
	v8 =	vld.idx.msk [tilespmem:v8+s10+$0x0], $0xffff  }
0x287: {  	v12 =	vor.u32 $0x18, v3  }
0x288: {  	v9 =	vadd.f32 v10, v9;
	v10 =	vor.u32 v56, v2  }
0x289: {  	v13 =	vor.u32 v56, v4  }
0x28a: {  	v7 =	vadd.f32 v7, v9  }
0x28b: {  	[tilespmem:v11+s21+$0x0] =	vst.idx.msk $0xffff, v8;
	v8 =	vor.u32 v56, v6  }
0x28c: {  	[tilespmem:v12+s21+$0x0] =	vst.idx.msk $0xffff, v7;
	v7 =	vor.u32 v56, v5  }
0x28d: {  	v9 =	vld.idx.msk [tilespmem:v10+s12+$0x0], $0xffff  }
0x28e: {  	v10 =	vld.idx.msk [tilespmem:v13+s14+$0x0], $0xffff;
	_ =	sdelay $0x1  }
0x28f: {  	v8 =	vld.idx.msk [tilespmem:v8+s16+$0x0], $0xffff  }
0x290: {  	v11 =	vor.u32 $0x9, v3;
	v7 =	vld.idx.msk [tilespmem:v7+s10+$0x0], $0xffff  }
0x291: {  	v12 =	vor.u32 $0x19, v3  }
0x292: {  	v9 =	vadd.f32 v10, v9;
	v10 =	vor.u32 v57, v2  }
0x293: {  	v13 =	vor.u32 v57, v4  }
0x294: {  	v8 =	vadd.f32 v8, v9  }
0x295: {  	[tilespmem:v11+s21+$0x0] =	vst.idx.msk $0xffff, v7;
	v7 =	vor.u32 v57, v6  }
0x296: {  	[tilespmem:v12+s21+$0x0] =	vst.idx.msk $0xffff, v8;
	v8 =	vor.u32 v57, v5  }
0x297: {  	v9 =	vld.idx.msk [tilespmem:v10+s12+$0x0], $0xffff  }
0x298: {  	v10 =	vld.idx.msk [tilespmem:v13+s14+$0x0], $0xffff;
	_ =	sdelay $0x1  }
0x299: {  	v7 =	vld.idx.msk [tilespmem:v7+s16+$0x0], $0xffff  }
0x29a: {  	v11 =	vor.u32 $0xA, v3;
	v8 =	vld.idx.msk [tilespmem:v8+s10+$0x0], $0xffff  }
0x29b: {  	v12 =	vor.u32 $0x1A, v3  }
0x29c: {  	v9 =	vadd.f32 v10, v9;
	v10 =	vor.u32 v58, v2  }
0x29d: {  	v13 =	vor.u32 v58, v4  }
0x29e: {  	v7 =	vadd.f32 v7, v9  }
0x29f: {  	[tilespmem:v11+s21+$0x0] =	vst.idx.msk $0xffff, v8;
	v8 =	vor.u32 v58, v6  }
0x2a0: {  	[tilespmem:v12+s21+$0x0] =	vst.idx.msk $0xffff, v7;
	v7 =	vor.u32 v58, v5  }
0x2a1: {  	v9 =	vld.idx.msk [tilespmem:v10+s12+$0x0], $0xffff  }
0x2a2: {  	v10 =	vld.idx.msk [tilespmem:v13+s14+$0x0], $0xffff;
	_ =	sdelay $0x1  }
0x2a3: {  	v8 =	vld.idx.msk [tilespmem:v8+s16+$0x0], $0xffff  }
0x2a4: {  	v11 =	vor.u32 $0xB, v3;
	v7 =	vld.idx.msk [tilespmem:v7+s10+$0x0], $0xffff  }
0x2a5: {  	v12 =	vor.u32 $0x1B, v3  }
0x2a6: {  	v9 =	vadd.f32 v10, v9;
	v10 =	vor.u32 v59, v2  }
0x2a7: {  	v13 =	vor.u32 v59, v4  }
0x2a8: {  	v8 =	vadd.f32 v8, v9  }
0x2a9: {  	[tilespmem:v11+s21+$0x0] =	vst.idx.msk $0xffff, v7;
	v7 =	vor.u32 v59, v6  }
0x2aa: {  	[tilespmem:v12+s21+$0x0] =	vst.idx.msk $0xffff, v8;
	v8 =	vor.u32 v59, v5  }
0x2ab: {  	v9 =	vld.idx.msk [tilespmem:v10+s12+$0x0], $0xffff  }
0x2ac: {  	v10 =	vld.idx.msk [tilespmem:v13+s14+$0x0], $0xffff;
	_ =	sdelay $0x1  }
0x2ad: {  	v7 =	vld.idx.msk [tilespmem:v7+s16+$0x0], $0xffff  }
0x2ae: {  	v11 =	vor.u32 $0xC, v3;
	v8 =	vld.idx.msk [tilespmem:v8+s10+$0x0], $0xffff  }
0x2af: {  	v12 =	vor.u32 $0x1C, v3  }
0x2b0: {  	v9 =	vadd.f32 v10, v9;
	v10 =	vor.u32 v60, v2  }
0x2b1: {  	v13 =	vor.u32 v60, v4  }
0x2b2: {  	v7 =	vadd.f32 v7, v9  }
0x2b3: {  	[tilespmem:v11+s21+$0x0] =	vst.idx.msk $0xffff, v8;
	v8 =	vor.u32 v60, v6  }
0x2b4: {  	[tilespmem:v12+s21+$0x0] =	vst.idx.msk $0xffff, v7;
	v7 =	vor.u32 v60, v5  }
0x2b5: {  	v9 =	vld.idx.msk [tilespmem:v10+s12+$0x0], $0xffff  }
0x2b6: {  	v10 =	vld.idx.msk [tilespmem:v13+s14+$0x0], $0xffff;
	_ =	sdelay $0x1  }
0x2b7: {  	v8 =	vld.idx.msk [tilespmem:v8+s16+$0x0], $0xffff  }
0x2b8: {  	v11 =	vor.u32 $0xD, v3;
	v7 =	vld.idx.msk [tilespmem:v7+s10+$0x0], $0xffff  }
0x2b9: {  	v12 =	vor.u32 $0x1D, v3  }
0x2ba: {  	v9 =	vadd.f32 v10, v9;
	v10 =	vor.u32 v61, v2  }
0x2bb: {  	v13 =	vor.u32 v61, v4  }
0x2bc: {  	v8 =	vadd.f32 v8, v9  }
0x2bd: {  	[tilespmem:v11+s21+$0x0] =	vst.idx.msk $0xffff, v7;
	v7 =	vor.u32 v61, v6  }
0x2be: {  	[tilespmem:v12+s21+$0x0] =	vst.idx.msk $0xffff, v8;
	v8 =	vor.u32 v61, v5  }
0x2bf: {  	v9 =	vld.idx.msk [tilespmem:v10+s12+$0x0], $0xffff  }
0x2c0: {  	v10 =	vld.idx.msk [tilespmem:v13+s14+$0x0], $0xffff;
	_ =	sdelay $0x1  }
0x2c1: {  	v7 =	vld.idx.msk [tilespmem:v7+s16+$0x0], $0xffff  }
0x2c2: {  	v11 =	vor.u32 $0xE, v3;
	v8 =	vld.idx.msk [tilespmem:v8+s10+$0x0], $0xffff  }
0x2c3: {  	v12 =	vor.u32 $0x1E, v3  }
0x2c4: {  	v2 =	vor.u32 v62, v2;
	v9 =	vadd.f32 v10, v9  }
0x2c5: {  	v4 =	vor.u32 v62, v4  }
0x2c6: {  	v7 =	vadd.f32 v7, v9  }
0x2c7: {  	v6 =	vor.u32 v62, v6;
	[tilespmem:v11+s21+$0x0] =	vst.idx.msk $0xffff, v8  }
0x2c8: {  	v5 =	vor.u32 v62, v5;
	v8 =	vld [tilespmem:$0x1FF20];
	[tilespmem:v12+s21+$0x0] =	vst.idx.msk $0xffff, v7  }
0x2c9: {  	v2 =	vld.idx.msk [tilespmem:v2+s12+$0x0], $0xffff  }
0x2ca: {  	v4 =	vld.idx.msk [tilespmem:v4+s14+$0x0], $0xffff;
	_ =	sdelay $0x1  }
0x2cb: {  	v6 =	vld.idx.msk [tilespmem:v6+s16+$0x0], $0xffff  }
0x2cc: {  	v7 =	vor.u32 $0xF, v3;
	v5 =	vld.idx.msk [tilespmem:v5+s10+$0x0], $0xffff;
	v8 =	vor.u32 s23, v8  }
0x2cd: {  	v3 =	vor.u32 $0x1F, v3;
	v9 =	vand.u32 $0x7F, v8  }
0x2ce: {  	v2 =	vadd.f32 v4, v2;
	v34 =	vor.u32 v9, v34  }
0x2cf: {  	v10 =	vor.u32 v9, v51  }
0x2d0: {  	v2 =	vadd.f32 v6, v2  }
0x2d1: {  	[tilespmem:v7+s21+$0x0] =	vst.idx.msk $0xffff, v5;
	v0 =	vor.u32 v9, v0  }
0x2d2: {  	[tilespmem:v3+s21+$0x0] =	vst.idx.msk $0xffff, v2;
	v2 =	vor.u32 v9, v17  }
0x2d3: {  	v3 =	vld.idx.msk [tilespmem:v34+s1+$0x0], $0xffff  }
0x2d4: {  	v34 =	vld.idx.msk [tilespmem:v10+s1+$0x0], $0xffff  }
0x2d5: {  	v11 =	vld [tilespmem:$0x1FFE0]  }
0x2d6: {  	v5 =	vld.idx.msk [tilespmem:v0+s1+$0x0], $0xffff  }
0x2d7: {  	v2 =	vld.idx.msk [tilespmem:v2+s1+$0x0], $0xffff  }
0x2d8: {  	v0 =	vshll.u32 v3, $0x4  }
0x2d9: {  	v3 =	vshll.u32 v34, $0x4;
	v0 =	vand.u32 $0x70, v0  }
0x2da: {  	v17 =	vand.u32 $0x70, v3;
	v3 =	vor.u32 v11, v0  }
0x2db: {  	v51 =	vshll.u32 v5, $0x4;
	v5 =	vor.u32 v11, v17  }
0x2dc: {  	v34 =	vshll.u32 v2, $0x4;
	v2 =	vand.u32 $0x70, v51  }
0x2dd: {  	v51 =	vand.u32 $0x70, v34;
	v4 =	vor.u32 v11, v2  }
0x2de: {  	v12 =	vld [tilespmem:$0x1FFF0];
	v6 =	vor.u32 v11, v51  }
0x2df: {  	v3 =	vld.idx.msk [tilespmem:v3+s12+$0x0], $0xffff  }
0x2e0: {  	v5 =	vld.idx.msk [tilespmem:v5+s14+$0x0], $0xffff;
	_ =	sdelay $0x1  }
0x2e1: {  	v4 =	vld.idx.msk [tilespmem:v4+s16+$0x0], $0xffff  }
0x2e2: {  	v34 =	vshll.u32 v8, $0x5;
	v6 =	vld.idx.msk [tilespmem:v6+s10+$0x0], $0xffff  }
0x2e3: {  	v7 =	vor.u32 $0x10, v34  }
0x2e4: {  	v3 =	vadd.f32 v5, v3;
	v5 =	vor.u32 v12, v0  }
0x2e5: {  	v8 =	vor.u32 v12, v17  }
0x2e6: {  	v3 =	vadd.f32 v4, v3  }
0x2e7: {  	v4 =	vor.u32 v12, v2;
	[tilespmem:v34+s21+$0x0] =	vst.idx.msk $0xffff, v6  }
0x2e8: {  	[tilespmem:v7+s21+$0x0] =	vst.idx.msk $0xffff, v3;
	v3 =	vor.u32 v12, v51  }
0x2e9: {  	v5 =	vld.idx.msk [tilespmem:v5+s12+$0x0], $0xffff  }
0x2ea: {  	v6 =	vld.idx.msk [tilespmem:v8+s14+$0x0], $0xffff;
	_ =	sdelay $0x1  }
0x2eb: {  	v4 =	vld.idx.msk [tilespmem:v4+s16+$0x0], $0xffff  }
0x2ec: {  	v7 =	vor.u32 $0x1, v34;
	v3 =	vld.idx.msk [tilespmem:v3+s10+$0x0], $0xffff  }
0x2ed: {  	v8 =	vor.u32 $0x11, v34  }
0x2ee: {  	v5 =	vadd.f32 v6, v5;
	v6 =	vor.u32 v63, v0  }
0x2ef: {  	v9 =	vor.u32 v63, v17  }
0x2f0: {  	v4 =	vadd.f32 v4, v5  }
0x2f1: {  	[tilespmem:v7+s21+$0x0] =	vst.idx.msk $0xffff, v3;
	v3 =	vor.u32 v63, v2  }
0x2f2: {  	[tilespmem:v8+s21+$0x0] =	vst.idx.msk $0xffff, v4;
	v4 =	vor.u32 v63, v51  }
0x2f3: {  	v5 =	vld.idx.msk [tilespmem:v6+s12+$0x0], $0xffff  }
0x2f4: {  	v6 =	vld.idx.msk [tilespmem:v9+s14+$0x0], $0xffff;
	_ =	sdelay $0x1  }
0x2f5: {  	v3 =	vld.idx.msk [tilespmem:v3+s16+$0x0], $0xffff  }
0x2f6: {  	v7 =	vor.u32 $0x2, v34;
	v4 =	vld.idx.msk [tilespmem:v4+s10+$0x0], $0xffff  }
0x2f7: {  	v8 =	vor.u32 $0x12, v34  }
0x2f8: {  	v5 =	vadd.f32 v6, v5;
	v6 =	vor.u32 v14, v0  }
0x2f9: {  	v9 =	vor.u32 v14, v17  }
0x2fa: {  	v3 =	vadd.f32 v3, v5  }
0x2fb: {  	[tilespmem:v7+s21+$0x0] =	vst.idx.msk $0xffff, v4;
	v4 =	vor.u32 v14, v2  }
0x2fc: {  	[tilespmem:v8+s21+$0x0] =	vst.idx.msk $0xffff, v3;
	v3 =	vor.u32 v14, v51  }
0x2fd: {  	v5 =	vld.idx.msk [tilespmem:v6+s12+$0x0], $0xffff  }
0x2fe: {  	v6 =	vld.idx.msk [tilespmem:v9+s14+$0x0], $0xffff;
	_ =	sdelay $0x1  }
0x2ff: {  	v4 =	vld.idx.msk [tilespmem:v4+s16+$0x0], $0xffff  }
0x300: {  	v7 =	vor.u32 $0x3, v34;
	v3 =	vld.idx.msk [tilespmem:v3+s10+$0x0], $0xffff  }
0x301: {  	v8 =	vor.u32 $0x13, v34  }
0x302: {  	v5 =	vadd.f32 v6, v5;
	v6 =	vor.u32 v15, v0  }
0x303: {  	v9 =	vor.u32 v15, v17  }
0x304: {  	v4 =	vadd.f32 v4, v5  }
0x305: {  	[tilespmem:v7+s21+$0x0] =	vst.idx.msk $0xffff, v3;
	v3 =	vor.u32 v15, v2  }
0x306: {  	[tilespmem:v8+s21+$0x0] =	vst.idx.msk $0xffff, v4;
	v4 =	vor.u32 v15, v51  }
0x307: {  	v5 =	vld.idx.msk [tilespmem:v6+s12+$0x0], $0xffff  }
0x308: {  	v6 =	vld.idx.msk [tilespmem:v9+s14+$0x0], $0xffff;
	_ =	sdelay $0x1  }
0x309: {  	v3 =	vld.idx.msk [tilespmem:v3+s16+$0x0], $0xffff  }
0x30a: {  	v7 =	vor.u32 $0x4, v34;
	v4 =	vld.idx.msk [tilespmem:v4+s10+$0x0], $0xffff  }
0x30b: {  	v8 =	vor.u32 $0x14, v34  }
0x30c: {  	v5 =	vadd.f32 v6, v5;
	v6 =	vor.u32 v16, v0  }
0x30d: {  	v9 =	vor.u32 v16, v17  }
0x30e: {  	v3 =	vadd.f32 v3, v5  }
0x30f: {  	[tilespmem:v7+s21+$0x0] =	vst.idx.msk $0xffff, v4;
	v4 =	vor.u32 v16, v2  }
0x310: {  	[tilespmem:v8+s21+$0x0] =	vst.idx.msk $0xffff, v3;
	v3 =	vor.u32 v16, v51  }
0x311: {  	v5 =	vld.idx.msk [tilespmem:v6+s12+$0x0], $0xffff  }
0x312: {  	v6 =	vld.idx.msk [tilespmem:v9+s14+$0x0], $0xffff;
	_ =	sdelay $0x1  }
0x313: {  	v4 =	vld.idx.msk [tilespmem:v4+s16+$0x0], $0xffff  }
0x314: {  	v7 =	vor.u32 $0x5, v34;
	v3 =	vld.idx.msk [tilespmem:v3+s10+$0x0], $0xffff  }
0x315: {  	v8 =	vor.u32 $0x15, v34  }
0x316: {  	v5 =	vadd.f32 v6, v5;
	v6 =	vor.u32 v18, v0  }
0x317: {  	v9 =	vor.u32 v18, v17  }
0x318: {  	v4 =	vadd.f32 v4, v5  }
0x319: {  	[tilespmem:v7+s21+$0x0] =	vst.idx.msk $0xffff, v3;
	v3 =	vor.u32 v18, v2  }
0x31a: {  	[tilespmem:v8+s21+$0x0] =	vst.idx.msk $0xffff, v4;
	v4 =	vor.u32 v18, v51  }
0x31b: {  	v5 =	vld.idx.msk [tilespmem:v6+s12+$0x0], $0xffff  }
0x31c: {  	v6 =	vld.idx.msk [tilespmem:v9+s14+$0x0], $0xffff;
	_ =	sdelay $0x1  }
0x31d: {  	v3 =	vld.idx.msk [tilespmem:v3+s16+$0x0], $0xffff  }
0x31e: {  	v7 =	vor.u32 $0x6, v34;
	v4 =	vld.idx.msk [tilespmem:v4+s10+$0x0], $0xffff  }
0x31f: {  	v8 =	vor.u32 $0x16, v34  }
0x320: {  	v5 =	vadd.f32 v6, v5;
	v6 =	vor.u32 v19, v0  }
0x321: {  	v9 =	vor.u32 v19, v17  }
0x322: {  	v3 =	vadd.f32 v3, v5  }
0x323: {  	[tilespmem:v7+s21+$0x0] =	vst.idx.msk $0xffff, v4;
	v4 =	vor.u32 v19, v2  }
0x324: {  	[tilespmem:v8+s21+$0x0] =	vst.idx.msk $0xffff, v3;
	v3 =	vor.u32 v19, v51  }
0x325: {  	v5 =	vld.idx.msk [tilespmem:v6+s12+$0x0], $0xffff  }
0x326: {  	v6 =	vld.idx.msk [tilespmem:v9+s14+$0x0], $0xffff;
	_ =	sdelay $0x1  }
0x327: {  	v4 =	vld.idx.msk [tilespmem:v4+s16+$0x0], $0xffff  }
0x328: {  	v7 =	vor.u32 $0x7, v34;
	v3 =	vld.idx.msk [tilespmem:v3+s10+$0x0], $0xffff  }
0x329: {  	v8 =	vor.u32 $0x17, v34  }
0x32a: {  	v5 =	vadd.f32 v6, v5;
	v6 =	vor.u32 v20, v0  }
0x32b: {  	v9 =	vor.u32 v20, v17  }
0x32c: {  	v4 =	vadd.f32 v4, v5  }
0x32d: {  	[tilespmem:v7+s21+$0x0] =	vst.idx.msk $0xffff, v3;
	v3 =	vor.u32 v20, v2  }
0x32e: {  	[tilespmem:v8+s21+$0x0] =	vst.idx.msk $0xffff, v4;
	v4 =	vor.u32 v20, v51  }
0x32f: {  	v5 =	vld.idx.msk [tilespmem:v6+s12+$0x0], $0xffff  }
0x330: {  	v6 =	vld.idx.msk [tilespmem:v9+s14+$0x0], $0xffff;
	_ =	sdelay $0x1  }
0x331: {  	v3 =	vld.idx.msk [tilespmem:v3+s16+$0x0], $0xffff  }
0x332: {  	v7 =	vor.u32 $0x8, v34;
	v4 =	vld.idx.msk [tilespmem:v4+s10+$0x0], $0xffff  }
0x333: {  	v8 =	vor.u32 $0x18, v34  }
0x334: {  	v5 =	vadd.f32 v6, v5;
	v6 =	vor.u32 v21, v0  }
0x335: {  	v9 =	vor.u32 v21, v17  }
0x336: {  	v3 =	vadd.f32 v3, v5  }
0x337: {  	[tilespmem:v7+s21+$0x0] =	vst.idx.msk $0xffff, v4;
	v4 =	vor.u32 v21, v2  }
0x338: {  	[tilespmem:v8+s21+$0x0] =	vst.idx.msk $0xffff, v3;
	v3 =	vor.u32 v21, v51  }
0x339: {  	v5 =	vld.idx.msk [tilespmem:v6+s12+$0x0], $0xffff  }
0x33a: {  	v6 =	vld.idx.msk [tilespmem:v9+s14+$0x0], $0xffff;
	_ =	sdelay $0x1  }
0x33b: {  	v4 =	vld.idx.msk [tilespmem:v4+s16+$0x0], $0xffff  }
0x33c: {  	v7 =	vor.u32 $0x9, v34;
	v3 =	vld.idx.msk [tilespmem:v3+s10+$0x0], $0xffff  }
0x33d: {  	v8 =	vor.u32 $0x19, v34  }
0x33e: {  	v5 =	vadd.f32 v6, v5;
	v6 =	vor.u32 v22, v0  }
0x33f: {  	v9 =	vor.u32 v22, v17  }
0x340: {  	v4 =	vadd.f32 v4, v5  }
0x341: {  	[tilespmem:v7+s21+$0x0] =	vst.idx.msk $0xffff, v3;
	v3 =	vor.u32 v22, v2  }
0x342: {  	[tilespmem:v8+s21+$0x0] =	vst.idx.msk $0xffff, v4;
	v4 =	vor.u32 v22, v51  }
0x343: {  	v5 =	vld.idx.msk [tilespmem:v6+s12+$0x0], $0xffff  }
0x344: {  	v6 =	vld.idx.msk [tilespmem:v9+s14+$0x0], $0xffff;
	_ =	sdelay $0x1  }
0x345: {  	v3 =	vld.idx.msk [tilespmem:v3+s16+$0x0], $0xffff  }
0x346: {  	v7 =	vor.u32 $0xA, v34;
	v4 =	vld.idx.msk [tilespmem:v4+s10+$0x0], $0xffff  }
0x347: {  	v8 =	vor.u32 $0x1A, v34  }
0x348: {  	v5 =	vadd.f32 v6, v5;
	v6 =	vor.u32 v23, v0  }
0x349: {  	v9 =	vor.u32 v23, v17  }
0x34a: {  	v3 =	vadd.f32 v3, v5  }
0x34b: {  	[tilespmem:v7+s21+$0x0] =	vst.idx.msk $0xffff, v4;
	v4 =	vor.u32 v23, v2  }
0x34c: {  	[tilespmem:v8+s21+$0x0] =	vst.idx.msk $0xffff, v3;
	v3 =	vor.u32 v23, v51  }
0x34d: {  	v5 =	vld.idx.msk [tilespmem:v6+s12+$0x0], $0xffff  }
0x34e: {  	v6 =	vld.idx.msk [tilespmem:v9+s14+$0x0], $0xffff;
	_ =	sdelay $0x1  }
0x34f: {  	v4 =	vld.idx.msk [tilespmem:v4+s16+$0x0], $0xffff  }
0x350: {  	v7 =	vor.u32 $0xB, v34;
	v3 =	vld.idx.msk [tilespmem:v3+s10+$0x0], $0xffff  }
0x351: {  	v8 =	vor.u32 $0x1B, v34;
	v9 =	vor.u32 $0x180C, v1  }
0x352: {  	v5 =	vadd.f32 v6, v5;
	v6 =	vor.u32 v9, v0  }
0x353: {  	v10 =	vor.u32 v9, v17  }
0x354: {  	v4 =	vadd.f32 v4, v5  }
0x355: {  	[tilespmem:v7+s21+$0x0] =	vst.idx.msk $0xffff, v3;
	v3 =	vor.u32 v9, v2  }
0x356: {  	[tilespmem:v8+s21+$0x0] =	vst.idx.msk $0xffff, v4;
	v4 =	vor.u32 v9, v51  }
0x357: {  	v5 =	vld.idx.msk [tilespmem:v6+s12+$0x0], $0xffff  }
0x358: {  	v6 =	vld.idx.msk [tilespmem:v10+s14+$0x0], $0xffff;
	_ =	sdelay $0x1  }
0x359: {  	v3 =	vld.idx.msk [tilespmem:v3+s16+$0x0], $0xffff  }
0x35a: {  	v7 =	vor.u32 $0xC, v34;
	v4 =	vld.idx.msk [tilespmem:v4+s10+$0x0], $0xffff  }
0x35b: {  	v8 =	vor.u32 $0x1C, v34;
	v9 =	vor.u32 $0x180D, v1  }
0x35c: {  	v5 =	vadd.f32 v6, v5;
	v6 =	vor.u32 v9, v0  }
0x35d: {  	v10 =	vor.u32 v9, v17  }
0x35e: {  	v3 =	vadd.f32 v3, v5  }
0x35f: {  	[tilespmem:v7+s21+$0x0] =	vst.idx.msk $0xffff, v4;
	v4 =	vor.u32 v9, v2  }
0x360: {  	[tilespmem:v8+s21+$0x0] =	vst.idx.msk $0xffff, v3;
	v3 =	vor.u32 v9, v51  }
0x361: {  	v5 =	vld.idx.msk [tilespmem:v6+s12+$0x0], $0xffff  }
0x362: {  	v6 =	vld.idx.msk [tilespmem:v10+s14+$0x0], $0xffff;
	_ =	sdelay $0x1  }
0x363: {  	v4 =	vld.idx.msk [tilespmem:v4+s16+$0x0], $0xffff  }
0x364: {  	v7 =	vor.u32 $0xD, v34;
	v3 =	vld.idx.msk [tilespmem:v3+s10+$0x0], $0xffff  }
0x365: {  	v8 =	vor.u32 $0x1D, v34;
	v9 =	vor.u32 $0x180E, v1  }
0x366: {  	v5 =	vadd.f32 v6, v5;
	v6 =	vor.u32 v9, v0  }
0x367: {  	v10 =	vor.u32 v9, v17  }
0x368: {  	v4 =	vadd.f32 v4, v5  }
0x369: {  	[tilespmem:v7+s21+$0x0] =	vst.idx.msk $0xffff, v3;
	v3 =	vor.u32 v9, v2  }
0x36a: {  	[tilespmem:v8+s21+$0x0] =	vst.idx.msk $0xffff, v4;
	v4 =	vor.u32 v9, v51  }
0x36b: {  	v5 =	vld.idx.msk [tilespmem:v6+s12+$0x0], $0xffff  }
0x36c: {  	v6 =	vld.idx.msk [tilespmem:v10+s14+$0x0], $0xffff;
	_ =	sdelay $0x1  }
0x36d: {  	v3 =	vld.idx.msk [tilespmem:v3+s16+$0x0], $0xffff  }
0x36e: {  	v7 =	vor.u32 $0xE, v34;
	v4 =	vld.idx.msk [tilespmem:v4+s10+$0x0], $0xffff  }
0x36f: {  	v8 =	vor.u32 $0x1E, v34;
	v9 =	vor.u32 $0x180F, v1  }
0x370: {  	v0 =	vor.u32 v9, v0;
	v5 =	vadd.f32 v6, v5  }
0x371: {  	v6 =	vor.u32 v9, v17  }
0x372: {  	v3 =	vadd.f32 v3, v5  }
0x373: {  	v2 =	vor.u32 v9, v2;
	[tilespmem:v7+s21+$0x0] =	vst.idx.msk $0xffff, v4  }
0x374: {  	[tilespmem:v8+s21+$0x0] =	vst.idx.msk $0xffff, v3;
	v3 =	vor.u32 v9, v51  }
0x375: {  	v0 =	vld.idx.msk [tilespmem:v0+s12+$0x0], $0xffff  }
0x376: {  	v4 =	vld.idx.msk [tilespmem:v6+s14+$0x0], $0xffff;
	_ =	sdelay $0x1  }
0x377: {  	v2 =	vld.idx.msk [tilespmem:v2+s16+$0x0], $0xffff  }
0x378: {  	v5 =	vor.u32 $0xF, v34;
	v3 =	vld.idx.msk [tilespmem:v3+s10+$0x0], $0xffff  }
0x379: {  	p0 =	sne.s32 s23, $0x1C0;
	v51 =	vor.u32 $0x1F, v34  }
.Ltmp0:
0x37a: {  	v0 =	vadd.f32 v4, v0;
	(pc) =	sbr.rel @p0 .LBB2_2-.Ltmp0, $4  }
0x37b: {  	_ = 	snop  }
0x37c: {  	v0 =	vadd.f32 v2, v0  }
0x37d: {  	[tilespmem:v5+s21+$0x0] =	vst.idx.msk $0xffff, v3  }
0x37e: {  	v13 =	vld [tilespmem:$0x1FFD0];
	s23 =	sadd.s32 $0x40, s23;
	v9 =	vlaneseq.u32;
	[tilespmem:v51+s21+$0x0] =	vst.idx.msk $0xffff, v0  }
0x37f: {  	s22 =	sadd.s32 $0x1, s22  }
0x380: {  	p0 =	sne.s32 s22, s6  }
.Ltmp1:
0x381: {  	_ = 	snop;
	(pc) =	sbr.rel @p0 .LBB2_1-.Ltmp1, $4  }
0x382: {  	[hbm4b:s5+s1] =	stream.linear.scatter [tilespmem:s21], [sflag:$0x5], $0x4000, $0x38;
	[tilespmem:$0xD200] =	vst v63  }
0x383: {  	_ =	swait.ge [sflag:s7], $0x4000  }
0x384: {  	[sflag:s7] =	ssyncset.done $0x0  }
0x385: {  	[sflag:s7] =	ssyncadd.s32 $0xFFFFC000  }
0x386: {  	_ =	sfence.sel $0x180000  }
0x387: {  	[bflag:$0x0] =	sbarrier.arrive $0xFFFF  }
0x388: {  	p0 =	sne.s32 s2, $0x0;
	_ =	strace $0x90000047  }
0x389: {  	s0 =	sadd.s32 @!p0 $0x100000, s0;
	[bflag:$0x2] =	sbarrier.arrive $0xFFFF  }
0x38a: {  	[sflag:s0] =	ssyncadd.tile.s32 @!p0 $0x1;
	_ =	shalt  }
.Lfunc_end2:
_tile_overlayer_lowered:
.L_overlay_start_2:
0x38b: {  	(tag) =	ssettag $0x2  }
0x38c: {  	s0 =	rddreg [dreg:$0x0];
	s2 =	stileid.u32  }
0x38d: {  	s1 =	rddreg [dreg:$0x1];
	p0 =	sne.s32 s2, $0x0  }
0x38e: {  	s3 =	rddreg [dreg:$0x2];
	[bflag:$0x3] =	sbarrier.arrive $0xFFFF;
	s2 =	simm.s32 @!p0 $0x1C05  }
0x38f: {  	[timem:s3], [sflag:s2] =	dma.local @!p0 [hbm:s0], s1  }
0x390: {  	s0 =	simm.s32 @!p0 $0x5  }
0x391: {  	_ =	swait.ge @!p0 [sflag:s0], s1  }
0x392: {  	s1 =	ssub.s32 @!p0 $0x0, s1;
	[sflag:s0] =	ssyncset.done @!p0 $0x0  }
0x393: {  	[sflag:s0] =	ssyncadd.s32 @!p0 s1  }
0x394: {  	[bflag:$0x3] =	sbarrier.arrive $0xFFFF  }
0x395: {  	_ =	shalt  }

// kernel: _mf_call.7.cloned.1.call-start
scs
__scs_entry_jumppad:
0x0: {  	(pc) =	sbr.rel $0x88, $3  }
0x1: {  	(tag) =	ssettag $0x0;
	lr =	simm.s32 $0x1  }
0x2: {  	[smem:$0x3F9E] =	sst lr;
	_ =	strace $0xD0000000  }
0x3: {  	_ = 	snop  }
0x4: {  	_ = 	snop  }
0x5: {  	_ = 	snop  }
0x6: {  	_ = 	snop  }
0x7: {  	_ = 	snop  }
__scs_overlays_trampoline_lowered:
0x8: {  	[smem:$0x3FAD] =	sst s0  }
0x9: {  	[smem:$0x3FAE] =	sst s1  }
0xa: {  	[smem:$0x3FAF] =	sst s2  }
0xb: {  	[smem:$0x3FB0] =	sst s3  }
0xc: {  	[smem:$0x3FB1] =	sst s4  }
0xd: {  	[smem:$0x3FB2] =	sst s5  }
0xe: {  	[smem:$0x3FB3] =	sst s6  }
0xf: {  	[smem:$0x3FB4] =	sst s7  }
0x10: {  	[smem:$0x3FB5] =	sst s8  }
0x11: {  	[smem:$0x3FB6] =	sst s9;
	s0 =	simm.s32 @!p0 $0x0  }
0x12: {  	s1 =	sld [smem:$0x3F9C];
	s0 =	simm.s32 @p0 $0x1  }
0x13: {  	[smem:$0x3FB7] =	sst s0;
	s0 =	simm.s32 @!p1 $0x0  }
0x14: {  	s2 =	sld [smem:$0x3F9B];
	s0 =	simm.s32 @p1 $0x1  }
0x15: {  	[smem:$0x3FB8] =	sst s0;
	s0 =	simm.s32 @!p2 $0x0  }
0x16: {  	s3 =	sld [smem:$0x3FDB];
	s0 =	simm.s32 @p2 $0x1  }
0x17: {  	s4 =	simm.s32 $0x1BF5;
	[smem:$0x3FBA] =	sst s0  }
0x18: {  	s0 =	sld [smem:$0x3F9D];
	_ =	swait.ge [sflag:s4], $0x0  }
0x19: {  	s7 =	sld [smem:$0x3F9E]  }
0x1a: {  	s8 =	sadd.s32 $0xFFFFE003, lr  }
0x1b: {  	s9 =	sadd.s32 $0xFFFFFEF7, lr;
	s5 =	simm.s32 $0xFFFFFFFF;
	p2 =	slt.u32 s8, $0xFFFFF086  }
0x1c: {  	p1 =	slt.u32 s9, $0xF7A;
	s5 =	simm.s32 @!p2 $0x0  }
0x1d: {  	s5 =	simm.s32 @p1 $0x1;
	p0 =	seq.s32 s7, s2  }
0x1e: {  	s7 =	smul.u32 @!p0 $0xF7A, s2;
	p2 =	seq.s32 @!p0 s5, $0x0  }
0x1f: {  	s9 =	smul.u32 $0xF7A, s1;
	s8 =	simm.s32 @!p0 $0x1BF5;
	p2 =	por !p2, p0  }
0x20: {  	[sflag:s8] =	ssyncset.s32 @!p0 $0xFFFFF086;
	s6 =	sadd.s32 @!p0 s3, s7;
	s7 =	simm.s32 @!p0 $0x108  }
0x21: {  	s3 =	sadd.s32 s3, s9;
	s6 =	sadd.s32 @!p0 $0x88, s6;
	s7 =	simm.s32 @p2 $0x1082  }
0x22: {  	[simem:s7], [sflag:s8] =	dma.local @!p0 [hbm:s6], $0xF7A  }
0x23: {  	s9 =	sor.u32 $0xD0000000, s2;
	s6 =	simm.s32 $0x108;
	_ =	swait.ge @!p0 [sflag:s8], $0x0  }
0x24: {  	s3 =	sadd.s32 $0x88, s3;
	s6 =	simm.s32 @!p1 $0x1082;
	[sflag:s4] =	ssyncset.s32 $0xFFFFF086  }
0x25: {  	[simem:s6], [sflag:s4] =	dma.local [hbm:s3], $0xF7A  }
0x26: {  	[smem:$0x3F9E] =	sst s1;
	(tag) =	ssettag s2;
	_ =	strace s9  }
0x27: {  	s1 =	sld [smem:$0x3FAE]  }
0x28: {  	s2 =	sld [smem:$0x3FAF]  }
0x29: {  	s4 =	sld [smem:$0x3FB1]  }
0x2a: {  	p0 =	seq.s32 s5, $0x0;
	s5 =	sld [smem:$0x3FB2]  }
0x2b: {  	s6 =	sld [smem:$0x3FB3]  }
0x2c: {  	s7 =	sld [smem:$0x3FB4]  }
0x2d: {  	s3 =	simm.s32 $0x108;
	s8 =	sld [smem:$0x3FB5]  }
0x2e: {  	s3 =	simm.s32 @!p0 $0x1082;
	s9 =	sld [smem:$0x3FB6]  }
0x2f: {  	lr =	sadd.s32 s0, s3;
	s0 =	sld [smem:$0x3FAD]  }
0x30: {  	s3 =	sld [smem:$0x3FB0]  }
0x31: {  	[smem:$0x3FB9] =	sst s10  }
0x32: {  	s10 =	sld [smem:$0x3FB7];
	_ =	sdelay $0x3  }
0x33: {  	p0 =	seq.s32 s10, $0x1;
	s10 =	sld [smem:$0x3FB9];
	_ =	sdelay $0x3  }
0x34: {  	[smem:$0x3FB9] =	sst s10  }
0x35: {  	s10 =	sld [smem:$0x3FB8];
	_ =	sdelay $0x3  }
0x36: {  	p1 =	seq.s32 s10, $0x1;
	s10 =	sld [smem:$0x3FB9];
	_ =	sdelay $0x3  }
0x37: {  	[smem:$0x3FB9] =	sst s10  }
0x38: {  	s10 =	sld [smem:$0x3FBA]  }
0x39: {  	_ = 	snop;
	(pc) =	sbr.ind lr, $3  }
0x3a: {  	_ = 	snop  }
0x3b: {  	_ = 	snop  }
0x3c: {  	p2 =	seq.s32 s10, $0x1;
	s10 =	sld [smem:$0x3FB9]  }
0x3d: {  	_ =	shalt  }
0x3e: {  	_ =	shalt  }
0x3f: {  	_ =	shalt  }
0x40: {  	_ =	shalt  }
0x41: {  	_ =	shalt  }
0x42: {  	_ =	shalt  }
0x43: {  	_ =	shalt  }
0x44: {  	_ =	shalt  }
0x45: {  	_ =	shalt  }
0x46: {  	_ =	shalt  }
0x47: {  	_ =	shalt  }
0x48: {  	_ =	shalt  }
0x49: {  	_ =	shalt  }
0x4a: {  	_ =	shalt  }
0x4b: {  	_ =	shalt  }
0x4c: {  	_ =	shalt  }
0x4d: {  	_ =	shalt  }
0x4e: {  	_ =	shalt  }
0x4f: {  	_ =	shalt  }
0x50: {  	_ =	shalt  }
0x51: {  	_ =	shalt  }
0x52: {  	_ =	shalt  }
0x53: {  	_ =	shalt  }
0x54: {  	_ =	shalt  }
0x55: {  	_ =	shalt  }
0x56: {  	_ =	shalt  }
0x57: {  	_ =	shalt  }
0x58: {  	_ =	shalt  }
0x59: {  	_ =	shalt  }
0x5a: {  	_ =	shalt  }
0x5b: {  	_ =	shalt  }
0x5c: {  	_ =	shalt  }
0x5d: {  	_ =	shalt  }
0x5e: {  	_ =	shalt  }
0x5f: {  	_ =	shalt  }
0x60: {  	_ =	shalt  }
0x61: {  	_ =	shalt  }
0x62: {  	_ =	shalt  }
0x63: {  	_ =	shalt  }
0x64: {  	_ =	shalt  }
0x65: {  	_ =	shalt  }
0x66: {  	_ =	shalt  }
0x67: {  	_ =	shalt  }
0x68: {  	_ =	shalt  }
0x69: {  	_ =	shalt  }
0x6a: {  	_ =	shalt  }
0x6b: {  	_ =	shalt  }
0x6c: {  	_ =	shalt  }
0x6d: {  	_ =	shalt  }
0x6e: {  	_ =	shalt  }
0x6f: {  	_ =	shalt  }
0x70: {  	_ =	shalt  }
0x71: {  	_ =	shalt  }
0x72: {  	_ =	shalt  }
0x73: {  	_ =	shalt  }
0x74: {  	_ =	shalt  }
0x75: {  	_ =	shalt  }
0x76: {  	_ =	shalt  }
0x77: {  	_ =	shalt  }
0x78: {  	_ =	shalt  }
0x79: {  	_ =	shalt  }
0x7a: {  	_ =	shalt  }
0x7b: {  	_ =	shalt  }
0x7c: {  	_ =	shalt  }
0x7d: {  	_ =	shalt  }
0x7e: {  	_ =	shalt  }
0x7f: {  	_ =	shalt  }
0x80: {  	_ =	shalt  }
0x81: {  	_ =	shalt  }
0x82: {  	_ =	shalt  }
0x83: {  	_ =	shalt  }
0x84: {  	_ =	shalt  }
0x85: {  	_ =	shalt  }
0x86: {  	_ =	shalt  }
0x87: {  	_ =	shalt  }
.Lfunc_end0:
.L_simem_size_0:
called_computation.1_lowered:
.L_overlay_start_0:
0x88: {  	s2 =	sld [smem:$0x3FD9]  }
0x89: {  	s3 =	sld [smem:$0x3FFE];
	_ =	sdelay $0x1  }
0x8a: {  	s1 =	srdreg.scid  }
0x8b: {  	s0 =	sand.u32 $0x1, s1  }
0x8c: {  	s17 =	sshll.u32 s0, $0xA;
	s2 =	sadd.s32 s3, s2  }
0x8d: {  	s2 =	sadd.s32 s2, s17  }
0x8e: {  	[smem:$0x3FC5] =	sst s2  }
0x8f: {  	_ = 	snop  }
0x90: {  	s2 =	sld [smem:$0x3FC9]  }
0x91: {  	s18 =	sld [smem:$0x3FD0];
	(tm) =	ssettm $0x1  }
0x92: {  	s4 =	sld [smem:$0x3FFB];
	_ =	sdelay $0x3  }
0x93: {  	_ =	strace s4  }
0x94: {  	s4 =	sld [smem:$0x3FFC];
	_ =	sdelay $0x3  }
0x95: {  	_ =	strace s4  }
0x96: {  	s4 =	sld [smem:$0x3FFD];
	_ =	sdelay $0x3  }
0x97: {  	_ =	strace s4  }
0x98: {  	_ =	strace $0x8FFFFFFF  }
0x99: {  	s19 =	sld [smem:$0x3FDB];
	_ =	sdelay $0x1  }
0x9a: {  	s5 =	simm.s32 $_scs_section_size  }
0x9b: {  	s6 =	simm.s32 $_size__tile_overlayer_lowered;
	s7 =	simm.s32 $_tile_overlayer_lowered  }
0x9c: {  	s22 =	simm.s32 $0x1BFF;
	s21 =	sshll.u32 s7, $0x1;
	s4 =	sadd.s32 s5, s19  }
0x9d: {  	s8 =	simm.s32 $0x0;
	s20 =	sshll.u32 s6, $0x1;
	s6 =	sadd.s32 s21, s4  }
0x9e: {  	[timem:s8], [sflag:s22] =	dma.local [hbm:s6], s20  }
0x9f: {  	_ =	swait.ge [sflag:s22], s20  }
0xa0: {  	s5 =	ssub.s32 $0x0, s20;
	[sflag:s22] =	ssyncset.done $0x0  }
0xa1: {  	[sflag:s22] =	ssyncadd.s32 s5;
	_ =	sdelay $0x1  }
0xa2: {  	s23 =	simm.s32 $0x1B8B  }
0xa3: {  	_ =	swait.ge [sflag:s23], $0x1  }
0xa4: {  	[sflag:s23] =	ssyncset.done $0x0  }
0xa5: {  	s25 =	simm.s32 $0x1B8E;
	s24 =	sld [smem:$0x3FFE];
	[sflag:s23] =	ssyncadd.s32 $0xFFFFFFFF  }
0xa6: {  	s26 =	simm.s32 $execute0_lowered;
	[smem:$0x3FD2] =	sst s25  }
0xa7: {  	s6 =	sshll.u32 s26, $0x1;
	_ =	strace $0x80000049;
	[dreg:$0x1] =	wrdreg $0xFFFFFFFF  }
0xa8: {  	s28 =	simm.s32 $_size_execute0_lowered;
	s4 =	sadd.s32 s4, s6;
	[dreg:$0x0] =	wrdreg $0x0  }
0xa9: {  	s6 =	sshll.u32 s28, $0x1;
	[dreg:$0x2] =	wrdreg s4  }
0xaa: {  	[dreg:$0x3] =	wrdreg s6  }
0xab: {  	[dreg:$0x4] =	wrdreg $0xC0  }
0xac: {  	_ =	task [dreg:s8], $0x5FFFF  }
0xad: {  	[dreg:$0x1] =	wrdreg $0xFFFFFFFF  }
0xae: {  	[dreg:$0x0] =	wrdreg $0x60  }
0xaf: {  	[dreg:$0x2] =	wrdreg s2  }
0xb0: {  	[dreg:$0x3] =	wrdreg s24  }
0xb1: {  	[dreg:$0x4] =	wrdreg s18  }
0xb2: {  	[dreg:$0x5] =	wrdreg $0x9  }
0xb3: {  	_ =	task.clear_ibuf [dreg:s8], $0x6FFFF;
	_ =	strace $0x90000049  }
0xb4: {  	s29 =	simm.s32 $0x9;
	_ =	strace $0x8000004B  }
0xb5: {  	_ =	swait.ge [sflag:s29], $0x1  }
0xb6: {  	[sflag:s29] =	ssyncadd.s32 $0xFFFFFFFF  }
0xb7: {  	_ =	strace $0x9000004B  }
0xb8: {  	_ =	sfence  }
0xb9: {  	s30 =	sld [smem:$0x0];
	_ =	sdelay $0x2  }
0xba: {  	s31 =	sshll.u32 s1, $0xD;
	s1 =	sshrl.u32 s1, $0x2  }
0xbb: {  	s3 =	sand.u32 $0x4000, s31;
	s1 =	sadd.s32 s1, s30  }
0xbc: {  	s0 =	sor.u32 s3, s0;
	s1 =	sshll.u32 s1, $0x11  }
0xbd: {  	s0 =	sor.u32 s1, s0  }
0xbe: {  	s0 =	sadd.s32 $0x8F2B, s0  }
0xbf: {  	[sflag:s0] =	ssyncadd.remote.s32 $0x1  }
0xc0: {  	_ =	sfence.sel $0xFFFF  }
0xc1: {  	[dreg:$0x0] =	wrdreg $0xFFFFFFFF;
	(pc) =	sbr.abs _section_cstart, $3  }
0xc2: {  	[dreg:$0x1] =	wrdreg $0xFFFFFFFF  }
0xc3: {  	_ =	task.clear_ibuf [dreg:s8], $0x2FFFF;
	_ =	strace $0x9FFFFFFF  }
0xc4: {  	(tm) =	ssettm $0x7FFFFFFF  }
0xc5: {  	_ =	shalt  }
tec
execute0_lowered:
.L_overlay_start_1:
0x0: {  	(tag) =	ssettag $0x1  }
0x1: {  	s4 =	rddreg [dreg:$0x0]  }
0x2: {  	s5 =	rddreg [dreg:$0x1]  }
0x3: {  	s6 =	rddreg [dreg:$0x2];
	s2 =	simm.s32 $0x0  }
0x4: {  	s3 =	srdreg.scid;
	s0 =	stileid.u32;
	s11 =	simm.s32 $0x1000  }
0x5: {  	s12 =	simm.s32 $0x15000;
	s13 =	simm.s32 $0x0;
	[smem:$0x7FF] =	sst s2  }
0x6: {  	s7 =	sand.u32 $0x1, s3;
	s28 =	sshll.u32 s0, $0x1;
	s3 =	sadd.s32 $0x1B8000, s5  }
0x7: {  	_ =	strace $0x8000004A;
	s8 =	sor.u32 s7, s28;
	s7 =	ssub.s32 $0x2, s7  }
0x8: {  	s9 =	sshll.u32 s8, $0xB;
	s29 =	sshrl.u32 s7, $0x1;
	s10 =	sshll.u32 s8, $0x9  }
0x9: {  	s8 =	sshll.u32 s8, $0x6;
	s5 =	sadd.s32 s9, s5;
	s7 =	ssub.s32 s7, s29  }
0xa: {  	s30 =	sadd.s32 s4, s10;
	s6 =	sadd.s32 s6, s8;
	s8 =	simm.s32 $0x2  }
0xb: {  	s9 =	simm.s32 $0x11000;
	[dreg:$0x4] =	wrdreg s30;
	s31 =	sadd.s32 $0x800, s5  }
0xc: {  	v56 =	vlaneseq.u32;
	s10 =	simm.s32 $0x1;
	s7 =	smax.u32 s7, $0x1;
	[dreg:$0x5] =	wrdreg s31  }
.LBB2_1:
0xd: {  	v0 =	vmov s2  }
0xe: {  	v1 =	vor.u32 s2, v56;
	v0 =	vshll.u32 v0, $0x3  }
0xf: {  	v1 =	vand.u32 $0x7F, v1;
	v0 =	vand.u32 $0xC00, v0  }
0x10: {  	s0 =	rddreg [dreg:$0x4];
	v0 =	vor.u32 v1, v0  }
0x11: {  	[tilespmem:s2], [sflag:$0x2] =	stream.linear.gather [hbm4b:s0+s2], $0x1000, $0x38;
	[tilespmem:$0x15200] =	vst v63  }
0x12: {  	_ =	swait.ge [sflag:s8], $0x1000  }
0x13: {  	[sflag:s8] =	ssyncset.done $0x0  }
0x14: {  	[sflag:s8] =	ssyncadd.s32 $0xFFFFF000  }
0x15: {  	v0 =	vld.idx.msk [tilespmem:v0+s2+$0x0], $0xffff;
	_ =	sdelay $0x4  }
0x16: {  	v1 =	vshll.u32 v0, $0x4  }
0x17: {  	(v2sf) =	vpush v1, $0x0  }
0x18: {  	(v2sf) =	vpush v1, $0x2  }
0x19: {  	s15 =	simm.s32 $0x10;
	(v2sf) =	vpush v1, $0x1  }
0x1a: {  	v0 =	vmov s15  }
0x1b: {  	v2 =	vor.u32 s15, v56;
	v0 =	vshll.u32 v0, $0x3;
	(v2sf) =	vpush v1, $0x3  }
0x1c: {  	v2 =	vand.u32 $0x7F, v2;
	v0 =	vand.u32 $0xC00, v0;
	(v2sf) =	vpush v1, $0x4  }
0x1d: {  	s14 =	simm.s32 $0x2000;
	s16 =	simm.s32 $0x4000;
	s17 =	simm.s32 $0x0;
	v0 =	vor.u32 v2, v0  }
.LBB2_2:
0x1e: {  	_ =	sdelay $0x1  }
0x1f: {  	p0 =	sne.s32 s16, $0x3E000;
	(v2sf) =	vpush v1, $0x5;
	s19 =	smov.u32 s16;
	s16 =	sadd.s32 $0x2000, s16  }
0x20: {  	s18 =	sshra.s32 s17, $0x2;
	s17 =	smov.u32 s14;
	s14 =	smov.u32 s19  }
0x21: {  	s26 =	sadd.s32 $0x1080, s18;
	(v2sf) =	vpush v1, $0x6  }
0x22: {  	s28 =	sadd.s32 $0x1000, s18  }
0x23: {  	s21 =	sadd.s32 $0x1580, s18;
	s20 =	sadd.s32 $0x1600, s18;
	s19 =	sadd.s32 $0x1680, s18;
	(v2sf) =	vpush v1, $0x7  }
0x24: {  	s24 =	sadd.s32 $0x1400, s18;
	s23 =	sadd.s32 $0x1480, s18;
	s22 =	sadd.s32 $0x1500, s18  }
0x25: {  	s29 =	sadd.s32 $0x1300, s18;
	s25 =	sadd.s32 $0x1380, s18;
	s30 =	spop (v2sf);
	(v2sf) =	vpush v1, $0x8  }
0x26: {  	s31 =	sadd.s32 $0x1100, s18;
	s30 =	sand.u32 $0x1FFFFFF0, s30;
	s0 =	spop (v2sf)  }
0x27: {  	s1 =	sadd.s32 $0x1280, s18;
	s30 =	sadd.s32 s3, s30;
	s4 =	spop (v2sf);
	(v2sf) =	vpush v1, $0x9  }
0x28: {  	[tilespmem:s28], [sflag:$0x1] =	stream.linear.gather [hbm4b:s30+s2], $0x80, $0x38;
	[tilespmem:$0x15200] =	vst v63  }
0x29: {  	s0 =	sand.u32 $0x1FFFFFF0, s0;
	s4 =	sand.u32 $0x1FFFFFF0, s4;
	s28 =	spop (v2sf);
	(v2sf) =	vpush v1, $0xA  }
0x2a: {  	s30 =	sadd.s32 $0x1200, s18;
	s4 =	sadd.s32 s3, s4;
	s5 =	spop (v2sf)  }
0x2b: {  	[tilespmem:s26], [sflag:$0x1] =	stream.linear.gather [hbm4b:s4+s2], $0x80, $0x38;
	(v2sf) =	vpush v1, $0xB;
	[tilespmem:$0x15200] =	vst v63  }
0x2c: {  	s0 =	sadd.s32 s3, s0;
	s4 =	sand.u32 $0x1FFFFFF0, s28;
	s5 =	sand.u32 $0x1FFFFFF0, s5  }
0x2d: {  	[tilespmem:s31], [sflag:$0x1] =	stream.linear.gather [hbm4b:s0+s2], $0x80, $0x38;
	(v2sf) =	vpush v1, $0xC;
	[tilespmem:$0x15200] =	vst v63  }
0x2e: {  	s4 =	sadd.s32 s3, s4;
	s0 =	sadd.s32 $0x1180, s18;
	s26 =	spop (v2sf)  }
0x2f: {  	[tilespmem:s0], [sflag:$0x1] =	stream.linear.gather [hbm4b:s4+s2], $0x80, $0x38;
	(v2sf) =	vpush v1, $0xD;
	[tilespmem:$0x15200] =	vst v63  }
0x30: {  	s0 =	sadd.s32 s3, s5;
	s4 =	sand.u32 $0x1FFFFFF0, s26;
	s5 =	spop (v2sf)  }
0x31: {  	[tilespmem:s30], [sflag:$0x1] =	stream.linear.gather [hbm4b:s0+s2], $0x80, $0x38;
	(v2sf) =	vpush v1, $0xE;
	[tilespmem:$0x15200] =	vst v63  }
0x32: {  	s0 =	sadd.s32 s3, s4;
	s4 =	sand.u32 $0x1FFFFFF0, s5;
	s5 =	spop (v2sf)  }
0x33: {  	[tilespmem:s1], [sflag:$0x1] =	stream.linear.gather [hbm4b:s0+s2], $0x80, $0x38;
	(v2sf) =	vpush v1, $0xF;
	[tilespmem:$0x15200] =	vst v63  }
0x34: {  	s0 =	sadd.s32 s3, s4;
	s1 =	sand.u32 $0x1FFFFFF0, s5;
	s4 =	spop (v2sf)  }
0x35: {  	[tilespmem:s29], [sflag:$0x1] =	stream.linear.gather [hbm4b:s0+s2], $0x80, $0x38;
	[tilespmem:$0x15200] =	vst v63  }
0x36: {  	s0 =	sadd.s32 s3, s1;
	s1 =	sand.u32 $0x1FFFFFF0, s4;
	s4 =	spop (v2sf)  }
0x37: {  	[tilespmem:s25], [sflag:$0x1] =	stream.linear.gather [hbm4b:s0+s2], $0x80, $0x38;
	[tilespmem:$0x15200] =	vst v63  }
0x38: {  	s0 =	sadd.s32 s3, s1;
	s1 =	sand.u32 $0x1FFFFFF0, s4;
	s4 =	spop (v2sf)  }
0x39: {  	[tilespmem:s24], [sflag:$0x1] =	stream.linear.gather [hbm4b:s0+s2], $0x80, $0x38;
	[tilespmem:$0x15200] =	vst v63  }
0x3a: {  	s0 =	sadd.s32 s3, s1;
	s1 =	sand.u32 $0x1FFFFFF0, s4;
	s4 =	spop (v2sf)  }
0x3b: {  	[tilespmem:s23], [sflag:$0x1] =	stream.linear.gather [hbm4b:s0+s2], $0x80, $0x38;
	[tilespmem:$0x15200] =	vst v63  }
0x3c: {  	s0 =	sadd.s32 s3, s1;
	s1 =	sand.u32 $0x1FFFFFF0, s4;
	s4 =	spop (v2sf)  }
0x3d: {  	[tilespmem:s22], [sflag:$0x1] =	stream.linear.gather [hbm4b:s0+s2], $0x80, $0x38;
	[tilespmem:$0x15200] =	vst v63  }
0x3e: {  	s0 =	sadd.s32 s3, s1;
	s1 =	sand.u32 $0x1FFFFFF0, s4;
	s4 =	spop (v2sf)  }
0x3f: {  	[tilespmem:s21], [sflag:$0x1] =	stream.linear.gather [hbm4b:s0+s2], $0x80, $0x38;
	[tilespmem:$0x15200] =	vst v63  }
0x40: {  	s0 =	sadd.s32 s3, s1;
	s1 =	sand.u32 $0x1FFFFFF0, s4;
	s4 =	spop (v2sf)  }
0x41: {  	[tilespmem:s20], [sflag:$0x1] =	stream.linear.gather [hbm4b:s0+s2], $0x80, $0x38;
	[tilespmem:$0x15200] =	vst v63  }
0x42: {  	s0 =	sadd.s32 s3, s1;
	s1 =	sand.u32 $0x1FFFFFF0, s4;
	s4 =	spop (v2sf)  }
0x43: {  	[tilespmem:s19], [sflag:$0x1] =	stream.linear.gather [hbm4b:s0+s2], $0x80, $0x38;
	[tilespmem:$0x15200] =	vst v63  }
0x44: {  	s1 =	sadd.s32 s3, s1;
	s0 =	sadd.s32 $0x1700, s18;
	s4 =	sand.u32 $0x1FFFFFF0, s4  }
0x45: {  	[tilespmem:s0], [sflag:$0x1] =	stream.linear.gather [hbm4b:s1+s2], $0x80, $0x38;
	[tilespmem:$0x15200] =	vst v63  }
0x46: {  	s0 =	sadd.s32 $0x1780, s18;
	s1 =	sadd.s32 s3, s4  }
0x47: {  	[tilespmem:s0], [sflag:$0x1] =	stream.linear.gather [hbm4b:s1+s2], $0x80, $0x38;
	[tilespmem:$0x15200] =	vst v63  }
0x48: {  	v0 =	vld.idx.msk [tilespmem:v0+s2+$0x0], $0xffff;
	_ =	sdelay $0x5  }
0x49: {  	v1 =	vshll.u32 v0, $0x4  }
0x4a: {  	(v2sf) =	vpush v1, $0x0  }
0x4b: {  	(v2sf) =	vpush v1, $0x2  }
.Ltmp0:
0x4c: {  	s15 =	sadd.s32 $0x10, s15;
	(v2sf) =	vpush v1, $0x1;
	(pc) =	sbr.rel @p0 .LBB2_2-.Ltmp0, $4  }
0x4d: {  	v0 =	vmov s15  }
0x4e: {  	v2 =	vor.u32 s15, v56;
	v0 =	vshll.u32 v0, $0x3;
	(v2sf) =	vpush v1, $0x3  }
0x4f: {  	v2 =	vand.u32 $0x7F, v2;
	v0 =	vand.u32 $0xC00, v0;
	(v2sf) =	vpush v1, $0x4  }
0x50: {  	v0 =	vor.u32 v2, v0  }
0x51: {  	_ =	sdelay $0x1  }
0x52: {  	(v2sf) =	vpush v1, $0x5;
	_ =	sdelay $0x1  }
0x53: {  	s15 =	sshra.s32 s17, $0x2;
	(v2sf) =	vpush v1, $0x6  }
0x54: {  	s0 =	sadd.s32 $0x1080, s15;
	s1 =	sadd.s32 $0x1000, s15  }
0x55: {  	s18 =	sadd.s32 $0x1580, s15;
	s17 =	sadd.s32 $0x1600, s15;
	s16 =	sadd.s32 $0x1680, s15;
	(v2sf) =	vpush v1, $0x7  }
0x56: {  	s4 =	sadd.s32 $0x1400, s15;
	s5 =	sadd.s32 $0x1480, s15;
	s19 =	sadd.s32 $0x1500, s15  }
0x57: {  	s20 =	sadd.s32 $0x1300, s15;
	s21 =	sadd.s32 $0x1380, s15;
	s22 =	spop (v2sf);
	(v2sf) =	vpush v1, $0x8  }
0x58: {  	s23 =	sadd.s32 $0x1100, s15;
	s22 =	sand.u32 $0x1FFFFFF0, s22;
	s24 =	spop (v2sf)  }
0x59: {  	s25 =	sadd.s32 $0x1280, s15;
	s22 =	sadd.s32 s3, s22;
	s26 =	spop (v2sf);
	(v2sf) =	vpush v1, $0x9  }
0x5a: {  	[tilespmem:s1], [sflag:$0x1] =	stream.linear.gather [hbm4b:s22+s2], $0x80, $0x38;
	[tilespmem:$0x15200] =	vst v63  }
0x5b: {  	s30 =	sand.u32 $0x1FFFFFF0, s24;
	s29 =	sand.u32 $0x1FFFFFF0, s26;
	s31 =	spop (v2sf);
	(v2sf) =	vpush v1, $0xA  }
0x5c: {  	s24 =	sadd.s32 $0x1180, s15;
	s1 =	sadd.s32 s3, s29;
	s28 =	spop (v2sf)  }
0x5d: {  	[tilespmem:s0], [sflag:$0x1] =	stream.linear.gather [hbm4b:s1+s2], $0x80, $0x38;
	(v2sf) =	vpush v1, $0xB;
	[tilespmem:$0x15200] =	vst v63  }
0x5e: {  	s26 =	sadd.s32 $0x1200, s15;
	s29 =	sadd.s32 s3, s30;
	s30 =	sand.u32 $0x1FFFFFF0, s31  }
0x5f: {  	(v2sf) =	vpush v1, $0xC;
	[tilespmem:s23], [sflag:$0x1] =	stream.linear.gather [hbm4b:s29+s2], $0x80, $0x38;
	[tilespmem:$0x15200] =	vst v63  }
0x60: {  	s31 =	sand.u32 $0x1FFFFFF0, s28;
	s1 =	sadd.s32 s3, s30;
	s28 =	spop (v2sf)  }
0x61: {  	(v2sf) =	vpush v1, $0xD;
	[tilespmem:s24], [sflag:$0x1] =	stream.linear.gather [hbm4b:s1+s2], $0x80, $0x38;
	[tilespmem:$0x15200] =	vst v63  }
0x62: {  	s29 =	sadd.s32 s3, s31;
	s30 =	sand.u32 $0x1FFFFFF0, s28;
	s31 =	spop (v2sf)  }
0x63: {  	(v2sf) =	vpush v1, $0xE;
	[tilespmem:s26], [sflag:$0x1] =	stream.linear.gather [hbm4b:s29+s2], $0x80, $0x38;
	[tilespmem:$0x15200] =	vst v63  }
0x64: {  	s1 =	sadd.s32 s3, s30;
	s23 =	sand.u32 $0x1FFFFFF0, s31;
	s24 =	spop (v2sf)  }
0x65: {  	(v2sf) =	vpush v1, $0xF;
	[tilespmem:s25], [sflag:$0x1] =	stream.linear.gather [hbm4b:s1+s2], $0x80, $0x38;
	[tilespmem:$0x15200] =	vst v63  }
0x66: {  	s26 =	sand.u32 $0x1FFFFFF0, s24;
	s25 =	sadd.s32 s3, s23;
	s28 =	spop (v2sf)  }
0x67: {  	[tilespmem:s20], [sflag:$0x1] =	stream.linear.gather [hbm4b:s25+s2], $0x80, $0x38;
	[tilespmem:$0x15200] =	vst v63  }
0x68: {  	s29 =	sadd.s32 s3, s26;
	s30 =	sand.u32 $0x1FFFFFF0, s28;
	s31 =	spop (v2sf)  }
0x69: {  	[tilespmem:s21], [sflag:$0x1] =	stream.linear.gather [hbm4b:s29+s2], $0x80, $0x38;
	[tilespmem:$0x15200] =	vst v63  }
0x6a: {  	s22 =	sadd.s32 s3, s30;
	s23 =	sand.u32 $0x1FFFFFF0, s31;
	s24 =	spop (v2sf)  }
0x6b: {  	[tilespmem:s4], [sflag:$0x1] =	stream.linear.gather [hbm4b:s22+s2], $0x80, $0x38;
	[tilespmem:$0x15200] =	vst v63  }
0x6c: {  	s25 =	sadd.s32 s3, s23;
	s26 =	sand.u32 $0x1FFFFFF0, s24;
	s28 =	spop (v2sf)  }
0x6d: {  	[tilespmem:s5], [sflag:$0x1] =	stream.linear.gather [hbm4b:s25+s2], $0x80, $0x38;
	[tilespmem:$0x15200] =	vst v63  }
0x6e: {  	s29 =	sadd.s32 s3, s26;
	s30 =	sand.u32 $0x1FFFFFF0, s28;
	s31 =	spop (v2sf)  }
0x6f: {  	[tilespmem:s19], [sflag:$0x1] =	stream.linear.gather [hbm4b:s29+s2], $0x80, $0x38;
	[tilespmem:$0x15200] =	vst v63  }
0x70: {  	s1 =	sadd.s32 s3, s30;
	s4 =	sand.u32 $0x1FFFFFF0, s31;
	s5 =	spop (v2sf)  }
0x71: {  	[tilespmem:s18], [sflag:$0x1] =	stream.linear.gather [hbm4b:s1+s2], $0x80, $0x38;
	[tilespmem:$0x15200] =	vst v63  }
0x72: {  	s19 =	sadd.s32 s3, s4;
	s20 =	sand.u32 $0x1FFFFFF0, s5;
	s21 =	spop (v2sf)  }
0x73: {  	[tilespmem:s17], [sflag:$0x1] =	stream.linear.gather [hbm4b:s19+s2], $0x80, $0x38;
	[tilespmem:$0x15200] =	vst v63  }
0x74: {  	s22 =	sadd.s32 s3, s20;
	s23 =	sand.u32 $0x1FFFFFF0, s21;
	s24 =	spop (v2sf)  }
0x75: {  	[tilespmem:s16], [sflag:$0x1] =	stream.linear.gather [hbm4b:s22+s2], $0x80, $0x38;
	[tilespmem:$0x15200] =	vst v63  }
0x76: {  	s25 =	sadd.s32 $0x1700, s15;
	s1 =	sadd.s32 s3, s23;
	s4 =	sand.u32 $0x1FFFFFF0, s24  }
0x77: {  	[tilespmem:s25], [sflag:$0x1] =	stream.linear.gather [hbm4b:s1+s2], $0x80, $0x38;
	[tilespmem:$0x15200] =	vst v63  }
0x78: {  	s26 =	sadd.s32 $0x1780, s15;
	s28 =	sadd.s32 s3, s4  }
0x79: {  	[tilespmem:s26], [sflag:$0x1] =	stream.linear.gather [hbm4b:s28+s2], $0x80, $0x38;
	[tilespmem:$0x15200] =	vst v63  }
0x7a: {  	v0 =	vld.idx.msk [tilespmem:v0+s2+$0x0], $0xffff;
	_ =	sdelay $0x4  }
0x7b: {  	v0 =	vshll.u32 v0, $0x4  }
0x7c: {  	(v2sf) =	vpush v0, $0x0  }
0x7d: {  	(v2sf) =	vpush v0, $0x2  }
0x7e: {  	(v2sf) =	vpush v0, $0x1;
	_ =	sdelay $0x1  }
0x7f: {  	(v2sf) =	vpush v0, $0x3  }
0x80: {  	(v2sf) =	vpush v0, $0x4;
	_ =	sdelay $0x3  }
0x81: {  	(v2sf) =	vpush v0, $0x5;
	_ =	sdelay $0x1  }
0x82: {  	s14 =	sshra.s32 s14, $0x2;
	(v2sf) =	vpush v0, $0x6  }
0x83: {  	s0 =	sadd.s32 $0x1080, s14;
	s15 =	sadd.s32 $0x1680, s14  }
0x84: {  	s29 =	sadd.s32 $0x1000, s14;
	s5 =	sadd.s32 $0x1480, s14;
	s20 =	sadd.s32 $0x1380, s14;
	(v2sf) =	vpush v0, $0x7  }
0x85: {  	s18 =	sadd.s32 $0x1500, s14;
	s24 =	sadd.s32 $0x1280, s14;
	s4 =	sadd.s32 $0x1400, s14  }
0x86: {  	s17 =	sadd.s32 $0x1580, s14;
	s19 =	sadd.s32 $0x1300, s14;
	s30 =	spop (v2sf);
	(v2sf) =	vpush v0, $0x8  }
0x87: {  	s16 =	sadd.s32 $0x1600, s14;
	s21 =	sand.u32 $0x1FFFFFF0, s30;
	s31 =	spop (v2sf)  }
0x88: {  	s22 =	sadd.s32 $0x1100, s14;
	(v2sf) =	vpush v0, $0x9;
	s21 =	sadd.s32 s3, s21;
	s26 =	spop (v2sf)  }
0x89: {  	[tilespmem:s29], [sflag:$0x1] =	stream.linear.gather [hbm4b:s21+s2], $0x80, $0x38;
	[tilespmem:$0x15200] =	vst v63  }
0x8a: {  	s25 =	sadd.s32 $0x1200, s14;
	(v2sf) =	vpush v0, $0xA;
	s28 =	sand.u32 $0x1FFFFFF0, s26;
	s30 =	spop (v2sf)  }
0x8b: {  	s29 =	sand.u32 $0x1FFFFFF0, s31;
	s1 =	sadd.s32 s3, s28;
	s31 =	spop (v2sf)  }
0x8c: {  	(v2sf) =	vpush v0, $0xB;
	[tilespmem:s0], [sflag:$0x1] =	stream.linear.gather [hbm4b:s1+s2], $0x80, $0x38;
	[tilespmem:$0x15200] =	vst v63  }
0x8d: {  	s21 =	sadd.s32 s3, s29;
	s28 =	sand.u32 $0x1FFFFFF0, s30;
	s30 =	sadd.s32 $0x1180, s14  }
0x8e: {  	(v2sf) =	vpush v0, $0xC;
	[tilespmem:s22], [sflag:$0x1] =	stream.linear.gather [hbm4b:s21+s2], $0x80, $0x38;
	[tilespmem:$0x15200] =	vst v63  }
0x8f: {  	s29 =	sand.u32 $0x1FFFFFF0, s31;
	s1 =	sadd.s32 s3, s28;
	s31 =	spop (v2sf)  }
0x90: {  	(v2sf) =	vpush v0, $0xD;
	[tilespmem:s30], [sflag:$0x1] =	stream.linear.gather [hbm4b:s1+s2], $0x80, $0x38;
	[tilespmem:$0x15200] =	vst v63  }
0x91: {  	s23 =	spop (v2sf);
	s21 =	sadd.s32 s3, s29;
	s22 =	sand.u32 $0x1FFFFFF0, s31  }
0x92: {  	(v2sf) =	vpush v0, $0xE;
	[tilespmem:s25], [sflag:$0x1] =	stream.linear.gather [hbm4b:s21+s2], $0x80, $0x38;
	[tilespmem:$0x15200] =	vst v63  }
0x93: {  	s26 =	sand.u32 $0x1FFFFFF0, s23;
	s28 =	spop (v2sf);
	s25 =	sadd.s32 s3, s22  }
0x94: {  	(v2sf) =	vpush v0, $0xF;
	[tilespmem:s24], [sflag:$0x1] =	stream.linear.gather [hbm4b:s25+s2], $0x80, $0x38;
	[tilespmem:$0x15200] =	vst v63  }
0x95: {  	s29 =	sadd.s32 s3, s26;
	s30 =	sand.u32 $0x1FFFFFF0, s28;
	s31 =	spop (v2sf)  }
0x96: {  	[tilespmem:s19], [sflag:$0x1] =	stream.linear.gather [hbm4b:s29+s2], $0x80, $0x38;
	[tilespmem:$0x15200] =	vst v63  }
0x97: {  	s1 =	sadd.s32 s3, s30;
	s19 =	sand.u32 $0x1FFFFFF0, s31;
	s21 =	spop (v2sf)  }
0x98: {  	[tilespmem:s20], [sflag:$0x1] =	stream.linear.gather [hbm4b:s1+s2], $0x80, $0x38;
	[tilespmem:$0x15200] =	vst v63  }
0x99: {  	s22 =	sadd.s32 s3, s19;
	s23 =	sand.u32 $0x1FFFFFF0, s21;
	s24 =	spop (v2sf)  }
0x9a: {  	[tilespmem:s4], [sflag:$0x1] =	stream.linear.gather [hbm4b:s22+s2], $0x80, $0x38;
	[tilespmem:$0x15200] =	vst v63  }
0x9b: {  	s25 =	sadd.s32 s3, s23;
	s26 =	sand.u32 $0x1FFFFFF0, s24;
	s28 =	spop (v2sf)  }
0x9c: {  	[tilespmem:s5], [sflag:$0x1] =	stream.linear.gather [hbm4b:s25+s2], $0x80, $0x38;
	[tilespmem:$0x15200] =	vst v63  }
0x9d: {  	s29 =	sadd.s32 s3, s26;
	s30 =	sand.u32 $0x1FFFFFF0, s28;
	s31 =	spop (v2sf)  }
0x9e: {  	[tilespmem:s18], [sflag:$0x1] =	stream.linear.gather [hbm4b:s29+s2], $0x80, $0x38;
	[tilespmem:$0x15200] =	vst v63  }
0x9f: {  	s19 =	spop (v2sf);
	s5 =	sadd.s32 s3, s30;
	s18 =	sand.u32 $0x1FFFFFF0, s31  }
0xa0: {  	[tilespmem:s17], [sflag:$0x1] =	stream.linear.gather [hbm4b:s5+s2], $0x80, $0x38;
	[tilespmem:$0x15200] =	vst v63  }
0xa1: {  	s21 =	sand.u32 $0x1FFFFFF0, s19;
	s22 =	spop (v2sf);
	s20 =	sadd.s32 s3, s18  }
0xa2: {  	[tilespmem:s16], [sflag:$0x1] =	stream.linear.gather [hbm4b:s20+s2], $0x80, $0x38;
	[tilespmem:$0x15200] =	vst v63  }
0xa3: {  	s23 =	sadd.s32 s3, s21;
	s24 =	sand.u32 $0x1FFFFFF0, s22;
	s25 =	spop (v2sf)  }
0xa4: {  	[tilespmem:s15], [sflag:$0x1] =	stream.linear.gather [hbm4b:s23+s2], $0x80, $0x38;
	[tilespmem:$0x15200] =	vst v63  }
0xa5: {  	s26 =	sadd.s32 $0x1700, s14;
	s1 =	sadd.s32 s3, s24;
	s4 =	sand.u32 $0x1FFFFFF0, s25  }
0xa6: {  	[tilespmem:s26], [sflag:$0x1] =	stream.linear.gather [hbm4b:s1+s2], $0x80, $0x38;
	[tilespmem:$0x15200] =	vst v63  }
0xa7: {  	s28 =	sadd.s32 $0x1780, s14;
	s29 =	sadd.s32 s3, s4  }
0xa8: {  	[tilespmem:s28], [sflag:$0x1] =	stream.linear.gather [hbm4b:s29+s2], $0x80, $0x38;
	[tilespmem:$0x15200] =	vst v63  }
0xa9: {  	s30 =	simm.s32 $0x0;
	s31 =	rddreg [dreg:$0x5]  }
0xaa: {  	v57 =	vor.u32 s30, v56;
	[tilespmem:s9], [sflag:$0x2] =	stream.linear.gather [hbm4b:s31+s30], $0x4000, $0x38;
	[tilespmem:$0x15200] =	vst v63  }
0xab: {  	v10 =	vshll.u32 v57, $0x7;
	_ =	swait.ge [sflag:s8], $0x4000  }
0xac: {  	v0 =	vor.u32 $0x6F, v10;
	[sflag:s8] =	ssyncset.done $0x0  }
0xad: {  	v1 =	vor.u32 $0x3D, v10;
	[sflag:s8] =	ssyncadd.s32 $0xFFFFC000  }
0xae: {  	v2 =	vor.u32 $0x6D, v10;
	_ =	swait.ge [sflag:s10], $0x10000  }
0xaf: {  	v3 =	vor.u32 $0x6E, v10;
	[sflag:s10] =	ssyncset.done $0x0  }
0xb0: {  	v4 =	vor.u32 $0x3C, v10;
	[sflag:s10] =	ssyncadd.s32 $0xFFFF0000  }
0xb1: {  	v5 =	vor.u32 $0x6C, v10;
	v0 =	vld.idx.msk [tilespmem:v0+s11+$0x0], $0xffff  }
0xb2: {  	v6 =	vor.u32 $0x3A, v10;
	v7 =	vld.idx.msk [tilespmem:v1+s11+$0x0], $0xffff  }
0xb3: {  	v11 =	vor.u32 $0x6B, v10;
	v8 =	vld.idx.msk [tilespmem:v2+s11+$0x0], $0xffff  }
0xb4: {  	v12 =	vor.u32 $0x39, v10;
	v3 =	vld.idx.msk [tilespmem:v3+s11+$0x0], $0xffff  }
0xb5: {  	v14 =	vor.u32 $0x68, v10;
	v2 =	vld.idx.msk [tilespmem:v4+s11+$0x0], $0xffff  }
0xb6: {  	v16 =	vor.u32 $0x34, v10;
	v24 =	vld.idx.msk [tilespmem:v5+s11+$0x0], $0xffff  }
0xb7: {  	v17 =	vor.u32 $0x64, v10;
	v9 =	vld.idx.msk [tilespmem:v6+s11+$0x0], $0xffff  }
0xb8: {  	v19 =	vshll.u32 v57, $0x5;
	v18 =	vor.u32 $0x65, v10;
	v11 =	vld.idx.msk [tilespmem:v11+s11+$0x0], $0xffff  }
0xb9: {  	v37 =	vor.u32 $0x1E, v19;
	v5 =	vld.idx.msk [tilespmem:v12+s11+$0x0], $0xffff  }
0xba: {  	v39 =	vor.u32 $0x42, v10;
	v26 =	vld.idx.msk [tilespmem:v14+s11+$0x0], $0xffff  }
0xbb: {  	v40 =	vor.u32 $0x45, v10;
	v21 =	vld.idx.msk [tilespmem:v16+s11+$0x0], $0xffff  }
0xbc: {  	v41 =	vor.u32 $0x40, v10;
	v28 =	vld.idx.msk [tilespmem:v17+s11+$0x0], $0xffff  }
0xbd: {  	v42 =	vor.u32 $0x43, v10;
	v29 =	vld.idx.msk [tilespmem:v18+s11+$0x0], $0xffff  }
0xbe: {  	v43 =	vor.u32 $0x1C, v19;
	v37 =	vld.idx.msk [tilespmem:v37+s9+$0x0], $0xffff  }
0xbf: {  	v1 =	vor.u32 $0x6A, v10;
	v39 =	vld.idx.msk [tilespmem:v39+s11+$0x0], $0xffff  }
0xc0: {  	v4 =	vor.u32 $0x69, v10;
	v40 =	vld.idx.msk [tilespmem:v40+s11+$0x0], $0xffff  }
0xc1: {  	v13 =	vor.u32 $0x37, v10;
	v41 =	vld.idx.msk [tilespmem:v41+s11+$0x0], $0xffff  }
0xc2: {  	v12 =	vor.u32 $0x66, v10;
	v42 =	vld.idx.msk [tilespmem:v42+s11+$0x0], $0xffff  }
0xc3: {  	v14 =	vor.u32 $0x33, v10;
	v43 =	vld.idx.msk [tilespmem:v43+s9+$0x0], $0xffff  }
0xc4: {  	v15 =	vor.u32 $0x36, v10;
	v1 =	vld.idx.msk [tilespmem:v1+s11+$0x0], $0xffff  }
0xc5: {  	v16 =	vor.u32 $0x61, v10;
	v25 =	vld.idx.msk [tilespmem:v4+s11+$0x0], $0xffff  }
0xc6: {  	v17 =	vor.u32 $0x62, v10;
	v4 =	vld.idx.msk [tilespmem:v13+s11+$0x0], $0xffff  }
0xc7: {  	v27 =	vld.idx.msk [tilespmem:v12+s11+$0x0], $0xffff;
	v12 =	vor.u32 $0x31, v10  }
0xc8: {  	v49 =	vld.idx.msk [tilespmem:v14+s11+$0x0], $0xffff;
	v14 =	vor.u32 $0x60, v10  }
0xc9: {  	v20 =	vor.u32 $0x5E, v10;
	v13 =	vld.idx.msk [tilespmem:v15+s11+$0x0], $0xffff  }
0xca: {  	v15 =	vor.u32 $0x63, v10;
	v31 =	vld.idx.msk [tilespmem:v16+s11+$0x0], $0xffff  }
0xcb: {  	v18 =	vor.u32 $0x30, v10;
	v32 =	vld.idx.msk [tilespmem:v17+s11+$0x0], $0xffff  }
0xcc: {  	v17 =	vor.u32 $0x2D, v10;
	v52 =	vld.idx.msk [tilespmem:v12+s11+$0x0], $0xffff  }
0xcd: {  	v22 =	vor.u32 $0x2B, v10;
	v12 =	vld.idx.msk [tilespmem:v14+s11+$0x0], $0xffff  }
0xce: {  	v14 =	vld.idx.msk [tilespmem:v20+s11+$0x0], $0xffff;
	v20 =	vor.u32 $0x1F, v19  }
0xcf: {  	v30 =	vld.idx.msk [tilespmem:v15+s11+$0x0], $0xffff;
	v15 =	vor.u32 $0x2E, v10  }
0xd0: {  	v16 =	vor.u32 $0x5F, v10;
	v55 =	vld.idx.msk [tilespmem:v18+s11+$0x0], $0xffff  }
0xd1: {  	v18 =	vor.u32 $0x5D, v10;
	v62 =	vld.idx.msk [tilespmem:v17+s11+$0x0], $0xffff  }
0xd2: {  	v33 =	vor.u32 $0x5C, v10;
	v17 =	vld.idx.msk [tilespmem:v22+s11+$0x0], $0xffff  }
0xd3: {  	v59 =	vor.u32 $0x1D, v19;
	v36 =	vld.idx.msk [tilespmem:v20+s9+$0x0], $0xffff  }
0xd4: {  	v6 =	vor.u32 $0x67, v10;
	v60 =	vld.idx.msk [tilespmem:v15+s11+$0x0], $0xffff  }
0xd5: {  	v23 =	vor.u32 $0x5B, v10;
	v15 =	vld.idx.msk [tilespmem:v16+s11+$0x0], $0xffff  }
0xd6: {  	v16 =	vld.idx.msk [tilespmem:v18+s11+$0x0], $0xffff;
	v18 =	vor.u32 $0x5A, v10  }
0xd7: {  	v35 =	vor.u32 $0x28, v10;
	v20 =	vld.idx.msk [tilespmem:v33+s11+$0x0], $0xffff  }
0xd8: {  	v34 =	vor.u32 $0x2A, v10;
	v33 =	vld.idx.msk [tilespmem:v59+s9+$0x0], $0xffff;
	v59 =	vmul.f32 v0, v36;
	v0 =	vmul.f32 v3, v36  }
0xd9: {  	v54 =	vor.u32 $0x54, v10;
	v6 =	vld.idx.msk [tilespmem:v6+s11+$0x0], $0xffff;
	[tilespmem:$0x1FCA0] =	vst v17  }
0xda: {  	v44 =	vor.u32 $0x1B, v19;
	v17 =	vld.idx.msk [tilespmem:v23+s11+$0x0], $0xffff;
	[tilespmem:$0x1FCD0] =	vst v0;
	v0 =	vmul.f32 v1, v37  }
0xdb: {  	v58 =	vor.u32 $0x4E, v10;
	v50 =	vld.idx.msk [tilespmem:v18+s11+$0x0], $0xffff  }
0xdc: {  	v23 =	vor.u32 $0x58, v10;
	v18 =	vld.idx.msk [tilespmem:v35+s11+$0x0], $0xffff;
	[tilespmem:$0x1FCE0] =	vst v0;
	v0 =	vmul.f32 v24, v37  }
0xdd: {  	v53 =	vor.u32 $0x57, v10;
	v22 =	vld.idx.msk [tilespmem:v34+s11+$0x0], $0xffff  }
0xde: {  	v45 =	vor.u32 $0x41, v10;
	v34 =	vld.idx.msk [tilespmem:v54+s11+$0x0], $0xffff;
	[tilespmem:$0x1FCF0] =	vst v0;
	v0 =	vmul.f32 v25, v33  }
0xdf: {  	v46 =	vor.u32 $0x10, v19;
	v54 =	vld.idx.msk [tilespmem:v44+s9+$0x0], $0xffff  }
0xe0: {  	v63 =	vor.u32 $0x47, v10;
	v35 =	vld.idx.msk [tilespmem:v58+s11+$0x0], $0xffff;
	[tilespmem:$0x1FD00] =	vst v0;
	v0 =	vmul.f32 v11, v37  }
0xe1: {  	v48 =	vor.u32 $0x11, v19;
	[tilespmem:$0x1FCC0] =	vst v18;
	v18 =	vld.idx.msk [tilespmem:v23+s11+$0x0], $0xffff  }
0xe2: {  	v23 =	vld.idx.msk [tilespmem:v53+s11+$0x0], $0xffff;
	v53 =	vor.u32 $0x46, v10;
	[tilespmem:$0x1FD10] =	vst v0;
	v0 =	vmul.f32 v6, v33  }
0xe3: {  	[tilespmem:$0x1FCB0] =	vst v22;
	v22 =	vmul.f32 v8, v36;
	v36 =	vld.idx.msk [tilespmem:v45+s11+$0x0], $0xffff;
	v24 =	vor.u32 $0x48, v10  }
0xe4: {  	v8 =	vor.u32 $0x44, v10;
	v25 =	vld.idx.msk [tilespmem:v46+s9+$0x0], $0xffff;
	[tilespmem:$0x1FD20] =	vst v0;
	v0 =	vmul.f32 v26, v33  }
0xe5: {  	v61 =	vor.u32 $0x12, v19;
	v37 =	vld.idx.msk [tilespmem:v63+s11+$0x0], $0xffff  }
0xe6: {  	v26 =	vld.idx.msk [tilespmem:v48+s9+$0x0], $0xffff;
	v48 =	vor.u32 $0x49, v10;
	[tilespmem:$0x1FD30] =	vst v0;
	v0 =	vmul.f32 v28, v43  }
0xe7: {  	v28 =	vld.idx.msk [tilespmem:v53+s11+$0x0], $0xffff;
	v53 =	vor.u32 $0x13, v19  }
0xe8: {  	v46 =	vor.u32 $0x4F, v10;
	v24 =	vld.idx.msk [tilespmem:v24+s11+$0x0], $0xffff;
	[tilespmem:$0x1FD40] =	vst v0;
	v0 =	vmul.f32 v27, v43  }
0xe9: {  	v38 =	vor.u32 $0x4B, v10;
	v27 =	vld.idx.msk [tilespmem:v8+s11+$0x0], $0xffff  }
0xea: {  	v6 =	vmul.f32 v30, v54;
	v30 =	vld.idx.msk [tilespmem:v61+s9+$0x0], $0xffff;
	[tilespmem:$0x1FD50] =	vst v0;
	v0 =	vmul.f32 v29, v43;
	v29 =	vor.u32 $0x4A, v10  }
0xeb: {  	v58 =	vor.u32 $0x14, v19;
	v33 =	vld.idx.msk [tilespmem:v48+s11+$0x0], $0xffff  }
0xec: {  	v61 =	vmul.f32 v42, v26;
	v48 =	vld.idx.msk [tilespmem:v53+s9+$0x0], $0xffff;
	v53 =	vor.u32 $0x15, v19  }
0xed: {  	[tilespmem:$0x1FD60] =	vst v0;
	v0 =	vmul.f32 v31, v54;
	v31 =	vmul.f32 v41, v25;
	v41 =	vld.idx.msk [tilespmem:v46+s11+$0x0], $0xffff;
	v46 =	vor.u32 $0xF, v19  }
0xee: {  	v38 =	vld.idx.msk [tilespmem:v38+s11+$0x0], $0xffff;
	v40 =	vmul.f32 v40, v26;
	v26 =	vmul.f32 v27, v26;
	v27 =	vor.u32 $0x25, v10  }
0xef: {  	v8 =	vmul.f32 v32, v54;
	v54 =	vmul.f32 v39, v25;
	v29 =	vld.idx.msk [tilespmem:v29+s11+$0x0], $0xffff  }
0xf0: {  	v24 =	vmul.f32 v24, v30;
	v43 =	vor.u32 $0x4C, v10;
	v25 =	vmul.f32 v36, v25;
	v39 =	vld.idx.msk [tilespmem:v58+s9+$0x0], $0xffff  }
0xf1: {  	v28 =	vmul.f32 v28, v30;
	v31 =	vadd.f32 v61, v31;
	v32 =	vadd.f32 v40, v54;
	v40 =	vld.idx.msk [tilespmem:v53+s9+$0x0], $0xffff  }
0xf2: {  	v30 =	vmul.f32 v37, v30;
	v58 =	vor.u32 $0x16, v19;
	v25 =	vadd.f32 v26, v25;
	v53 =	vld.idx.msk [tilespmem:v46+s9+$0x0], $0xffff  }
0xf3: {  	v45 =	vor.u32 $0x17, v19;
	[tilespmem:$0x1FD70] =	vst v0;
	v28 =	vadd.f32 v28, v31;
	v0 =	vld.idx.msk [tilespmem:v27+s11+$0x0], $0xffff  }
0xf4: {  	v31 =	vor.u32 $0x52, v10;
	v25 =	vadd.f32 v30, v25;
	v29 =	vmul.f32 v29, v48  }
0xf5: {  	v44 =	vor.u32 $0x21, v10;
	v24 =	vadd.f32 v24, v32  }
0xf6: {  	v43 =	vld.idx.msk [tilespmem:v43+s11+$0x0], $0xffff;
	v38 =	vmul.f32 v38, v48;
	v25 =	vadd.f32 v29, v25;
	v29 =	vor.u32 $0x24, v10  }
0xf7: {  	v26 =	vor.u32 $0x51, v10;
	v30 =	vor.u32 $0x55, v10;
	v32 =	vld.idx.msk [tilespmem:v58+s9+$0x0], $0xffff  }
0xf8: {  	v24 =	vadd.f32 v38, v24;
	v38 =	vld.idx.msk [tilespmem:v45+s9+$0x0], $0xffff;
	v3 =	vmul.f32 v7, v53;
	[tilespmem:$0x1FD80] =	vst v0;
	v0 =	vor.u32 $0xC, v10  }
0xf9: {  	v47 =	vor.u32 $0x59, v10;
	v31 =	vld.idx.msk [tilespmem:v31+s11+$0x0], $0xffff;
	[tilespmem:$0x1FD90] =	vst v0  }
0xfa: {  	v33 =	vmul.f32 v33, v48;
	v48 =	vor.u32 $0x18, v19;
	v0 =	vor.u32 $0x3F, v10;
	[tilespmem:$0x1FDE0] =	vst v3;
	v3 =	vld.idx.msk [tilespmem:v44+s11+$0x0], $0xffff  }
0xfb: {  	[tilespmem:$0x1FDA0] =	vst v0;
	v0 =	vld.idx.msk [tilespmem:v29+s11+$0x0], $0xffff  }
0xfc: {  	v58 =	vor.u32 $0x1F, v10;
	v28 =	vadd.f32 v33, v28;
	v26 =	vld.idx.msk [tilespmem:v26+s11+$0x0], $0xffff;
	v43 =	vmul.f32 v43, v39  }
0xfd: {  	v35 =	vmul.f32 v35, v39;
	v45 =	vor.u32 $0xE, v19;
	v30 =	vld.idx.msk [tilespmem:v30+s11+$0x0], $0xffff  }
0xfe: {  	v47 =	vld.idx.msk [tilespmem:v47+s11+$0x0], $0xffff;
	v41 =	vmul.f32 v41, v40;
	v43 =	vadd.f32 v43, v28  }
0xff: {  	v24 =	vadd.f32 v35, v24;
	v35 =	vld.idx.msk [tilespmem:v48+s9+$0x0], $0xffff;
	[tilespmem:$0x1FDF0] =	vst v3  }
0x100: {  	v41 =	vadd.f32 v41, v43;
	v31 =	vmul.f32 v31, v32;
	[tilespmem:$0x1FDB0] =	vst v0;
	v0 =	vor.u32 $0x3E, v10  }
0x101: {  	v26 =	vmul.f32 v26, v40;
	v3 =	vld.idx.msk [tilespmem:v58+s11+$0x0], $0xffff;
	[tilespmem:$0x1FDC0] =	vst v0;
	v0 =	vor.u32 $0xB, v10  }
0x102: {  	v30 =	vmul.f32 v30, v38;
	v31 =	vadd.f32 v31, v41;
	[tilespmem:$0x1FDD0] =	vst v0;
	v0 =	vld.idx.msk [tilespmem:v45+s9+$0x0], $0xffff  }
0x103: {  	v34 =	vmul.f32 v34, v32;
	v24 =	vadd.f32 v26, v24  }
0x104: {  	v30 =	vadd.f32 v30, v31;
	v31 =	vmul.f32 v47, v35;
	v47 =	vor.u32 $0x1E, v10  }
0x105: {  	v23 =	vmul.f32 v23, v38;
	v24 =	vadd.f32 v34, v24  }
0x106: {  	v29 =	vmul.f32 v50, v35;
	[tilespmem:$0x1FE00] =	vst v3  }
0x107: {  	v23 =	vadd.f32 v23, v24;
	v3 =	vmul.f32 v9, v0;
	[tilespmem:$0x1FE20] =	vst v0;
	v0 =	vmul.f32 v2, v0  }
0x108: {  	v27 =	vor.u32 $0xD, v19  }
0x109: {  	v23 =	vadd.f32 v29, v23;
	v29 =	vor.u32 $0x1C, v10;
	[tilespmem:$0x1FE30] =	vst v0;
	v0 =	vld.idx.msk [tilespmem:v47+s11+$0x0], $0xffff;
	_ =	sdelay $0x3  }
0x10a: {  	v63 =	vor.u32 $0x4D, v10;
	v1 =	vld.idx.msk [tilespmem:v27+s9+$0x0], $0xffff  }
0x10b: {  	[tilespmem:$0x1FE40] =	vst v0;
	v0 =	vld.idx.msk [tilespmem:v29+s11+$0x0], $0xffff  }
0x10c: {  	v54 =	vor.u32 $0x50, v10;
	_ =	sdelay $0x2  }
0x10d: {  	v36 =	vld.idx.msk [tilespmem:v63+s11+$0x0], $0xffff;
	v61 =	vor.u32 $0x53, v10  }
0x10e: {  	v63 =	vor.u32 $0x56, v10;
	[tilespmem:$0x1FE50] =	vst v0;
	v0 =	vmul.f32 v5, v1  }
0x10f: {  	v37 =	vld.idx.msk [tilespmem:v54+s11+$0x0], $0xffff  }
0x110: {  	[tilespmem:$0x1FE60] =	vst v0;
	v0 =	vmul.f32 v4, v1  }
0x111: {  	v26 =	vor.u32 $0x19, v19;
	[tilespmem:$0x1FE10] =	vst v3  }
0x112: {  	v36 =	vmul.f32 v36, v39;
	v42 =	vld.idx.msk [tilespmem:v61+s11+$0x0], $0xffff;
	[tilespmem:$0x1FE80] =	vst v0;
	v0 =	vor.u32 $0x3B, v10  }
0x113: {  	v46 =	vor.u32 $0x1A, v19;
	v33 =	vld.idx.msk [tilespmem:v63+s11+$0x0], $0xffff;
	[tilespmem:$0x1FE90] =	vst v0;
	v0 =	vor.u32 $0xA, v10  }
0x114: {  	v25 =	vadd.f32 v36, v25;
	v37 =	vmul.f32 v37, v40;
	[tilespmem:$0x1FEA0] =	vst v0;
	v0 =	vor.u32 $0x38, v10  }
0x115: {  	[tilespmem:$0x1FEB0] =	vst v0;
	v0 =	vor.u32 $0x9, v10  }
0x116: {  	v25 =	vadd.f32 v37, v25;
	v26 =	vld.idx.msk [tilespmem:v26+s9+$0x0], $0xffff;
	[tilespmem:$0x1FEC0] =	vst v0;
	v0 =	vor.u32 $0x8, v10  }
0x117: {  	v32 =	vmul.f32 v42, v32;
	v24 =	vmul.f32 v18, v35;
	[tilespmem:$0x1FED0] =	vst v0;
	v0 =	vor.u32 $0x32, v10  }
0x118: {  	v51 =	vor.u32 $0x27, v10;
	v33 =	vmul.f32 v33, v38;
	[tilespmem:$0x1FEE0] =	vst v0;
	v0 =	vor.u32 $0x7, v10  }
0x119: {  	v25 =	vadd.f32 v32, v25;
	v24 =	vadd.f32 v24, v30;
	v30 =	vld.idx.msk [tilespmem:v46+s9+$0x0], $0xffff;
	[tilespmem:$0x1FEF0] =	vst v0;
	v0 =	vor.u32 $0x2F, v10  }
0x11a: {  	v28 =	vor.u32 $0x22, v10;
	v27 =	vor.u32 $0xC, v19;
	[tilespmem:$0x1FF00] =	vst v0;
	v0 =	vor.u32 $0x6, v10  }
0x11b: {  	v25 =	vadd.f32 v33, v25;
	v7 =	vmul.f32 v16, v26;
	[tilespmem:$0x1FF10] =	vst v0;
	v0 =	vor.u32 $0x2C, v10  }
0x11c: {  	v16 =	vor.u32 $0x1B, v10;
	v17 =	vmul.f32 v17, v26;
	[tilespmem:$0x1FF20] =	vst v0;
	v0 =	vor.u32 $0x5, v10  }
0x11d: {  	v43 =	vmul.f32 v20, v26;
	v20 =	vor.u32 $0x19, v10;
	[tilespmem:$0x1FF30] =	vst v0;
	v0 =	vor.u32 $0x29, v10  }
0x11e: {  	v48 =	vld.idx.msk [tilespmem:v51+s11+$0x0], $0xffff;
	v39 =	vmul.f32 v12, v30;
	v2 =	vor.u32 $0x16, v10;
	[tilespmem:$0x1FF40] =	vst v0;
	v0 =	vor.u32 $0x4, v10  }
0x11f: {  	v50 =	vld.idx.msk [tilespmem:v28+s11+$0x0], $0xffff;
	v45 =	vadd.f32 v7, v23;
	v7 =	vor.u32 $0x12, v10;
	[tilespmem:$0x1FF50] =	vst v0;
	v0 =	vor.u32 $0x26, v10  }
0x120: {  	v46 =	vmul.f32 v14, v30;
	v44 =	vmul.f32 v15, v30;
	v3 =	vld.idx.msk [tilespmem:v27+s9+$0x0], $0xffff;
	[tilespmem:$0x1FF60] =	vst v0;
	v0 =	vor.u32 $0x3, v10  }
0x121: {  	v30 =	vor.u32 $0x14, v10;
	v33 =	vadd.f32 v17, v24;
	v24 =	vld.idx.msk [tilespmem:v16+s11+$0x0], $0xffff;
	[tilespmem:$0x1FF70] =	vst v0;
	v0 =	vor.u32 $0x23, v10  }
0x122: {  	v9 =	vor.u32 $0x11, v10;
	v23 =	vld.idx.msk [tilespmem:v20+s11+$0x0], $0xffff;
	[tilespmem:$0x1FF80] =	vst v0;
	v0 =	vor.u32 $0x2, v10  }
0x123: {  	v26 =	vld.idx.msk [tilespmem:v2+s11+$0x0], $0xffff;
	v2 =	vor.u32 $0xB, v19;
	[tilespmem:$0x1FF90] =	vst v0;
	v0 =	vor.u32 $0x20, v10  }
0x124: {  	v35 =	vld.idx.msk [tilespmem:v7+s11+$0x0], $0xffff;
	v7 =	vor.u32 $0xA, v19;
	[tilespmem:$0x1FFA0] =	vst v0;
	v0 =	vor.u32 $0x1D, v10  }
0x125: {  	v12 =	vor.u32 $0x9, v19;
	[tilespmem:$0x1FFB0] =	vst v0;
	v0 =	vld.idx.msk [tilespmem:v10+s11+$0x0], $0xffff  }
0x126: {  	v34 =	vld.idx.msk [tilespmem:v30+s11+$0x0], $0xffff;
	v5 =	vor.u32 $0x10, v10  }
0x127: {  	v40 =	vld.idx.msk [tilespmem:v9+s11+$0x0], $0xffff;
	v4 =	vor.u32 $0x13, v10  }
0x128: {  	v11 =	vor.u32 $0x5, v19;
	v51 =	vor.u32 $0x7, v19;
	v58 =	vld.idx.msk [tilespmem:v2+s9+$0x0], $0xffff  }
0x129: {  	v63 =	vor.u32 $0xD, v10;
	v31 =	vadd.f32 v31, v25;
	v25 =	vor.u32 $0x8, v19;
	v2 =	vld.idx.msk [tilespmem:v7+s9+$0x0], $0xffff  }
0x12a: {  	v54 =	vor.u32 $0xF, v10;
	v61 =	vor.u32 $0xE, v10;
	v7 =	vld.idx.msk [tilespmem:v12+s9+$0x0], $0xffff;
	[tilespmem:$0x1FFC0] =	vst v0;
	v0 =	vmul.f32 v21, v3  }
0x12b: {  	v36 =	vor.u32 $0x3, v19;
	v42 =	vor.u32 $0x1, v19;
	[tilespmem:$0x1FE70] =	vst v1;
	v28 =	vor.u32 $0x35, v10;
	v37 =	vld.idx.msk [tilespmem:v5+s11+$0x0], $0xffff  }
0x12c: {  	v14 =	vor.u32 $0x1, v10;
	v17 =	vor.u32 $0x18, v10;
	v38 =	vld.idx.msk [tilespmem:v4+s11+$0x0], $0xffff;
	[tilespmem:$0x1FFD0] =	vst v0;
	v0 =	vmul.f32 v13, v3  }
0x12d: {  	v27 =	vor.u32 $0x15, v10;
	v16 =	vor.u32 $0x1A, v10;
	v20 =	vor.u32 $0x17, v10;
	[tilespmem:$0x1FFE0] =	vst v3;
	v10 =	vld.idx.msk [tilespmem:v51+s9+$0x0], $0xffff  }
0x12e: {  	s14 =	simm.s32 $0x10;
	v41 =	vor.u32 $0x2, v19;
	v15 =	vmovc v6;
	v30 =	vor.u32 $0x6, v19;
	v21 =	vor.u32 $0x4, v19;
	v13 =	vld.idx.msk [tilespmem:v25+s9+$0x0], $0xffff;
	[tilespmem:$0x1FFF0] =	vst v0  }
.LBB2_4:
0x12f: {  	v0 =	vld [tilespmem:$0x1FCA0];
	_ =	sdelay $0x4  }
0x130: {  	v46 =	vadd.f32 v46, v33;
	v33 =	vmul.f32 v0, v7;
	v0 =	vld [tilespmem:$0x1FD70];
	_ =	sdelay $0x3  }
0x131: {  	v47 =	vld.idx.msk [tilespmem:v11+s9+$0x0], $0xffff  }
0x132: {  	v11 =	vadd.f32 v0, v46;
	v0 =	vld [tilespmem:$0x1FCC0];
	_ =	sdelay $0x1  }
0x133: {  	v39 =	vadd.f32 v39, v45;
	_ =	sdelay $0x1  }
0x134: {  	v6 =	vadd.f32 v15, v39;
	v39 =	vld.idx.msk [tilespmem:v41+s9+$0x0], $0xffff  }
0x135: {  	v41 =	vmul.f32 v0, v13;
	v0 =	vld [tilespmem:$0x1FCB0];
	_ =	sdelay $0x2  }
0x136: {  	v43 =	vadd.f32 v43, v31;
	_ =	sdelay $0x1  }
0x137: {  	v43 =	vadd.f32 v44, v43;
	v44 =	vmul.f32 v0, v13;
	v0 =	vld [tilespmem:$0x1FD40];
	_ =	sdelay $0x1  }
0x138: {  	v3 =	vld [tilespmem:$0x1FD20]  }
0x139: {  	v32 =	vld.idx.msk [tilespmem:v30+s9+$0x0], $0xffff  }
0x13a: {  	v1 =	vld [tilespmem:$0x1FDB0]  }
0x13b: {  	v11 =	vadd.f32 v0, v11;
	v0 =	vld [tilespmem:$0x1FD50];
	_ =	sdelay $0x1  }
0x13c: {  	v11 =	vadd.f32 v3, v11;
	v3 =	vld [tilespmem:$0x1FD00];
	_ =	sdelay $0x2  }
0x13d: {  	v46 =	vmul.f32 v1, v32;
	v1 =	vld [tilespmem:$0x1FD80];
	v0 =	vadd.f32 v0, v6;
	_ =	sdelay $0x1  }
0x13e: {  	v0 =	vadd.f32 v3, v0;
	v3 =	vld [tilespmem:$0x1FE00];
	_ =	sdelay $0x2  }
0x13f: {  	v8 =	vadd.f32 v8, v43;
	v43 =	vmul.f32 v48, v10;
	v48 =	vmul.f32 v1, v10;
	v1 =	vld [tilespmem:$0x1FD60]  }
0x140: {  	v6 =	vld.idx.msk [tilespmem:v27+s11+$0x0], $0xffff  }
0x141: {  	v27 =	vmul.f32 v3, v47;
	v3 =	vld [tilespmem:$0x1FDF0];
	_ =	sdelay $0x4  }
0x142: {  	v1 =	vadd.f32 v1, v8;
	v8 =	vmul.f32 v50, v32;
	v50 =	vmul.f32 v3, v47;
	v3 =	vld [tilespmem:$0x1FD30];
	_ =	sdelay $0x3  }
0x143: {  	v45 =	vld.idx.msk [tilespmem:v21+s9+$0x0], $0xffff  }
0x144: {  	v1 =	vadd.f32 v3, v1;
	v3 =	vld [tilespmem:$0x1FE50];
	_ =	sdelay $0x4  }
0x145: {  	v25 =	vmul.f32 v55, v2;
	v55 =	vmul.f32 v3, v45;
	v3 =	vld [tilespmem:$0x1FE40];
	_ =	sdelay $0x4  }
0x146: {  	v30 =	vmul.f32 v52, v58;
	v52 =	vmul.f32 v3, v45;
	v3 =	vld [tilespmem:$0x1FCF0];
	_ =	sdelay $0x4  }
0x147: {  	v0 =	vadd.f32 v3, v0;
	v3 =	vld [tilespmem:$0x1FCE0];
	_ =	sdelay $0x4  }
0x148: {  	v11 =	vadd.f32 v3, v11;
	v3 =	vld [tilespmem:$0x1FD10];
	_ =	sdelay $0x4  }
0x149: {  	v21 =	vmul.f32 v60, v2;
	v60 =	vadd.f32 v3, v1;
	v3 =	vld [tilespmem:$0x1FF90];
	_ =	sdelay $0x6  }
0x14a: {  	v42 =	vld.idx.msk [tilespmem:v42+s9+$0x0], $0xffff  }
0x14b: {  	v9 =	vld.idx.msk [tilespmem:v3+s11+$0x0], $0xffff  }
0x14c: {  	v3 =	vld [tilespmem:$0x1FCD0];
	_ =	sdelay $0x4  }
0x14d: {  	v31 =	vmul.f32 v62, v7;
	v62 =	vmul.f32 v6, v42;
	v6 =	vadd.f32 v3, v60;
	v3 =	vld [tilespmem:$0x1FFA0];
	_ =	sdelay $0x7  }
0x14e: {  	v12 =	vld.idx.msk [tilespmem:v3+s11+$0x0], $0xffff  }
0x14f: {  	v3 =	vld [tilespmem:$0x1FF70];
	_ =	sdelay $0x7  }
0x150: {  	v5 =	vld.idx.msk [tilespmem:v3+s11+$0x0], $0xffff  }
0x151: {  	v3 =	vld [tilespmem:$0x1FF80];
	_ =	sdelay $0x4  }
0x152: {  	v1 =	vld [tilespmem:$0x1FFB0];
	_ =	sdelay $0x1  }
0x153: {  	v19 =	vld.idx.msk [tilespmem:v19+s9+$0x0], $0xffff  }
0x154: {  	v4 =	vld.idx.msk [tilespmem:v3+s11+$0x0], $0xffff  }
0x155: {  	v3 =	vld [tilespmem:$0x1FFC0];
	_ =	sdelay $0x3  }
0x156: {  	v37 =	vmul.f32 v37, v19;
	v40 =	vmul.f32 v40, v19;
	v15 =	vld.idx.msk [tilespmem:v1+s11+$0x0], $0xffff  }
0x157: {  	v1 =	vadd.f32 v22, v11;
	v11 =	vmul.f32 v35, v19;
	v19 =	vmul.f32 v3, v19;
	v3 =	vld [tilespmem:$0x1FF50];
	_ =	sdelay $0x2  }
0x158: {  	v14 =	vld.idx.msk [tilespmem:v14+s11+$0x0], $0xffff;
	_ =	sdelay $0x2  }
0x159: {  	v36 =	vld.idx.msk [tilespmem:v36+s9+$0x0], $0xffff  }
0x15a: {  	v20 =	vld.idx.msk [tilespmem:v20+s11+$0x0], $0xffff;
	v38 =	vmul.f32 v38, v42  }
0x15b: {  	v34 =	vmul.f32 v34, v42;
	v14 =	vmul.f32 v14, v42;
	v42 =	vld.idx.msk [tilespmem:v3+s11+$0x0], $0xffff  }
0x15c: {  	v3 =	vld [tilespmem:$0x1FF60]  }
0x15d: {  	v16 =	vld.idx.msk [tilespmem:v16+s11+$0x0], $0xffff;
	_ =	sdelay $0x2  }
0x15e: {  	v34 =	vadd.f32 v34, v40;
	v20 =	vmul.f32 v20, v39;
	_ =	sdelay $0x1  }
0x15f: {  	v16 =	vmul.f32 v16, v36;
	v20 =	vadd.f32 v20, v34;
	_ =	sdelay $0x1  }
0x160: {  	v16 =	vadd.f32 v16, v20;
	v20 =	vld.idx.msk [tilespmem:v3+s11+$0x0], $0xffff  }
0x161: {  	v3 =	vld [tilespmem:$0x1FF30];
	_ =	sdelay $0x7  }
0x162: {  	v14 =	vadd.f32 v14, v19;
	v19 =	vld.idx.msk [tilespmem:v3+s11+$0x0], $0xffff  }
0x163: {  	v3 =	vld [tilespmem:$0x1FF40];
	_ =	sdelay $0x5  }
0x164: {  	v15 =	vmul.f32 v15, v45;
	_ =	sdelay $0x1  }
0x165: {  	v15 =	vadd.f32 v15, v16;
	v16 =	vld.idx.msk [tilespmem:v3+s11+$0x0], $0xffff  }
0x166: {  	v3 =	vld [tilespmem:$0x1FF10];
	_ =	sdelay $0x5  }
0x167: {  	v9 =	vmul.f32 v9, v39;
	_ =	sdelay $0x1  }
0x168: {  	v9 =	vadd.f32 v9, v14;
	v14 =	vld.idx.msk [tilespmem:v3+s11+$0x0], $0xffff  }
0x169: {  	v3 =	vld [tilespmem:$0x1FF20];
	_ =	sdelay $0x5  }
0x16a: {  	v12 =	vmul.f32 v12, v47;
	_ =	sdelay $0x1  }
0x16b: {  	v12 =	vadd.f32 v12, v15;
	v15 =	vld.idx.msk [tilespmem:v3+s11+$0x0], $0xffff  }
0x16c: {  	v3 =	vld [tilespmem:$0x1FEF0]  }
0x16d: {  	v17 =	vld.idx.msk [tilespmem:v17+s11+$0x0], $0xffff;
	_ =	sdelay $0x2  }
0x16e: {  	v37 =	vadd.f32 v38, v37;
	v26 =	vmul.f32 v26, v39  }
0x16f: {  	v23 =	vmul.f32 v23, v36  }
0x170: {  	v17 =	vmul.f32 v17, v39;
	v26 =	vadd.f32 v26, v37;
	v11 =	vadd.f32 v62, v11;
	_ =	sdelay $0x1  }
0x171: {  	v11 =	vadd.f32 v17, v11;
	v17 =	vadd.f32 v23, v26;
	v23 =	vld.idx.msk [tilespmem:v3+s11+$0x0], $0xffff  }
0x172: {  	v3 =	vld [tilespmem:$0x1FF00];
	_ =	sdelay $0x3  }
0x173: {  	v17 =	vadd.f32 v55, v17;
	_ =	sdelay $0x1  }
0x174: {  	v17 =	vadd.f32 v27, v17;
	_ =	sdelay $0x1  }
0x175: {  	v8 =	vadd.f32 v8, v17;
	v17 =	vld.idx.msk [tilespmem:v3+s11+$0x0], $0xffff  }
0x176: {  	v3 =	vld [tilespmem:$0x1FED0];
	_ =	sdelay $0x3  }
0x177: {  	v5 =	vmul.f32 v5, v36;
	_ =	sdelay $0x1  }
0x178: {  	v5 =	vadd.f32 v5, v9;
	v9 =	vmul.f32 v42, v45;
	_ =	sdelay $0x1  }
0x179: {  	v5 =	vadd.f32 v9, v5;
	v9 =	vmul.f32 v19, v47;
	v19 =	vld.idx.msk [tilespmem:v3+s11+$0x0], $0xffff  }
0x17a: {  	v3 =	vld [tilespmem:$0x1FEE0];
	_ =	sdelay $0x3  }
0x17b: {  	v4 =	vmul.f32 v4, v32;
	_ =	sdelay $0x1  }
0x17c: {  	v4 =	vadd.f32 v4, v12;
	v12 =	vmul.f32 v20, v10;
	_ =	sdelay $0x1  }
0x17d: {  	v4 =	vadd.f32 v12, v4;
	v12 =	vmul.f32 v16, v13;
	v16 =	vld.idx.msk [tilespmem:v3+s11+$0x0], $0xffff  }
0x17e: {  	v3 =	vld [tilespmem:$0x1FEC0];
	_ =	sdelay $0x7  }
0x17f: {  	v5 =	vadd.f32 v9, v5;
	v9 =	vmul.f32 v14, v32;
	v14 =	vld.idx.msk [tilespmem:v3+s11+$0x0], $0xffff  }
0x180: {  	v3 =	vld [tilespmem:$0x1FEA0];
	_ =	sdelay $0x7  }
0x181: {  	v5 =	vadd.f32 v9, v5;
	v9 =	vmul.f32 v23, v10;
	v10 =	vld.idx.msk [tilespmem:v3+s11+$0x0], $0xffff  }
0x182: {  	v3 =	vld [tilespmem:$0x1FEB0];
	_ =	sdelay $0x5  }
0x183: {  	v4 =	vadd.f32 v12, v4;
	v12 =	vmul.f32 v15, v7;
	_ =	sdelay $0x1  }
0x184: {  	v4 =	vadd.f32 v12, v4;
	v12 =	vmul.f32 v17, v2;
	v17 =	vld.idx.msk [tilespmem:v3+s11+$0x0], $0xffff  }
0x185: {  	v3 =	vld [tilespmem:$0x1FDD0];
	_ =	sdelay $0x7  }
0x186: {  	v5 =	vadd.f32 v9, v5;
	v9 =	vmul.f32 v19, v13;
	v13 =	vld.idx.msk [tilespmem:v3+s11+$0x0], $0xffff  }
0x187: {  	v3 =	vld [tilespmem:$0x1FE90];
	_ =	sdelay $0x7  }
0x188: {  	v4 =	vadd.f32 v12, v4;
	v12 =	vmul.f32 v16, v58;
	v16 =	vld.idx.msk [tilespmem:v3+s11+$0x0], $0xffff  }
0x189: {  	v3 =	vld [tilespmem:$0x1FD90];
	_ =	sdelay $0x7  }
0x18a: {  	v5 =	vadd.f32 v9, v5;
	v9 =	vld.idx.msk [tilespmem:v3+s11+$0x0], $0xffff  }
0x18b: {  	v3 =	vld [tilespmem:$0x1FDC0];
	_ =	sdelay $0x3  }
0x18c: {  	v8 =	vadd.f32 v48, v8;
	_ =	sdelay $0x1  }
0x18d: {  	v8 =	vadd.f32 v41, v8;
	_ =	sdelay $0x1  }
0x18e: {  	v24 =	vmul.f32 v24, v36;
	v8 =	vadd.f32 v33, v8;
	v7 =	vmul.f32 v14, v7;
	v14 =	vld.idx.msk [tilespmem:v3+s11+$0x0], $0xffff  }
0x18f: {  	v3 =	vld [tilespmem:$0x1FFD0]  }
0x190: {  	v11 =	vadd.f32 v24, v11;
	v8 =	vadd.f32 v21, v8;
	_ =	sdelay $0x1  }
0x191: {  	v11 =	vadd.f32 v52, v11;
	v8 =	vadd.f32 v30, v8  }
0x192: {  	v18 =	vld [tilespmem:$0x1FFE0]  }
0x193: {  	v11 =	vadd.f32 v50, v11;
	v8 =	vadd.f32 v3, v8;
	v3 =	vld [tilespmem:$0x1FDA0]  }
0x194: {  	v15 =	vld.idx.msk [tilespmem:v28+s11+$0x0], $0xffff  }
0x195: {  	v11 =	vadd.f32 v46, v11;
	_ =	sdelay $0x1  }
0x196: {  	v11 =	vadd.f32 v43, v11;
	_ =	sdelay $0x1  }
0x197: {  	v11 =	vadd.f32 v44, v11;
	v4 =	vadd.f32 v12, v4;
	v12 =	vmul.f32 v15, v18;
	_ =	sdelay $0x1  }
0x198: {  	v11 =	vadd.f32 v31, v11;
	v4 =	vadd.f32 v12, v4;
	v12 =	vld.idx.msk [tilespmem:v3+s11+$0x0], $0xffff  }
0x199: {  	v3 =	vld [tilespmem:$0x1FFF0]  }
0x19a: {  	v51 =	vmul.f32 v49, v58;
	v11 =	vadd.f32 v25, v11;
	_ =	sdelay $0x1  }
0x19b: {  	v2 =	vmul.f32 v10, v2;
	v10 =	vadd.f32 v51, v11;
	_ =	sdelay $0x1  }
0x19c: {  	v10 =	vadd.f32 v3, v10;
	v3 =	vld [tilespmem:$0x1FE80];
	_ =	sdelay $0x1  }
0x19d: {  	v15 =	vld [tilespmem:$0x1FE70];
	_ =	sdelay $0x2  }
0x19e: {  	v8 =	vadd.f32 v3, v8;
	v3 =	vld [tilespmem:$0x1FE20]  }
0x19f: {  	v5 =	vadd.f32 v7, v5  }
0x1a0: {  	v7 =	vld.idx.msk [tilespmem:v63+s11+$0x0], $0xffff;
	v11 =	vmul.f32 v17, v15  }
0x1a1: {  	v2 =	vadd.f32 v2, v5;
	v5 =	vmul.f32 v13, v58  }
0x1a2: {  	v4 =	vadd.f32 v11, v4  }
0x1a3: {  	v2 =	vadd.f32 v5, v2;
	v5 =	vmul.f32 v9, v18;
	v11 =	vmul.f32 v16, v3;
	v16 =	vld [tilespmem:$0x1FE60];
	_ =	sdelay $0x1  }
0x1a4: {  	v2 =	vadd.f32 v5, v2;
	v5 =	vmul.f32 v7, v15;
	v7 =	vld [tilespmem:$0x1FE30];
	_ =	sdelay $0x2  }
0x1a5: {  	v10 =	vadd.f32 v16, v10;
	v16 =	vld [tilespmem:$0x1FE10];
	_ =	sdelay $0x1  }
0x1a6: {  	v7 =	vadd.f32 v7, v10;
	v10 =	vld [tilespmem:$0x1FDE0]  }
0x1a7: {  	v13 =	vld.idx.msk [tilespmem:v61+s11+$0x0], $0xffff;
	_ =	sdelay $0x1  }
0x1a8: {  	v9 =	vld.idx.msk [tilespmem:v54+s11+$0x0], $0xffff;
	v4 =	vadd.f32 v11, v4;
	v11 =	vmul.f32 v14, v53;
	v8 =	vadd.f32 v16, v8;
	_ =	sdelay $0x1  }
0x1a9: {  	v4 =	vadd.f32 v11, v4;
	v8 =	vadd.f32 v10, v8;
	v10 =	vmul.f32 v12, v53  }
0x1aa: {  	v0 =	vadd.f32 v59, v0;
	v2 =	vadd.f32 v5, v2;
	v5 =	vmul.f32 v13, v3  }
0x1ab: {  	v4 =	vmul.f32 v6, v4;
	v7 =	vadd.f32 v10, v7;
	v1 =	vmul.f32 v1, v8  }
0x1ac: {  	v3 =	vmul.f32 v9, v53  }
0x1ad: {  	v2 =	vadd.f32 v5, v2;
	v1 =	vadd.f32 v4, v1;
	v0 =	vmul.f32 v0, v7;
	_ =	sdelay $0x1  }
0x1ae: {  	v3 =	vadd.f32 v3, v2;
	v4 =	vor.u32 s14, v56;
	v0 =	vadd.f32 v0, v1  }
0x1af: {  	v2 =	vshll.u32 v4, $0x7  }
0x1b0: {  	v3 =	vmul.f32 $1.000000050e-03, v3;
	v1 =	vor.u32 $0x6F, v2;
	v0 =	vmul.f32 $9.999999970e-07, v0;
	_ =	sdelay $0x1  }
0x1b1: {  	v0 =	vadd.f32 v0, v3  }
0x1b2: {  	v5 =	vor.u32 $0x3D, v2  }
0x1b3: {  	v6 =	vor.u32 $0x6D, v2;
	[tilespmem:v57+s12+$0x0] =	vst.idx.msk $0xffff, v0  }
0x1b4: {  	v42 =	vld.idx.msk [tilespmem:v1+s11+$0x0], $0xffff;
	v1 =	vor.u32 $0x3A, v2;
	_ =	sdelay $0x2  }
0x1b5: {  	v28 =	vld.idx.msk [tilespmem:v5+s11+$0x0], $0xffff  }
0x1b6: {  	v3 =	vor.u32 $0x6E, v2;
	v5 =	vld.idx.msk [tilespmem:v6+s11+$0x0], $0xffff  }
0x1b7: {  	v8 =	vmov v4;
	v4 =	vor.u32 $0x6A, v2;
	v1 =	vld.idx.msk [tilespmem:v1+s11+$0x0], $0xffff;
	_ =	sdelay $0x3  }
0x1b8: {  	v3 =	vld.idx.msk [tilespmem:v3+s11+$0x0], $0xffff;
	[tilespmem:$0x1FA30] =	vst v5  }
0x1b9: {  	v5 =	vor.u32 $0x6B, v2;
	[tilespmem:$0x1FA80] =	vst v1;
	v1 =	vld.idx.msk [tilespmem:v4+s11+$0x0], $0xffff;
	_ =	sdelay $0x2  }
0x1ba: {  	v7 =	vor.u32 $0x3C, v2  }
0x1bb: {  	v0 =	vor.u32 $0x6C, v2;
	[tilespmem:$0x1FA40] =	vst v3  }
0x1bc: {  	v3 =	vor.u32 $0x39, v2;
	[tilespmem:$0x1FA50] =	vst v1;
	v1 =	vld.idx.msk [tilespmem:v5+s11+$0x0], $0xffff;
	_ =	sdelay $0x2  }
0x1bd: {  	v6 =	vld.idx.msk [tilespmem:v7+s11+$0x0], $0xffff  }
0x1be: {  	v0 =	vld.idx.msk [tilespmem:v0+s11+$0x0], $0xffff  }
0x1bf: {  	v5 =	vor.u32 $0x36, v2;
	[tilespmem:$0x1FA70] =	vst v1;
	v1 =	vld.idx.msk [tilespmem:v3+s11+$0x0], $0xffff;
	_ =	sdelay $0x2  }
0x1c0: {  	[tilespmem:$0x1FA90] =	vst v6;
	v6 =	vor.u32 $0x69, v2  }
0x1c1: {  	[tilespmem:$0x1FA60] =	vst v0;
	v0 =	vor.u32 $0x37, v2  }
0x1c2: {  	v3 =	vor.u32 $0x66, v2;
	[tilespmem:$0x1FAB0] =	vst v1;
	v1 =	vld.idx.msk [tilespmem:v5+s11+$0x0], $0xffff;
	_ =	sdelay $0x2  }
0x1c3: {  	v39 =	vld.idx.msk [tilespmem:v6+s11+$0x0], $0xffff  }
0x1c4: {  	v0 =	vld.idx.msk [tilespmem:v0+s11+$0x0], $0xffff  }
0x1c5: {  	v6 =	vor.u32 $0x34, v2;
	[tilespmem:$0x1FAF0] =	vst v1;
	v1 =	vld.idx.msk [tilespmem:v3+s11+$0x0], $0xffff  }
0x1c6: {  	v7 =	vor.u32 $0x67, v2;
	_ =	sdelay $0x2  }
0x1c7: {  	v4 =	vor.u32 $0x68, v2;
	[tilespmem:$0x1FAD0] =	vst v0  }
0x1c8: {  	v0 =	vor.u32 $0x64, v2;
	[tilespmem:$0x1FAA0] =	vst v1;
	v1 =	vld.idx.msk [tilespmem:v6+s11+$0x0], $0xffff  }
0x1c9: {  	v41 =	vld.idx.msk [tilespmem:v7+s11+$0x0], $0xffff;
	v7 =	vor.u32 $0x65, v2;
	_ =	sdelay $0x2  }
0x1ca: {  	v27 =	vld.idx.msk [tilespmem:v4+s11+$0x0], $0xffff  }
0x1cb: {  	[tilespmem:$0x1FAE0] =	vst v1;
	v1 =	vld.idx.msk [tilespmem:v0+s11+$0x0], $0xffff  }
0x1cc: {  	v4 =	vor.u32 $0x33, v2;
	v0 =	vld.idx.msk [tilespmem:v7+s11+$0x0], $0xffff;
	_ =	sdelay $0x4  }
0x1cd: {  	v3 =	vor.u32 $0x31, v2;
	[tilespmem:$0x1FAC0] =	vst v0;
	v0 =	vld.idx.msk [tilespmem:v4+s11+$0x0], $0xffff;
	_ =	sdelay $0x4  }
0x1ce: {  	v7 =	vor.u32 $0x30, v2;
	[tilespmem:$0x1FB40] =	vst v0;
	v0 =	vld.idx.msk [tilespmem:v3+s11+$0x0], $0xffff;
	_ =	sdelay $0x3  }
0x1cf: {  	v5 =	vor.u32 $0x63, v2  }
0x1d0: {  	v4 =	vor.u32 $0x60, v2;
	[tilespmem:$0x1FB30] =	vst v0;
	v0 =	vld.idx.msk [tilespmem:v7+s11+$0x0], $0xffff;
	_ =	sdelay $0x3  }
0x1d1: {  	v24 =	vld.idx.msk [tilespmem:v5+s11+$0x0], $0xffff  }
0x1d2: {  	v5 =	vor.u32 $0x2E, v2;
	[tilespmem:$0x1FB10] =	vst v0;
	v0 =	vld.idx.msk [tilespmem:v4+s11+$0x0], $0xffff;
	_ =	sdelay $0x3  }
0x1d3: {  	v9 =	vor.u32 $0x61, v2  }
0x1d4: {  	v3 =	vor.u32 $0x5E, v2;
	[tilespmem:$0x1FB00] =	vst v0;
	v0 =	vld.idx.msk [tilespmem:v5+s11+$0x0], $0xffff;
	_ =	sdelay $0x3  }
0x1d5: {  	v10 =	vor.u32 $0x62, v2;
	v23 =	vld.idx.msk [tilespmem:v9+s11+$0x0], $0xffff  }
0x1d6: {  	v9 =	vor.u32 $0x5F, v2;
	[tilespmem:$0x1FBB0] =	vst v0;
	v0 =	vld.idx.msk [tilespmem:v3+s11+$0x0], $0xffff;
	_ =	sdelay $0x3  }
0x1d7: {  	v26 =	vld.idx.msk [tilespmem:v10+s11+$0x0], $0xffff  }
0x1d8: {  	v10 =	vor.u32 $0x2D, v2;
	[tilespmem:$0x1FC80] =	vst v0;
	v0 =	vld.idx.msk [tilespmem:v9+s11+$0x0], $0xffff;
	_ =	sdelay $0x4  }
0x1d9: {  	v7 =	vor.u32 $0x5D, v2;
	[tilespmem:$0x1FC90] =	vst v0;
	v0 =	vld.idx.msk [tilespmem:v10+s11+$0x0], $0xffff;
	_ =	sdelay $0x4  }
0x1da: {  	v4 =	vor.u32 $0x2B, v2;
	[tilespmem:$0x1FB20] =	vst v0;
	v0 =	vld.idx.msk [tilespmem:v7+s11+$0x0], $0xffff;
	_ =	sdelay $0x4  }
0x1db: {  	v5 =	vor.u32 $0x5B, v2;
	[tilespmem:$0x1FC50] =	vst v0;
	v0 =	vld.idx.msk [tilespmem:v4+s11+$0x0], $0xffff;
	_ =	sdelay $0x4  }
0x1dc: {  	v9 =	vor.u32 $0x5C, v2;
	[tilespmem:$0x1FCA0] =	vst v0;
	v0 =	vld.idx.msk [tilespmem:v5+s11+$0x0], $0xffff;
	_ =	sdelay $0x4  }
0x1dd: {  	v10 =	vor.u32 $0x2A, v2;
	[tilespmem:$0x1FC60] =	vst v0;
	v0 =	vld.idx.msk [tilespmem:v9+s11+$0x0], $0xffff;
	_ =	sdelay $0x4  }
0x1de: {  	v4 =	vor.u32 $0x5A, v2;
	[tilespmem:$0x1FC70] =	vst v0;
	v0 =	vld.idx.msk [tilespmem:v10+s11+$0x0], $0xffff;
	_ =	sdelay $0x2  }
0x1df: {  	v19 =	vshll.u32 v8, $0x5  }
0x1e0: {  	v3 =	vor.u32 $0x1F, v19  }
0x1e1: {  	v7 =	vor.u32 $0x28, v2;
	[tilespmem:$0x1FCB0] =	vst v0;
	v0 =	vld.idx.msk [tilespmem:v4+s11+$0x0], $0xffff;
	_ =	sdelay $0x3  }
0x1e2: {  	v20 =	vld.idx.msk [tilespmem:v3+s9+$0x0], $0xffff  }
0x1e3: {  	v3 =	vor.u32 $0x58, v2;
	[tilespmem:$0x1FC10] =	vst v0;
	v0 =	vld.idx.msk [tilespmem:v7+s11+$0x0], $0xffff;
	_ =	sdelay $0x4  }
0x1e4: {  	v5 =	vor.u32 $0x59, v2;
	[tilespmem:$0x1FCC0] =	vst v0;
	v0 =	vld.idx.msk [tilespmem:v3+s11+$0x0], $0xffff;
	_ =	sdelay $0x4  }
0x1e5: {  	v9 =	vor.u32 $0x27, v2;
	[tilespmem:$0x1FC30] =	vst v0;
	v0 =	vld.idx.msk [tilespmem:v5+s11+$0x0], $0xffff;
	_ =	sdelay $0x4  }
0x1e6: {  	v10 =	vor.u32 $0x57, v2;
	[tilespmem:$0x1FC40] =	vst v0;
	v0 =	vld.idx.msk [tilespmem:v9+s11+$0x0], $0xffff;
	_ =	sdelay $0x4  }
0x1e7: {  	v4 =	vor.u32 $0x25, v2;
	[tilespmem:$0x1FB50] =	vst v0;
	v0 =	vld.idx.msk [tilespmem:v10+s11+$0x0], $0xffff;
	_ =	sdelay $0x4  }
0x1e8: {  	v7 =	vor.u32 $0x55, v2;
	[tilespmem:$0x1FBD0] =	vst v0;
	v0 =	vld.idx.msk [tilespmem:v4+s11+$0x0], $0xffff;
	_ =	sdelay $0x4  }
0x1e9: {  	v3 =	vor.u32 $0x56, v2;
	[tilespmem:$0x1FD80] =	vst v0;
	v0 =	vld.idx.msk [tilespmem:v7+s11+$0x0], $0xffff;
	_ =	sdelay $0x4  }
0x1ea: {  	v5 =	vor.u32 $0x24, v2;
	[tilespmem:$0x1FBF0] =	vst v0;
	v0 =	vld.idx.msk [tilespmem:v3+s11+$0x0], $0xffff;
	_ =	sdelay $0x4  }
0x1eb: {  	v9 =	vor.u32 $0x54, v2;
	[tilespmem:$0x1FC00] =	vst v0;
	v0 =	vld.idx.msk [tilespmem:v5+s11+$0x0], $0xffff;
	_ =	sdelay $0x3  }
0x1ec: {  	v10 =	vor.u32 $0xF, v19  }
0x1ed: {  	v4 =	vor.u32 $0x22, v2;
	[tilespmem:$0x1FDB0] =	vst v0;
	v0 =	vld.idx.msk [tilespmem:v9+s11+$0x0], $0xffff;
	_ =	sdelay $0x3  }
0x1ee: {  	v13 =	vld.idx.msk [tilespmem:v10+s9+$0x0], $0xffff  }
0x1ef: {  	v10 =	vor.u32 $0x1F, v2;
	[tilespmem:$0x1FB80] =	vst v0;
	v0 =	vld.idx.msk [tilespmem:v4+s11+$0x0], $0xffff;
	_ =	sdelay $0x1  }
0x1f0: {  	v7 =	vor.u32 $0x52, v2  }
0x1f1: {  	v3 =	vor.u32 $0xA, v2  }
0x1f2: {  	[tilespmem:$0x1FEA0] =	vst v3  }
0x1f3: {  	v3 =	vld.idx.msk [tilespmem:v10+s11+$0x0], $0xffff;
	[tilespmem:$0x1FB90] =	vst v0;
	v0 =	vor.u32 $0xD, v2  }
0x1f4: {  	[tilespmem:$0x1FB60] =	vst v0;
	v0 =	vor.u32 $0xE, v2  }
0x1f5: {  	[tilespmem:$0x1FBE0] =	vst v0;
	v0 =	vld.idx.msk [tilespmem:v7+s11+$0x0], $0xffff;
	_ =	sdelay $0x2  }
0x1f6: {  	v5 =	vor.u32 $0x53, v2;
	[tilespmem:$0x1FE00] =	vst v3;
	v7 =	vor.u32 $0xA, v19  }
0x1f7: {  	[tilespmem:$0x1FC20] =	vst v7  }
0x1f8: {  	v7 =	vld.idx.msk [tilespmem:v2+s11+$0x0], $0xffff;
	[tilespmem:$0x1FBA0] =	vst v0;
	v0 =	vor.u32 $0xC, v2  }
0x1f9: {  	[tilespmem:$0x1FD90] =	vst v0;
	v0 =	vor.u32 $0x3F, v2  }
0x1fa: {  	[tilespmem:$0x1FDA0] =	vst v0;
	v0 =	vor.u32 $0x3E, v2  }
0x1fb: {  	v12 =	vor.u32 $0x1E, v19;
	v3 =	vor.u32 $0x38, v2;
	[tilespmem:$0x1FDC0] =	vst v0;
	v0 =	vld.idx.msk [tilespmem:v5+s11+$0x0], $0xffff  }
0x1fc: {  	[tilespmem:$0x1FEB0] =	vst v3;
	v9 =	vor.u32 $0x21, v2  }
0x1fd: {  	[tilespmem:$0x1FFC0] =	vst v7;
	v7 =	vor.u32 $0x6, v2  }
0x1fe: {  	[tilespmem:$0x1FF10] =	vst v7;
	v7 =	vor.u32 $0x2C, v2  }
0x1ff: {  	v3 =	vor.u32 $0x1C, v19;
	[tilespmem:$0x1FF20] =	vst v7  }
0x200: {  	v15 =	vor.u32 $0x50, v2;
	v44 =	vld.idx.msk [tilespmem:v12+s9+$0x0], $0xffff;
	[tilespmem:$0x1FBC0] =	vst v0;
	v0 =	vor.u32 $0xB, v2  }
0x201: {  	v7 =	vor.u32 $0x5, v2;
	[tilespmem:$0x1FDD0] =	vst v0;
	v0 =	vld.idx.msk [tilespmem:v9+s11+$0x0], $0xffff;
	v9 =	vor.u32 $0x1D, v19  }
0x202: {  	v59 =	vor.u32 $0x41, v2;
	[tilespmem:$0x1FF30] =	vst v7;
	v7 =	vld [tilespmem:$0x1FA30]  }
0x203: {  	[tilespmem:$0x1FB70] =	vst v8;
	v8 =	vld [tilespmem:$0x1FA40]  }
0x204: {  	v3 =	vld.idx.msk [tilespmem:v3+s9+$0x0], $0xffff  }
0x205: {  	v31 =	vld.idx.msk [tilespmem:v15+s11+$0x0], $0xffff;
	v15 =	vor.u32 $0x49, v2  }
0x206: {  	v52 =	vld.idx.msk [tilespmem:v9+s9+$0x0], $0xffff  }
0x207: {  	v4 =	vor.u32 $0x51, v2;
	v7 =	vmul.f32 v7, v20;
	v9 =	vld.idx.msk [tilespmem:v59+s11+$0x0], $0xffff  }
0x208: {  	v59 =	vmul.f32 v42, v20;
	v20 =	vmul.f32 v8, v20;
	v8 =	vld [tilespmem:$0x1FA50]  }
0x209: {  	v1 =	vmul.f32 v1, v3  }
0x20a: {  	v14 =	vor.u32 $0xE, v19;
	v48 =	vld.idx.msk [tilespmem:v15+s11+$0x0], $0xffff  }
0x20b: {  	v15 =	vor.u32 $0x45, v2;
	[tilespmem:$0x1FD40] =	vst v1;
	v1 =	vld [tilespmem:$0x1FAA0]  }
0x20c: {  	v55 =	vor.u32 $0xD, v19;
	v37 =	vld.idx.msk [tilespmem:v4+s11+$0x0], $0xffff  }
0x20d: {  	v4 =	vor.u32 $0x9, v2;
	v42 =	vmul.f32 v28, v13;
	v28 =	vmul.f32 v8, v44;
	v8 =	vld [tilespmem:$0x1FA60]  }
0x20e: {  	[tilespmem:$0x1FEC0] =	vst v4;
	v4 =	vor.u32 $0x1C, v2  }
0x20f: {  	v14 =	vld.idx.msk [tilespmem:v14+s9+$0x0], $0xffff  }
0x210: {  	v62 =	vld.idx.msk [tilespmem:v15+s11+$0x0], $0xffff  }
0x211: {  	v15 =	vld.idx.msk [tilespmem:v55+s9+$0x0], $0xffff  }
0x212: {  	v1 =	vmul.f32 v1, v3;
	[tilespmem:$0x1FCE0] =	vst v28;
	v28 =	vmul.f32 v8, v44;
	v8 =	vld [tilespmem:$0x1FA70]  }
0x213: {  	v4 =	vld.idx.msk [tilespmem:v4+s11+$0x0], $0xffff  }
0x214: {  	v12 =	vor.u32 $0x4F, v2;
	[tilespmem:$0x1FD50] =	vst v1;
	v1 =	vld [tilespmem:$0x1FAB0]  }
0x215: {  	[tilespmem:$0x1FE20] =	vst v14;
	v5 =	vor.u32 $0x1E, v2  }
0x216: {  	v22 =	vor.u32 $0x12, v19;
	[tilespmem:$0x1FE70] =	vst v15;
	v10 =	vor.u32 $0x8, v2  }
0x217: {  	[tilespmem:$0x1FED0] =	vst v10;
	v44 =	vmul.f32 v8, v44;
	v8 =	vld [tilespmem:$0x1FA80]  }
0x218: {  	v10 =	vor.u32 $0x32, v2;
	[tilespmem:$0x1FE50] =	vst v4;
	v4 =	vor.u32 $0x48, v2  }
0x219: {  	v38 =	vld.idx.msk [tilespmem:v12+s11+$0x0], $0xffff;
	[tilespmem:$0x1FEE0] =	vst v10;
	v10 =	vor.u32 $0x7, v2;
	v1 =	vmul.f32 v1, v15  }
0x21a: {  	[tilespmem:$0x1FEF0] =	vst v10;
	v5 =	vld.idx.msk [tilespmem:v5+s11+$0x0], $0xffff;
	v39 =	vmul.f32 v39, v52  }
0x21b: {  	v12 =	vor.u32 $0x4C, v2;
	[tilespmem:$0x1FE60] =	vst v1;
	v41 =	vmul.f32 v41, v52;
	v27 =	vmul.f32 v27, v52;
	v52 =	vld.idx.msk [tilespmem:v22+s9+$0x0], $0xffff  }
0x21c: {  	v16 =	vor.u32 $0x4E, v2;
	[tilespmem:$0x1FDF0] =	vst v0;
	v0 =	vor.u32 $0x3B, v2;
	v22 =	vmul.f32 v8, v14;
	v8 =	vld [tilespmem:$0x1FA90]  }
0x21d: {  	v51 =	vld.idx.msk [tilespmem:v4+s11+$0x0], $0xffff;
	v4 =	vor.u32 $0x3, v2;
	[tilespmem:$0x1FE90] =	vst v0;
	v0 =	vor.u32 $0xC, v19  }
0x21e: {  	v1 =	vld [tilespmem:$0x1FAC0];
	[tilespmem:$0x1FF70] =	vst v4;
	v4 =	vor.u32 $0x23, v2  }
0x21f: {  	v50 =	vor.u32 $0x1B, v19;
	[tilespmem:$0x1FF80] =	vst v4;
	v4 =	vor.u32 $0x2, v2  }
0x220: {  	v45 =	vld.idx.msk [tilespmem:v12+s11+$0x0], $0xffff;
	v12 =	vor.u32 $0x46, v2;
	[tilespmem:$0x1FF90] =	vst v4  }
0x221: {  	v35 =	vld.idx.msk [tilespmem:v16+s11+$0x0], $0xffff;
	[tilespmem:$0x1FE40] =	vst v5;
	v14 =	vmul.f32 v8, v14  }
0x222: {  	v5 =	vor.u32 $0x4B, v2;
	[tilespmem:$0x1FCF0] =	vst v28;
	v28 =	vld.idx.msk [tilespmem:v0+s9+$0x0], $0xffff  }
0x223: {  	v49 =	vor.u32 $0x1A, v19;
	v1 =	vmul.f32 v1, v3;
	v4 =	vor.u32 $0x20, v2;
	[tilespmem:$0x1FE30] =	vst v14;
	v14 =	vld [tilespmem:$0x1FAE0]  }
0x224: {  	v50 =	vld.idx.msk [tilespmem:v50+s9+$0x0], $0xffff;
	v55 =	vor.u32 $0x10, v19;
	[tilespmem:$0x1FFA0] =	vst v4  }
0x225: {  	v56 =	vld.idx.msk [tilespmem:v12+s11+$0x0], $0xffff;
	[tilespmem:$0x1FD60] =	vst v1  }
0x226: {  	v4 =	vor.u32 $0x1D, v2;
	v1 =	vld [tilespmem:$0x1FAD0];
	[tilespmem:$0x1FCD0] =	vst v20;
	v20 =	vor.u32 $0x11, v19  }
0x227: {  	v32 =	vor.u32 $0xF, v2;
	[tilespmem:$0x1FFB0] =	vst v4;
	v47 =	vld.idx.msk [tilespmem:v5+s11+$0x0], $0xffff;
	v0 =	vor.u32 $0x44, v2  }
0x228: {  	v17 =	vor.u32 $0x40, v2;
	v5 =	vor.u32 $0x29, v2;
	[tilespmem:$0x1FD10] =	vst v44;
	v44 =	vld.idx.msk [tilespmem:v49+s9+$0x0], $0xffff;
	v14 =	vmul.f32 v14, v28  }
0x229: {  	v54 =	vor.u32 $0x43, v2;
	v25 =	vor.u32 $0x1, v2;
	v16 =	vor.u32 $0x42, v2;
	[tilespmem:$0x1FF40] =	vst v5;
	v49 =	vld.idx.msk [tilespmem:v55+s9+$0x0], $0xffff  }
0x22a: {  	v29 =	vor.u32 $0x1B, v2;
	v63 =	vor.u32 $0x4D, v2;
	v5 =	vor.u32 $0x4, v2;
	[tilespmem:$0x1FFD0] =	vst v14;
	v14 =	vld [tilespmem:$0x1FAF0]  }
0x22b: {  	v53 =	vor.u32 $0x16, v19;
	v12 =	vor.u32 $0x4A, v2;
	v1 =	vmul.f32 v1, v15;
	[tilespmem:$0x1FF50] =	vst v5;
	v55 =	vld.idx.msk [tilespmem:v20+s9+$0x0], $0xffff  }
0x22c: {  	v61 =	vor.u32 $0x14, v19;
	v57 =	vor.u32 $0x15, v19;
	[tilespmem:$0x1FD00] =	vst v39;
	v39 =	vor.u32 $0x47, v2;
	v0 =	vld.idx.msk [tilespmem:v0+s11+$0x0], $0xffff  }
0x22d: {  	v18 =	vld.idx.msk [tilespmem:v17+s11+$0x0], $0xffff;
	v17 =	vor.u32 $0x18, v2;
	v4 =	vor.u32 $0x13, v19;
	v5 =	vor.u32 $0x26, v2;
	[tilespmem:$0x1FE80] =	vst v1  }
0x22e: {  	v60 =	vld.idx.msk [tilespmem:v16+s11+$0x0], $0xffff;
	v16 =	vor.u32 $0x1A, v2;
	v6 =	vor.u32 $0x35, v2;
	v10 =	vor.u32 $0x2F, v2;
	[tilespmem:$0x1FF60] =	vst v5  }
0x22f: {  	v3 =	vor.u32 $0x16, v2;
	[tilespmem:$0x1FFE0] =	vst v28;
	v8 =	vmul.f32 v23, v50;
	v23 =	vmul.f32 v14, v28;
	v28 =	vmovc v6;
	v6 =	vld [tilespmem:$0x1FB00]  }
0x230: {  	v12 =	vld.idx.msk [tilespmem:v12+s11+$0x0], $0xffff;
	v15 =	vmul.f32 v24, v50;
	v5 =	vor.u32 $0x19, v2;
	[tilespmem:$0x1FD30] =	vst v27;
	v27 =	vor.u32 $0x15, v2  }
0x231: {  	v1 =	vld.idx.msk [tilespmem:v39+s11+$0x0], $0xffff;
	v20 =	vor.u32 $0x17, v2;
	[tilespmem:$0x1FE10] =	vst v22;
	v22 =	vor.u32 $0x12, v2;
	v0 =	vmul.f32 v0, v55  }
0x232: {  	v4 =	vld.idx.msk [tilespmem:v4+s9+$0x0], $0xffff;
	[tilespmem:$0x1FD70] =	vst v8;
	v8 =	vmul.f32 v26, v50;
	v50 =	vor.u32 $0x10, v2;
	v26 =	vmul.f32 v51, v52  }
0x233: {  	v51 =	vld.idx.msk [tilespmem:v61+s9+$0x0], $0xffff;
	v61 =	vor.u32 $0x11, v2;
	[tilespmem:$0x1FFF0] =	vst v23;
	v23 =	vmul.f32 v60, v49;
	v60 =	vor.u32 $0x13, v2  }
0x234: {  	v39 =	vmul.f32 v6, v44;
	v6 =	vor.u32 $0x14, v2;
	v2 =	vmul.f32 v9, v49  }
0x235: {  	v46 =	vor.u32 $0x17, v19;
	v63 =	vld.idx.msk [tilespmem:v63+s11+$0x0], $0xffff  }
0x236: {  	v58 =	vor.u32 $0xB, v19;
	v54 =	vld.idx.msk [tilespmem:v54+s11+$0x0], $0xffff;
	v1 =	vmul.f32 v1, v52;
	v0 =	vadd.f32 v0, v2  }
0x237: {  	v57 =	vld.idx.msk [tilespmem:v57+s9+$0x0], $0xffff  }
0x238: {  	v0 =	vadd.f32 v1, v0;
	v1 =	vmul.f32 v12, v4  }
0x239: {  	v53 =	vld.idx.msk [tilespmem:v53+s9+$0x0], $0xffff  }
0x23a: {  	v46 =	vld.idx.msk [tilespmem:v46+s9+$0x0], $0xffff;
	v18 =	vmul.f32 v18, v49;
	v0 =	vadd.f32 v1, v0;
	v1 =	vmul.f32 v63, v51  }
0x23b: {  	v58 =	vld.idx.msk [tilespmem:v58+s9+$0x0], $0xffff;
	v62 =	vmul.f32 v62, v55;
	v14 =	vmov v25;
	v25 =	vmul.f32 v54, v55  }
0x23c: {  	v24 =	vld.idx.msk [tilespmem:v29+s11+$0x0], $0xffff;
	v0 =	vadd.f32 v1, v0;
	v1 =	vmul.f32 v31, v57  }
0x23d: {  	v55 =	vld [tilespmem:$0x1FB10];
	v54 =	vmovc v32;
	v32 =	vmul.f32 v56, v52;
	v18 =	vadd.f32 v25, v18;
	v29 =	vadd.f32 v62, v23  }
0x23e: {  	v0 =	vadd.f32 v1, v0;
	v1 =	vld [tilespmem:$0x1FBC0]  }
0x23f: {  	v23 =	vld.idx.msk [tilespmem:v5+s11+$0x0], $0xffff;
	v5 =	vadd.f32 v32, v18;
	v18 =	vadd.f32 v26, v29;
	v29 =	vmul.f32 v48, v4  }
0x240: {  	v52 =	vld [tilespmem:$0x1FB30];
	v2 =	vmul.f32 v47, v4  }
0x241: {  	v26 =	vld.idx.msk [tilespmem:v3+s11+$0x0], $0xffff;
	v3 =	vadd.f32 v29, v5  }
0x242: {  	v62 =	vld [tilespmem:$0x1FB20];
	v5 =	vmul.f32 v45, v51;
	v4 =	vmul.f32 v35, v51;
	v2 =	vadd.f32 v2, v18  }
0x243: {  	v35 =	vld.idx.msk [tilespmem:v22+s11+$0x0], $0xffff;
	v1 =	vmul.f32 v1, v53  }
0x244: {  	v22 =	vmovc v7;
	v7 =	vld [tilespmem:$0x1FB80];
	v3 =	vadd.f32 v5, v3;
	v2 =	vadd.f32 v4, v2;
	v4 =	vmul.f32 v38, v57  }
0x245: {  	v43 =	vor.u32 $0x18, v19;
	v0 =	vadd.f32 v1, v0;
	v1 =	vld [tilespmem:$0x1FC00]  }
0x246: {  	v3 =	vadd.f32 v4, v3;
	v4 =	vld [tilespmem:$0x1FBA0]  }
0x247: {  	v49 =	vld [tilespmem:$0x1FB40]  }
0x248: {  	v9 =	vld [tilespmem:$0x1FBD0]  }
0x249: {  	v48 =	vld [tilespmem:$0x1FB50];
	v18 =	vmul.f32 v37, v57  }
0x24a: {  	v40 =	vor.u32 $0x19, v19;
	v12 =	vld.idx.msk [tilespmem:v43+s9+$0x0], $0xffff;
	v1 =	vmul.f32 v1, v46  }
0x24b: {  	v37 =	vld.idx.msk [tilespmem:v50+s11+$0x0], $0xffff;
	v2 =	vadd.f32 v18, v2;
	v7 =	vmul.f32 v7, v53;
	v4 =	vmul.f32 v4, v53  }
0x24c: {  	v0 =	vadd.f32 v1, v0;
	v1 =	vld [tilespmem:$0x1FC40]  }
0x24d: {  	v3 =	vadd.f32 v4, v3;
	v4 =	vadd.f32 v7, v2;
	v2 =	vld [tilespmem:$0x1FBF0]  }
0x24e: {  	v50 =	vld [tilespmem:$0x1FB90]  }
0x24f: {  	v5 =	vld.idx.msk [tilespmem:v40+s9+$0x0], $0xffff  }
0x250: {  	v40 =	vld.idx.msk [tilespmem:v61+s11+$0x0], $0xffff  }
0x251: {  	v61 =	vld [tilespmem:$0x1FBE0];
	v1 =	vmul.f32 v1, v12  }
0x252: {  	v7 =	vmul.f32 v2, v46;
	v2 =	vld [tilespmem:$0x1FC10]  }
0x253: {  	v31 =	vadd.f32 v1, v0;
	v0 =	vld [tilespmem:$0x1FC70]  }
0x254: {  	v34 =	vor.u32 $0x9, v19;
	v3 =	vadd.f32 v7, v3;
	v7 =	vld [tilespmem:$0x1FC30]  }
0x255: {  	v63 =	vld [tilespmem:$0x1FB60]  }
0x256: {  	v53 =	vmov v13;
	v13 =	vmul.f32 v9, v46;
	v9 =	vld [tilespmem:$0x1FC50]  }
0x257: {  	v18 =	vmul.f32 v2, v12;
	v2 =	vld [tilespmem:$0x1FC20]  }
0x258: {  	v43 =	vmul.f32 v0, v5;
	v0 =	vld [tilespmem:$0x1FC80]  }
0x259: {  	v4 =	vadd.f32 v13, v4;
	v13 =	vmul.f32 v7, v12;
	v7 =	vld.idx.msk [tilespmem:v34+s9+$0x0], $0xffff  }
0x25a: {  	v34 =	vld.idx.msk [tilespmem:v6+s11+$0x0], $0xffff  }
0x25b: {  	[tilespmem:$0x1FF00] =	vst v10;
	v10 =	vor.u32 $0x8, v19;
	v6 =	vld [tilespmem:$0x1FC60]  }
0x25c: {  	v33 =	vor.u32 $0x7, v19;
	v38 =	vld.idx.msk [tilespmem:v60+s11+$0x0], $0xffff  }
0x25d: {  	p0 =	sne.s32 s14, $0x1F0;
	v46 =	vmul.f32 v0, v44;
	v0 =	vld [tilespmem:$0x1FC90]  }
.Ltmp1:
0x25e: {  	v30 =	vor.u32 $0x6, v19;
	v11 =	vor.u32 $0x5, v19;
	v60 =	vld [tilespmem:$0x1FBB0];
	(pc) =	sbr.rel @p0 .LBB2_4-.Ltmp1, $4  }
0x25f: {  	v21 =	vor.u32 $0x4, v19;
	v36 =	vor.u32 $0x3, v19;
	[tilespmem:$0x1FDE0] =	vst v42;
	v57 =	vld [tilespmem:$0x1FB70];
	v4 =	vadd.f32 v18, v4  }
0x260: {  	v12 =	vmul.f32 v9, v5;
	v3 =	vadd.f32 v13, v3;
	v13 =	vld.idx.msk [tilespmem:v10+s9+$0x0], $0xffff;
	v6 =	vmul.f32 v6, v5  }
0x261: {  	v42 =	vor.u32 $0x1, v19;
	[tilespmem:$0x1FD20] =	vst v41;
	v41 =	vor.u32 $0x2, v19;
	v56 =	vlaneseq.u32;
	v10 =	vld.idx.msk [tilespmem:v33+s9+$0x0], $0xffff  }
0x262: {  	s14 =	sadd.s32 $0x10, s14;
	v45 =	vadd.f32 v12, v4;
	v2 =	vld.idx.msk [tilespmem:v2+s9+$0x0], $0xffff;
	v33 =	vadd.f32 v6, v3;
	v44 =	vmul.f32 v0, v44  }
0x263: {  	_ =	sdelay $0x3  }
0x264: {  	v4 =	vld.idx.msk [tilespmem:v30+s9+$0x0], $0xffff  }
0x265: {  	v5 =	vld [tilespmem:$0x1FD70]  }
0x266: {  	v6 =	vld [tilespmem:$0x1FD40]  }
0x267: {  	v25 =	vld.idx.msk [tilespmem:v19+s9+$0x0], $0xffff  }
0x268: {  	v12 =	vld.idx.msk [tilespmem:v42+s9+$0x0], $0xffff  }
0x269: {  	v42 =	vld [tilespmem:$0x1FD20]  }
0x26a: {  	v0 =	vadd.f32 v43, v31;
	v43 =	vld [tilespmem:$0x1FD00]  }
0x26b: {  	v18 =	vld.idx.msk [tilespmem:v27+s11+$0x0], $0xffff  }
0x26c: {  	v47 =	vld [tilespmem:$0x1FCE0]  }
0x26d: {  	v51 =	vld.idx.msk [tilespmem:v17+s11+$0x0], $0xffff  }
0x26e: {  	v9 =	vld [tilespmem:$0x1FD10]  }
0x26f: {  	v16 =	vld.idx.msk [tilespmem:v16+s11+$0x0], $0xffff  }
0x270: {  	v14 =	vld.idx.msk [tilespmem:v14+s11+$0x0], $0xffff  }
0x271: {  	v21 =	vld.idx.msk [tilespmem:v21+s9+$0x0], $0xffff  }
0x272: {  	v27 =	vld [tilespmem:$0x1FE40]  }
0x273: {  	v30 =	vld [tilespmem:$0x1FF30]  }
0x274: {  	v3 =	vadd.f32 v39, v45;
	v39 =	vld [tilespmem:$0x1FD50]  }
0x275: {  	v45 =	vld.idx.msk [tilespmem:v20+s11+$0x0], $0xffff  }
0x276: {  	v1 =	vadd.f32 v46, v33;
	v46 =	vld [tilespmem:$0x1FCF0];
	v0 =	vadd.f32 v44, v0  }
0x277: {  	v44 =	vld [tilespmem:$0x1FD30]  }
0x278: {  	v0 =	vadd.f32 v8, v0;
	v8 =	vld.idx.msk [tilespmem:v41+s9+$0x0], $0xffff  }
0x279: {  	v41 =	vld [tilespmem:$0x1FD60]  }
0x27a: {  	v1 =	vadd.f32 v5, v1;
	v5 =	vld.idx.msk [tilespmem:v36+s9+$0x0], $0xffff  }
0x27b: {  	v33 =	vmul.f32 v40, v25;
	v36 =	vmul.f32 v38, v12;
	v38 =	vld [tilespmem:$0x1FCD0]  }
0x27c: {  	v29 =	vmul.f32 v35, v25;
	v18 =	vmul.f32 v18, v12;
	v40 =	vld [tilespmem:$0x1FFB0]  }
0x27d: {  	v32 =	vmul.f32 v37, v25;
	v37 =	vmul.f32 v34, v12;
	v34 =	vld [tilespmem:$0x1FF40]  }
0x27e: {  	v3 =	vadd.f32 v15, v3;
	v18 =	vadd.f32 v18, v29;
	v29 =	vld [tilespmem:$0x1FF60]  }
0x27f: {  	v17 =	vadd.f32 v36, v32;
	v32 =	vld [tilespmem:$0x1FDF0]  }
0x280: {  	v3 =	vadd.f32 v39, v3;
	v36 =	vld [tilespmem:$0x1FDB0]  }
0x281: {  	v1 =	vadd.f32 v6, v1;
	v20 =	vadd.f32 v37, v33;
	v37 =	vld [tilespmem:$0x1FF10]  }
0x282: {  	v3 =	vadd.f32 v43, v3;
	v43 =	vld [tilespmem:$0x1FF90]  }
0x283: {  	v1 =	vadd.f32 v42, v1;
	v42 =	vld [tilespmem:$0x1FFC0]  }
0x284: {  	v0 =	vadd.f32 v41, v0;
	v19 =	vmul.f32 v45, v8;
	v45 =	vld [tilespmem:$0x1FFA0]  }
0x285: {  	v39 =	vmul.f32 v26, v8;
	v26 =	vld [tilespmem:$0x1FE00]  }
0x286: {  	v6 =	vadd.f32 v44, v0;
	v44 =	vld.idx.msk [tilespmem:v11+s9+$0x0], $0xffff  }
0x287: {  	v1 =	vadd.f32 v47, v1;
	v47 =	vld [tilespmem:$0x1FF70]  }
0x288: {  	v0 =	vadd.f32 v46, v3;
	v46 =	vmul.f32 v24, v5;
	v24 =	vld [tilespmem:$0x1FF80]  }
0x289: {  	v23 =	vmul.f32 v23, v5;
	v17 =	vadd.f32 v39, v17;
	v39 =	vld [tilespmem:$0x1FF20]  }
0x28a: {  	v41 =	vld.idx.msk [tilespmem:v40+s11+$0x0], $0xffff  }
0x28b: {  	v3 =	vmul.f32 v51, v8;
	v17 =	vadd.f32 v23, v17;
	v23 =	vld [tilespmem:$0x1FE50]  }
0x28c: {  	v40 =	vld [tilespmem:$0x1FEF0]  }
0x28d: {  	v3 =	vadd.f32 v3, v18;
	v18 =	vmul.f32 v27, v21;
	v27 =	vld [tilespmem:$0x1FDD0]  }
0x28e: {  	v6 =	vadd.f32 v9, v6;
	v25 =	vmul.f32 v42, v25;
	v42 =	vmul.f32 v48, v10;
	v48 =	vld [tilespmem:$0x1FEE0]  }
0x28f: {  	v11 =	vld.idx.msk [tilespmem:v29+s11+$0x0], $0xffff  }
0x290: {  	v6 =	vadd.f32 v38, v6;
	v38 =	vld [tilespmem:$0x1FD80]  }
0x291: {  	v3 =	vadd.f32 v46, v3;
	v46 =	vld [tilespmem:$0x1FCB0]  }
0x292: {  	v12 =	vmul.f32 v14, v12;
	v29 =	vmul.f32 v49, v58;
	v49 =	vld [tilespmem:$0x1FE60]  }
0x293: {  	v9 =	vld.idx.msk [tilespmem:v43+s11+$0x0], $0xffff  }
0x294: {  	v51 =	vadd.f32 v12, v25;
	v25 =	vld [tilespmem:$0x1FF50]  }
0x295: {  	v43 =	vld [tilespmem:$0x1FF00]  }
0x296: {  	v14 =	vld.idx.msk [tilespmem:v45+s11+$0x0], $0xffff  }
0x297: {  	v45 =	vld [tilespmem:$0x1FCA0]  }
0x298: {  	v15 =	vmul.f32 v41, v21;
	v41 =	vld [tilespmem:$0x1FCC0]  }
0x299: {  	v16 =	vmul.f32 v16, v5;
	v19 =	vadd.f32 v19, v20;
	v12 =	vmul.f32 v23, v21;
	v23 =	vld [tilespmem:$0x1FEA0]  }
0x29a: {  	v20 =	vld.idx.msk [tilespmem:v47+s11+$0x0], $0xffff  }
0x29b: {  	v16 =	vadd.f32 v16, v19;
	v19 =	vld.idx.msk [tilespmem:v24+s11+$0x0], $0xffff  }
0x29c: {  	v3 =	vadd.f32 v18, v3;
	v18 =	vld.idx.msk [tilespmem:v39+s11+$0x0], $0xffff  }
0x29d: {  	v39 =	vld [tilespmem:$0x1FE70]  }
0x29e: {  	v24 =	vmul.f32 v55, v2;
	v55 =	vld [tilespmem:$0x1FDE0]  }
0x29f: {  	v12 =	vadd.f32 v12, v17;
	v17 =	vmul.f32 v26, v44;
	v15 =	vadd.f32 v15, v16;
	v16 =	vld.idx.msk [tilespmem:v30+s11+$0x0], $0xffff  }
0x2a0: {  	v30 =	vld [tilespmem:$0x1FE90];
	v8 =	vmul.f32 v9, v8  }
0x2a1: {  	v12 =	vadd.f32 v17, v12;
	v17 =	vmul.f32 v32, v44;
	v32 =	vld [tilespmem:$0x1FD90]  }
0x2a2: {  	v8 =	vadd.f32 v8, v51;
	v51 =	vmul.f32 v62, v7;
	v62 =	vld [tilespmem:$0x1FEC0]  }
0x2a3: {  	v9 =	vld.idx.msk [tilespmem:v25+s11+$0x0], $0xffff  }
0x2a4: {  	v14 =	vmul.f32 v14, v44;
	v3 =	vadd.f32 v17, v3;
	v17 =	vld.idx.msk [tilespmem:v37+s11+$0x0], $0xffff  }
0x2a5: {  	v25 =	vld [tilespmem:$0x1FEB0]  }
0x2a6: {  	v14 =	vadd.f32 v14, v15;
	v35 =	vmul.f32 v19, v4;
	v15 =	vmul.f32 v36, v4;
	v36 =	vld [tilespmem:$0x1FDC0]  }
0x2a7: {  	v37 =	vld [tilespmem:$0x1FFD0]  }
0x2a8: {  	v11 =	vmul.f32 v11, v10;
	v16 =	vmul.f32 v16, v44;
	v44 =	vld [tilespmem:$0x1FED0];
	v14 =	vadd.f32 v35, v14  }
0x2a9: {  	v3 =	vadd.f32 v15, v3;
	v15 =	vld.idx.msk [tilespmem:v40+s11+$0x0], $0xffff  }
0x2aa: {  	v11 =	vadd.f32 v11, v14;
	v14 =	vld.idx.msk [tilespmem:v43+s11+$0x0], $0xffff  }
0x2ab: {  	v3 =	vadd.f32 v42, v3;
	v42 =	vld [tilespmem:$0x1FFF0]  }
0x2ac: {  	v31 =	vmul.f32 v50, v4;
	v5 =	vmul.f32 v20, v5;
	v43 =	vld [tilespmem:$0x1FDA0]  }
0x2ad: {  	v33 =	vmul.f32 v9, v21;
	v9 =	vld.idx.msk [tilespmem:v34+s11+$0x0], $0xffff  }
0x2ae: {  	v12 =	vadd.f32 v31, v12;
	v5 =	vadd.f32 v5, v8;
	v8 =	vmul.f32 v38, v10;
	v21 =	vld.idx.msk [tilespmem:v28+s11+$0x0], $0xffff  }
0x2af: {  	v47 =	vmul.f32 v15, v10;
	v10 =	vld.idx.msk [tilespmem:v48+s11+$0x0], $0xffff  }
0x2b0: {  	v8 =	vadd.f32 v8, v12;
	v12 =	vmul.f32 v41, v13;
	v5 =	vadd.f32 v33, v5;
	v15 =	vld.idx.msk [tilespmem:v30+s11+$0x0], $0xffff  }
0x2b1: {  	v33 =	vld [tilespmem:$0x1FFE0]  }
0x2b2: {  	v8 =	vadd.f32 v12, v8;
	v5 =	vadd.f32 v16, v5;
	v12 =	vld.idx.msk [tilespmem:v44+s11+$0x0], $0xffff;
	v16 =	vmul.f32 v46, v13  }
0x2b3: {  	v44 =	vld [tilespmem:$0x1FE80]  }
0x2b4: {  	v46 =	vld [tilespmem:$0x1FE20];
	v9 =	vmul.f32 v9, v13;
	v3 =	vadd.f32 v16, v3  }
0x2b5: {  	v50 =	vmul.f32 v18, v7;
	v4 =	vmul.f32 v17, v4;
	v16 =	vld.idx.msk [tilespmem:v62+s11+$0x0], $0xffff  }
0x2b6: {  	v9 =	vadd.f32 v9, v11;
	v11 =	vmul.f32 v45, v7;
	v3 =	vadd.f32 v51, v3;
	v51 =	vld.idx.msk [tilespmem:v54+s11+$0x0], $0xffff  }
0x2b7: {  	v1 =	vadd.f32 v22, v1;
	v20 =	vmul.f32 v60, v2;
	v4 =	vadd.f32 v4, v5;
	v54 =	vld [tilespmem:$0x1FE30]  }
0x2b8: {  	v14 =	vmul.f32 v14, v2;
	v8 =	vadd.f32 v11, v8;
	v9 =	vadd.f32 v50, v9;
	v11 =	vld.idx.msk [tilespmem:v23+s11+$0x0], $0xffff  }
0x2b9: {  	v26 =	vmul.f32 v52, v58;
	v4 =	vadd.f32 v47, v4;
	v22 =	vmul.f32 v12, v13;
	v13 =	vld.idx.msk [tilespmem:v25+s11+$0x0], $0xffff  }
0x2ba: {  	v10 =	vmul.f32 v10, v58;
	v8 =	vadd.f32 v20, v8;
	v9 =	vadd.f32 v14, v9;
	v14 =	vld.idx.msk [tilespmem:v27+s11+$0x0], $0xffff  }
0x2bb: {  	v50 =	vld [tilespmem:$0x1FE10];
	v3 =	vadd.f32 v24, v3;
	v4 =	vadd.f32 v22, v4;
	v28 =	vmul.f32 v16, v7  }
0x2bc: {  	v34 =	vmul.f32 v21, v33;
	v5 =	vadd.f32 v26, v8;
	v31 =	vadd.f32 v10, v9;
	v9 =	vld.idx.msk [tilespmem:v32+s11+$0x0], $0xffff  }
0x2bd: {  	v7 =	vld.idx.msk [tilespmem:v36+s11+$0x0], $0xffff;
	v3 =	vadd.f32 v29, v3;
	v4 =	vadd.f32 v28, v4;
	v35 =	vmul.f32 v11, v2  }
0x2be: {  	v12 =	vld.idx.msk [tilespmem:v43+s11+$0x0], $0xffff;
	v40 =	vmul.f32 v13, v39;
	v5 =	vadd.f32 v37, v5;
	v8 =	vadd.f32 v34, v31  }
0x2bf: {  	v38 =	vld.idx.msk [tilespmem:v63+s11+$0x0], $0xffff;
	v3 =	vadd.f32 v42, v3;
	v2 =	vadd.f32 v35, v4;
	v41 =	vmul.f32 v14, v58  }
0x2c0: {  	v45 =	vld.idx.msk [tilespmem:v61+s11+$0x0], $0xffff;
	v47 =	vmul.f32 v15, v46;
	v5 =	vadd.f32 v44, v5;
	v8 =	vadd.f32 v40, v8  }
0x2c1: {  	v3 =	vadd.f32 v49, v3;
	v2 =	vadd.f32 v41, v2;
	v48 =	vmul.f32 v9, v33  }
0x2c2: {  	v7 =	vmul.f32 v7, v53;
	v5 =	vadd.f32 v50, v5;
	v8 =	vadd.f32 v47, v8  }
0x2c3: {  	v58 =	vmul.f32 v12, v53;
	v3 =	vadd.f32 v54, v3;
	v2 =	vadd.f32 v48, v2  }
0x2c4: {  	v52 =	vmul.f32 v38, v39;
	v5 =	vadd.f32 v55, v5;
	v7 =	vadd.f32 v7, v8  }
0x2c5: {  	v0 =	vadd.f32 v59, v0;
	v60 =	vmul.f32 v45, v46;
	v3 =	vadd.f32 v58, v3  }
0x2c6: {  	v2 =	vadd.f32 v52, v2;
	v1 =	vmul.f32 v1, v5;
	v61 =	vmul.f32 v6, v7  }
0x2c7: {  	v62 =	vmul.f32 v51, v53  }
0x2c8: {  	v0 =	vmul.f32 v0, v3;
	v2 =	vadd.f32 v60, v2;
	v1 =	vadd.f32 v61, v1;
	_ =	sdelay $0x1  }
0x2c9: {  	v2 =	vadd.f32 v62, v2;
	v0 =	vadd.f32 v0, v1;
	_ =	sdelay $0x1  }
0x2ca: {  	v63 =	vmul.f32 $1.000000050e-03, v2;
	v0 =	vmul.f32 $9.999999970e-07, v0;
	_ =	sdelay $0x1  }
0x2cb: {  	s13 =	sadd.s32 $0x1, s13;
	v0 =	vadd.f32 v0, v63  }
0x2cc: {  	p0 =	sne.s32 s13, s7  }
.Ltmp2:
0x2cd: {  	[tilespmem:v57+s12+$0x0] =	vst.idx.msk $0xffff, v0;
	(pc) =	sbr.rel @p0 .LBB2_1-.Ltmp2, $4  }
0x2ce: {  	[hbm4b:s6+s2] =	stream.linear.scatter [tilespmem:s12], [sflag:$0x2], $0x200, $0x38;
	[tilespmem:$0x15200] =	vst v63  }
0x2cf: {  	_ =	swait.ge [sflag:s8], $0x200  }
0x2d0: {  	[sflag:s8] =	ssyncset.done $0x0  }
0x2d1: {  	[sflag:s8] =	ssyncadd.s32 $0xFFFFFE00  }
0x2d2: {  	_ =	sfence.sel $0x180000  }
0x2d3: {  	[bflag:$0x0] =	sbarrier.arrive $0xFFFF  }
0x2d4: {  	_ =	strace $0x9000004A  }
0x2d5: {  	s0 =	stileid.u32;
	[bflag:$0x2] =	sbarrier.arrive $0xFFFF  }
0x2d6: {  	p0 =	sne.s32 s0, $0x0;
	s0 =	rddreg [dreg:$0x3]  }
0x2d7: {  	s0 =	sadd.s32 @!p0 $0x100000, s0  }
0x2d8: {  	[sflag:s0] =	ssyncadd.tile.s32 @!p0 $0x1;
	_ =	shalt  }
.Lfunc_end2:
_tile_overlayer_lowered:
.L_overlay_start_2:
0x2d9: {  	(tag) =	ssettag $0x2  }
0x2da: {  	s0 =	rddreg [dreg:$0x0];
	s2 =	stileid.u32  }
0x2db: {  	s1 =	rddreg [dreg:$0x1];
	p0 =	sne.s32 s2, $0x0  }
0x2dc: {  	s3 =	rddreg [dreg:$0x2];
	[bflag:$0x3] =	sbarrier.arrive $0xFFFF;
	s2 =	simm.s32 @!p0 $0x1C02  }
0x2dd: {  	[timem:s3], [sflag:s2] =	dma.local @!p0 [hbm:s0], s1  }
0x2de: {  	s0 =	simm.s32 @!p0 $0x2  }
0x2df: {  	_ =	swait.ge @!p0 [sflag:s0], s1  }
0x2e0: {  	s1 =	ssub.s32 @!p0 $0x0, s1;
	[sflag:s0] =	ssyncset.done @!p0 $0x0  }
0x2e1: {  	[sflag:s0] =	ssyncadd.s32 @!p0 s1  }
0x2e2: {  	[bflag:$0x3] =	sbarrier.arrive $0xFFFF  }
0x2e3: {  	_ =	shalt  }

</sc_bundles>
